<compile_context>
chip_gen: v7x
topology: tpu7x:2x2x1
jax: 0.10.2.dev20260603
libtpu: 0.0.44.dev20260713+nightly
codegen_flags: <defaults>
</compile_context>

<pallas_src>
import functools

import jax
import jax.numpy as jnp
from jax import lax
from jax.experimental import pallas as pl
from jax.experimental.pallas import tpu as pltpu
from jax.experimental.pallas import tpu_sc as plsc

_D = 1048576
_K = 8
_P = 3 * _K + 1
_LEFT = -3.0
_RIGHT = 3.0
_BOTTOM = -3.0
_RANGE = 6.0
_MIN_BW = 0.001
_MIN_BH = 0.001
_MIN_D = 0.001

_NW = 32
_PER_W = _D // _NW
_CH = 2048
_NCH = _PER_W // _CH
_G = _CH // 16

_LN2 = 0.6931471805599453
_SQRT2 = 1.4142135623730951

_LC = (0.11784510314464569, -0.18455947935581207, 0.20455437898635864,
       -0.2492949515581131, 0.3331793248653412, -0.5000073313713074,
       1.0000007152557373)
_L1C = (-0.008466320112347603, 0.043658848851919174, -0.10679849982261658,
        0.17659790813922882, -0.24453352391719818, 0.3326524794101715,
        -0.49996355175971985, 0.9999995231628418)


def _rcp(v):
    r = plsc.bitcast(0x7EF311C3 - plsc.bitcast(v, jnp.int32), jnp.float32)
    r = r * (2.0 - v * r)
    r = r * (2.0 - v * r)
    return r


def _logf(v):
    bits = plsc.bitcast(v, jnp.int32)
    e = lax.shift_right_logical(bits, 23) & 0xFF
    mbits = (bits & 0x007FFFFF) | 0x3F800000
    m = plsc.bitcast(mbits, jnp.float32)
    big = m > _SQRT2
    m = jnp.where(big, m * 0.5, m)
    ef = jnp.where(big, e - 126, e - 127).astype(jnp.float32)
    t = m - 1.0
    p = _LC[0]
    for c in _LC[1:]:
        p = p * t + c
    return ef * _LN2 + t * p


def _softplus(v):
    t = jnp.exp(-jnp.abs(v))
    p = _L1C[0]
    for c in _L1C[1:]:
        p = p * t + c
    return jnp.maximum(v, 0.0) + t * p


def _sel8(m, vals):
    m1, m2, m3, m4, m5, m6, m7 = m
    v01 = jnp.where(m1, vals[1], vals[0])
    v23 = jnp.where(m3, vals[3], vals[2])
    v45 = jnp.where(m5, vals[5], vals[4])
    v67 = jnp.where(m7, vals[7], vals[6])
    lo = jnp.where(m2, v23, v01)
    hi = jnp.where(m6, v67, v45)
    return jnp.where(m4, hi, lo)


def _spline_body(x_hbm, p_hbm, y_hbm, ld_hbm,
                 pb0, pb1, xb0, xb1, yb0, yb1, lb0, lb1,
                 si0, si1, so0, so1):
    wid = lax.axis_index("s") * 2 + lax.axis_index("c")
    wbase = wid * _PER_W
    lane_p = lax.iota(jnp.int32, 16) * _P
    lanes = [lane_p + k for k in range(_P)]
    pbufs = (pb0, pb1)
    xbufs = (xb0, xb1)
    ybufs = (yb0, yb1)
    ldbufs = (lb0, lb1)
    sins = (si0, si1)
    souts = (so0, so1)

    _NSPLIT = 4
    _SPW = _CH * _P // _NSPLIT

    def start_in(c, par):
        row0 = wbase + c * _CH
        for j in range(_NSPLIT):
            pltpu.async_copy(p_hbm.at[pl.ds(row0 * _P + j * _SPW, _SPW)],
                             pbufs[par].at[pl.ds(j * _SPW, _SPW)], sins[par])
        pltpu.async_copy(x_hbm.at[pl.ds(row0, _CH)], xbufs[par], sins[par])

    def wait_in(par):
        pltpu.make_async_copy(p_hbm.at[pl.ds(0, _CH * _P)], pbufs[par], sins[par]).wait()
        pltpu.make_async_copy(x_hbm.at[pl.ds(0, _CH)], xbufs[par], sins[par]).wait()

    def start_out(c, par):
        row0 = wbase + c * _CH
        xoff = pl.multiple_of(row0, 64)
        pltpu.async_copy(ybufs[par], y_hbm.at[pl.ds(xoff, _CH)], souts[par])
        pltpu.async_copy(ldbufs[par], ld_hbm.at[pl.ds(xoff, _CH)], souts[par])

    def wait_out(par):
        pltpu.make_async_copy(ybufs[par], y_hbm.at[pl.ds(0, _CH)], souts[par]).wait()
        pltpu.make_async_copy(ldbufs[par], ld_hbm.at[pl.ds(0, _CH)], souts[par]).wait()

    start_in(0, 0)
    start_in(1, 1)

    def compute_chunk(pbuf, xbuf, ybuf, ldbuf):
        @plsc.parallel_loop(0, _G, 1, unroll=2)
        def group(g):
            base = g * (16 * _P)

            def col(k):
                return plsc.load_gather(
                    pbuf.at[pl.ds(base, 16 * _P)], [lanes[k]])

            xo = xbuf[pl.ds(g * 16, 16)]
            xc = jnp.minimum(jnp.maximum(xo, _LEFT), _RIGHT)
            inside = (xo >= _LEFT) & (xo <= _RIGHT)

            ew = [jnp.exp(col(k)) for k in range(_K)]
            eh = [jnp.exp(col(_K + k)) for k in range(_K)]
            ud = [col(2 * _K + k) for k in range(_K + 1)]

            sw = ((ew[0] + ew[1]) + (ew[2] + ew[3])) + ((ew[4] + ew[5]) + (ew[6] + ew[7]))
            sh = ((eh[0] + eh[1]) + (eh[2] + eh[3])) + ((eh[4] + eh[5]) + (eh[6] + eh[7]))
            rw = (_RANGE * (1.0 - _MIN_BW * _K)) * _rcp(sw)
            rh = (_RANGE * (1.0 - _MIN_BH * _K)) * _rcp(sh)
            wmin = _MIN_BW * _RANGE
            hmin = _MIN_BH * _RANGE
            wk = [wmin + rw * e for e in ew]
            hk = [hmin + rh * e for e in eh]

            cw = [None] * 7
            ch = [None] * 7
            acc = _LEFT + wk[0]
            acch = _BOTTOM + hk[0]
            cw[0] = acc
            ch[0] = acch
            for k in range(1, 7):
                acc = acc + wk[k]
                acch = acch + hk[k]
                cw[k] = acc
                ch[k] = acch

            m = [xc >= cw[k] for k in range(7)]
            iw = _sel8(m, wk)
            ih = _sel8(m, hk)
            icw = _sel8(m, [jnp.full((16,), _LEFT, jnp.float32)] + cw)
            ich = _sel8(m, [jnp.full((16,), _BOTTOM, jnp.float32)] + ch)
            d0 = _MIN_D + _softplus(_sel8(m, ud[:8]))
            d1 = _MIN_D + _softplus(_sel8(m, ud[1:]))

            inv_iw = _rcp(iw)
            xi = (xc - icw) * inv_iw
            sk = ih * inv_iw
            omx = 1.0 - xi
            xi2 = xi * xi
            xom = xi * omx
            num = ih * (sk * xi2 + d0 * xom)
            den = sk + (d1 + d0 - 2.0 * sk) * xom
            rden = _rcp(den)
            y = ich + num * rden
            ng = (sk * sk) * (d1 * xi2 + 2.0 * sk * xom + d0 * (omx * omx))
            ld = _logf(ng * (rden * rden))

            y = jnp.where(inside, y, xo)
            ld = jnp.where(inside, ld, 0.0)
            ybuf[pl.ds(g * 16, 16)] = y
            ldbuf[pl.ds(g * 16, 16)] = ld

    def super_body(i, carry):
        for par in range(2):
            c = i * 2 + par
            wait_in(par)

            @pl.when(i > 0)
            def _():
                wait_out(par)

            compute_chunk(pbufs[par], xbufs[par], ybufs[par], ldbufs[par])
            start_out(c, par)

            @pl.when(c + 2 < _NCH)
            def _():
                start_in(c + 2, par)
        return carry

    lax.fori_loop(0, _NCH // 2, super_body, 0)
    wait_out(0)
    wait_out(1)


_spline_sc = functools.partial(
    pl.kernel,
    mesh=plsc.VectorSubcoreMesh(core_axis_name="c", subcore_axis_name="s"),
    compiler_params=pltpu.CompilerParams(needs_layout_passes=False),
    out_type=(
        jax.ShapeDtypeStruct((_D,), jnp.float32),
        jax.ShapeDtypeStruct((_D,), jnp.float32),
    ),
    scratch_types=[
        pltpu.VMEM((_CH * _P,), jnp.float32),
        pltpu.VMEM((_CH * _P,), jnp.float32),
        pltpu.VMEM((_CH,), jnp.float32),
        pltpu.VMEM((_CH,), jnp.float32),
        pltpu.VMEM((_CH,), jnp.float32),
        pltpu.VMEM((_CH,), jnp.float32),
        pltpu.VMEM((_CH,), jnp.float32),
        pltpu.VMEM((_CH,), jnp.float32),
        pltpu.SemaphoreType.DMA,
        pltpu.SemaphoreType.DMA,
        pltpu.SemaphoreType.DMA,
        pltpu.SemaphoreType.DMA,
    ],
)(_spline_body)


def kernel(x, params):
    y, ld = _spline_sc(x, params.reshape(-1))
    return y, ld

# --- scband reference (transcript-rebuilt; emitter-appended) ---
"""Pipeline reference for scband-rational-quadratic-spline-41953240547533 (READ-ONLY COPY).

The authoritative reference and input builder live on the scoring server;
editing this copy changes nothing except your own understanding.
"""

import jax, jax.numpy as jnp
import numpy as np

D = 1048576
K = 8
LEFT = -3.0
RIGHT = 3.0
BOTTOM = -3.0
TOP = 3.0
MIN_BW = 0.001
MIN_BH = 0.001
MIN_D = 0.001


def setup_inputs(seed: int = 0) -> dict:
    key = jax.random.key(seed)
    k1, k2 = jax.random.split(key)
    x = jax.random.normal(k1, (D,), dtype=jnp.float32)
    params = jax.random.normal(k2, (D, 3 * K + 1), dtype=jnp.float32)
    return {"x": x, "params": params}


def reference(x, params):
    uw = params[..., :K]
    uh = params[..., K:2 * K]
    ud = params[..., 2 * K:]
    widths = jax.nn.softmax(uw, axis=-1)
    widths = MIN_BW + (1 - MIN_BW * K) * widths
    heights = jax.nn.softmax(uh, axis=-1)
    heights = MIN_BH + (1 - MIN_BH * K) * heights
    derivatives = MIN_D + jax.nn.softplus(ud)
    cum_widths = jnp.pad(jnp.cumsum(widths, axis=-1), ((0, 0), (1, 0)), constant_values=0)
    cum_heights = jnp.pad(jnp.cumsum(heights, axis=-1), ((0, 0), (1, 0)), constant_values=0)
    cum_widths = cum_widths.at[..., -1].set(1.0)
    cum_heights = cum_heights.at[..., -1].set(1.0)
    widths = widths * (RIGHT - LEFT)
    heights = heights * (TOP - BOTTOM)
    cum_widths = LEFT + cum_widths * (RIGHT - LEFT)
    cum_heights = BOTTOM + cum_heights * (TOP - BOTTOM)
    inside = (x >= LEFT) & (x <= RIGHT)
    xc = jnp.clip(x, LEFT, RIGHT)

    def per_dim(xd, wd, hd, cwd, chd, dd):
        idx = jnp.searchsorted(cwd, xd, side='right') - 1
        idx = jnp.clip(idx, 0, K - 1)
        iw = wd[idx]
        ih = hd[idx]
        icw = cwd[idx]
        ich = chd[idx]
        d0 = dd[idx]
        d1 = dd[idx + 1]
        xi = (xd - icw) / iw
        s_k = ih / iw
        numerator = ih * (s_k * xi ** 2 + d0 * xi * (1 - xi))
        denominator = s_k + (d1 + d0 - 2 * s_k) * xi * (1 - xi)
        y = ich + numerator / denominator
        numerator_grad = s_k ** 2 * (d1 * xi ** 2 + 2 * s_k * xi * (1 - xi) + d0 * (1 - xi) ** 2)
        log_det = jnp.log(numerator_grad) - 2 * jnp.log(denominator)
        return y, log_det

    outs, lds = jax.vmap(per_dim)(xc, widths, heights, cum_widths, cum_heights, derivatives)
    outs = jnp.where(inside, outs, x)
    lds = jnp.where(inside, lds, jnp.asarray(0.0, dtype=lds.dtype))
    return outs, lds

if __name__ == "__main__":
    import jax
    _d = setup_inputs()
    print(jax.jit(kernel)(*tuple(_d.values())))

</pallas_src>

<mosaic_0001>
#map = affine_map<(d0, d1) -> (0)>
module attributes {stable_mosaic.version = 14 : i64} {
  func.func @_spline_body(%arg0: i32, %arg1: i32, %arg2: memref<1048576xf32, #tpu.memory_space<hbm>>, %arg3: memref<26214400xf32, #tpu.memory_space<hbm>>, %arg4: memref<1048576xf32, #tpu.memory_space<hbm>>, %arg5: memref<1048576xf32, #tpu.memory_space<hbm>>, %arg6: memref<51200xf32, #tpu.memory_space<vmem>>, %arg7: memref<51200xf32, #tpu.memory_space<vmem>>, %arg8: memref<2048xf32, #tpu.memory_space<vmem>>, %arg9: memref<2048xf32, #tpu.memory_space<vmem>>, %arg10: memref<2048xf32, #tpu.memory_space<vmem>>, %arg11: memref<2048xf32, #tpu.memory_space<vmem>>, %arg12: memref<2048xf32, #tpu.memory_space<vmem>>, %arg13: memref<2048xf32, #tpu.memory_space<vmem>>, %arg14: memref<!tpu.dma_semaphore, #tpu.memory_space<semaphore_mem>>, %arg15: memref<!tpu.dma_semaphore, #tpu.memory_space<semaphore_mem>>, %arg16: memref<!tpu.dma_semaphore, #tpu.memory_space<semaphore_mem>>, %arg17: memref<!tpu.dma_semaphore, #tpu.memory_space<semaphore_mem>>) attributes {dimension_semantics = [#tpu.dimension_semantics<core_parallel>, #tpu.dimension_semantics<subcore_parallel>], iteration_bounds = array<i64: 2, 16>, scalar_prefetch = 0 : i64, scratch_operands = 12 : i64, tpu.core_type = #tpu.core_type<sc_vector_subcore>, window_params = [{transform_indices = #map}, {transform_indices = #map}, {transform_indices = #map}, {transform_indices = #map}]} {
    %mul3A = arith.constant 2 : i32
    %mul3A_0 = arith.muli %arg1, %mul3A : i32
    %add3A = arith.addi %mul3A_0, %arg0 : i32
    %mul3A_1 = arith.constant 32768 : i32
    %mul3A_2 = arith.muli %add3A, %mul3A_1 : i32
    %iota3A = tpu.iota {dimensions = array<i32: 0>} : vector<16xi32>
    %mul3A_3 = arith.constant 25 : i32
    %mul3A_4 = vector.broadcast %mul3A_3 : i32 to vector<16xi32>
    %mul3A_5 = arith.muli %iota3A, %mul3A_4 : vector<16xi32>
    %add3A_6 = arith.constant 0 : i32
    %add3A_7 = vector.broadcast %add3A_6 : i32 to vector<16xi32>
    %add3A_8 = arith.addi %mul3A_5, %add3A_7 : vector<16xi32>
    %add3A_9 = arith.constant 1 : i32
    %add3A_10 = vector.broadcast %add3A_9 : i32 to vector<16xi32>
    %add3A_11 = arith.addi %mul3A_5, %add3A_10 : vector<16xi32>
    %add3A_12 = arith.constant 2 : i32
    %add3A_13 = vector.broadcast %add3A_12 : i32 to vector<16xi32>
    %add3A_14 = arith.addi %mul3A_5, %add3A_13 : vector<16xi32>
    %add3A_15 = arith.constant 3 : i32
    %add3A_16 = vector.broadcast %add3A_15 : i32 to vector<16xi32>
    %add3A_17 = arith.addi %mul3A_5, %add3A_16 : vector<16xi32>
    %add3A_18 = arith.constant 4 : i32
    %add3A_19 = vector.broadcast %add3A_18 : i32 to vector<16xi32>
    %add3A_20 = arith.addi %mul3A_5, %add3A_19 : vector<16xi32>
    %add3A_21 = arith.constant 5 : i32
    %add3A_22 = vector.broadcast %add3A_21 : i32 to vector<16xi32>
    %add3A_23 = arith.addi %mul3A_5, %add3A_22 : vector<16xi32>
    %add3A_24 = arith.constant 6 : i32
    %add3A_25 = vector.broadcast %add3A_24 : i32 to vector<16xi32>
    %add3A_26 = arith.addi %mul3A_5, %add3A_25 : vector<16xi32>
    %add3A_27 = arith.constant 7 : i32
    %add3A_28 = vector.broadcast %add3A_27 : i32 to vector<16xi32>
    %add3A_29 = arith.addi %mul3A_5, %add3A_28 : vector<16xi32>
    %add3A_30 = arith.constant 8 : i32
    %add3A_31 = vector.broadcast %add3A_30 : i32 to vector<16xi32>
    %add3A_32 = arith.addi %mul3A_5, %add3A_31 : vector<16xi32>
    %add3A_33 = arith.constant 9 : i32
    %add3A_34 = vector.broadcast %add3A_33 : i32 to vector<16xi32>
    %add3A_35 = arith.addi %mul3A_5, %add3A_34 : vector<16xi32>
    %add3A_36 = arith.constant 10 : i32
    %add3A_37 = vector.broadcast %add3A_36 : i32 to vector<16xi32>
    %add3A_38 = arith.addi %mul3A_5, %add3A_37 : vector<16xi32>
    %add3A_39 = arith.constant 11 : i32
    %add3A_40 = vector.broadcast %add3A_39 : i32 to vector<16xi32>
    %add3A_41 = arith.addi %mul3A_5, %add3A_40 : vector<16xi32>
    %add3A_42 = arith.constant 12 : i32
    %add3A_43 = vector.broadcast %add3A_42 : i32 to vector<16xi32>
    %add3A_44 = arith.addi %mul3A_5, %add3A_43 : vector<16xi32>
    %add3A_45 = arith.constant 13 : i32
    %add3A_46 = vector.broadcast %add3A_45 : i32 to vector<16xi32>
    %add3A_47 = arith.addi %mul3A_5, %add3A_46 : vector<16xi32>
    %add3A_48 = arith.constant 14 : i32
    %add3A_49 = vector.broadcast %add3A_48 : i32 to vector<16xi32>
    %add3A_50 = arith.addi %mul3A_5, %add3A_49 : vector<16xi32>
    %add3A_51 = arith.constant 15 : i32
    %add3A_52 = vector.broadcast %add3A_51 : i32 to vector<16xi32>
    %add3A_53 = arith.addi %mul3A_5, %add3A_52 : vector<16xi32>
    %add3A_54 = arith.constant 16 : i32
    %add3A_55 = vector.broadcast %add3A_54 : i32 to vector<16xi32>
    %add3A_56 = arith.addi %mul3A_5, %add3A_55 : vector<16xi32>
    %add3A_57 = arith.constant 17 : i32
    %add3A_58 = vector.broadcast %add3A_57 : i32 to vector<16xi32>
    %add3A_59 = arith.addi %mul3A_5, %add3A_58 : vector<16xi32>
    %add3A_60 = arith.constant 18 : i32
    %add3A_61 = vector.broadcast %add3A_60 : i32 to vector<16xi32>
    %add3A_62 = arith.addi %mul3A_5, %add3A_61 : vector<16xi32>
    %add3A_63 = arith.constant 19 : i32
    %add3A_64 = vector.broadcast %add3A_63 : i32 to vector<16xi32>
    %add3A_65 = arith.addi %mul3A_5, %add3A_64 : vector<16xi32>
    %add3A_66 = arith.constant 20 : i32
    %add3A_67 = vector.broadcast %add3A_66 : i32 to vector<16xi32>
    %add3A_68 = arith.addi %mul3A_5, %add3A_67 : vector<16xi32>
    %add3A_69 = arith.constant 21 : i32
    %add3A_70 = vector.broadcast %add3A_69 : i32 to vector<16xi32>
    %add3A_71 = arith.addi %mul3A_5, %add3A_70 : vector<16xi32>
    %add3A_72 = arith.constant 22 : i32
    %add3A_73 = vector.broadcast %add3A_72 : i32 to vector<16xi32>
    %add3A_74 = arith.addi %mul3A_5, %add3A_73 : vector<16xi32>
    %add3A_75 = arith.constant 23 : i32
    %add3A_76 = vector.broadcast %add3A_75 : i32 to vector<16xi32>
    %add3A_77 = arith.addi %mul3A_5, %add3A_76 : vector<16xi32>
    %add3A_78 = arith.constant 24 : i32
    %add3A_79 = vector.broadcast %add3A_78 : i32 to vector<16xi32>
    %add3A_80 = arith.addi %mul3A_5, %add3A_79 : vector<16xi32>
    %add3A_81 = arith.constant 0 : i32
    %add3A_82 = arith.addi %mul3A_2, %add3A_81 : i32
    %mul3A_83 = arith.constant 25 : i32
    %mul3A_84 = arith.muli %add3A_82, %mul3A_83 : i32
    %add3A_85 = arith.constant 0 : i32
    %add3A_86 = arith.addi %mul3A_84, %add3A_85 : i32
    %dma_start3A = arith.constant 0 : i32
    %dma_start3A_87 = tpu.memref_slice %arg6[%dma_start3A] : memref<51200xf32, #tpu.memory_space<vmem>> -> memref<12800xf32, #tpu.memory_space<vmem>>
    %dma_start3A_88 = tpu.memref_slice %arg3[%add3A_86] : memref<26214400xf32, #tpu.memory_space<hbm>> -> memref<12800xf32, #tpu.memory_space<hbm>>
    %dma_start3A_89 = arith.constant 0 : i32
    %dma_start3A_90 = tpu.memref_slice %arg6[%dma_start3A_89] : memref<51200xf32, #tpu.memory_space<vmem>> -> memref<12800xf32, #tpu.memory_space<vmem>>
    %dma_start3A_91 = tpu.memref_slice %arg3[%add3A_86] : memref<26214400xf32, #tpu.memory_space<hbm>> -> memref<12800xf32, #tpu.memory_space<hbm>>
    tpu.enqueue_dma source(%dma_start3A_91 : memref<12800xf32, #tpu.memory_space<hbm>>) target(%dma_start3A_90 : memref<12800xf32, #tpu.memory_space<vmem>>) target_semaphore(%arg14 : memref<!tpu.dma_semaphore, #tpu.memory_space<semaphore_mem>>)
    %mul3A_92 = arith.constant 25 : i32
    %mul3A_93 = arith.muli %add3A_82, %mul3A_92 : i32
    %add3A_94 = arith.constant 12800 : i32
    %add3A_95 = arith.addi %mul3A_93, %add3A_94 : i32
    %dma_start3A_96 = arith.constant 12800 : i32
    %dma_start3A_97 = tpu.memref_slice %arg6[%dma_start3A_96] : memref<51200xf32, #tpu.memory_space<vmem>> -> memref<12800xf32, #tpu.memory_space<vmem>>
    %dma_start3A_98 = tpu.memref_slice %arg3[%add3A_95] : memref<26214400xf32, #tpu.memory_space<hbm>> -> memref<12800xf32, #tpu.memory_space<hbm>>
    %dma_start3A_99 = arith.constant 12800 : i32
    %dma_start3A_100 = tpu.memref_slice %arg6[%dma_start3A_99] : memref<51200xf32, #tpu.memory_space<vmem>> -> memref<12800xf32, #tpu.memory_space<vmem>>
    %dma_start3A_101 = tpu.memref_slice %arg3[%add3A_95] : memref<26214400xf32, #tpu.memory_space<hbm>> -> memref<12800xf32, #tpu.memory_space<hbm>>
    tpu.enqueue_dma source(%dma_start3A_101 : memref<12800xf32, #tpu.memory_space<hbm>>) target(%dma_start3A_100 : memref<12800xf32, #tpu.memory_space<vmem>>) target_semaphore(%arg14 : memref<!tpu.dma_semaphore, #tpu.memory_space<semaphore_mem>>)
    %mul3A_102 = arith.constant 25 : i32
    %mul3A_103 = arith.muli %add3A_82, %mul3A_102 : i32
    %add3A_104 = arith.constant 25600 : i32
    %add3A_105 = arith.addi %mul3A_103, %add3A_104 : i32
    %dma_start3A_106 = arith.constant 25600 : i32
    %dma_start3A_107 = tpu.memref_slice %arg6[%dma_start3A_106] : memref<51200xf32, #tpu.memory_space<vmem>> -> memref<12800xf32, #tpu.memory_space<vmem>>
    %dma_start3A_108 = tpu.memref_slice %arg3[%add3A_105] : memref<26214400xf32, #tpu.memory_space<hbm>> -> memref<12800xf32, #tpu.memory_space<hbm>>
    %dma_start3A_109 = arith.constant 25600 : i32
    %dma_start3A_110 = tpu.memref_slice %arg6[%dma_start3A_109] : memref<51200xf32, #tpu.memory_space<vmem>> -> memref<12800xf32, #tpu.memory_space<vmem>>
    %dma_start3A_111 = tpu.memref_slice %arg3[%add3A_105] : memref<26214400xf32, #tpu.memory_space<hbm>> -> memref<12800xf32, #tpu.memory_space<hbm>>
    tpu.enqueue_dma source(%dma_start3A_111 : memref<12800xf32, #tpu.memory_space<hbm>>) target(%dma_start3A_110 : memref<12800xf32, #tpu.memory_space<vmem>>) target_semaphore(%arg14 : memref<!tpu.dma_semaphore, #tpu.memory_space<semaphore_mem>>)
    %mul3A_112 = arith.constant 25 : i32
    %mul3A_113 = arith.muli %add3A_82, %mul3A_112 : i32
    %add3A_114 = arith.constant 38400 : i32
    %add3A_115 = arith.addi %mul3A_113, %add3A_114 : i32
    %dma_start3A_116 = arith.constant 38400 : i32
    %dma_start3A_117 = tpu.memref_slice %arg6[%dma_start3A_116] : memref<51200xf32, #tpu.memory_space<vmem>> -> memref<12800xf32, #tpu.memory_space<vmem>>
    %dma_start3A_118 = tpu.memref_slice %arg3[%add3A_115] : memref<26214400xf32, #tpu.memory_space<hbm>> -> memref<12800xf32, #tpu.memory_space<hbm>>
    %dma_start3A_119 = arith.constant 38400 : i32
    %dma_start3A_120 = tpu.memref_slice %arg6[%dma_start3A_119] : memref<51200xf32, #tpu.memory_space<vmem>> -> memref<12800xf32, #tpu.memory_space<vmem>>
    %dma_start3A_121 = tpu.memref_slice %arg3[%add3A_115] : memref<26214400xf32, #tpu.memory_space<hbm>> -> memref<12800xf32, #tpu.memory_space<hbm>>
    tpu.enqueue_dma source(%dma_start3A_121 : memref<12800xf32, #tpu.memory_space<hbm>>) target(%dma_start3A_120 : memref<12800xf32, #tpu.memory_space<vmem>>) target_semaphore(%arg14 : memref<!tpu.dma_semaphore, #tpu.memory_space<semaphore_mem>>)
    %dma_start3A_122 = tpu.memref_slice %arg2[%add3A_82] : memref<1048576xf32, #tpu.memory_space<hbm>> -> memref<2048xf32, #tpu.memory_space<hbm>>
    %dma_start3A_123 = tpu.memref_slice %arg2[%add3A_82] : memref<1048576xf32, #tpu.memory_space<hbm>> -> memref<2048xf32, #tpu.memory_space<hbm>>
    tpu.enqueue_dma source(%dma_start3A_123 : memref<2048xf32, #tpu.memory_space<hbm>>) target(%arg8 : memref<2048xf32, #tpu.memory_space<vmem>>) target_semaphore(%arg14 : memref<!tpu.dma_semaphore, #tpu.memory_space<semaphore_mem>>)
    %add3A_124 = arith.constant 2048 : i32
    %add3A_125 = arith.addi %mul3A_2, %add3A_124 : i32
    %mul3A_126 = arith.constant 25 : i32
    %mul3A_127 = arith.muli %add3A_125, %mul3A_126 : i32
    %add3A_128 = arith.constant 0 : i32
    %add3A_129 = arith.addi %mul3A_127, %add3A_128 : i32
    %dma_start3A_130 = arith.constant 0 : i32
    %dma_start3A_131 = tpu.memref_slice %arg7[%dma_start3A_130] : memref<51200xf32, #tpu.memory_space<vmem>> -> memref<12800xf32, #tpu.memory_space<vmem>>
    %dma_start3A_132 = tpu.memref_slice %arg3[%add3A_129] : memref<26214400xf32, #tpu.memory_space<hbm>> -> memref<12800xf32, #tpu.memory_space<hbm>>
    %dma_start3A_133 = arith.constant 0 : i32
    %dma_start3A_134 = tpu.memref_slice %arg7[%dma_start3A_133] : memref<51200xf32, #tpu.memory_space<vmem>> -> memref<12800xf32, #tpu.memory_space<vmem>>
    %dma_start3A_135 = tpu.memref_slice %arg3[%add3A_129] : memref<26214400xf32, #tpu.memory_space<hbm>> -> memref<12800xf32, #tpu.memory_space<hbm>>
    tpu.enqueue_dma source(%dma_start3A_135 : memref<12800xf32, #tpu.memory_space<hbm>>) target(%dma_start3A_134 : memref<12800xf32, #tpu.memory_space<vmem>>) target_semaphore(%arg15 : memref<!tpu.dma_semaphore, #tpu.memory_space<semaphore_mem>>)
    %mul3A_136 = arith.constant 25 : i32
    %mul3A_137 = arith.muli %add3A_125, %mul3A_136 : i32
    %add3A_138 = arith.constant 12800 : i32
    %add3A_139 = arith.addi %mul3A_137, %add3A_138 : i32
    %dma_start3A_140 = arith.constant 12800 : i32
    %dma_start3A_141 = tpu.memref_slice %arg7[%dma_start3A_140] : memref<51200xf32, #tpu.memory_space<vmem>> -> memref<12800xf32, #tpu.memory_space<vmem>>
    %dma_start3A_142 = tpu.memref_slice %arg3[%add3A_139] : memref<26214400xf32, #tpu.memory_space<hbm>> -> memref<12800xf32, #tpu.memory_space<hbm>>
    %dma_start3A_143 = arith.constant 12800 : i32
    %dma_start3A_144 = tpu.memref_slice %arg7[%dma_start3A_143] : memref<51200xf32, #tpu.memory_space<vmem>> -> memref<12800xf32, #tpu.memory_space<vmem>>
    %dma_start3A_145 = tpu.memref_slice %arg3[%add3A_139] : memref<26214400xf32, #tpu.memory_space<hbm>> -> memref<12800xf32, #tpu.memory_space<hbm>>
    tpu.enqueue_dma source(%dma_start3A_145 : memref<12800xf32, #tpu.memory_space<hbm>>) target(%dma_start3A_144 : memref<12800xf32, #tpu.memory_space<vmem>>) target_semaphore(%arg15 : memref<!tpu.dma_semaphore, #tpu.memory_space<semaphore_mem>>)
    %mul3A_146 = arith.constant 25 : i32
    %mul3A_147 = arith.muli %add3A_125, %mul3A_146 : i32
    %add3A_148 = arith.constant 25600 : i32
    %add3A_149 = arith.addi %mul3A_147, %add3A_148 : i32
    %dma_start3A_150 = arith.constant 25600 : i32
    %dma_start3A_151 = tpu.memref_slice %arg7[%dma_start3A_150] : memref<51200xf32, #tpu.memory_space<vmem>> -> memref<12800xf32, #tpu.memory_space<vmem>>
    %dma_start3A_152 = tpu.memref_slice %arg3[%add3A_149] : memref<26214400xf32, #tpu.memory_space<hbm>> -> memref<12800xf32, #tpu.memory_space<hbm>>
    %dma_start3A_153 = arith.constant 25600 : i32
    %dma_start3A_154 = tpu.memref_slice %arg7[%dma_start3A_153] : memref<51200xf32, #tpu.memory_space<vmem>> -> memref<12800xf32, #tpu.memory_space<vmem>>
    %dma_start3A_155 = tpu.memref_slice %arg3[%add3A_149] : memref<26214400xf32, #tpu.memory_space<hbm>> -> memref<12800xf32, #tpu.memory_space<hbm>>
    tpu.enqueue_dma source(%dma_start3A_155 : memref<12800xf32, #tpu.memory_space<hbm>>) target(%dma_start3A_154 : memref<12800xf32, #tpu.memory_space<vmem>>) target_semaphore(%arg15 : memref<!tpu.dma_semaphore, #tpu.memory_space<semaphore_mem>>)
    %mul3A_156 = arith.constant 25 : i32
    %mul3A_157 = arith.muli %add3A_125, %mul3A_156 : i32
    %add3A_158 = arith.constant 38400 : i32
    %add3A_159 = arith.addi %mul3A_157, %add3A_158 : i32
    %dma_start3A_160 = arith.constant 38400 : i32
    %dma_start3A_161 = tpu.memref_slice %arg7[%dma_start3A_160] : memref<51200xf32, #tpu.memory_space<vmem>> -> memref<12800xf32, #tpu.memory_space<vmem>>
    %dma_start3A_162 = tpu.memref_slice %arg3[%add3A_159] : memref<26214400xf32, #tpu.memory_space<hbm>> -> memref<12800xf32, #tpu.memory_space<hbm>>
    %dma_start3A_163 = arith.constant 38400 : i32
    %dma_start3A_164 = tpu.memref_slice %arg7[%dma_start3A_163] : memref<51200xf32, #tpu.memory_space<vmem>> -> memref<12800xf32, #tpu.memory_space<vmem>>
    %dma_start3A_165 = tpu.memref_slice %arg3[%add3A_159] : memref<26214400xf32, #tpu.memory_space<hbm>> -> memref<12800xf32, #tpu.memory_space<hbm>>
    tpu.enqueue_dma source(%dma_start3A_165 : memref<12800xf32, #tpu.memory_space<hbm>>) target(%dma_start3A_164 : memref<12800xf32, #tpu.memory_space<vmem>>) target_semaphore(%arg15 : memref<!tpu.dma_semaphore, #tpu.memory_space<semaphore_mem>>)
    %dma_start3A_166 = tpu.memref_slice %arg2[%add3A_125] : memref<1048576xf32, #tpu.memory_space<hbm>> -> memref<2048xf32, #tpu.memory_space<hbm>>
    %dma_start3A_167 = tpu.memref_slice %arg2[%add3A_125] : memref<1048576xf32, #tpu.memory_space<hbm>> -> memref<2048xf32, #tpu.memory_space<hbm>>
    tpu.enqueue_dma source(%dma_start3A_167 : memref<2048xf32, #tpu.memory_space<hbm>>) target(%arg9 : memref<2048xf32, #tpu.memory_space<vmem>>) target_semaphore(%arg15 : memref<!tpu.dma_semaphore, #tpu.memory_space<semaphore_mem>>)
    %scan3A = arith.constant 0 : i32
    %scan3A_168 = arith.constant 0 : i32
    %scan3A_169 = arith.constant 8 : i32
    %scan3A_170 = arith.addi %scan3A_168, %scan3A_169 : i32
    %scan3A_171 = arith.constant 1 : i32
    scf.for %scan3A_188 = %scan3A_168 to %scan3A_170 step %scan3A_171  : i32 {
      %mul3A_189 = arith.constant 2 : i32
      %mul3A_190 = arith.muli %scan3A_188, %mul3A_189 : i32
      %add3A_191 = arith.constant 0 : i32
      %add3A_192 = arith.addi %mul3A_190, %add3A_191 : i32
      %dma_wait3A_193 = arith.constant 0 : i32
      %dma_wait3A_194 = tpu.memref_slice %arg3[%dma_wait3A_193] : memref<26214400xf32, #tpu.memory_space<hbm>> -> memref<51200xf32, #tpu.memory_space<hbm>>
      %dma_wait3A_195 = arith.constant 0 : i32
      %dma_wait3A_196 = tpu.memref_slice %arg3[%dma_wait3A_195] : memref<26214400xf32, #tpu.memory_space<hbm>> -> memref<51200xf32, #tpu.memory_space<hbm>>
      tpu.wait_dma2 semaphore(%arg14 : memref<!tpu.dma_semaphore, #tpu.memory_space<semaphore_mem>>) src(%dma_wait3A_196 : memref<51200xf32, #tpu.memory_space<hbm>>) dst(%arg6 : memref<51200xf32, #tpu.memory_space<vmem>>)
      %dma_wait3A_197 = arith.constant 0 : i32
      %dma_wait3A_198 = tpu.memref_slice %arg2[%dma_wait3A_197] : memref<1048576xf32, #tpu.memory_space<hbm>> -> memref<2048xf32, #tpu.memory_space<hbm>>
      %dma_wait3A_199 = arith.constant 0 : i32
      %dma_wait3A_200 = tpu.memref_slice %arg2[%dma_wait3A_199] : memref<1048576xf32, #tpu.memory_space<hbm>> -> memref<2048xf32, #tpu.memory_space<hbm>>
      tpu.wait_dma2 semaphore(%arg14 : memref<!tpu.dma_semaphore, #tpu.memory_space<semaphore_mem>>) src(%dma_wait3A_200 : memref<2048xf32, #tpu.memory_space<hbm>>) dst(%arg8 : memref<2048xf32, #tpu.memory_space<vmem>>)
      %gt3A = arith.constant 0 : i32
      %gt3A_201 = arith.cmpi sgt, %scan3A_188, %gt3A : i32
      %convert_element_type3A = arith.extui %gt3A_201 : i1 to i32
      %cond3A = arith.constant 0 : i32
      %cond3A_202 = arith.cmpi ne, %convert_element_type3A, %cond3A : i32
      scf.if %cond3A_202 {
        %dma_wait3A_253 = arith.constant 0 : i32
        %dma_wait3A_254 = tpu.memref_slice %arg4[%dma_wait3A_253] : memref<1048576xf32, #tpu.memory_space<hbm>> -> memref<2048xf32, #tpu.memory_space<hbm>>
        %dma_wait3A_255 = arith.constant 0 : i32
        %dma_wait3A_256 = tpu.memref_slice %arg4[%dma_wait3A_255] : memref<1048576xf32, #tpu.memory_space<hbm>> -> memref<2048xf32, #tpu.memory_space<hbm>>
        tpu.wait_dma2 semaphore(%arg16 : memref<!tpu.dma_semaphore, #tpu.memory_space<semaphore_mem>>) src(%arg10 : memref<2048xf32, #tpu.memory_space<vmem>>) dst(%dma_wait3A_256 : memref<2048xf32, #tpu.memory_space<hbm>>)
        %dma_wait3A_257 = arith.constant 0 : i32
        %dma_wait3A_258 = tpu.memref_slice %arg5[%dma_wait3A_257] : memref<1048576xf32, #tpu.memory_space<hbm>> -> memref<2048xf32, #tpu.memory_space<hbm>>
        %dma_wait3A_259 = arith.constant 0 : i32
        %dma_wait3A_260 = tpu.memref_slice %arg5[%dma_wait3A_259] : memref<1048576xf32, #tpu.memory_space<hbm>> -> memref<2048xf32, #tpu.memory_space<hbm>>
        tpu.wait_dma2 semaphore(%arg16 : memref<!tpu.dma_semaphore, #tpu.memory_space<semaphore_mem>>) src(%arg12 : memref<2048xf32, #tpu.memory_space<vmem>>) dst(%dma_wait3A_260 : memref<2048xf32, #tpu.memory_space<hbm>>)
      } else {
      }
      %parallel_loop3A = arith.constant 0 : i32
      %parallel_loop3A_203 = arith.constant 128 : i32
      %parallel_loop3A_204 = arith.constant 1 : i32
      scf.for %parallel_loop3A_253 = %parallel_loop3A to %parallel_loop3A_203 step %parallel_loop3A_204  : i32 {
        %parallel_loop3A_254 = arith.constant 400 : i32
        %parallel_loop3A_255 = arith.muli %parallel_loop3A_253, %parallel_loop3A_254 : i32
        %parallel_loop3A_256 = arith.constant 16 : i32
        %parallel_loop3A_257 = arith.muli %parallel_loop3A_253, %parallel_loop3A_256 : i32
        %parallel_loop3A_258 = arith.index_cast %parallel_loop3A_257 : i32 to index
        %parallel_loop3A_259 = tpu.vector_load %arg8[%parallel_loop3A_258] {strides = array<i32>} : memref<2048xf32, #tpu.memory_space<vmem>>, vector<16xf32>,
        %parallel_loop3A_260 = arith.constant -3.000000e+00 : f32
        %parallel_loop3A_261 = vector.broadcast %parallel_loop3A_260 : f32 to vector<16xf32>
        %parallel_loop3A_262 = arith.maximumf %parallel_loop3A_259, %parallel_loop3A_261 : vector<16xf32>
        %parallel_loop3A_263 = arith.constant 3.000000e+00 : f32
        %parallel_loop3A_264 = vector.broadcast %parallel_loop3A_263 : f32 to vector<16xf32>
        %parallel_loop3A_265 = arith.minimumf %parallel_loop3A_262, %parallel_loop3A_264 : vector<16xf32>
        %parallel_loop3A_266 = arith.constant -3.000000e+00 : f32
        %parallel_loop3A_267 = vector.broadcast %parallel_loop3A_266 : f32 to vector<16xf32>
        %parallel_loop3A_268 = arith.cmpf oge, %parallel_loop3A_259, %parallel_loop3A_267 : vector<16xf32>
        %parallel_loop3A_269 = arith.constant 3.000000e+00 : f32
        %parallel_loop3A_270 = vector.broadcast %parallel_loop3A_269 : f32 to vector<16xf32>
        %parallel_loop3A_271 = arith.cmpf ole, %parallel_loop3A_259, %parallel_loop3A_270 : vector<16xf32>
        %parallel_loop3A_272 = arith.andi %parallel_loop3A_268, %parallel_loop3A_271 : vector<16xi1>
        %parallel_loop3A_273 = tpu.memref_slice %arg6[%parallel_loop3A_255] : memref<51200xf32, #tpu.memory_space<vmem>> -> memref<400xf32, #tpu.memory_space<vmem>>
        %parallel_loop3A_274 = tpu.vector_load_idx %parallel_loop3A_273[%add3A_8] : memref<400xf32, #tpu.memory_space<vmem>>[vector<16xi32>], vector<16xf32>,
        %parallel_loop3A_275 = math.exp %parallel_loop3A_274 : vector<16xf32>
        %parallel_loop3A_276 = tpu.memref_slice %arg6[%parallel_loop3A_255] : memref<51200xf32, #tpu.memory_space<vmem>> -> memref<400xf32, #tpu.memory_space<vmem>>
        %parallel_loop3A_277 = tpu.vector_load_idx %parallel_loop3A_276[%add3A_11] : memref<400xf32, #tpu.memory_space<vmem>>[vector<16xi32>], vector<16xf32>,
        %parallel_loop3A_278 = math.exp %parallel_loop3A_277 : vector<16xf32>
        %parallel_loop3A_279 = tpu.memref_slice %arg6[%parallel_loop3A_255] : memref<51200xf32, #tpu.memory_space<vmem>> -> memref<400xf32, #tpu.memory_space<vmem>>
        %parallel_loop3A_280 = tpu.vector_load_idx %parallel_loop3A_279[%add3A_14] : memref<400xf32, #tpu.memory_space<vmem>>[vector<16xi32>], vector<16xf32>,
        %parallel_loop3A_281 = math.exp %parallel_loop3A_280 : vector<16xf32>
        %parallel_loop3A_282 = tpu.memref_slice %arg6[%parallel_loop3A_255] : memref<51200xf32, #tpu.memory_space<vmem>> -> memref<400xf32, #tpu.memory_space<vmem>>
        %parallel_loop3A_283 = tpu.vector_load_idx %parallel_loop3A_282[%add3A_17] : memref<400xf32, #tpu.memory_space<vmem>>[vector<16xi32>], vector<16xf32>,
        %parallel_loop3A_284 = math.exp %parallel_loop3A_283 : vector<16xf32>
        %parallel_loop3A_285 = tpu.memref_slice %arg6[%parallel_loop3A_255] : memref<51200xf32, #tpu.memory_space<vmem>> -> memref<400xf32, #tpu.memory_space<vmem>>
        %parallel_loop3A_286 = tpu.vector_load_idx %parallel_loop3A_285[%add3A_20] : memref<400xf32, #tpu.memory_space<vmem>>[vector<16xi32>], vector<16xf32>,
        %parallel_loop3A_287 = math.exp %parallel_loop3A_286 : vector<16xf32>
        %parallel_loop3A_288 = tpu.memref_slice %arg6[%parallel_loop3A_255] : memref<51200xf32, #tpu.memory_space<vmem>> -> memref<400xf32, #tpu.memory_space<vmem>>
        %parallel_loop3A_289 = tpu.vector_load_idx %parallel_loop3A_288[%add3A_23] : memref<400xf32, #tpu.memory_space<vmem>>[vector<16xi32>], vector<16xf32>,
        %parallel_loop3A_290 = math.exp %parallel_loop3A_289 : vector<16xf32>
        %parallel_loop3A_291 = tpu.memref_slice %arg6[%parallel_loop3A_255] : memref<51200xf32, #tpu.memory_space<vmem>> -> memref<400xf32, #tpu.memory_space<vmem>>
        %parallel_loop3A_292 = tpu.vector_load_idx %parallel_loop3A_291[%add3A_26] : memref<400xf32, #tpu.memory_space<vmem>>[vector<16xi32>], vector<16xf32>,
        %parallel_loop3A_293 = math.exp %parallel_loop3A_292 : vector<16xf32>
        %parallel_loop3A_294 = tpu.memref_slice %arg6[%parallel_loop3A_255] : memref<51200xf32, #tpu.memory_space<vmem>> -> memref<400xf32, #tpu.memory_space<vmem>>
        %parallel_loop3A_295 = tpu.vector_load_idx %parallel_loop3A_294[%add3A_29] : memref<400xf32, #tpu.memory_space<vmem>>[vector<16xi32>], vector<16xf32>,
        %parallel_loop3A_296 = math.exp %parallel_loop3A_295 : vector<16xf32>
        %parallel_loop3A_297 = tpu.memref_slice %arg6[%parallel_loop3A_255] : memref<51200xf32, #tpu.memory_space<vmem>> -> memref<400xf32, #tpu.memory_space<vmem>>
        %parallel_loop3A_298 = tpu.vector_load_idx %parallel_loop3A_297[%add3A_32] : memref<400xf32, #tpu.memory_space<vmem>>[vector<16xi32>], vector<16xf32>,
        %parallel_loop3A_299 = math.exp %parallel_loop3A_298 : vector<16xf32>
        %parallel_loop3A_300 = tpu.memref_slice %arg6[%parallel_loop3A_255] : memref<51200xf32, #tpu.memory_space<vmem>> -> memref<400xf32, #tpu.memory_space<vmem>>
        %parallel_loop3A_301 = tpu.vector_load_idx %parallel_loop3A_300[%add3A_35] : memref<400xf32, #tpu.memory_space<vmem>>[vector<16xi32>], vector<16xf32>,
        %parallel_loop3A_302 = math.exp %parallel_loop3A_301 : vector<16xf32>
        %parallel_loop3A_303 = tpu.memref_slice %arg6[%parallel_loop3A_255] : memref<51200xf32, #tpu.memory_space<vmem>> -> memref<400xf32, #tpu.memory_space<vmem>>
        %parallel_loop3A_304 = tpu.vector_load_idx %parallel_loop3A_303[%add3A_38] : memref<400xf32, #tpu.memory_space<vmem>>[vector<16xi32>], vector<16xf32>,
        %parallel_loop3A_305 = math.exp %parallel_loop3A_304 : vector<16xf32>
        %parallel_loop3A_306 = tpu.memref_slice %arg6[%parallel_loop3A_255] : memref<51200xf32, #tpu.memory_space<vmem>> -> memref<400xf32, #tpu.memory_space<vmem>>
        %parallel_loop3A_307 = tpu.vector_load_idx %parallel_loop3A_306[%add3A_41] : memref<400xf32, #tpu.memory_space<vmem>>[vector<16xi32>], vector<16xf32>,
        %parallel_loop3A_308 = math.exp %parallel_loop3A_307 : vector<16xf32>
        %parallel_loop3A_309 = tpu.memref_slice %arg6[%parallel_loop3A_255] : memref<51200xf32, #tpu.memory_space<vmem>> -> memref<400xf32, #tpu.memory_space<vmem>>
        %parallel_loop3A_310 = tpu.vector_load_idx %parallel_loop3A_309[%add3A_44] : memref<400xf32, #tpu.memory_space<vmem>>[vector<16xi32>], vector<16xf32>,
        %parallel_loop3A_311 = math.exp %parallel_loop3A_310 : vector<16xf32>
        %parallel_loop3A_312 = tpu.memref_slice %arg6[%parallel_loop3A_255] : memref<51200xf32, #tpu.memory_space<vmem>> -> memref<400xf32, #tpu.memory_space<vmem>>
        %parallel_loop3A_313 = tpu.vector_load_idx %parallel_loop3A_312[%add3A_47] : memref<400xf32, #tpu.memory_space<vmem>>[vector<16xi32>], vector<16xf32>,
        %parallel_loop3A_314 = math.exp %parallel_loop3A_313 : vector<16xf32>
        %parallel_loop3A_315 = tpu.memref_slice %arg6[%parallel_loop3A_255] : memref<51200xf32, #tpu.memory_space<vmem>> -> memref<400xf32, #tpu.memory_space<vmem>>
        %parallel_loop3A_316 = tpu.vector_load_idx %parallel_loop3A_315[%add3A_50] : memref<400xf32, #tpu.memory_space<vmem>>[vector<16xi32>], vector<16xf32>,
        %parallel_loop3A_317 = math.exp %parallel_loop3A_316 : vector<16xf32>
        %parallel_loop3A_318 = tpu.memref_slice %arg6[%parallel_loop3A_255] : memref<51200xf32, #tpu.memory_space<vmem>> -> memref<400xf32, #tpu.memory_space<vmem>>
        %parallel_loop3A_319 = tpu.vector_load_idx %parallel_loop3A_318[%add3A_53] : memref<400xf32, #tpu.memory_space<vmem>>[vector<16xi32>], vector<16xf32>,
        %parallel_loop3A_320 = math.exp %parallel_loop3A_319 : vector<16xf32>
        %parallel_loop3A_321 = tpu.memref_slice %arg6[%parallel_loop3A_255] : memref<51200xf32, #tpu.memory_space<vmem>> -> memref<400xf32, #tpu.memory_space<vmem>>
        %parallel_loop3A_322 = tpu.vector_load_idx %parallel_loop3A_321[%add3A_56] : memref<400xf32, #tpu.memory_space<vmem>>[vector<16xi32>], vector<16xf32>,
        %parallel_loop3A_323 = tpu.memref_slice %arg6[%parallel_loop3A_255] : memref<51200xf32, #tpu.memory_space<vmem>> -> memref<400xf32, #tpu.memory_space<vmem>>
        %parallel_loop3A_324 = tpu.vector_load_idx %parallel_loop3A_323[%add3A_59] : memref<400xf32, #tpu.memory_space<vmem>>[vector<16xi32>], vector<16xf32>,
        %parallel_loop3A_325 = tpu.memref_slice %arg6[%parallel_loop3A_255] : memref<51200xf32, #tpu.memory_space<vmem>> -> memref<400xf32, #tpu.memory_space<vmem>>
        %parallel_loop3A_326 = tpu.vector_load_idx %parallel_loop3A_325[%add3A_62] : memref<400xf32, #tpu.memory_space<vmem>>[vector<16xi32>], vector<16xf32>,
        %parallel_loop3A_327 = tpu.memref_slice %arg6[%parallel_loop3A_255] : memref<51200xf32, #tpu.memory_space<vmem>> -> memref<400xf32, #tpu.memory_space<vmem>>
        %parallel_loop3A_328 = tpu.vector_load_idx %parallel_loop3A_327[%add3A_65] : memref<400xf32, #tpu.memory_space<vmem>>[vector<16xi32>], vector<16xf32>,
        %parallel_loop3A_329 = tpu.memref_slice %arg6[%parallel_loop3A_255] : memref<51200xf32, #tpu.memory_space<vmem>> -> memref<400xf32, #tpu.memory_space<vmem>>
        %parallel_loop3A_330 = tpu.vector_load_idx %parallel_loop3A_329[%add3A_68] : memref<400xf32, #tpu.memory_space<vmem>>[vector<16xi32>], vector<16xf32>,
        %parallel_loop3A_331 = tpu.memref_slice %arg6[%parallel_loop3A_255] : memref<51200xf32, #tpu.memory_space<vmem>> -> memref<400xf32, #tpu.memory_space<vmem>>
        %parallel_loop3A_332 = tpu.vector_load_idx %parallel_loop3A_331[%add3A_71] : memref<400xf32, #tpu.memory_space<vmem>>[vector<16xi32>], vector<16xf32>,
        %parallel_loop3A_333 = tpu.memref_slice %arg6[%parallel_loop3A_255] : memref<51200xf32, #tpu.memory_space<vmem>> -> memref<400xf32, #tpu.memory_space<vmem>>
        %parallel_loop3A_334 = tpu.vector_load_idx %parallel_loop3A_333[%add3A_74] : memref<400xf32, #tpu.memory_space<vmem>>[vector<16xi32>], vector<16xf32>,
        %parallel_loop3A_335 = tpu.memref_slice %arg6[%parallel_loop3A_255] : memref<51200xf32, #tpu.memory_space<vmem>> -> memref<400xf32, #tpu.memory_space<vmem>>
        %parallel_loop3A_336 = tpu.vector_load_idx %parallel_loop3A_335[%add3A_77] : memref<400xf32, #tpu.memory_space<vmem>>[vector<16xi32>], vector<16xf32>,
        %parallel_loop3A_337 = tpu.memref_slice %arg6[%parallel_loop3A_255] : memref<51200xf32, #tpu.memory_space<vmem>> -> memref<400xf32, #tpu.memory_space<vmem>>
        %parallel_loop3A_338 = tpu.vector_load_idx %parallel_loop3A_337[%add3A_80] : memref<400xf32, #tpu.memory_space<vmem>>[vector<16xi32>], vector<16xf32>,
        %parallel_loop3A_339 = arith.addf %parallel_loop3A_275, %parallel_loop3A_278 : vector<16xf32>
        %parallel_loop3A_340 = arith.addf %parallel_loop3A_281, %parallel_loop3A_284 : vector<16xf32>
        %parallel_loop3A_341 = arith.addf %parallel_loop3A_339, %parallel_loop3A_340 : vector<16xf32>
        %parallel_loop3A_342 = arith.addf %parallel_loop3A_287, %parallel_loop3A_290 : vector<16xf32>
        %parallel_loop3A_343 = arith.addf %parallel_loop3A_293, %parallel_loop3A_296 : vector<16xf32>
        %parallel_loop3A_344 = arith.addf %parallel_loop3A_342, %parallel_loop3A_343 : vector<16xf32>
        %parallel_loop3A_345 = arith.addf %parallel_loop3A_341, %parallel_loop3A_344 : vector<16xf32>
        %parallel_loop3A_346 = arith.addf %parallel_loop3A_299, %parallel_loop3A_302 : vector<16xf32>
        %parallel_loop3A_347 = arith.addf %parallel_loop3A_305, %parallel_loop3A_308 : vector<16xf32>
        %parallel_loop3A_348 = arith.addf %parallel_loop3A_346, %parallel_loop3A_347 : vector<16xf32>
        %parallel_loop3A_349 = arith.addf %parallel_loop3A_311, %parallel_loop3A_314 : vector<16xf32>
        %parallel_loop3A_350 = arith.addf %parallel_loop3A_317, %parallel_loop3A_320 : vector<16xf32>
        %parallel_loop3A_351 = arith.addf %parallel_loop3A_349, %parallel_loop3A_350 : vector<16xf32>
        %parallel_loop3A_352 = arith.addf %parallel_loop3A_348, %parallel_loop3A_351 : vector<16xf32>
        %parallel_loop3A_353 = vector.bitcast %parallel_loop3A_345 : vector<16xf32> to vector<16xi32>
        %parallel_loop3A_354 = arith.constant 2129859011 : i32
        %parallel_loop3A_355 = vector.broadcast %parallel_loop3A_354 : i32 to vector<16xi32>
        %parallel_loop3A_356 = arith.subi %parallel_loop3A_355, %parallel_loop3A_353 : vector<16xi32>
        %parallel_loop3A_357 = vector.bitcast %parallel_loop3A_356 : vector<16xi32> to vector<16xf32>
        %parallel_loop3A_358 = arith.mulf %parallel_loop3A_345, %parallel_loop3A_357 : vector<16xf32>
        %parallel_loop3A_359 = arith.constant 2.000000e+00 : f32
        %parallel_loop3A_360 = vector.broadcast %parallel_loop3A_359 : f32 to vector<16xf32>
        %parallel_loop3A_361 = arith.subf %parallel_loop3A_360, %parallel_loop3A_358 : vector<16xf32>
        %parallel_loop3A_362 = arith.mulf %parallel_loop3A_357, %parallel_loop3A_361 : vector<16xf32>
        %parallel_loop3A_363 = arith.mulf %parallel_loop3A_345, %parallel_loop3A_362 : vector<16xf32>
        %parallel_loop3A_364 = arith.constant 2.000000e+00 : f32
        %parallel_loop3A_365 = vector.broadcast %parallel_loop3A_364 : f32 to vector<16xf32>
        %parallel_loop3A_366 = arith.subf %parallel_loop3A_365, %parallel_loop3A_363 : vector<16xf32>
        %parallel_loop3A_367 = arith.mulf %parallel_loop3A_362, %parallel_loop3A_366 : vector<16xf32>
        %parallel_loop3A_368 = arith.constant 5.952000e+00 : f32
        %parallel_loop3A_369 = vector.broadcast %parallel_loop3A_368 : f32 to vector<16xf32>
        %parallel_loop3A_370 = arith.mulf %parallel_loop3A_369, %parallel_loop3A_367 : vector<16xf32>
        %parallel_loop3A_371 = vector.bitcast %parallel_loop3A_352 : vector<16xf32> to vector<16xi32>
        %parallel_loop3A_372 = arith.constant 2129859011 : i32
        %parallel_loop3A_373 = vector.broadcast %parallel_loop3A_372 : i32 to vector<16xi32>
        %parallel_loop3A_374 = arith.subi %parallel_loop3A_373, %parallel_loop3A_371 : vector<16xi32>
        %parallel_loop3A_375 = vector.bitcast %parallel_loop3A_374 : vector<16xi32> to vector<16xf32>
        %parallel_loop3A_376 = arith.mulf %parallel_loop3A_352, %parallel_loop3A_375 : vector<16xf32>
        %parallel_loop3A_377 = arith.constant 2.000000e+00 : f32
        %parallel_loop3A_378 = vector.broadcast %parallel_loop3A_377 : f32 to vector<16xf32>
        %parallel_loop3A_379 = arith.subf %parallel_loop3A_378, %parallel_loop3A_376 : vector<16xf32>
        %parallel_loop3A_380 = arith.mulf %parallel_loop3A_375, %parallel_loop3A_379 : vector<16xf32>
        %parallel_loop3A_381 = arith.mulf %parallel_loop3A_352, %parallel_loop3A_380 : vector<16xf32>
        %parallel_loop3A_382 = arith.constant 2.000000e+00 : f32
        %parallel_loop3A_383 = vector.broadcast %parallel_loop3A_382 : f32 to vector<16xf32>
        %parallel_loop3A_384 = arith.subf %parallel_loop3A_383, %parallel_loop3A_381 : vector<16xf32>
        %parallel_loop3A_385 = arith.mulf %parallel_loop3A_380, %parallel_loop3A_384 : vector<16xf32>
        %parallel_loop3A_386 = arith.constant 5.952000e+00 : f32
        %parallel_loop3A_387 = vector.broadcast %parallel_loop3A_386 : f32 to vector<16xf32>
        %parallel_loop3A_388 = arith.mulf %parallel_loop3A_387, %parallel_loop3A_385 : vector<16xf32>
        %parallel_loop3A_389 = arith.mulf %parallel_loop3A_370, %parallel_loop3A_275 : vector<16xf32>
        %parallel_loop3A_390 = arith.constant 6.000000e-03 : f32
        %parallel_loop3A_391 = vector.broadcast %parallel_loop3A_390 : f32 to vector<16xf32>
        %parallel_loop3A_392 = arith.addf %parallel_loop3A_391, %parallel_loop3A_389 : vector<16xf32>
        %parallel_loop3A_393 = arith.mulf %parallel_loop3A_370, %parallel_loop3A_278 : vector<16xf32>
        %parallel_loop3A_394 = arith.constant 6.000000e-03 : f32
        %parallel_loop3A_395 = vector.broadcast %parallel_loop3A_394 : f32 to vector<16xf32>
        %parallel_loop3A_396 = arith.addf %parallel_loop3A_395, %parallel_loop3A_393 : vector<16xf32>
        %parallel_loop3A_397 = arith.mulf %parallel_loop3A_370, %parallel_loop3A_281 : vector<16xf32>
        %parallel_loop3A_398 = arith.constant 6.000000e-03 : f32
        %parallel_loop3A_399 = vector.broadcast %parallel_loop3A_398 : f32 to vector<16xf32>
        %parallel_loop3A_400 = arith.addf %parallel_loop3A_399, %parallel_loop3A_397 : vector<16xf32>
        %parallel_loop3A_401 = arith.mulf %parallel_loop3A_370, %parallel_loop3A_284 : vector<16xf32>
        %parallel_loop3A_402 = arith.constant 6.000000e-03 : f32
        %parallel_loop3A_403 = vector.broadcast %parallel_loop3A_402 : f32 to vector<16xf32>
        %parallel_loop3A_404 = arith.addf %parallel_loop3A_403, %parallel_loop3A_401 : vector<16xf32>
        %parallel_loop3A_405 = arith.mulf %parallel_loop3A_370, %parallel_loop3A_287 : vector<16xf32>
        %parallel_loop3A_406 = arith.constant 6.000000e-03 : f32
        %parallel_loop3A_407 = vector.broadcast %parallel_loop3A_406 : f32 to vector<16xf32>
        %parallel_loop3A_408 = arith.addf %parallel_loop3A_407, %parallel_loop3A_405 : vector<16xf32>
        %parallel_loop3A_409 = arith.mulf %parallel_loop3A_370, %parallel_loop3A_290 : vector<16xf32>
        %parallel_loop3A_410 = arith.constant 6.000000e-03 : f32
        %parallel_loop3A_411 = vector.broadcast %parallel_loop3A_410 : f32 to vector<16xf32>
        %parallel_loop3A_412 = arith.addf %parallel_loop3A_411, %parallel_loop3A_409 : vector<16xf32>
        %parallel_loop3A_413 = arith.mulf %parallel_loop3A_370, %parallel_loop3A_293 : vector<16xf32>
        %parallel_loop3A_414 = arith.constant 6.000000e-03 : f32
        %parallel_loop3A_415 = vector.broadcast %parallel_loop3A_414 : f32 to vector<16xf32>
        %parallel_loop3A_416 = arith.addf %parallel_loop3A_415, %parallel_loop3A_413 : vector<16xf32>
        %parallel_loop3A_417 = arith.mulf %parallel_loop3A_370, %parallel_loop3A_296 : vector<16xf32>
        %parallel_loop3A_418 = arith.constant 6.000000e-03 : f32
        %parallel_loop3A_419 = vector.broadcast %parallel_loop3A_418 : f32 to vector<16xf32>
        %parallel_loop3A_420 = arith.addf %parallel_loop3A_419, %parallel_loop3A_417 : vector<16xf32>
        %parallel_loop3A_421 = arith.mulf %parallel_loop3A_388, %parallel_loop3A_299 : vector<16xf32>
        %parallel_loop3A_422 = arith.constant 6.000000e-03 : f32
        %parallel_loop3A_423 = vector.broadcast %parallel_loop3A_422 : f32 to vector<16xf32>
        %parallel_loop3A_424 = arith.addf %parallel_loop3A_423, %parallel_loop3A_421 : vector<16xf32>
        %parallel_loop3A_425 = arith.mulf %parallel_loop3A_388, %parallel_loop3A_302 : vector<16xf32>
        %parallel_loop3A_426 = arith.constant 6.000000e-03 : f32
        %parallel_loop3A_427 = vector.broadcast %parallel_loop3A_426 : f32 to vector<16xf32>
        %parallel_loop3A_428 = arith.addf %parallel_loop3A_427, %parallel_loop3A_425 : vector<16xf32>
        %parallel_loop3A_429 = arith.mulf %parallel_loop3A_388, %parallel_loop3A_305 : vector<16xf32>
        %parallel_loop3A_430 = arith.constant 6.000000e-03 : f32
        %parallel_loop3A_431 = vector.broadcast %parallel_loop3A_430 : f32 to vector<16xf32>
        %parallel_loop3A_432 = arith.addf %parallel_loop3A_431, %parallel_loop3A_429 : vector<16xf32>
        %parallel_loop3A_433 = arith.mulf %parallel_loop3A_388, %parallel_loop3A_308 : vector<16xf32>
        %parallel_loop3A_434 = arith.constant 6.000000e-03 : f32
        %parallel_loop3A_435 = vector.broadcast %parallel_loop3A_434 : f32 to vector<16xf32>
        %parallel_loop3A_436 = arith.addf %parallel_loop3A_435, %parallel_loop3A_433 : vector<16xf32>
        %parallel_loop3A_437 = arith.mulf %parallel_loop3A_388, %parallel_loop3A_311 : vector<16xf32>
        %parallel_loop3A_438 = arith.constant 6.000000e-03 : f32
        %parallel_loop3A_439 = vector.broadcast %parallel_loop3A_438 : f32 to vector<16xf32>
        %parallel_loop3A_440 = arith.addf %parallel_loop3A_439, %parallel_loop3A_437 : vector<16xf32>
        %parallel_loop3A_441 = arith.mulf %parallel_loop3A_388, %parallel_loop3A_314 : vector<16xf32>
        %parallel_loop3A_442 = arith.constant 6.000000e-03 : f32
        %parallel_loop3A_443 = vector.broadcast %parallel_loop3A_442 : f32 to vector<16xf32>
        %parallel_loop3A_444 = arith.addf %parallel_loop3A_443, %parallel_loop3A_441 : vector<16xf32>
        %parallel_loop3A_445 = arith.mulf %parallel_loop3A_388, %parallel_loop3A_317 : vector<16xf32>
        %parallel_loop3A_446 = arith.constant 6.000000e-03 : f32
        %parallel_loop3A_447 = vector.broadcast %parallel_loop3A_446 : f32 to vector<16xf32>
        %parallel_loop3A_448 = arith.addf %parallel_loop3A_447, %parallel_loop3A_445 : vector<16xf32>
        %parallel_loop3A_449 = arith.mulf %parallel_loop3A_388, %parallel_loop3A_320 : vector<16xf32>
        %parallel_loop3A_450 = arith.constant 6.000000e-03 : f32
        %parallel_loop3A_451 = vector.broadcast %parallel_loop3A_450 : f32 to vector<16xf32>
        %parallel_loop3A_452 = arith.addf %parallel_loop3A_451, %parallel_loop3A_449 : vector<16xf32>
        %parallel_loop3A_453 = arith.constant -3.000000e+00 : f32
        %parallel_loop3A_454 = vector.broadcast %parallel_loop3A_453 : f32 to vector<16xf32>
        %parallel_loop3A_455 = arith.addf %parallel_loop3A_454, %parallel_loop3A_392 : vector<16xf32>
        %parallel_loop3A_456 = arith.constant -3.000000e+00 : f32
        %parallel_loop3A_457 = vector.broadcast %parallel_loop3A_456 : f32 to vector<16xf32>
        %parallel_loop3A_458 = arith.addf %parallel_loop3A_457, %parallel_loop3A_424 : vector<16xf32>
        %parallel_loop3A_459 = arith.addf %parallel_loop3A_455, %parallel_loop3A_396 : vector<16xf32>
        %parallel_loop3A_460 = arith.addf %parallel_loop3A_458, %parallel_loop3A_428 : vector<16xf32>
        %parallel_loop3A_461 = arith.addf %parallel_loop3A_459, %parallel_loop3A_400 : vector<16xf32>
        %parallel_loop3A_462 = arith.addf %parallel_loop3A_460, %parallel_loop3A_432 : vector<16xf32>
        %parallel_loop3A_463 = arith.addf %parallel_loop3A_461, %parallel_loop3A_404 : vector<16xf32>
        %parallel_loop3A_464 = arith.addf %parallel_loop3A_462, %parallel_loop3A_436 : vector<16xf32>
        %parallel_loop3A_465 = arith.addf %parallel_loop3A_463, %parallel_loop3A_408 : vector<16xf32>
        %parallel_loop3A_466 = arith.addf %parallel_loop3A_464, %parallel_loop3A_440 : vector<16xf32>
        %parallel_loop3A_467 = arith.addf %parallel_loop3A_465, %parallel_loop3A_412 : vector<16xf32>
        %parallel_loop3A_468 = arith.addf %parallel_loop3A_466, %parallel_loop3A_444 : vector<16xf32>
        %parallel_loop3A_469 = arith.addf %parallel_loop3A_467, %parallel_loop3A_416 : vector<16xf32>
        %parallel_loop3A_470 = arith.addf %parallel_loop3A_468, %parallel_loop3A_448 : vector<16xf32>
        %parallel_loop3A_471 = arith.cmpf oge, %parallel_loop3A_265, %parallel_loop3A_455 : vector<16xf32>
        %parallel_loop3A_472 = arith.cmpf oge, %parallel_loop3A_265, %parallel_loop3A_459 : vector<16xf32>
        %parallel_loop3A_473 = arith.cmpf oge, %parallel_loop3A_265, %parallel_loop3A_461 : vector<16xf32>
        %parallel_loop3A_474 = arith.cmpf oge, %parallel_loop3A_265, %parallel_loop3A_463 : vector<16xf32>
        %parallel_loop3A_475 = arith.cmpf oge, %parallel_loop3A_265, %parallel_loop3A_465 : vector<16xf32>
        %parallel_loop3A_476 = arith.cmpf oge, %parallel_loop3A_265, %parallel_loop3A_467 : vector<16xf32>
        %parallel_loop3A_477 = arith.cmpf oge, %parallel_loop3A_265, %parallel_loop3A_469 : vector<16xf32>
        %parallel_loop3A_478 = arith.select %parallel_loop3A_471, %parallel_loop3A_396, %parallel_loop3A_392 : vector<16xi1>, vector<16xf32>
        %parallel_loop3A_479 = arith.select %parallel_loop3A_473, %parallel_loop3A_404, %parallel_loop3A_400 : vector<16xi1>, vector<16xf32>
        %parallel_loop3A_480 = arith.select %parallel_loop3A_475, %parallel_loop3A_412, %parallel_loop3A_408 : vector<16xi1>, vector<16xf32>
        %parallel_loop3A_481 = arith.select %parallel_loop3A_477, %parallel_loop3A_420, %parallel_loop3A_416 : vector<16xi1>, vector<16xf32>
        %parallel_loop3A_482 = arith.select %parallel_loop3A_472, %parallel_loop3A_479, %parallel_loop3A_478 : vector<16xi1>, vector<16xf32>
        %parallel_loop3A_483 = arith.select %parallel_loop3A_476, %parallel_loop3A_481, %parallel_loop3A_480 : vector<16xi1>, vector<16xf32>
        %parallel_loop3A_484 = arith.select %parallel_loop3A_474, %parallel_loop3A_483, %parallel_loop3A_482 : vector<16xi1>, vector<16xf32>
        %parallel_loop3A_485 = arith.select %parallel_loop3A_471, %parallel_loop3A_428, %parallel_loop3A_424 : vector<16xi1>, vector<16xf32>
        %parallel_loop3A_486 = arith.select %parallel_loop3A_473, %parallel_loop3A_436, %parallel_loop3A_432 : vector<16xi1>, vector<16xf32>
        %parallel_loop3A_487 = arith.select %parallel_loop3A_475, %parallel_loop3A_444, %parallel_loop3A_440 : vector<16xi1>, vector<16xf32>
        %parallel_loop3A_488 = arith.select %parallel_loop3A_477, %parallel_loop3A_452, %parallel_loop3A_448 : vector<16xi1>, vector<16xf32>
        %parallel_loop3A_489 = arith.select %parallel_loop3A_472, %parallel_loop3A_486, %parallel_loop3A_485 : vector<16xi1>, vector<16xf32>
        %parallel_loop3A_490 = arith.select %parallel_loop3A_476, %parallel_loop3A_488, %parallel_loop3A_487 : vector<16xi1>, vector<16xf32>
        %parallel_loop3A_491 = arith.select %parallel_loop3A_474, %parallel_loop3A_490, %parallel_loop3A_489 : vector<16xi1>, vector<16xf32>
        %parallel_loop3A_492 = arith.constant -3.000000e+00 : f32
        %parallel_loop3A_493 = vector.broadcast %parallel_loop3A_492 : f32 to vector<16xf32>
        %parallel_loop3A_494 = arith.select %parallel_loop3A_471, %parallel_loop3A_455, %parallel_loop3A_493 : vector<16xi1>, vector<16xf32>
        %parallel_loop3A_495 = arith.select %parallel_loop3A_473, %parallel_loop3A_461, %parallel_loop3A_459 : vector<16xi1>, vector<16xf32>
        %parallel_loop3A_496 = arith.select %parallel_loop3A_475, %parallel_loop3A_465, %parallel_loop3A_463 : vector<16xi1>, vector<16xf32>
        %parallel_loop3A_497 = arith.select %parallel_loop3A_477, %parallel_loop3A_469, %parallel_loop3A_467 : vector<16xi1>, vector<16xf32>
        %parallel_loop3A_498 = arith.select %parallel_loop3A_472, %parallel_loop3A_495, %parallel_loop3A_494 : vector<16xi1>, vector<16xf32>
        %parallel_loop3A_499 = arith.select %parallel_loop3A_476, %parallel_loop3A_497, %parallel_loop3A_496 : vector<16xi1>, vector<16xf32>
        %parallel_loop3A_500 = arith.select %parallel_loop3A_474, %parallel_loop3A_499, %parallel_loop3A_498 : vector<16xi1>, vector<16xf32>
        %parallel_loop3A_501 = arith.constant -3.000000e+00 : f32
        %parallel_loop3A_502 = vector.broadcast %parallel_loop3A_501 : f32 to vector<16xf32>
        %parallel_loop3A_503 = arith.select %parallel_loop3A_471, %parallel_loop3A_458, %parallel_loop3A_502 : vector<16xi1>, vector<16xf32>
        %parallel_loop3A_504 = arith.select %parallel_loop3A_473, %parallel_loop3A_462, %parallel_loop3A_460 : vector<16xi1>, vector<16xf32>
        %parallel_loop3A_505 = arith.select %parallel_loop3A_475, %parallel_loop3A_466, %parallel_loop3A_464 : vector<16xi1>, vector<16xf32>
        %parallel_loop3A_506 = arith.select %parallel_loop3A_477, %parallel_loop3A_470, %parallel_loop3A_468 : vector<16xi1>, vector<16xf32>
        %parallel_loop3A_507 = arith.select %parallel_loop3A_472, %parallel_loop3A_504, %parallel_loop3A_503 : vector<16xi1>, vector<16xf32>
        %parallel_loop3A_508 = arith.select %parallel_loop3A_476, %parallel_loop3A_506, %parallel_loop3A_505 : vector<16xi1>, vector<16xf32>
        %parallel_loop3A_509 = arith.select %parallel_loop3A_474, %parallel_loop3A_508, %parallel_loop3A_507 : vector<16xi1>, vector<16xf32>
        %parallel_loop3A_510 = arith.select %parallel_loop3A_471, %parallel_loop3A_324, %parallel_loop3A_322 : vector<16xi1>, vector<16xf32>
        %parallel_loop3A_511 = arith.select %parallel_loop3A_473, %parallel_loop3A_328, %parallel_loop3A_326 : vector<16xi1>, vector<16xf32>
        %parallel_loop3A_512 = arith.select %parallel_loop3A_475, %parallel_loop3A_332, %parallel_loop3A_330 : vector<16xi1>, vector<16xf32>
        %parallel_loop3A_513 = arith.select %parallel_loop3A_477, %parallel_loop3A_336, %parallel_loop3A_334 : vector<16xi1>, vector<16xf32>
        %parallel_loop3A_514 = arith.select %parallel_loop3A_472, %parallel_loop3A_511, %parallel_loop3A_510 : vector<16xi1>, vector<16xf32>
        %parallel_loop3A_515 = arith.select %parallel_loop3A_476, %parallel_loop3A_513, %parallel_loop3A_512 : vector<16xi1>, vector<16xf32>
        %parallel_loop3A_516 = arith.select %parallel_loop3A_474, %parallel_loop3A_515, %parallel_loop3A_514 : vector<16xi1>, vector<16xf32>
        %parallel_loop3A_517 = math.absf %parallel_loop3A_516 : vector<16xf32>
        %parallel_loop3A_518 = arith.constant 0.000000e+00 : f32
        %parallel_loop3A_519 = vector.broadcast %parallel_loop3A_518 : f32 to vector<16xf32>
        %parallel_loop3A_520 = arith.subf %parallel_loop3A_519, %parallel_loop3A_517 : vector<16xf32>
        %parallel_loop3A_521 = math.exp %parallel_loop3A_520 : vector<16xf32>
        %parallel_loop3A_522 = arith.constant -8.466320e-03 : f32
        %parallel_loop3A_523 = vector.broadcast %parallel_loop3A_522 : f32 to vector<16xf32>
        %parallel_loop3A_524 = arith.mulf %parallel_loop3A_523, %parallel_loop3A_521 : vector<16xf32>
        %parallel_loop3A_525 = arith.constant 0.0436588489 : f32
        %parallel_loop3A_526 = vector.broadcast %parallel_loop3A_525 : f32 to vector<16xf32>
        %parallel_loop3A_527 = arith.addf %parallel_loop3A_524, %parallel_loop3A_526 : vector<16xf32>
        %parallel_loop3A_528 = arith.mulf %parallel_loop3A_527, %parallel_loop3A_521 : vector<16xf32>
        %parallel_loop3A_529 = arith.constant -0.1067985 : f32
        %parallel_loop3A_530 = vector.broadcast %parallel_loop3A_529 : f32 to vector<16xf32>
        %parallel_loop3A_531 = arith.addf %parallel_loop3A_528, %parallel_loop3A_530 : vector<16xf32>
        %parallel_loop3A_532 = arith.mulf %parallel_loop3A_531, %parallel_loop3A_521 : vector<16xf32>
        %parallel_loop3A_533 = arith.constant 0.176597908 : f32
        %parallel_loop3A_534 = vector.broadcast %parallel_loop3A_533 : f32 to vector<16xf32>
        %parallel_loop3A_535 = arith.addf %parallel_loop3A_532, %parallel_loop3A_534 : vector<16xf32>
        %parallel_loop3A_536 = arith.mulf %parallel_loop3A_535, %parallel_loop3A_521 : vector<16xf32>
        %parallel_loop3A_537 = arith.constant -0.244533524 : f32
        %parallel_loop3A_538 = vector.broadcast %parallel_loop3A_537 : f32 to vector<16xf32>
        %parallel_loop3A_539 = arith.addf %parallel_loop3A_536, %parallel_loop3A_538 : vector<16xf32>
        %parallel_loop3A_540 = arith.mulf %parallel_loop3A_539, %parallel_loop3A_521 : vector<16xf32>
        %parallel_loop3A_541 = arith.constant 0.332652479 : f32
        %parallel_loop3A_542 = vector.broadcast %parallel_loop3A_541 : f32 to vector<16xf32>
        %parallel_loop3A_543 = arith.addf %parallel_loop3A_540, %parallel_loop3A_542 : vector<16xf32>
        %parallel_loop3A_544 = arith.mulf %parallel_loop3A_543, %parallel_loop3A_521 : vector<16xf32>
        %parallel_loop3A_545 = arith.constant -0.499963552 : f32
        %parallel_loop3A_546 = vector.broadcast %parallel_loop3A_545 : f32 to vector<16xf32>
        %parallel_loop3A_547 = arith.addf %parallel_loop3A_544, %parallel_loop3A_546 : vector<16xf32>
        %parallel_loop3A_548 = arith.mulf %parallel_loop3A_547, %parallel_loop3A_521 : vector<16xf32>
        %parallel_loop3A_549 = arith.constant 0.999999523 : f32
        %parallel_loop3A_550 = vector.broadcast %parallel_loop3A_549 : f32 to vector<16xf32>
        %parallel_loop3A_551 = arith.addf %parallel_loop3A_548, %parallel_loop3A_550 : vector<16xf32>
        %parallel_loop3A_552 = arith.constant 0.000000e+00 : f32
        %parallel_loop3A_553 = vector.broadcast %parallel_loop3A_552 : f32 to vector<16xf32>
        %parallel_loop3A_554 = arith.maximumf %parallel_loop3A_516, %parallel_loop3A_553 : vector<16xf32>
        %parallel_loop3A_555 = arith.mulf %parallel_loop3A_521, %parallel_loop3A_551 : vector<16xf32>
        %parallel_loop3A_556 = arith.addf %parallel_loop3A_554, %parallel_loop3A_555 : vector<16xf32>
        %parallel_loop3A_557 = arith.constant 1.000000e-03 : f32
        %parallel_loop3A_558 = vector.broadcast %parallel_loop3A_557 : f32 to vector<16xf32>
        %parallel_loop3A_559 = arith.addf %parallel_loop3A_558, %parallel_loop3A_556 : vector<16xf32>
        %parallel_loop3A_560 = arith.select %parallel_loop3A_471, %parallel_loop3A_326, %parallel_loop3A_324 : vector<16xi1>, vector<16xf32>
        %parallel_loop3A_561 = arith.select %parallel_loop3A_473, %parallel_loop3A_330, %parallel_loop3A_328 : vector<16xi1>, vector<16xf32>
        %parallel_loop3A_562 = arith.select %parallel_loop3A_475, %parallel_loop3A_334, %parallel_loop3A_332 : vector<16xi1>, vector<16xf32>
        %parallel_loop3A_563 = arith.select %parallel_loop3A_477, %parallel_loop3A_338, %parallel_loop3A_336 : vector<16xi1>, vector<16xf32>
        %parallel_loop3A_564 = arith.select %parallel_loop3A_472, %parallel_loop3A_561, %parallel_loop3A_560 : vector<16xi1>, vector<16xf32>
        %parallel_loop3A_565 = arith.select %parallel_loop3A_476, %parallel_loop3A_563, %parallel_loop3A_562 : vector<16xi1>, vector<16xf32>
        %parallel_loop3A_566 = arith.select %parallel_loop3A_474, %parallel_loop3A_565, %parallel_loop3A_564 : vector<16xi1>, vector<16xf32>
        %parallel_loop3A_567 = math.absf %parallel_loop3A_566 : vector<16xf32>
        %parallel_loop3A_568 = arith.constant 0.000000e+00 : f32
        %parallel_loop3A_569 = vector.broadcast %parallel_loop3A_568 : f32 to vector<16xf32>
        %parallel_loop3A_570 = arith.subf %parallel_loop3A_569, %parallel_loop3A_567 : vector<16xf32>
        %parallel_loop3A_571 = math.exp %parallel_loop3A_570 : vector<16xf32>
        %parallel_loop3A_572 = arith.constant -8.466320e-03 : f32
        %parallel_loop3A_573 = vector.broadcast %parallel_loop3A_572 : f32 to vector<16xf32>
        %parallel_loop3A_574 = arith.mulf %parallel_loop3A_573, %parallel_loop3A_571 : vector<16xf32>
        %parallel_loop3A_575 = arith.constant 0.0436588489 : f32
        %parallel_loop3A_576 = vector.broadcast %parallel_loop3A_575 : f32 to vector<16xf32>
        %parallel_loop3A_577 = arith.addf %parallel_loop3A_574, %parallel_loop3A_576 : vector<16xf32>
        %parallel_loop3A_578 = arith.mulf %parallel_loop3A_577, %parallel_loop3A_571 : vector<16xf32>
        %parallel_loop3A_579 = arith.constant -0.1067985 : f32
        %parallel_loop3A_580 = vector.broadcast %parallel_loop3A_579 : f32 to vector<16xf32>
        %parallel_loop3A_581 = arith.addf %parallel_loop3A_578, %parallel_loop3A_580 : vector<16xf32>
        %parallel_loop3A_582 = arith.mulf %parallel_loop3A_581, %parallel_loop3A_571 : vector<16xf32>
        %parallel_loop3A_583 = arith.constant 0.176597908 : f32
        %parallel_loop3A_584 = vector.broadcast %parallel_loop3A_583 : f32 to vector<16xf32>
        %parallel_loop3A_585 = arith.addf %parallel_loop3A_582, %parallel_loop3A_584 : vector<16xf32>
        %parallel_loop3A_586 = arith.mulf %parallel_loop3A_585, %parallel_loop3A_571 : vector<16xf32>
        %parallel_loop3A_587 = arith.constant -0.244533524 : f32
        %parallel_loop3A_588 = vector.broadcast %parallel_loop3A_587 : f32 to vector<16xf32>
        %parallel_loop3A_589 = arith.addf %parallel_loop3A_586, %parallel_loop3A_588 : vector<16xf32>
        %parallel_loop3A_590 = arith.mulf %parallel_loop3A_589, %parallel_loop3A_571 : vector<16xf32>
        %parallel_loop3A_591 = arith.constant 0.332652479 : f32
        %parallel_loop3A_592 = vector.broadcast %parallel_loop3A_591 : f32 to vector<16xf32>
        %parallel_loop3A_593 = arith.addf %parallel_loop3A_590, %parallel_loop3A_592 : vector<16xf32>
        %parallel_loop3A_594 = arith.mulf %parallel_loop3A_593, %parallel_loop3A_571 : vector<16xf32>
        %parallel_loop3A_595 = arith.constant -0.499963552 : f32
        %parallel_loop3A_596 = vector.broadcast %parallel_loop3A_595 : f32 to vector<16xf32>
        %parallel_loop3A_597 = arith.addf %parallel_loop3A_594, %parallel_loop3A_596 : vector<16xf32>
        %parallel_loop3A_598 = arith.mulf %parallel_loop3A_597, %parallel_loop3A_571 : vector<16xf32>
        %parallel_loop3A_599 = arith.constant 0.999999523 : f32
        %parallel_loop3A_600 = vector.broadcast %parallel_loop3A_599 : f32 to vector<16xf32>
        %parallel_loop3A_601 = arith.addf %parallel_loop3A_598, %parallel_loop3A_600 : vector<16xf32>
        %parallel_loop3A_602 = arith.constant 0.000000e+00 : f32
        %parallel_loop3A_603 = vector.broadcast %parallel_loop3A_602 : f32 to vector<16xf32>
        %parallel_loop3A_604 = arith.maximumf %parallel_loop3A_566, %parallel_loop3A_603 : vector<16xf32>
        %parallel_loop3A_605 = arith.mulf %parallel_loop3A_571, %parallel_loop3A_601 : vector<16xf32>
        %parallel_loop3A_606 = arith.addf %parallel_loop3A_604, %parallel_loop3A_605 : vector<16xf32>
        %parallel_loop3A_607 = arith.constant 1.000000e-03 : f32
        %parallel_loop3A_608 = vector.broadcast %parallel_loop3A_607 : f32 to vector<16xf32>
        %parallel_loop3A_609 = arith.addf %parallel_loop3A_608, %parallel_loop3A_606 : vector<16xf32>
        %parallel_loop3A_610 = vector.bitcast %parallel_loop3A_484 : vector<16xf32> to vector<16xi32>
        %parallel_loop3A_611 = arith.constant 2129859011 : i32
        %parallel_loop3A_612 = vector.broadcast %parallel_loop3A_611 : i32 to vector<16xi32>
        %parallel_loop3A_613 = arith.subi %parallel_loop3A_612, %parallel_loop3A_610 : vector<16xi32>
        %parallel_loop3A_614 = vector.bitcast %parallel_loop3A_613 : vector<16xi32> to vector<16xf32>
        %parallel_loop3A_615 = arith.mulf %parallel_loop3A_484, %parallel_loop3A_614 : vector<16xf32>
        %parallel_loop3A_616 = arith.constant 2.000000e+00 : f32
        %parallel_loop3A_617 = vector.broadcast %parallel_loop3A_616 : f32 to vector<16xf32>
        %parallel_loop3A_618 = arith.subf %parallel_loop3A_617, %parallel_loop3A_615 : vector<16xf32>
        %parallel_loop3A_619 = arith.mulf %parallel_loop3A_614, %parallel_loop3A_618 : vector<16xf32>
        %parallel_loop3A_620 = arith.mulf %parallel_loop3A_484, %parallel_loop3A_619 : vector<16xf32>
        %parallel_loop3A_621 = arith.constant 2.000000e+00 : f32
        %parallel_loop3A_622 = vector.broadcast %parallel_loop3A_621 : f32 to vector<16xf32>
        %parallel_loop3A_623 = arith.subf %parallel_loop3A_622, %parallel_loop3A_620 : vector<16xf32>
        %parallel_loop3A_624 = arith.mulf %parallel_loop3A_619, %parallel_loop3A_623 : vector<16xf32>
        %parallel_loop3A_625 = arith.subf %parallel_loop3A_265, %parallel_loop3A_500 : vector<16xf32>
        %parallel_loop3A_626 = arith.mulf %parallel_loop3A_625, %parallel_loop3A_624 : vector<16xf32>
        %parallel_loop3A_627 = arith.mulf %parallel_loop3A_491, %parallel_loop3A_624 : vector<16xf32>
        %parallel_loop3A_628 = arith.constant 1.000000e+00 : f32
        %parallel_loop3A_629 = vector.broadcast %parallel_loop3A_628 : f32 to vector<16xf32>
        %parallel_loop3A_630 = arith.subf %parallel_loop3A_629, %parallel_loop3A_626 : vector<16xf32>
        %parallel_loop3A_631 = arith.mulf %parallel_loop3A_626, %parallel_loop3A_626 : vector<16xf32>
        %parallel_loop3A_632 = arith.mulf %parallel_loop3A_626, %parallel_loop3A_630 : vector<16xf32>
        %parallel_loop3A_633 = arith.mulf %parallel_loop3A_627, %parallel_loop3A_631 : vector<16xf32>
        %parallel_loop3A_634 = arith.mulf %parallel_loop3A_559, %parallel_loop3A_632 : vector<16xf32>
        %parallel_loop3A_635 = arith.addf %parallel_loop3A_633, %parallel_loop3A_634 : vector<16xf32>
        %parallel_loop3A_636 = arith.mulf %parallel_loop3A_491, %parallel_loop3A_635 : vector<16xf32>
        %parallel_loop3A_637 = arith.addf %parallel_loop3A_609, %parallel_loop3A_559 : vector<16xf32>
        %parallel_loop3A_638 = arith.constant 2.000000e+00 : f32
        %parallel_loop3A_639 = vector.broadcast %parallel_loop3A_638 : f32 to vector<16xf32>
        %parallel_loop3A_640 = arith.mulf %parallel_loop3A_639, %parallel_loop3A_627 : vector<16xf32>
        %parallel_loop3A_641 = arith.subf %parallel_loop3A_637, %parallel_loop3A_640 : vector<16xf32>
        %parallel_loop3A_642 = arith.mulf %parallel_loop3A_641, %parallel_loop3A_632 : vector<16xf32>
        %parallel_loop3A_643 = arith.addf %parallel_loop3A_627, %parallel_loop3A_642 : vector<16xf32>
        %parallel_loop3A_644 = vector.bitcast %parallel_loop3A_643 : vector<16xf32> to vector<16xi32>
        %parallel_loop3A_645 = arith.constant 2129859011 : i32
        %parallel_loop3A_646 = vector.broadcast %parallel_loop3A_645 : i32 to vector<16xi32>
        %parallel_loop3A_647 = arith.subi %parallel_loop3A_646, %parallel_loop3A_644 : vector<16xi32>
        %parallel_loop3A_648 = vector.bitcast %parallel_loop3A_647 : vector<16xi32> to vector<16xf32>
        %parallel_loop3A_649 = arith.mulf %parallel_loop3A_643, %parallel_loop3A_648 : vector<16xf32>
        %parallel_loop3A_650 = arith.constant 2.000000e+00 : f32
        %parallel_loop3A_651 = vector.broadcast %parallel_loop3A_650 : f32 to vector<16xf32>
        %parallel_loop3A_652 = arith.subf %parallel_loop3A_651, %parallel_loop3A_649 : vector<16xf32>
        %parallel_loop3A_653 = arith.mulf %parallel_loop3A_648, %parallel_loop3A_652 : vector<16xf32>
        %parallel_loop3A_654 = arith.mulf %parallel_loop3A_643, %parallel_loop3A_653 : vector<16xf32>
        %parallel_loop3A_655 = arith.constant 2.000000e+00 : f32
        %parallel_loop3A_656 = vector.broadcast %parallel_loop3A_655 : f32 to vector<16xf32>
        %parallel_loop3A_657 = arith.subf %parallel_loop3A_656, %parallel_loop3A_654 : vector<16xf32>
        %parallel_loop3A_658 = arith.mulf %parallel_loop3A_653, %parallel_loop3A_657 : vector<16xf32>
        %parallel_loop3A_659 = arith.mulf %parallel_loop3A_636, %parallel_loop3A_658 : vector<16xf32>
        %parallel_loop3A_660 = arith.addf %parallel_loop3A_509, %parallel_loop3A_659 : vector<16xf32>
        %parallel_loop3A_661 = arith.mulf %parallel_loop3A_627, %parallel_loop3A_627 : vector<16xf32>
        %parallel_loop3A_662 = arith.mulf %parallel_loop3A_609, %parallel_loop3A_631 : vector<16xf32>
        %parallel_loop3A_663 = arith.constant 2.000000e+00 : f32
        %parallel_loop3A_664 = vector.broadcast %parallel_loop3A_663 : f32 to vector<16xf32>
        %parallel_loop3A_665 = arith.mulf %parallel_loop3A_664, %parallel_loop3A_627 : vector<16xf32>
        %parallel_loop3A_666 = arith.mulf %parallel_loop3A_665, %parallel_loop3A_632 : vector<16xf32>
        %parallel_loop3A_667 = arith.addf %parallel_loop3A_662, %parallel_loop3A_666 : vector<16xf32>
        %parallel_loop3A_668 = arith.mulf %parallel_loop3A_630, %parallel_loop3A_630 : vector<16xf32>
        %parallel_loop3A_669 = arith.mulf %parallel_loop3A_559, %parallel_loop3A_668 : vector<16xf32>
        %parallel_loop3A_670 = arith.addf %parallel_loop3A_667, %parallel_loop3A_669 : vector<16xf32>
        %parallel_loop3A_671 = arith.mulf %parallel_loop3A_661, %parallel_loop3A_670 : vector<16xf32>
        %parallel_loop3A_672 = arith.mulf %parallel_loop3A_658, %parallel_loop3A_658 : vector<16xf32>
        %parallel_loop3A_673 = arith.mulf %parallel_loop3A_671, %parallel_loop3A_672 : vector<16xf32>
        %parallel_loop3A_674 = vector.bitcast %parallel_loop3A_673 : vector<16xf32> to vector<16xi32>
        %parallel_loop3A_675 = arith.constant 23 : i32
        %parallel_loop3A_676 = vector.broadcast %parallel_loop3A_675 : i32 to vector<16xi32>
        %parallel_loop3A_677 = arith.shrui %parallel_loop3A_674, %parallel_loop3A_676 : vector<16xi32>
        %parallel_loop3A_678 = arith.constant 255 : i32
        %parallel_loop3A_679 = vector.broadcast %parallel_loop3A_678 : i32 to vector<16xi32>
        %parallel_loop3A_680 = arith.andi %parallel_loop3A_677, %parallel_loop3A_679 : vector<16xi32>
        %parallel_loop3A_681 = arith.constant 8388607 : i32
        %parallel_loop3A_682 = vector.broadcast %parallel_loop3A_681 : i32 to vector<16xi32>
        %parallel_loop3A_683 = arith.andi %parallel_loop3A_674, %parallel_loop3A_682 : vector<16xi32>
        %parallel_loop3A_684 = arith.constant 1065353216 : i32
        %parallel_loop3A_685 = vector.broadcast %parallel_loop3A_684 : i32 to vector<16xi32>
        %parallel_loop3A_686 = arith.ori %parallel_loop3A_683, %parallel_loop3A_685 : vector<16xi32>
        %parallel_loop3A_687 = vector.bitcast %parallel_loop3A_686 : vector<16xi32> to vector<16xf32>
        %parallel_loop3A_688 = arith.constant 1.41421354 : f32
        %parallel_loop3A_689 = vector.broadcast %parallel_loop3A_688 : f32 to vector<16xf32>
        %parallel_loop3A_690 = arith.cmpf ogt, %parallel_loop3A_687, %parallel_loop3A_689 : vector<16xf32>
        %parallel_loop3A_691 = arith.constant 5.000000e-01 : f32
        %parallel_loop3A_692 = vector.broadcast %parallel_loop3A_691 : f32 to vector<16xf32>
        %parallel_loop3A_693 = arith.mulf %parallel_loop3A_687, %parallel_loop3A_692 : vector<16xf32>
        %parallel_loop3A_694 = arith.select %parallel_loop3A_690, %parallel_loop3A_693, %parallel_loop3A_687 : vector<16xi1>, vector<16xf32>
        %parallel_loop3A_695 = arith.constant 126 : i32
        %parallel_loop3A_696 = vector.broadcast %parallel_loop3A_695 : i32 to vector<16xi32>
        %parallel_loop3A_697 = arith.subi %parallel_loop3A_680, %parallel_loop3A_696 : vector<16xi32>
        %parallel_loop3A_698 = arith.constant 127 : i32
        %parallel_loop3A_699 = vector.broadcast %parallel_loop3A_698 : i32 to vector<16xi32>
        %parallel_loop3A_700 = arith.subi %parallel_loop3A_680, %parallel_loop3A_699 : vector<16xi32>
        %parallel_loop3A_701 = arith.select %parallel_loop3A_690, %parallel_loop3A_697, %parallel_loop3A_700 : vector<16xi1>, vector<16xi32>
        %parallel_loop3A_702 = arith.sitofp %parallel_loop3A_701 : vector<16xi32> to vector<16xf32>
        %parallel_loop3A_703 = arith.constant 1.000000e+00 : f32
        %parallel_loop3A_704 = vector.broadcast %parallel_loop3A_703 : f32 to vector<16xf32>
        %parallel_loop3A_705 = arith.subf %parallel_loop3A_694, %parallel_loop3A_704 : vector<16xf32>
        %parallel_loop3A_706 = arith.constant 0.117845103 : f32
        %parallel_loop3A_707 = vector.broadcast %parallel_loop3A_706 : f32 to vector<16xf32>
        %parallel_loop3A_708 = arith.mulf %parallel_loop3A_707, %parallel_loop3A_705 : vector<16xf32>
        %parallel_loop3A_709 = arith.constant -0.184559479 : f32
        %parallel_loop3A_710 = vector.broadcast %parallel_loop3A_709 : f32 to vector<16xf32>
        %parallel_loop3A_711 = arith.addf %parallel_loop3A_708, %parallel_loop3A_710 : vector<16xf32>
        %parallel_loop3A_712 = arith.mulf %parallel_loop3A_711, %parallel_loop3A_705 : vector<16xf32>
        %parallel_loop3A_713 = arith.constant 0.204554379 : f32
        %parallel_loop3A_714 = vector.broadcast %parallel_loop3A_713 : f32 to vector<16xf32>
        %parallel_loop3A_715 = arith.addf %parallel_loop3A_712, %parallel_loop3A_714 : vector<16xf32>
        %parallel_loop3A_716 = arith.mulf %parallel_loop3A_715, %parallel_loop3A_705 : vector<16xf32>
        %parallel_loop3A_717 = arith.constant -0.249294952 : f32
        %parallel_loop3A_718 = vector.broadcast %parallel_loop3A_717 : f32 to vector<16xf32>
        %parallel_loop3A_719 = arith.addf %parallel_loop3A_716, %parallel_loop3A_718 : vector<16xf32>
        %parallel_loop3A_720 = arith.mulf %parallel_loop3A_719, %parallel_loop3A_705 : vector<16xf32>
        %parallel_loop3A_721 = arith.constant 0.333179325 : f32
        %parallel_loop3A_722 = vector.broadcast %parallel_loop3A_721 : f32 to vector<16xf32>
        %parallel_loop3A_723 = arith.addf %parallel_loop3A_720, %parallel_loop3A_722 : vector<16xf32>
        %parallel_loop3A_724 = arith.mulf %parallel_loop3A_723, %parallel_loop3A_705 : vector<16xf32>
        %parallel_loop3A_725 = arith.constant -0.500007331 : f32
        %parallel_loop3A_726 = vector.broadcast %parallel_loop3A_725 : f32 to vector<16xf32>
        %parallel_loop3A_727 = arith.addf %parallel_loop3A_724, %parallel_loop3A_726 : vector<16xf32>
        %parallel_loop3A_728 = arith.mulf %parallel_loop3A_727, %parallel_loop3A_705 : vector<16xf32>
        %parallel_loop3A_729 = arith.constant 1.00000072 : f32
        %parallel_loop3A_730 = vector.broadcast %parallel_loop3A_729 : f32 to vector<16xf32>
        %parallel_loop3A_731 = arith.addf %parallel_loop3A_728, %parallel_loop3A_730 : vector<16xf32>
        %parallel_loop3A_732 = arith.constant 0.693147182 : f32
        %parallel_loop3A_733 = vector.broadcast %parallel_loop3A_732 : f32 to vector<16xf32>
        %parallel_loop3A_734 = arith.mulf %parallel_loop3A_702, %parallel_loop3A_733 : vector<16xf32>
        %parallel_loop3A_735 = arith.mulf %parallel_loop3A_705, %parallel_loop3A_731 : vector<16xf32>
        %parallel_loop3A_736 = arith.addf %parallel_loop3A_734, %parallel_loop3A_735 : vector<16xf32>
        %parallel_loop3A_737 = arith.select %parallel_loop3A_272, %parallel_loop3A_660, %parallel_loop3A_259 : vector<16xi1>, vector<16xf32>
        %parallel_loop3A_738 = arith.constant 0.000000e+00 : f32
        %parallel_loop3A_739 = vector.broadcast %parallel_loop3A_738 : f32 to vector<16xf32>
        %parallel_loop3A_740 = arith.select %parallel_loop3A_272, %parallel_loop3A_736, %parallel_loop3A_739 : vector<16xi1>, vector<16xf32>
        %parallel_loop3A_741 = arith.constant 16 : i32
        %parallel_loop3A_742 = arith.muli %parallel_loop3A_253, %parallel_loop3A_741 : i32
        %parallel_loop3A_743 = arith.index_cast %parallel_loop3A_742 : i32 to index
        %parallel_loop3A_744 = tpu.vector_load %arg10[%parallel_loop3A_743] {strides = array<i32>} : memref<2048xf32, #tpu.memory_space<vmem>>, vector<16xf32>,
        tpu.vector_store %arg10[%parallel_loop3A_743], %parallel_loop3A_737 {strides = array<i32>} : memref<2048xf32, #tpu.memory_space<vmem>>, vector<16xf32>,
        %parallel_loop3A_745 = arith.constant 16 : i32
        %parallel_loop3A_746 = arith.muli %parallel_loop3A_253, %parallel_loop3A_745 : i32
        %parallel_loop3A_747 = arith.index_cast %parallel_loop3A_746 : i32 to index
        %parallel_loop3A_748 = tpu.vector_load %arg12[%parallel_loop3A_747] {strides = array<i32>} : memref<2048xf32, #tpu.memory_space<vmem>>, vector<16xf32>,
        tpu.vector_store %arg12[%parallel_loop3A_747], %parallel_loop3A_740 {strides = array<i32>} : memref<2048xf32, #tpu.memory_space<vmem>>, vector<16xf32>,
      } {sc.loop_unroll_factor = 2 : i64, sc.parallel_access}
      %mul3A_205 = arith.constant 2048 : i32
      %mul3A_206 = arith.muli %add3A_192, %mul3A_205 : i32
      %add3A_207 = arith.addi %mul3A_2, %mul3A_206 : i32
      %multiple_of3A = tpu.assume_multiple %add3A_207, 64 : i32
      %dma_start3A_208 = tpu.memref_slice %arg4[%multiple_of3A] : memref<1048576xf32, #tpu.memory_space<hbm>> -> memref<2048xf32, #tpu.memory_space<hbm>>
      %dma_start3A_209 = tpu.memref_slice %arg4[%multiple_of3A] : memref<1048576xf32, #tpu.memory_space<hbm>> -> memref<2048xf32, #tpu.memory_space<hbm>>
      tpu.enqueue_dma source(%arg10 : memref<2048xf32, #tpu.memory_space<vmem>>) target(%dma_start3A_209 : memref<2048xf32, #tpu.memory_space<hbm>>) target_semaphore(%arg16 : memref<!tpu.dma_semaphore, #tpu.memory_space<semaphore_mem>>)
      %dma_start3A_210 = tpu.memref_slice %arg5[%multiple_of3A] : memref<1048576xf32, #tpu.memory_space<hbm>> -> memref<2048xf32, #tpu.memory_space<hbm>>
      %dma_start3A_211 = tpu.memref_slice %arg5[%multiple_of3A] : memref<1048576xf32, #tpu.memory_space<hbm>> -> memref<2048xf32, #tpu.memory_space<hbm>>
      tpu.enqueue_dma source(%arg12 : memref<2048xf32, #tpu.memory_space<vmem>>) target(%dma_start3A_211 : memref<2048xf32, #tpu.memory_space<hbm>>) target_semaphore(%arg16 : memref<!tpu.dma_semaphore, #tpu.memory_space<semaphore_mem>>)
      %add3A_212 = arith.constant 2 : i32
      %add3A_213 = arith.addi %add3A_192, %add3A_212 : i32
      %lt3A = arith.constant 16 : i32
      %lt3A_214 = arith.cmpi slt, %add3A_213, %lt3A : i32
      %convert_element_type3A_215 = arith.extui %lt3A_214 : i1 to i32
      %cond3A_216 = arith.constant 0 : i32
      %cond3A_217 = arith.cmpi ne, %convert_element_type3A_215, %cond3A_216 : i32
      scf.if %cond3A_217 {
        %add3A_253 = arith.constant 2 : i32
        %add3A_254 = arith.addi %add3A_192, %add3A_253 : i32
        %mul3A_255 = arith.constant 2048 : i32
        %mul3A_256 = arith.muli %add3A_254, %mul3A_255 : i32
        %add3A_257 = arith.addi %mul3A_2, %mul3A_256 : i32
        %mul3A_258 = arith.constant 25 : i32
        %mul3A_259 = arith.muli %add3A_257, %mul3A_258 : i32
        %add3A_260 = arith.constant 0 : i32
        %add3A_261 = arith.addi %mul3A_259, %add3A_260 : i32
        %dma_start3A_262 = arith.constant 0 : i32
        %dma_start3A_263 = tpu.memref_slice %arg6[%dma_start3A_262] : memref<51200xf32, #tpu.memory_space<vmem>> -> memref<12800xf32, #tpu.memory_space<vmem>>
        %dma_start3A_264 = tpu.memref_slice %arg3[%add3A_261] : memref<26214400xf32, #tpu.memory_space<hbm>> -> memref<12800xf32, #tpu.memory_space<hbm>>
        %dma_start3A_265 = arith.constant 0 : i32
        %dma_start3A_266 = tpu.memref_slice %arg6[%dma_start3A_265] : memref<51200xf32, #tpu.memory_space<vmem>> -> memref<12800xf32, #tpu.memory_space<vmem>>
        %dma_start3A_267 = tpu.memref_slice %arg3[%add3A_261] : memref<26214400xf32, #tpu.memory_space<hbm>> -> memref<12800xf32, #tpu.memory_space<hbm>>
        tpu.enqueue_dma source(%dma_start3A_267 : memref<12800xf32, #tpu.memory_space<hbm>>) target(%dma_start3A_266 : memref<12800xf32, #tpu.memory_space<vmem>>) target_semaphore(%arg14 : memref<!tpu.dma_semaphore, #tpu.memory_space<semaphore_mem>>)
        %mul3A_268 = arith.constant 25 : i32
        %mul3A_269 = arith.muli %add3A_257, %mul3A_268 : i32
        %add3A_270 = arith.constant 12800 : i32
        %add3A_271 = arith.addi %mul3A_269, %add3A_270 : i32
        %dma_start3A_272 = arith.constant 12800 : i32
        %dma_start3A_273 = tpu.memref_slice %arg6[%dma_start3A_272] : memref<51200xf32, #tpu.memory_space<vmem>> -> memref<12800xf32, #tpu.memory_space<vmem>>
        %dma_start3A_274 = tpu.memref_slice %arg3[%add3A_271] : memref<26214400xf32, #tpu.memory_space<hbm>> -> memref<12800xf32, #tpu.memory_space<hbm>>
        %dma_start3A_275 = arith.constant 12800 : i32
        %dma_start3A_276 = tpu.memref_slice %arg6[%dma_start3A_275] : memref<51200xf32, #tpu.memory_space<vmem>> -> memref<12800xf32, #tpu.memory_space<vmem>>
        %dma_start3A_277 = tpu.memref_slice %arg3[%add3A_271] : memref<26214400xf32, #tpu.memory_space<hbm>> -> memref<12800xf32, #tpu.memory_space<hbm>>
        tpu.enqueue_dma source(%dma_start3A_277 : memref<12800xf32, #tpu.memory_space<hbm>>) target(%dma_start3A_276 : memref<12800xf32, #tpu.memory_space<vmem>>) target_semaphore(%arg14 : memref<!tpu.dma_semaphore, #tpu.memory_space<semaphore_mem>>)
        %mul3A_278 = arith.constant 25 : i32
        %mul3A_279 = arith.muli %add3A_257, %mul3A_278 : i32
        %add3A_280 = arith.constant 25600 : i32
        %add3A_281 = arith.addi %mul3A_279, %add3A_280 : i32
        %dma_start3A_282 = arith.constant 25600 : i32
        %dma_start3A_283 = tpu.memref_slice %arg6[%dma_start3A_282] : memref<51200xf32, #tpu.memory_space<vmem>> -> memref<12800xf32, #tpu.memory_space<vmem>>
        %dma_start3A_284 = tpu.memref_slice %arg3[%add3A_281] : memref<26214400xf32, #tpu.memory_space<hbm>> -> memref<12800xf32, #tpu.memory_space<hbm>>
        %dma_start3A_285 = arith.constant 25600 : i32
        %dma_start3A_286 = tpu.memref_slice %arg6[%dma_start3A_285] : memref<51200xf32, #tpu.memory_space<vmem>> -> memref<12800xf32, #tpu.memory_space<vmem>>
        %dma_start3A_287 = tpu.memref_slice %arg3[%add3A_281] : memref<26214400xf32, #tpu.memory_space<hbm>> -> memref<12800xf32, #tpu.memory_space<hbm>>
        tpu.enqueue_dma source(%dma_start3A_287 : memref<12800xf32, #tpu.memory_space<hbm>>) target(%dma_start3A_286 : memref<12800xf32, #tpu.memory_space<vmem>>) target_semaphore(%arg14 : memref<!tpu.dma_semaphore, #tpu.memory_space<semaphore_mem>>)
        %mul3A_288 = arith.constant 25 : i32
        %mul3A_289 = arith.muli %add3A_257, %mul3A_288 : i32
        %add3A_290 = arith.constant 38400 : i32
        %add3A_291 = arith.addi %mul3A_289, %add3A_290 : i32
        %dma_start3A_292 = arith.constant 38400 : i32
        %dma_start3A_293 = tpu.memref_slice %arg6[%dma_start3A_292] : memref<51200xf32, #tpu.memory_space<vmem>> -> memref<12800xf32, #tpu.memory_space<vmem>>
        %dma_start3A_294 = tpu.memref_slice %arg3[%add3A_291] : memref<26214400xf32, #tpu.memory_space<hbm>> -> memref<12800xf32, #tpu.memory_space<hbm>>
        %dma_start3A_295 = arith.constant 38400 : i32
        %dma_start3A_296 = tpu.memref_slice %arg6[%dma_start3A_295] : memref<51200xf32, #tpu.memory_space<vmem>> -> memref<12800xf32, #tpu.memory_space<vmem>>
        %dma_start3A_297 = tpu.memref_slice %arg3[%add3A_291] : memref<26214400xf32, #tpu.memory_space<hbm>> -> memref<12800xf32, #tpu.memory_space<hbm>>
        tpu.enqueue_dma source(%dma_start3A_297 : memref<12800xf32, #tpu.memory_space<hbm>>) target(%dma_start3A_296 : memref<12800xf32, #tpu.memory_space<vmem>>) target_semaphore(%arg14 : memref<!tpu.dma_semaphore, #tpu.memory_space<semaphore_mem>>)
        %dma_start3A_298 = tpu.memref_slice %arg2[%add3A_257] : memref<1048576xf32, #tpu.memory_space<hbm>> -> memref<2048xf32, #tpu.memory_space<hbm>>
        %dma_start3A_299 = tpu.memref_slice %arg2[%add3A_257] : memref<1048576xf32, #tpu.memory_space<hbm>> -> memref<2048xf32, #tpu.memory_space<hbm>>
        tpu.enqueue_dma source(%dma_start3A_299 : memref<2048xf32, #tpu.memory_space<hbm>>) target(%arg8 : memref<2048xf32, #tpu.memory_space<vmem>>) target_semaphore(%arg14 : memref<!tpu.dma_semaphore, #tpu.memory_space<semaphore_mem>>)
      } else {
      }
      %mul3A_218 = arith.constant 2 : i32
      %mul3A_219 = arith.muli %scan3A_188, %mul3A_218 : i32
      %add3A_220 = arith.constant 1 : i32
      %add3A_221 = arith.addi %mul3A_219, %add3A_220 : i32
      %dma_wait3A_222 = arith.constant 0 : i32
      %dma_wait3A_223 = tpu.memref_slice %arg3[%dma_wait3A_222] : memref<26214400xf32, #tpu.memory_space<hbm>> -> memref<51200xf32, #tpu.memory_space<hbm>>
      %dma_wait3A_224 = arith.constant 0 : i32
      %dma_wait3A_225 = tpu.memref_slice %arg3[%dma_wait3A_224] : memref<26214400xf32, #tpu.memory_space<hbm>> -> memref<51200xf32, #tpu.memory_space<hbm>>
      tpu.wait_dma2 semaphore(%arg15 : memref<!tpu.dma_semaphore, #tpu.memory_space<semaphore_mem>>) src(%dma_wait3A_225 : memref<51200xf32, #tpu.memory_space<hbm>>) dst(%arg7 : memref<51200xf32, #tpu.memory_space<vmem>>)
      %dma_wait3A_226 = arith.constant 0 : i32
      %dma_wait3A_227 = tpu.memref_slice %arg2[%dma_wait3A_226] : memref<1048576xf32, #tpu.memory_space<hbm>> -> memref<2048xf32, #tpu.memory_space<hbm>>
      %dma_wait3A_228 = arith.constant 0 : i32
      %dma_wait3A_229 = tpu.memref_slice %arg2[%dma_wait3A_228] : memref<1048576xf32, #tpu.memory_space<hbm>> -> memref<2048xf32, #tpu.memory_space<hbm>>
      tpu.wait_dma2 semaphore(%arg15 : memref<!tpu.dma_semaphore, #tpu.memory_space<semaphore_mem>>) src(%dma_wait3A_229 : memref<2048xf32, #tpu.memory_space<hbm>>) dst(%arg9 : memref<2048xf32, #tpu.memory_space<vmem>>)
      %gt3A_230 = arith.constant 0 : i32
      %gt3A_231 = arith.cmpi sgt, %scan3A_188, %gt3A_230 : i32
      %convert_element_type3A_232 = arith.extui %gt3A_231 : i1 to i32
      %cond3A_233 = arith.constant 0 : i32
      %cond3A_234 = arith.cmpi ne, %convert_element_type3A_232, %cond3A_233 : i32
      scf.if %cond3A_234 {
        %dma_wait3A_253 = arith.constant 0 : i32
        %dma_wait3A_254 = tpu.memref_slice %arg4[%dma_wait3A_253] : memref<1048576xf32, #tpu.memory_space<hbm>> -> memref<2048xf32, #tpu.memory_space<hbm>>
        %dma_wait3A_255 = arith.constant 0 : i32
        %dma_wait3A_256 = tpu.memref_slice %arg4[%dma_wait3A_255] : memref<1048576xf32, #tpu.memory_space<hbm>> -> memref<2048xf32, #tpu.memory_space<hbm>>
        tpu.wait_dma2 semaphore(%arg17 : memref<!tpu.dma_semaphore, #tpu.memory_space<semaphore_mem>>) src(%arg11 : memref<2048xf32, #tpu.memory_space<vmem>>) dst(%dma_wait3A_256 : memref<2048xf32, #tpu.memory_space<hbm>>)
        %dma_wait3A_257 = arith.constant 0 : i32
        %dma_wait3A_258 = tpu.memref_slice %arg5[%dma_wait3A_257] : memref<1048576xf32, #tpu.memory_space<hbm>> -> memref<2048xf32, #tpu.memory_space<hbm>>
        %dma_wait3A_259 = arith.constant 0 : i32
        %dma_wait3A_260 = tpu.memref_slice %arg5[%dma_wait3A_259] : memref<1048576xf32, #tpu.memory_space<hbm>> -> memref<2048xf32, #tpu.memory_space<hbm>>
        tpu.wait_dma2 semaphore(%arg17 : memref<!tpu.dma_semaphore, #tpu.memory_space<semaphore_mem>>) src(%arg13 : memref<2048xf32, #tpu.memory_space<vmem>>) dst(%dma_wait3A_260 : memref<2048xf32, #tpu.memory_space<hbm>>)
      } else {
      }
      %parallel_loop3A_235 = arith.constant 0 : i32
      %parallel_loop3A_236 = arith.constant 128 : i32
      %parallel_loop3A_237 = arith.constant 1 : i32
      scf.for %parallel_loop3A_253 = %parallel_loop3A_235 to %parallel_loop3A_236 step %parallel_loop3A_237  : i32 {
        %parallel_loop3A_254 = arith.constant 400 : i32
        %parallel_loop3A_255 = arith.muli %parallel_loop3A_253, %parallel_loop3A_254 : i32
        %parallel_loop3A_256 = arith.constant 16 : i32
        %parallel_loop3A_257 = arith.muli %parallel_loop3A_253, %parallel_loop3A_256 : i32
        %parallel_loop3A_258 = arith.index_cast %parallel_loop3A_257 : i32 to index
        %parallel_loop3A_259 = tpu.vector_load %arg9[%parallel_loop3A_258] {strides = array<i32>} : memref<2048xf32, #tpu.memory_space<vmem>>, vector<16xf32>,
        %parallel_loop3A_260 = arith.constant -3.000000e+00 : f32
        %parallel_loop3A_261 = vector.broadcast %parallel_loop3A_260 : f32 to vector<16xf32>
        %parallel_loop3A_262 = arith.maximumf %parallel_loop3A_259, %parallel_loop3A_261 : vector<16xf32>
        %parallel_loop3A_263 = arith.constant 3.000000e+00 : f32
        %parallel_loop3A_264 = vector.broadcast %parallel_loop3A_263 : f32 to vector<16xf32>
        %parallel_loop3A_265 = arith.minimumf %parallel_loop3A_262, %parallel_loop3A_264 : vector<16xf32>
        %parallel_loop3A_266 = arith.constant -3.000000e+00 : f32
        %parallel_loop3A_267 = vector.broadcast %parallel_loop3A_266 : f32 to vector<16xf32>
        %parallel_loop3A_268 = arith.cmpf oge, %parallel_loop3A_259, %parallel_loop3A_267 : vector<16xf32>
        %parallel_loop3A_269 = arith.constant 3.000000e+00 : f32
        %parallel_loop3A_270 = vector.broadcast %parallel_loop3A_269 : f32 to vector<16xf32>
        %parallel_loop3A_271 = arith.cmpf ole, %parallel_loop3A_259, %parallel_loop3A_270 : vector<16xf32>
        %parallel_loop3A_272 = arith.andi %parallel_loop3A_268, %parallel_loop3A_271 : vector<16xi1>
        %parallel_loop3A_273 = tpu.memref_slice %arg7[%parallel_loop3A_255] : memref<51200xf32, #tpu.memory_space<vmem>> -> memref<400xf32, #tpu.memory_space<vmem>>
        %parallel_loop3A_274 = tpu.vector_load_idx %parallel_loop3A_273[%add3A_8] : memref<400xf32, #tpu.memory_space<vmem>>[vector<16xi32>], vector<16xf32>,
        %parallel_loop3A_275 = math.exp %parallel_loop3A_274 : vector<16xf32>
        %parallel_loop3A_276 = tpu.memref_slice %arg7[%parallel_loop3A_255] : memref<51200xf32, #tpu.memory_space<vmem>> -> memref<400xf32, #tpu.memory_space<vmem>>
        %parallel_loop3A_277 = tpu.vector_load_idx %parallel_loop3A_276[%add3A_11] : memref<400xf32, #tpu.memory_space<vmem>>[vector<16xi32>], vector<16xf32>,
        %parallel_loop3A_278 = math.exp %parallel_loop3A_277 : vector<16xf32>
        %parallel_loop3A_279 = tpu.memref_slice %arg7[%parallel_loop3A_255] : memref<51200xf32, #tpu.memory_space<vmem>> -> memref<400xf32, #tpu.memory_space<vmem>>
        %parallel_loop3A_280 = tpu.vector_load_idx %parallel_loop3A_279[%add3A_14] : memref<400xf32, #tpu.memory_space<vmem>>[vector<16xi32>], vector<16xf32>,
        %parallel_loop3A_281 = math.exp %parallel_loop3A_280 : vector<16xf32>
        %parallel_loop3A_282 = tpu.memref_slice %arg7[%parallel_loop3A_255] : memref<51200xf32, #tpu.memory_space<vmem>> -> memref<400xf32, #tpu.memory_space<vmem>>
        %parallel_loop3A_283 = tpu.vector_load_idx %parallel_loop3A_282[%add3A_17] : memref<400xf32, #tpu.memory_space<vmem>>[vector<16xi32>], vector<16xf32>,
        %parallel_loop3A_284 = math.exp %parallel_loop3A_283 : vector<16xf32>
        %parallel_loop3A_285 = tpu.memref_slice %arg7[%parallel_loop3A_255] : memref<51200xf32, #tpu.memory_space<vmem>> -> memref<400xf32, #tpu.memory_space<vmem>>
        %parallel_loop3A_286 = tpu.vector_load_idx %parallel_loop3A_285[%add3A_20] : memref<400xf32, #tpu.memory_space<vmem>>[vector<16xi32>], vector<16xf32>,
        %parallel_loop3A_287 = math.exp %parallel_loop3A_286 : vector<16xf32>
        %parallel_loop3A_288 = tpu.memref_slice %arg7[%parallel_loop3A_255] : memref<51200xf32, #tpu.memory_space<vmem>> -> memref<400xf32, #tpu.memory_space<vmem>>
        %parallel_loop3A_289 = tpu.vector_load_idx %parallel_loop3A_288[%add3A_23] : memref<400xf32, #tpu.memory_space<vmem>>[vector<16xi32>], vector<16xf32>,
        %parallel_loop3A_290 = math.exp %parallel_loop3A_289 : vector<16xf32>
        %parallel_loop3A_291 = tpu.memref_slice %arg7[%parallel_loop3A_255] : memref<51200xf32, #tpu.memory_space<vmem>> -> memref<400xf32, #tpu.memory_space<vmem>>
        %parallel_loop3A_292 = tpu.vector_load_idx %parallel_loop3A_291[%add3A_26] : memref<400xf32, #tpu.memory_space<vmem>>[vector<16xi32>], vector<16xf32>,
        %parallel_loop3A_293 = math.exp %parallel_loop3A_292 : vector<16xf32>
        %parallel_loop3A_294 = tpu.memref_slice %arg7[%parallel_loop3A_255] : memref<51200xf32, #tpu.memory_space<vmem>> -> memref<400xf32, #tpu.memory_space<vmem>>
        %parallel_loop3A_295 = tpu.vector_load_idx %parallel_loop3A_294[%add3A_29] : memref<400xf32, #tpu.memory_space<vmem>>[vector<16xi32>], vector<16xf32>,
        %parallel_loop3A_296 = math.exp %parallel_loop3A_295 : vector<16xf32>
        %parallel_loop3A_297 = tpu.memref_slice %arg7[%parallel_loop3A_255] : memref<51200xf32, #tpu.memory_space<vmem>> -> memref<400xf32, #tpu.memory_space<vmem>>
        %parallel_loop3A_298 = tpu.vector_load_idx %parallel_loop3A_297[%add3A_32] : memref<400xf32, #tpu.memory_space<vmem>>[vector<16xi32>], vector<16xf32>,
        %parallel_loop3A_299 = math.exp %parallel_loop3A_298 : vector<16xf32>
        %parallel_loop3A_300 = tpu.memref_slice %arg7[%parallel_loop3A_255] : memref<51200xf32, #tpu.memory_space<vmem>> -> memref<400xf32, #tpu.memory_space<vmem>>
        %parallel_loop3A_301 = tpu.vector_load_idx %parallel_loop3A_300[%add3A_35] : memref<400xf32, #tpu.memory_space<vmem>>[vector<16xi32>], vector<16xf32>,
        %parallel_loop3A_302 = math.exp %parallel_loop3A_301 : vector<16xf32>
        %parallel_loop3A_303 = tpu.memref_slice %arg7[%parallel_loop3A_255] : memref<51200xf32, #tpu.memory_space<vmem>> -> memref<400xf32, #tpu.memory_space<vmem>>
        %parallel_loop3A_304 = tpu.vector_load_idx %parallel_loop3A_303[%add3A_38] : memref<400xf32, #tpu.memory_space<vmem>>[vector<16xi32>], vector<16xf32>,
        %parallel_loop3A_305 = math.exp %parallel_loop3A_304 : vector<16xf32>
        %parallel_loop3A_306 = tpu.memref_slice %arg7[%parallel_loop3A_255] : memref<51200xf32, #tpu.memory_space<vmem>> -> memref<400xf32, #tpu.memory_space<vmem>>
        %parallel_loop3A_307 = tpu.vector_load_idx %parallel_loop3A_306[%add3A_41] : memref<400xf32, #tpu.memory_space<vmem>>[vector<16xi32>], vector<16xf32>,
        %parallel_loop3A_308 = math.exp %parallel_loop3A_307 : vector<16xf32>
        %parallel_loop3A_309 = tpu.memref_slice %arg7[%parallel_loop3A_255] : memref<51200xf32, #tpu.memory_space<vmem>> -> memref<400xf32, #tpu.memory_space<vmem>>
        %parallel_loop3A_310 = tpu.vector_load_idx %parallel_loop3A_309[%add3A_44] : memref<400xf32, #tpu.memory_space<vmem>>[vector<16xi32>], vector<16xf32>,
        %parallel_loop3A_311 = math.exp %parallel_loop3A_310 : vector<16xf32>
        %parallel_loop3A_312 = tpu.memref_slice %arg7[%parallel_loop3A_255] : memref<51200xf32, #tpu.memory_space<vmem>> -> memref<400xf32, #tpu.memory_space<vmem>>
        %parallel_loop3A_313 = tpu.vector_load_idx %parallel_loop3A_312[%add3A_47] : memref<400xf32, #tpu.memory_space<vmem>>[vector<16xi32>], vector<16xf32>,
        %parallel_loop3A_314 = math.exp %parallel_loop3A_313 : vector<16xf32>
        %parallel_loop3A_315 = tpu.memref_slice %arg7[%parallel_loop3A_255] : memref<51200xf32, #tpu.memory_space<vmem>> -> memref<400xf32, #tpu.memory_space<vmem>>
        %parallel_loop3A_316 = tpu.vector_load_idx %parallel_loop3A_315[%add3A_50] : memref<400xf32, #tpu.memory_space<vmem>>[vector<16xi32>], vector<16xf32>,
        %parallel_loop3A_317 = math.exp %parallel_loop3A_316 : vector<16xf32>
        %parallel_loop3A_318 = tpu.memref_slice %arg7[%parallel_loop3A_255] : memref<51200xf32, #tpu.memory_space<vmem>> -> memref<400xf32, #tpu.memory_space<vmem>>
        %parallel_loop3A_319 = tpu.vector_load_idx %parallel_loop3A_318[%add3A_53] : memref<400xf32, #tpu.memory_space<vmem>>[vector<16xi32>], vector<16xf32>,
        %parallel_loop3A_320 = math.exp %parallel_loop3A_319 : vector<16xf32>
        %parallel_loop3A_321 = tpu.memref_slice %arg7[%parallel_loop3A_255] : memref<51200xf32, #tpu.memory_space<vmem>> -> memref<400xf32, #tpu.memory_space<vmem>>
        %parallel_loop3A_322 = tpu.vector_load_idx %parallel_loop3A_321[%add3A_56] : memref<400xf32, #tpu.memory_space<vmem>>[vector<16xi32>], vector<16xf32>,
        %parallel_loop3A_323 = tpu.memref_slice %arg7[%parallel_loop3A_255] : memref<51200xf32, #tpu.memory_space<vmem>> -> memref<400xf32, #tpu.memory_space<vmem>>
        %parallel_loop3A_324 = tpu.vector_load_idx %parallel_loop3A_323[%add3A_59] : memref<400xf32, #tpu.memory_space<vmem>>[vector<16xi32>], vector<16xf32>,
        %parallel_loop3A_325 = tpu.memref_slice %arg7[%parallel_loop3A_255] : memref<51200xf32, #tpu.memory_space<vmem>> -> memref<400xf32, #tpu.memory_space<vmem>>
        %parallel_loop3A_326 = tpu.vector_load_idx %parallel_loop3A_325[%add3A_62] : memref<400xf32, #tpu.memory_space<vmem>>[vector<16xi32>], vector<16xf32>,
        %parallel_loop3A_327 = tpu.memref_slice %arg7[%parallel_loop3A_255] : memref<51200xf32, #tpu.memory_space<vmem>> -> memref<400xf32, #tpu.memory_space<vmem>>
        %parallel_loop3A_328 = tpu.vector_load_idx %parallel_loop3A_327[%add3A_65] : memref<400xf32, #tpu.memory_space<vmem>>[vector<16xi32>], vector<16xf32>,
        %parallel_loop3A_329 = tpu.memref_slice %arg7[%parallel_loop3A_255] : memref<51200xf32, #tpu.memory_space<vmem>> -> memref<400xf32, #tpu.memory_space<vmem>>
        %parallel_loop3A_330 = tpu.vector_load_idx %parallel_loop3A_329[%add3A_68] : memref<400xf32, #tpu.memory_space<vmem>>[vector<16xi32>], vector<16xf32>,
        %parallel_loop3A_331 = tpu.memref_slice %arg7[%parallel_loop3A_255] : memref<51200xf32, #tpu.memory_space<vmem>> -> memref<400xf32, #tpu.memory_space<vmem>>
        %parallel_loop3A_332 = tpu.vector_load_idx %parallel_loop3A_331[%add3A_71] : memref<400xf32, #tpu.memory_space<vmem>>[vector<16xi32>], vector<16xf32>,
        %parallel_loop3A_333 = tpu.memref_slice %arg7[%parallel_loop3A_255] : memref<51200xf32, #tpu.memory_space<vmem>> -> memref<400xf32, #tpu.memory_space<vmem>>
        %parallel_loop3A_334 = tpu.vector_load_idx %parallel_loop3A_333[%add3A_74] : memref<400xf32, #tpu.memory_space<vmem>>[vector<16xi32>], vector<16xf32>,
        %parallel_loop3A_335 = tpu.memref_slice %arg7[%parallel_loop3A_255] : memref<51200xf32, #tpu.memory_space<vmem>> -> memref<400xf32, #tpu.memory_space<vmem>>
        %parallel_loop3A_336 = tpu.vector_load_idx %parallel_loop3A_335[%add3A_77] : memref<400xf32, #tpu.memory_space<vmem>>[vector<16xi32>], vector<16xf32>,
        %parallel_loop3A_337 = tpu.memref_slice %arg7[%parallel_loop3A_255] : memref<51200xf32, #tpu.memory_space<vmem>> -> memref<400xf32, #tpu.memory_space<vmem>>
        %parallel_loop3A_338 = tpu.vector_load_idx %parallel_loop3A_337[%add3A_80] : memref<400xf32, #tpu.memory_space<vmem>>[vector<16xi32>], vector<16xf32>,
        %parallel_loop3A_339 = arith.addf %parallel_loop3A_275, %parallel_loop3A_278 : vector<16xf32>
        %parallel_loop3A_340 = arith.addf %parallel_loop3A_281, %parallel_loop3A_284 : vector<16xf32>
        %parallel_loop3A_341 = arith.addf %parallel_loop3A_339, %parallel_loop3A_340 : vector<16xf32>
        %parallel_loop3A_342 = arith.addf %parallel_loop3A_287, %parallel_loop3A_290 : vector<16xf32>
        %parallel_loop3A_343 = arith.addf %parallel_loop3A_293, %parallel_loop3A_296 : vector<16xf32>
        %parallel_loop3A_344 = arith.addf %parallel_loop3A_342, %parallel_loop3A_343 : vector<16xf32>
        %parallel_loop3A_345 = arith.addf %parallel_loop3A_341, %parallel_loop3A_344 : vector<16xf32>
        %parallel_loop3A_346 = arith.addf %parallel_loop3A_299, %parallel_loop3A_302 : vector<16xf32>
        %parallel_loop3A_347 = arith.addf %parallel_loop3A_305, %parallel_loop3A_308 : vector<16xf32>
        %parallel_loop3A_348 = arith.addf %parallel_loop3A_346, %parallel_loop3A_347 : vector<16xf32>
        %parallel_loop3A_349 = arith.addf %parallel_loop3A_311, %parallel_loop3A_314 : vector<16xf32>
        %parallel_loop3A_350 = arith.addf %parallel_loop3A_317, %parallel_loop3A_320 : vector<16xf32>
        %parallel_loop3A_351 = arith.addf %parallel_loop3A_349, %parallel_loop3A_350 : vector<16xf32>
        %parallel_loop3A_352 = arith.addf %parallel_loop3A_348, %parallel_loop3A_351 : vector<16xf32>
        %parallel_loop3A_353 = vector.bitcast %parallel_loop3A_345 : vector<16xf32> to vector<16xi32>
        %parallel_loop3A_354 = arith.constant 2129859011 : i32
        %parallel_loop3A_355 = vector.broadcast %parallel_loop3A_354 : i32 to vector<16xi32>
        %parallel_loop3A_356 = arith.subi %parallel_loop3A_355, %parallel_loop3A_353 : vector<16xi32>
        %parallel_loop3A_357 = vector.bitcast %parallel_loop3A_356 : vector<16xi32> to vector<16xf32>
        %parallel_loop3A_358 = arith.mulf %parallel_loop3A_345, %parallel_loop3A_357 : vector<16xf32>
        %parallel_loop3A_359 = arith.constant 2.000000e+00 : f32
        %parallel_loop3A_360 = vector.broadcast %parallel_loop3A_359 : f32 to vector<16xf32>
        %parallel_loop3A_361 = arith.subf %parallel_loop3A_360, %parallel_loop3A_358 : vector<16xf32>
        %parallel_loop3A_362 = arith.mulf %parallel_loop3A_357, %parallel_loop3A_361 : vector<16xf32>
        %parallel_loop3A_363 = arith.mulf %parallel_loop3A_345, %parallel_loop3A_362 : vector<16xf32>
        %parallel_loop3A_364 = arith.constant 2.000000e+00 : f32
        %parallel_loop3A_365 = vector.broadcast %parallel_loop3A_364 : f32 to vector<16xf32>
        %parallel_loop3A_366 = arith.subf %parallel_loop3A_365, %parallel_loop3A_363 : vector<16xf32>
        %parallel_loop3A_367 = arith.mulf %parallel_loop3A_362, %parallel_loop3A_366 : vector<16xf32>
        %parallel_loop3A_368 = arith.constant 5.952000e+00 : f32
        %parallel_loop3A_369 = vector.broadcast %parallel_loop3A_368 : f32 to vector<16xf32>
        %parallel_loop3A_370 = arith.mulf %parallel_loop3A_369, %parallel_loop3A_367 : vector<16xf32>
        %parallel_loop3A_371 = vector.bitcast %parallel_loop3A_352 : vector<16xf32> to vector<16xi32>
        %parallel_loop3A_372 = arith.constant 2129859011 : i32
        %parallel_loop3A_373 = vector.broadcast %parallel_loop3A_372 : i32 to vector<16xi32>
        %parallel_loop3A_374 = arith.subi %parallel_loop3A_373, %parallel_loop3A_371 : vector<16xi32>
        %parallel_loop3A_375 = vector.bitcast %parallel_loop3A_374 : vector<16xi32> to vector<16xf32>
        %parallel_loop3A_376 = arith.mulf %parallel_loop3A_352, %parallel_loop3A_375 : vector<16xf32>
        %parallel_loop3A_377 = arith.constant 2.000000e+00 : f32
        %parallel_loop3A_378 = vector.broadcast %parallel_loop3A_377 : f32 to vector<16xf32>
        %parallel_loop3A_379 = arith.subf %parallel_loop3A_378, %parallel_loop3A_376 : vector<16xf32>
        %parallel_loop3A_380 = arith.mulf %parallel_loop3A_375, %parallel_loop3A_379 : vector<16xf32>
        %parallel_loop3A_381 = arith.mulf %parallel_loop3A_352, %parallel_loop3A_380 : vector<16xf32>
        %parallel_loop3A_382 = arith.constant 2.000000e+00 : f32
        %parallel_loop3A_383 = vector.broadcast %parallel_loop3A_382 : f32 to vector<16xf32>
        %parallel_loop3A_384 = arith.subf %parallel_loop3A_383, %parallel_loop3A_381 : vector<16xf32>
        %parallel_loop3A_385 = arith.mulf %parallel_loop3A_380, %parallel_loop3A_384 : vector<16xf32>
        %parallel_loop3A_386 = arith.constant 5.952000e+00 : f32
        %parallel_loop3A_387 = vector.broadcast %parallel_loop3A_386 : f32 to vector<16xf32>
        %parallel_loop3A_388 = arith.mulf %parallel_loop3A_387, %parallel_loop3A_385 : vector<16xf32>
        %parallel_loop3A_389 = arith.mulf %parallel_loop3A_370, %parallel_loop3A_275 : vector<16xf32>
        %parallel_loop3A_390 = arith.constant 6.000000e-03 : f32
        %parallel_loop3A_391 = vector.broadcast %parallel_loop3A_390 : f32 to vector<16xf32>
        %parallel_loop3A_392 = arith.addf %parallel_loop3A_391, %parallel_loop3A_389 : vector<16xf32>
        %parallel_loop3A_393 = arith.mulf %parallel_loop3A_370, %parallel_loop3A_278 : vector<16xf32>
        %parallel_loop3A_394 = arith.constant 6.000000e-03 : f32
        %parallel_loop3A_395 = vector.broadcast %parallel_loop3A_394 : f32 to vector<16xf32>
        %parallel_loop3A_396 = arith.addf %parallel_loop3A_395, %parallel_loop3A_393 : vector<16xf32>
        %parallel_loop3A_397 = arith.mulf %parallel_loop3A_370, %parallel_loop3A_281 : vector<16xf32>
        %parallel_loop3A_398 = arith.constant 6.000000e-03 : f32
        %parallel_loop3A_399 = vector.broadcast %parallel_loop3A_398 : f32 to vector<16xf32>
        %parallel_loop3A_400 = arith.addf %parallel_loop3A_399, %parallel_loop3A_397 : vector<16xf32>
        %parallel_loop3A_401 = arith.mulf %parallel_loop3A_370, %parallel_loop3A_284 : vector<16xf32>
        %parallel_loop3A_402 = arith.constant 6.000000e-03 : f32
        %parallel_loop3A_403 = vector.broadcast %parallel_loop3A_402 : f32 to vector<16xf32>
        %parallel_loop3A_404 = arith.addf %parallel_loop3A_403, %parallel_loop3A_401 : vector<16xf32>
        %parallel_loop3A_405 = arith.mulf %parallel_loop3A_370, %parallel_loop3A_287 : vector<16xf32>
        %parallel_loop3A_406 = arith.constant 6.000000e-03 : f32
        %parallel_loop3A_407 = vector.broadcast %parallel_loop3A_406 : f32 to vector<16xf32>
        %parallel_loop3A_408 = arith.addf %parallel_loop3A_407, %parallel_loop3A_405 : vector<16xf32>
        %parallel_loop3A_409 = arith.mulf %parallel_loop3A_370, %parallel_loop3A_290 : vector<16xf32>
        %parallel_loop3A_410 = arith.constant 6.000000e-03 : f32
        %parallel_loop3A_411 = vector.broadcast %parallel_loop3A_410 : f32 to vector<16xf32>
        %parallel_loop3A_412 = arith.addf %parallel_loop3A_411, %parallel_loop3A_409 : vector<16xf32>
        %parallel_loop3A_413 = arith.mulf %parallel_loop3A_370, %parallel_loop3A_293 : vector<16xf32>
        %parallel_loop3A_414 = arith.constant 6.000000e-03 : f32
        %parallel_loop3A_415 = vector.broadcast %parallel_loop3A_414 : f32 to vector<16xf32>
        %parallel_loop3A_416 = arith.addf %parallel_loop3A_415, %parallel_loop3A_413 : vector<16xf32>
        %parallel_loop3A_417 = arith.mulf %parallel_loop3A_370, %parallel_loop3A_296 : vector<16xf32>
        %parallel_loop3A_418 = arith.constant 6.000000e-03 : f32
        %parallel_loop3A_419 = vector.broadcast %parallel_loop3A_418 : f32 to vector<16xf32>
        %parallel_loop3A_420 = arith.addf %parallel_loop3A_419, %parallel_loop3A_417 : vector<16xf32>
        %parallel_loop3A_421 = arith.mulf %parallel_loop3A_388, %parallel_loop3A_299 : vector<16xf32>
        %parallel_loop3A_422 = arith.constant 6.000000e-03 : f32
        %parallel_loop3A_423 = vector.broadcast %parallel_loop3A_422 : f32 to vector<16xf32>
        %parallel_loop3A_424 = arith.addf %parallel_loop3A_423, %parallel_loop3A_421 : vector<16xf32>
        %parallel_loop3A_425 = arith.mulf %parallel_loop3A_388, %parallel_loop3A_302 : vector<16xf32>
        %parallel_loop3A_426 = arith.constant 6.000000e-03 : f32
        %parallel_loop3A_427 = vector.broadcast %parallel_loop3A_426 : f32 to vector<16xf32>
        %parallel_loop3A_428 = arith.addf %parallel_loop3A_427, %parallel_loop3A_425 : vector<16xf32>
        %parallel_loop3A_429 = arith.mulf %parallel_loop3A_388, %parallel_loop3A_305 : vector<16xf32>
        %parallel_loop3A_430 = arith.constant 6.000000e-03 : f32
        %parallel_loop3A_431 = vector.broadcast %parallel_loop3A_430 : f32 to vector<16xf32>
        %parallel_loop3A_432 = arith.addf %parallel_loop3A_431, %parallel_loop3A_429 : vector<16xf32>
        %parallel_loop3A_433 = arith.mulf %parallel_loop3A_388, %parallel_loop3A_308 : vector<16xf32>
        %parallel_loop3A_434 = arith.constant 6.000000e-03 : f32
        %parallel_loop3A_435 = vector.broadcast %parallel_loop3A_434 : f32 to vector<16xf32>
        %parallel_loop3A_436 = arith.addf %parallel_loop3A_435, %parallel_loop3A_433 : vector<16xf32>
        %parallel_loop3A_437 = arith.mulf %parallel_loop3A_388, %parallel_loop3A_311 : vector<16xf32>
        %parallel_loop3A_438 = arith.constant 6.000000e-03 : f32
        %parallel_loop3A_439 = vector.broadcast %parallel_loop3A_438 : f32 to vector<16xf32>
        %parallel_loop3A_440 = arith.addf %parallel_loop3A_439, %parallel_loop3A_437 : vector<16xf32>
        %parallel_loop3A_441 = arith.mulf %parallel_loop3A_388, %parallel_loop3A_314 : vector<16xf32>
        %parallel_loop3A_442 = arith.constant 6.000000e-03 : f32
        %parallel_loop3A_443 = vector.broadcast %parallel_loop3A_442 : f32 to vector<16xf32>
        %parallel_loop3A_444 = arith.addf %parallel_loop3A_443, %parallel_loop3A_441 : vector<16xf32>
        %parallel_loop3A_445 = arith.mulf %parallel_loop3A_388, %parallel_loop3A_317 : vector<16xf32>
        %parallel_loop3A_446 = arith.constant 6.000000e-03 : f32
        %parallel_loop3A_447 = vector.broadcast %parallel_loop3A_446 : f32 to vector<16xf32>
        %parallel_loop3A_448 = arith.addf %parallel_loop3A_447, %parallel_loop3A_445 : vector<16xf32>
        %parallel_loop3A_449 = arith.mulf %parallel_loop3A_388, %parallel_loop3A_320 : vector<16xf32>
        %parallel_loop3A_450 = arith.constant 6.000000e-03 : f32
        %parallel_loop3A_451 = vector.broadcast %parallel_loop3A_450 : f32 to vector<16xf32>
        %parallel_loop3A_452 = arith.addf %parallel_loop3A_451, %parallel_loop3A_449 : vector<16xf32>
        %parallel_loop3A_453 = arith.constant -3.000000e+00 : f32
        %parallel_loop3A_454 = vector.broadcast %parallel_loop3A_453 : f32 to vector<16xf32>
        %parallel_loop3A_455 = arith.addf %parallel_loop3A_454, %parallel_loop3A_392 : vector<16xf32>
        %parallel_loop3A_456 = arith.constant -3.000000e+00 : f32
        %parallel_loop3A_457 = vector.broadcast %parallel_loop3A_456 : f32 to vector<16xf32>
        %parallel_loop3A_458 = arith.addf %parallel_loop3A_457, %parallel_loop3A_424 : vector<16xf32>
        %parallel_loop3A_459 = arith.addf %parallel_loop3A_455, %parallel_loop3A_396 : vector<16xf32>
        %parallel_loop3A_460 = arith.addf %parallel_loop3A_458, %parallel_loop3A_428 : vector<16xf32>
        %parallel_loop3A_461 = arith.addf %parallel_loop3A_459, %parallel_loop3A_400 : vector<16xf32>
        %parallel_loop3A_462 = arith.addf %parallel_loop3A_460, %parallel_loop3A_432 : vector<16xf32>
        %parallel_loop3A_463 = arith.addf %parallel_loop3A_461, %parallel_loop3A_404 : vector<16xf32>
        %parallel_loop3A_464 = arith.addf %parallel_loop3A_462, %parallel_loop3A_436 : vector<16xf32>
        %parallel_loop3A_465 = arith.addf %parallel_loop3A_463, %parallel_loop3A_408 : vector<16xf32>
        %parallel_loop3A_466 = arith.addf %parallel_loop3A_464, %parallel_loop3A_440 : vector<16xf32>
        %parallel_loop3A_467 = arith.addf %parallel_loop3A_465, %parallel_loop3A_412 : vector<16xf32>
        %parallel_loop3A_468 = arith.addf %parallel_loop3A_466, %parallel_loop3A_444 : vector<16xf32>
        %parallel_loop3A_469 = arith.addf %parallel_loop3A_467, %parallel_loop3A_416 : vector<16xf32>
        %parallel_loop3A_470 = arith.addf %parallel_loop3A_468, %parallel_loop3A_448 : vector<16xf32>
        %parallel_loop3A_471 = arith.cmpf oge, %parallel_loop3A_265, %parallel_loop3A_455 : vector<16xf32>
        %parallel_loop3A_472 = arith.cmpf oge, %parallel_loop3A_265, %parallel_loop3A_459 : vector<16xf32>
        %parallel_loop3A_473 = arith.cmpf oge, %parallel_loop3A_265, %parallel_loop3A_461 : vector<16xf32>
        %parallel_loop3A_474 = arith.cmpf oge, %parallel_loop3A_265, %parallel_loop3A_463 : vector<16xf32>
        %parallel_loop3A_475 = arith.cmpf oge, %parallel_loop3A_265, %parallel_loop3A_465 : vector<16xf32>
        %parallel_loop3A_476 = arith.cmpf oge, %parallel_loop3A_265, %parallel_loop3A_467 : vector<16xf32>
        %parallel_loop3A_477 = arith.cmpf oge, %parallel_loop3A_265, %parallel_loop3A_469 : vector<16xf32>
        %parallel_loop3A_478 = arith.select %parallel_loop3A_471, %parallel_loop3A_396, %parallel_loop3A_392 : vector<16xi1>, vector<16xf32>
        %parallel_loop3A_479 = arith.select %parallel_loop3A_473, %parallel_loop3A_404, %parallel_loop3A_400 : vector<16xi1>, vector<16xf32>
        %parallel_loop3A_480 = arith.select %parallel_loop3A_475, %parallel_loop3A_412, %parallel_loop3A_408 : vector<16xi1>, vector<16xf32>
        %parallel_loop3A_481 = arith.select %parallel_loop3A_477, %parallel_loop3A_420, %parallel_loop3A_416 : vector<16xi1>, vector<16xf32>
        %parallel_loop3A_482 = arith.select %parallel_loop3A_472, %parallel_loop3A_479, %parallel_loop3A_478 : vector<16xi1>, vector<16xf32>
        %parallel_loop3A_483 = arith.select %parallel_loop3A_476, %parallel_loop3A_481, %parallel_loop3A_480 : vector<16xi1>, vector<16xf32>
        %parallel_loop3A_484 = arith.select %parallel_loop3A_474, %parallel_loop3A_483, %parallel_loop3A_482 : vector<16xi1>, vector<16xf32>
        %parallel_loop3A_485 = arith.select %parallel_loop3A_471, %parallel_loop3A_428, %parallel_loop3A_424 : vector<16xi1>, vector<16xf32>
        %parallel_loop3A_486 = arith.select %parallel_loop3A_473, %parallel_loop3A_436, %parallel_loop3A_432 : vector<16xi1>, vector<16xf32>
        %parallel_loop3A_487 = arith.select %parallel_loop3A_475, %parallel_loop3A_444, %parallel_loop3A_440 : vector<16xi1>, vector<16xf32>
        %parallel_loop3A_488 = arith.select %parallel_loop3A_477, %parallel_loop3A_452, %parallel_loop3A_448 : vector<16xi1>, vector<16xf32>
        %parallel_loop3A_489 = arith.select %parallel_loop3A_472, %parallel_loop3A_486, %parallel_loop3A_485 : vector<16xi1>, vector<16xf32>
        %parallel_loop3A_490 = arith.select %parallel_loop3A_476, %parallel_loop3A_488, %parallel_loop3A_487 : vector<16xi1>, vector<16xf32>
        %parallel_loop3A_491 = arith.select %parallel_loop3A_474, %parallel_loop3A_490, %parallel_loop3A_489 : vector<16xi1>, vector<16xf32>
        %parallel_loop3A_492 = arith.constant -3.000000e+00 : f32
        %parallel_loop3A_493 = vector.broadcast %parallel_loop3A_492 : f32 to vector<16xf32>
        %parallel_loop3A_494 = arith.select %parallel_loop3A_471, %parallel_loop3A_455, %parallel_loop3A_493 : vector<16xi1>, vector<16xf32>
        %parallel_loop3A_495 = arith.select %parallel_loop3A_473, %parallel_loop3A_461, %parallel_loop3A_459 : vector<16xi1>, vector<16xf32>
        %parallel_loop3A_496 = arith.select %parallel_loop3A_475, %parallel_loop3A_465, %parallel_loop3A_463 : vector<16xi1>, vector<16xf32>
        %parallel_loop3A_497 = arith.select %parallel_loop3A_477, %parallel_loop3A_469, %parallel_loop3A_467 : vector<16xi1>, vector<16xf32>
        %parallel_loop3A_498 = arith.select %parallel_loop3A_472, %parallel_loop3A_495, %parallel_loop3A_494 : vector<16xi1>, vector<16xf32>
        %parallel_loop3A_499 = arith.select %parallel_loop3A_476, %parallel_loop3A_497, %parallel_loop3A_496 : vector<16xi1>, vector<16xf32>
        %parallel_loop3A_500 = arith.select %parallel_loop3A_474, %parallel_loop3A_499, %parallel_loop3A_498 : vector<16xi1>, vector<16xf32>
        %parallel_loop3A_501 = arith.constant -3.000000e+00 : f32
        %parallel_loop3A_502 = vector.broadcast %parallel_loop3A_501 : f32 to vector<16xf32>
        %parallel_loop3A_503 = arith.select %parallel_loop3A_471, %parallel_loop3A_458, %parallel_loop3A_502 : vector<16xi1>, vector<16xf32>
        %parallel_loop3A_504 = arith.select %parallel_loop3A_473, %parallel_loop3A_462, %parallel_loop3A_460 : vector<16xi1>, vector<16xf32>
        %parallel_loop3A_505 = arith.select %parallel_loop3A_475, %parallel_loop3A_466, %parallel_loop3A_464 : vector<16xi1>, vector<16xf32>
        %parallel_loop3A_506 = arith.select %parallel_loop3A_477, %parallel_loop3A_470, %parallel_loop3A_468 : vector<16xi1>, vector<16xf32>
        %parallel_loop3A_507 = arith.select %parallel_loop3A_472, %parallel_loop3A_504, %parallel_loop3A_503 : vector<16xi1>, vector<16xf32>
        %parallel_loop3A_508 = arith.select %parallel_loop3A_476, %parallel_loop3A_506, %parallel_loop3A_505 : vector<16xi1>, vector<16xf32>
        %parallel_loop3A_509 = arith.select %parallel_loop3A_474, %parallel_loop3A_508, %parallel_loop3A_507 : vector<16xi1>, vector<16xf32>
        %parallel_loop3A_510 = arith.select %parallel_loop3A_471, %parallel_loop3A_324, %parallel_loop3A_322 : vector<16xi1>, vector<16xf32>
        %parallel_loop3A_511 = arith.select %parallel_loop3A_473, %parallel_loop3A_328, %parallel_loop3A_326 : vector<16xi1>, vector<16xf32>
        %parallel_loop3A_512 = arith.select %parallel_loop3A_475, %parallel_loop3A_332, %parallel_loop3A_330 : vector<16xi1>, vector<16xf32>
        %parallel_loop3A_513 = arith.select %parallel_loop3A_477, %parallel_loop3A_336, %parallel_loop3A_334 : vector<16xi1>, vector<16xf32>
        %parallel_loop3A_514 = arith.select %parallel_loop3A_472, %parallel_loop3A_511, %parallel_loop3A_510 : vector<16xi1>, vector<16xf32>
        %parallel_loop3A_515 = arith.select %parallel_loop3A_476, %parallel_loop3A_513, %parallel_loop3A_512 : vector<16xi1>, vector<16xf32>
        %parallel_loop3A_516 = arith.select %parallel_loop3A_474, %parallel_loop3A_515, %parallel_loop3A_514 : vector<16xi1>, vector<16xf32>
        %parallel_loop3A_517 = math.absf %parallel_loop3A_516 : vector<16xf32>
        %parallel_loop3A_518 = arith.constant 0.000000e+00 : f32
        %parallel_loop3A_519 = vector.broadcast %parallel_loop3A_518 : f32 to vector<16xf32>
        %parallel_loop3A_520 = arith.subf %parallel_loop3A_519, %parallel_loop3A_517 : vector<16xf32>
        %parallel_loop3A_521 = math.exp %parallel_loop3A_520 : vector<16xf32>
        %parallel_loop3A_522 = arith.constant -8.466320e-03 : f32
        %parallel_loop3A_523 = vector.broadcast %parallel_loop3A_522 : f32 to vector<16xf32>
        %parallel_loop3A_524 = arith.mulf %parallel_loop3A_523, %parallel_loop3A_521 : vector<16xf32>
        %parallel_loop3A_525 = arith.constant 0.0436588489 : f32
        %parallel_loop3A_526 = vector.broadcast %parallel_loop3A_525 : f32 to vector<16xf32>
        %parallel_loop3A_527 = arith.addf %parallel_loop3A_524, %parallel_loop3A_526 : vector<16xf32>
        %parallel_loop3A_528 = arith.mulf %parallel_loop3A_527, %parallel_loop3A_521 : vector<16xf32>
        %parallel_loop3A_529 = arith.constant -0.1067985 : f32
        %parallel_loop3A_530 = vector.broadcast %parallel_loop3A_529 : f32 to vector<16xf32>
        %parallel_loop3A_531 = arith.addf %parallel_loop3A_528, %parallel_loop3A_530 : vector<16xf32>
        %parallel_loop3A_532 = arith.mulf %parallel_loop3A_531, %parallel_loop3A_521 : vector<16xf32>
        %parallel_loop3A_533 = arith.constant 0.176597908 : f32
        %parallel_loop3A_534 = vector.broadcast %parallel_loop3A_533 : f32 to vector<16xf32>
        %parallel_loop3A_535 = arith.addf %parallel_loop3A_532, %parallel_loop3A_534 : vector<16xf32>
        %parallel_loop3A_536 = arith.mulf %parallel_loop3A_535, %parallel_loop3A_521 : vector<16xf32>
        %parallel_loop3A_537 = arith.constant -0.244533524 : f32
        %parallel_loop3A_538 = vector.broadcast %parallel_loop3A_537 : f32 to vector<16xf32>
        %parallel_loop3A_539 = arith.addf %parallel_loop3A_536, %parallel_loop3A_538 : vector<16xf32>
        %parallel_loop3A_540 = arith.mulf %parallel_loop3A_539, %parallel_loop3A_521 : vector<16xf32>
        %parallel_loop3A_541 = arith.constant 0.332652479 : f32
        %parallel_loop3A_542 = vector.broadcast %parallel_loop3A_541 : f32 to vector<16xf32>
        %parallel_loop3A_543 = arith.addf %parallel_loop3A_540, %parallel_loop3A_542 : vector<16xf32>
        %parallel_loop3A_544 = arith.mulf %parallel_loop3A_543, %parallel_loop3A_521 : vector<16xf32>
        %parallel_loop3A_545 = arith.constant -0.499963552 : f32
        %parallel_loop3A_546 = vector.broadcast %parallel_loop3A_545 : f32 to vector<16xf32>
        %parallel_loop3A_547 = arith.addf %parallel_loop3A_544, %parallel_loop3A_546 : vector<16xf32>
        %parallel_loop3A_548 = arith.mulf %parallel_loop3A_547, %parallel_loop3A_521 : vector<16xf32>
        %parallel_loop3A_549 = arith.constant 0.999999523 : f32
        %parallel_loop3A_550 = vector.broadcast %parallel_loop3A_549 : f32 to vector<16xf32>
        %parallel_loop3A_551 = arith.addf %parallel_loop3A_548, %parallel_loop3A_550 : vector<16xf32>
        %parallel_loop3A_552 = arith.constant 0.000000e+00 : f32
        %parallel_loop3A_553 = vector.broadcast %parallel_loop3A_552 : f32 to vector<16xf32>
        %parallel_loop3A_554 = arith.maximumf %parallel_loop3A_516, %parallel_loop3A_553 : vector<16xf32>
        %parallel_loop3A_555 = arith.mulf %parallel_loop3A_521, %parallel_loop3A_551 : vector<16xf32>
        %parallel_loop3A_556 = arith.addf %parallel_loop3A_554, %parallel_loop3A_555 : vector<16xf32>
        %parallel_loop3A_557 = arith.constant 1.000000e-03 : f32
        %parallel_loop3A_558 = vector.broadcast %parallel_loop3A_557 : f32 to vector<16xf32>
        %parallel_loop3A_559 = arith.addf %parallel_loop3A_558, %parallel_loop3A_556 : vector<16xf32>
        %parallel_loop3A_560 = arith.select %parallel_loop3A_471, %parallel_loop3A_326, %parallel_loop3A_324 : vector<16xi1>, vector<16xf32>
        %parallel_loop3A_561 = arith.select %parallel_loop3A_473, %parallel_loop3A_330, %parallel_loop3A_328 : vector<16xi1>, vector<16xf32>
        %parallel_loop3A_562 = arith.select %parallel_loop3A_475, %parallel_loop3A_334, %parallel_loop3A_332 : vector<16xi1>, vector<16xf32>
        %parallel_loop3A_563 = arith.select %parallel_loop3A_477, %parallel_loop3A_338, %parallel_loop3A_336 : vector<16xi1>, vector<16xf32>
        %parallel_loop3A_564 = arith.select %parallel_loop3A_472, %parallel_loop3A_561, %parallel_loop3A_560 : vector<16xi1>, vector<16xf32>
        %parallel_loop3A_565 = arith.select %parallel_loop3A_476, %parallel_loop3A_563, %parallel_loop3A_562 : vector<16xi1>, vector<16xf32>
        %parallel_loop3A_566 = arith.select %parallel_loop3A_474, %parallel_loop3A_565, %parallel_loop3A_564 : vector<16xi1>, vector<16xf32>
        %parallel_loop3A_567 = math.absf %parallel_loop3A_566 : vector<16xf32>
        %parallel_loop3A_568 = arith.constant 0.000000e+00 : f32
        %parallel_loop3A_569 = vector.broadcast %parallel_loop3A_568 : f32 to vector<16xf32>
        %parallel_loop3A_570 = arith.subf %parallel_loop3A_569, %parallel_loop3A_567 : vector<16xf32>
        %parallel_loop3A_571 = math.exp %parallel_loop3A_570 : vector<16xf32>
        %parallel_loop3A_572 = arith.constant -8.466320e-03 : f32
        %parallel_loop3A_573 = vector.broadcast %parallel_loop3A_572 : f32 to vector<16xf32>
        %parallel_loop3A_574 = arith.mulf %parallel_loop3A_573, %parallel_loop3A_571 : vector<16xf32>
        %parallel_loop3A_575 = arith.constant 0.0436588489 : f32
        %parallel_loop3A_576 = vector.broadcast %parallel_loop3A_575 : f32 to vector<16xf32>
        %parallel_loop3A_577 = arith.addf %parallel_loop3A_574, %parallel_loop3A_576 : vector<16xf32>
        %parallel_loop3A_578 = arith.mulf %parallel_loop3A_577, %parallel_loop3A_571 : vector<16xf32>
        %parallel_loop3A_579 = arith.constant -0.1067985 : f32
        %parallel_loop3A_580 = vector.broadcast %parallel_loop3A_579 : f32 to vector<16xf32>
        %parallel_loop3A_581 = arith.addf %parallel_loop3A_578, %parallel_loop3A_580 : vector<16xf32>
        %parallel_loop3A_582 = arith.mulf %parallel_loop3A_581, %parallel_loop3A_571 : vector<16xf32>
        %parallel_loop3A_583 = arith.constant 0.176597908 : f32
        %parallel_loop3A_584 = vector.broadcast %parallel_loop3A_583 : f32 to vector<16xf32>
        %parallel_loop3A_585 = arith.addf %parallel_loop3A_582, %parallel_loop3A_584 : vector<16xf32>
        %parallel_loop3A_586 = arith.mulf %parallel_loop3A_585, %parallel_loop3A_571 : vector<16xf32>
        %parallel_loop3A_587 = arith.constant -0.244533524 : f32
        %parallel_loop3A_588 = vector.broadcast %parallel_loop3A_587 : f32 to vector<16xf32>
        %parallel_loop3A_589 = arith.addf %parallel_loop3A_586, %parallel_loop3A_588 : vector<16xf32>
        %parallel_loop3A_590 = arith.mulf %parallel_loop3A_589, %parallel_loop3A_571 : vector<16xf32>
        %parallel_loop3A_591 = arith.constant 0.332652479 : f32
        %parallel_loop3A_592 = vector.broadcast %parallel_loop3A_591 : f32 to vector<16xf32>
        %parallel_loop3A_593 = arith.addf %parallel_loop3A_590, %parallel_loop3A_592 : vector<16xf32>
        %parallel_loop3A_594 = arith.mulf %parallel_loop3A_593, %parallel_loop3A_571 : vector<16xf32>
        %parallel_loop3A_595 = arith.constant -0.499963552 : f32
        %parallel_loop3A_596 = vector.broadcast %parallel_loop3A_595 : f32 to vector<16xf32>
        %parallel_loop3A_597 = arith.addf %parallel_loop3A_594, %parallel_loop3A_596 : vector<16xf32>
        %parallel_loop3A_598 = arith.mulf %parallel_loop3A_597, %parallel_loop3A_571 : vector<16xf32>
        %parallel_loop3A_599 = arith.constant 0.999999523 : f32
        %parallel_loop3A_600 = vector.broadcast %parallel_loop3A_599 : f32 to vector<16xf32>
        %parallel_loop3A_601 = arith.addf %parallel_loop3A_598, %parallel_loop3A_600 : vector<16xf32>
        %parallel_loop3A_602 = arith.constant 0.000000e+00 : f32
        %parallel_loop3A_603 = vector.broadcast %parallel_loop3A_602 : f32 to vector<16xf32>
        %parallel_loop3A_604 = arith.maximumf %parallel_loop3A_566, %parallel_loop3A_603 : vector<16xf32>
        %parallel_loop3A_605 = arith.mulf %parallel_loop3A_571, %parallel_loop3A_601 : vector<16xf32>
        %parallel_loop3A_606 = arith.addf %parallel_loop3A_604, %parallel_loop3A_605 : vector<16xf32>
        %parallel_loop3A_607 = arith.constant 1.000000e-03 : f32
        %parallel_loop3A_608 = vector.broadcast %parallel_loop3A_607 : f32 to vector<16xf32>
        %parallel_loop3A_609 = arith.addf %parallel_loop3A_608, %parallel_loop3A_606 : vector<16xf32>
        %parallel_loop3A_610 = vector.bitcast %parallel_loop3A_484 : vector<16xf32> to vector<16xi32>
        %parallel_loop3A_611 = arith.constant 2129859011 : i32
        %parallel_loop3A_612 = vector.broadcast %parallel_loop3A_611 : i32 to vector<16xi32>
        %parallel_loop3A_613 = arith.subi %parallel_loop3A_612, %parallel_loop3A_610 : vector<16xi32>
        %parallel_loop3A_614 = vector.bitcast %parallel_loop3A_613 : vector<16xi32> to vector<16xf32>
        %parallel_loop3A_615 = arith.mulf %parallel_loop3A_484, %parallel_loop3A_614 : vector<16xf32>
        %parallel_loop3A_616 = arith.constant 2.000000e+00 : f32
        %parallel_loop3A_617 = vector.broadcast %parallel_loop3A_616 : f32 to vector<16xf32>
        %parallel_loop3A_618 = arith.subf %parallel_loop3A_617, %parallel_loop3A_615 : vector<16xf32>
        %parallel_loop3A_619 = arith.mulf %parallel_loop3A_614, %parallel_loop3A_618 : vector<16xf32>
        %parallel_loop3A_620 = arith.mulf %parallel_loop3A_484, %parallel_loop3A_619 : vector<16xf32>
        %parallel_loop3A_621 = arith.constant 2.000000e+00 : f32
        %parallel_loop3A_622 = vector.broadcast %parallel_loop3A_621 : f32 to vector<16xf32>
        %parallel_loop3A_623 = arith.subf %parallel_loop3A_622, %parallel_loop3A_620 : vector<16xf32>
        %parallel_loop3A_624 = arith.mulf %parallel_loop3A_619, %parallel_loop3A_623 : vector<16xf32>
        %parallel_loop3A_625 = arith.subf %parallel_loop3A_265, %parallel_loop3A_500 : vector<16xf32>
        %parallel_loop3A_626 = arith.mulf %parallel_loop3A_625, %parallel_loop3A_624 : vector<16xf32>
        %parallel_loop3A_627 = arith.mulf %parallel_loop3A_491, %parallel_loop3A_624 : vector<16xf32>
        %parallel_loop3A_628 = arith.constant 1.000000e+00 : f32
        %parallel_loop3A_629 = vector.broadcast %parallel_loop3A_628 : f32 to vector<16xf32>
        %parallel_loop3A_630 = arith.subf %parallel_loop3A_629, %parallel_loop3A_626 : vector<16xf32>
        %parallel_loop3A_631 = arith.mulf %parallel_loop3A_626, %parallel_loop3A_626 : vector<16xf32>
        %parallel_loop3A_632 = arith.mulf %parallel_loop3A_626, %parallel_loop3A_630 : vector<16xf32>
        %parallel_loop3A_633 = arith.mulf %parallel_loop3A_627, %parallel_loop3A_631 : vector<16xf32>
        %parallel_loop3A_634 = arith.mulf %parallel_loop3A_559, %parallel_loop3A_632 : vector<16xf32>
        %parallel_loop3A_635 = arith.addf %parallel_loop3A_633, %parallel_loop3A_634 : vector<16xf32>
        %parallel_loop3A_636 = arith.mulf %parallel_loop3A_491, %parallel_loop3A_635 : vector<16xf32>
        %parallel_loop3A_637 = arith.addf %parallel_loop3A_609, %parallel_loop3A_559 : vector<16xf32>
        %parallel_loop3A_638 = arith.constant 2.000000e+00 : f32
        %parallel_loop3A_639 = vector.broadcast %parallel_loop3A_638 : f32 to vector<16xf32>
        %parallel_loop3A_640 = arith.mulf %parallel_loop3A_639, %parallel_loop3A_627 : vector<16xf32>
        %parallel_loop3A_641 = arith.subf %parallel_loop3A_637, %parallel_loop3A_640 : vector<16xf32>
        %parallel_loop3A_642 = arith.mulf %parallel_loop3A_641, %parallel_loop3A_632 : vector<16xf32>
        %parallel_loop3A_643 = arith.addf %parallel_loop3A_627, %parallel_loop3A_642 : vector<16xf32>
        %parallel_loop3A_644 = vector.bitcast %parallel_loop3A_643 : vector<16xf32> to vector<16xi32>
        %parallel_loop3A_645 = arith.constant 2129859011 : i32
        %parallel_loop3A_646 = vector.broadcast %parallel_loop3A_645 : i32 to vector<16xi32>
        %parallel_loop3A_647 = arith.subi %parallel_loop3A_646, %parallel_loop3A_644 : vector<16xi32>
        %parallel_loop3A_648 = vector.bitcast %parallel_loop3A_647 : vector<16xi32> to vector<16xf32>
        %parallel_loop3A_649 = arith.mulf %parallel_loop3A_643, %parallel_loop3A_648 : vector<16xf32>
        %parallel_loop3A_650 = arith.constant 2.000000e+00 : f32
        %parallel_loop3A_651 = vector.broadcast %parallel_loop3A_650 : f32 to vector<16xf32>
        %parallel_loop3A_652 = arith.subf %parallel_loop3A_651, %parallel_loop3A_649 : vector<16xf32>
        %parallel_loop3A_653 = arith.mulf %parallel_loop3A_648, %parallel_loop3A_652 : vector<16xf32>
        %parallel_loop3A_654 = arith.mulf %parallel_loop3A_643, %parallel_loop3A_653 : vector<16xf32>
        %parallel_loop3A_655 = arith.constant 2.000000e+00 : f32
        %parallel_loop3A_656 = vector.broadcast %parallel_loop3A_655 : f32 to vector<16xf32>
        %parallel_loop3A_657 = arith.subf %parallel_loop3A_656, %parallel_loop3A_654 : vector<16xf32>
        %parallel_loop3A_658 = arith.mulf %parallel_loop3A_653, %parallel_loop3A_657 : vector<16xf32>
        %parallel_loop3A_659 = arith.mulf %parallel_loop3A_636, %parallel_loop3A_658 : vector<16xf32>
        %parallel_loop3A_660 = arith.addf %parallel_loop3A_509, %parallel_loop3A_659 : vector<16xf32>
        %parallel_loop3A_661 = arith.mulf %parallel_loop3A_627, %parallel_loop3A_627 : vector<16xf32>
        %parallel_loop3A_662 = arith.mulf %parallel_loop3A_609, %parallel_loop3A_631 : vector<16xf32>
        %parallel_loop3A_663 = arith.constant 2.000000e+00 : f32
        %parallel_loop3A_664 = vector.broadcast %parallel_loop3A_663 : f32 to vector<16xf32>
        %parallel_loop3A_665 = arith.mulf %parallel_loop3A_664, %parallel_loop3A_627 : vector<16xf32>
        %parallel_loop3A_666 = arith.mulf %parallel_loop3A_665, %parallel_loop3A_632 : vector<16xf32>
        %parallel_loop3A_667 = arith.addf %parallel_loop3A_662, %parallel_loop3A_666 : vector<16xf32>
        %parallel_loop3A_668 = arith.mulf %parallel_loop3A_630, %parallel_loop3A_630 : vector<16xf32>
        %parallel_loop3A_669 = arith.mulf %parallel_loop3A_559, %parallel_loop3A_668 : vector<16xf32>
        %parallel_loop3A_670 = arith.addf %parallel_loop3A_667, %parallel_loop3A_669 : vector<16xf32>
        %parallel_loop3A_671 = arith.mulf %parallel_loop3A_661, %parallel_loop3A_670 : vector<16xf32>
        %parallel_loop3A_672 = arith.mulf %parallel_loop3A_658, %parallel_loop3A_658 : vector<16xf32>
        %parallel_loop3A_673 = arith.mulf %parallel_loop3A_671, %parallel_loop3A_672 : vector<16xf32>
        %parallel_loop3A_674 = vector.bitcast %parallel_loop3A_673 : vector<16xf32> to vector<16xi32>
        %parallel_loop3A_675 = arith.constant 23 : i32
        %parallel_loop3A_676 = vector.broadcast %parallel_loop3A_675 : i32 to vector<16xi32>
        %parallel_loop3A_677 = arith.shrui %parallel_loop3A_674, %parallel_loop3A_676 : vector<16xi32>
        %parallel_loop3A_678 = arith.constant 255 : i32
        %parallel_loop3A_679 = vector.broadcast %parallel_loop3A_678 : i32 to vector<16xi32>
        %parallel_loop3A_680 = arith.andi %parallel_loop3A_677, %parallel_loop3A_679 : vector<16xi32>
        %parallel_loop3A_681 = arith.constant 8388607 : i32
        %parallel_loop3A_682 = vector.broadcast %parallel_loop3A_681 : i32 to vector<16xi32>
        %parallel_loop3A_683 = arith.andi %parallel_loop3A_674, %parallel_loop3A_682 : vector<16xi32>
        %parallel_loop3A_684 = arith.constant 1065353216 : i32
        %parallel_loop3A_685 = vector.broadcast %parallel_loop3A_684 : i32 to vector<16xi32>
        %parallel_loop3A_686 = arith.ori %parallel_loop3A_683, %parallel_loop3A_685 : vector<16xi32>
        %parallel_loop3A_687 = vector.bitcast %parallel_loop3A_686 : vector<16xi32> to vector<16xf32>
        %parallel_loop3A_688 = arith.constant 1.41421354 : f32
        %parallel_loop3A_689 = vector.broadcast %parallel_loop3A_688 : f32 to vector<16xf32>
        %parallel_loop3A_690 = arith.cmpf ogt, %parallel_loop3A_687, %parallel_loop3A_689 : vector<16xf32>
        %parallel_loop3A_691 = arith.constant 5.000000e-01 : f32
        %parallel_loop3A_692 = vector.broadcast %parallel_loop3A_691 : f32 to vector<16xf32>
        %parallel_loop3A_693 = arith.mulf %parallel_loop3A_687, %parallel_loop3A_692 : vector<16xf32>
        %parallel_loop3A_694 = arith.select %parallel_loop3A_690, %parallel_loop3A_693, %parallel_loop3A_687 : vector<16xi1>, vector<16xf32>
        %parallel_loop3A_695 = arith.constant 126 : i32
        %parallel_loop3A_696 = vector.broadcast %parallel_loop3A_695 : i32 to vector<16xi32>
        %parallel_loop3A_697 = arith.subi %parallel_loop3A_680, %parallel_loop3A_696 : vector<16xi32>
        %parallel_loop3A_698 = arith.constant 127 : i32
        %parallel_loop3A_699 = vector.broadcast %parallel_loop3A_698 : i32 to vector<16xi32>
        %parallel_loop3A_700 = arith.subi %parallel_loop3A_680, %parallel_loop3A_699 : vector<16xi32>
        %parallel_loop3A_701 = arith.select %parallel_loop3A_690, %parallel_loop3A_697, %parallel_loop3A_700 : vector<16xi1>, vector<16xi32>
        %parallel_loop3A_702 = arith.sitofp %parallel_loop3A_701 : vector<16xi32> to vector<16xf32>
        %parallel_loop3A_703 = arith.constant 1.000000e+00 : f32
        %parallel_loop3A_704 = vector.broadcast %parallel_loop3A_703 : f32 to vector<16xf32>
        %parallel_loop3A_705 = arith.subf %parallel_loop3A_694, %parallel_loop3A_704 : vector<16xf32>
        %parallel_loop3A_706 = arith.constant 0.117845103 : f32
        %parallel_loop3A_707 = vector.broadcast %parallel_loop3A_706 : f32 to vector<16xf32>
        %parallel_loop3A_708 = arith.mulf %parallel_loop3A_707, %parallel_loop3A_705 : vector<16xf32>
        %parallel_loop3A_709 = arith.constant -0.184559479 : f32
        %parallel_loop3A_710 = vector.broadcast %parallel_loop3A_709 : f32 to vector<16xf32>
        %parallel_loop3A_711 = arith.addf %parallel_loop3A_708, %parallel_loop3A_710 : vector<16xf32>
        %parallel_loop3A_712 = arith.mulf %parallel_loop3A_711, %parallel_loop3A_705 : vector<16xf32>
        %parallel_loop3A_713 = arith.constant 0.204554379 : f32
        %parallel_loop3A_714 = vector.broadcast %parallel_loop3A_713 : f32 to vector<16xf32>
        %parallel_loop3A_715 = arith.addf %parallel_loop3A_712, %parallel_loop3A_714 : vector<16xf32>
        %parallel_loop3A_716 = arith.mulf %parallel_loop3A_715, %parallel_loop3A_705 : vector<16xf32>
        %parallel_loop3A_717 = arith.constant -0.249294952 : f32
        %parallel_loop3A_718 = vector.broadcast %parallel_loop3A_717 : f32 to vector<16xf32>
        %parallel_loop3A_719 = arith.addf %parallel_loop3A_716, %parallel_loop3A_718 : vector<16xf32>
        %parallel_loop3A_720 = arith.mulf %parallel_loop3A_719, %parallel_loop3A_705 : vector<16xf32>
        %parallel_loop3A_721 = arith.constant 0.333179325 : f32
        %parallel_loop3A_722 = vector.broadcast %parallel_loop3A_721 : f32 to vector<16xf32>
        %parallel_loop3A_723 = arith.addf %parallel_loop3A_720, %parallel_loop3A_722 : vector<16xf32>
        %parallel_loop3A_724 = arith.mulf %parallel_loop3A_723, %parallel_loop3A_705 : vector<16xf32>
        %parallel_loop3A_725 = arith.constant -0.500007331 : f32
        %parallel_loop3A_726 = vector.broadcast %parallel_loop3A_725 : f32 to vector<16xf32>
        %parallel_loop3A_727 = arith.addf %parallel_loop3A_724, %parallel_loop3A_726 : vector<16xf32>
        %parallel_loop3A_728 = arith.mulf %parallel_loop3A_727, %parallel_loop3A_705 : vector<16xf32>
        %parallel_loop3A_729 = arith.constant 1.00000072 : f32
        %parallel_loop3A_730 = vector.broadcast %parallel_loop3A_729 : f32 to vector<16xf32>
        %parallel_loop3A_731 = arith.addf %parallel_loop3A_728, %parallel_loop3A_730 : vector<16xf32>
        %parallel_loop3A_732 = arith.constant 0.693147182 : f32
        %parallel_loop3A_733 = vector.broadcast %parallel_loop3A_732 : f32 to vector<16xf32>
        %parallel_loop3A_734 = arith.mulf %parallel_loop3A_702, %parallel_loop3A_733 : vector<16xf32>
        %parallel_loop3A_735 = arith.mulf %parallel_loop3A_705, %parallel_loop3A_731 : vector<16xf32>
        %parallel_loop3A_736 = arith.addf %parallel_loop3A_734, %parallel_loop3A_735 : vector<16xf32>
        %parallel_loop3A_737 = arith.select %parallel_loop3A_272, %parallel_loop3A_660, %parallel_loop3A_259 : vector<16xi1>, vector<16xf32>
        %parallel_loop3A_738 = arith.constant 0.000000e+00 : f32
        %parallel_loop3A_739 = vector.broadcast %parallel_loop3A_738 : f32 to vector<16xf32>
        %parallel_loop3A_740 = arith.select %parallel_loop3A_272, %parallel_loop3A_736, %parallel_loop3A_739 : vector<16xi1>, vector<16xf32>
        %parallel_loop3A_741 = arith.constant 16 : i32
        %parallel_loop3A_742 = arith.muli %parallel_loop3A_253, %parallel_loop3A_741 : i32
        %parallel_loop3A_743 = arith.index_cast %parallel_loop3A_742 : i32 to index
        %parallel_loop3A_744 = tpu.vector_load %arg11[%parallel_loop3A_743] {strides = array<i32>} : memref<2048xf32, #tpu.memory_space<vmem>>, vector<16xf32>,
        tpu.vector_store %arg11[%parallel_loop3A_743], %parallel_loop3A_737 {strides = array<i32>} : memref<2048xf32, #tpu.memory_space<vmem>>, vector<16xf32>,
        %parallel_loop3A_745 = arith.constant 16 : i32
        %parallel_loop3A_746 = arith.muli %parallel_loop3A_253, %parallel_loop3A_745 : i32
        %parallel_loop3A_747 = arith.index_cast %parallel_loop3A_746 : i32 to index
        %parallel_loop3A_748 = tpu.vector_load %arg13[%parallel_loop3A_747] {strides = array<i32>} : memref<2048xf32, #tpu.memory_space<vmem>>, vector<16xf32>,
        tpu.vector_store %arg13[%parallel_loop3A_747], %parallel_loop3A_740 {strides = array<i32>} : memref<2048xf32, #tpu.memory_space<vmem>>, vector<16xf32>,
      } {sc.loop_unroll_factor = 2 : i64, sc.parallel_access}
      %mul3A_238 = arith.constant 2048 : i32
      %mul3A_239 = arith.muli %add3A_221, %mul3A_238 : i32
      %add3A_240 = arith.addi %mul3A_2, %mul3A_239 : i32
      %multiple_of3A_241 = tpu.assume_multiple %add3A_240, 64 : i32
      %dma_start3A_242 = tpu.memref_slice %arg4[%multiple_of3A_241] : memref<1048576xf32, #tpu.memory_space<hbm>> -> memref<2048xf32, #tpu.memory_space<hbm>>
      %dma_start3A_243 = tpu.memref_slice %arg4[%multiple_of3A_241] : memref<1048576xf32, #tpu.memory_space<hbm>> -> memref<2048xf32, #tpu.memory_space<hbm>>
      tpu.enqueue_dma source(%arg11 : memref<2048xf32, #tpu.memory_space<vmem>>) target(%dma_start3A_243 : memref<2048xf32, #tpu.memory_space<hbm>>) target_semaphore(%arg17 : memref<!tpu.dma_semaphore, #tpu.memory_space<semaphore_mem>>)
      %dma_start3A_244 = tpu.memref_slice %arg5[%multiple_of3A_241] : memref<1048576xf32, #tpu.memory_space<hbm>> -> memref<2048xf32, #tpu.memory_space<hbm>>
      %dma_start3A_245 = tpu.memref_slice %arg5[%multiple_of3A_241] : memref<1048576xf32, #tpu.memory_space<hbm>> -> memref<2048xf32, #tpu.memory_space<hbm>>
      tpu.enqueue_dma source(%arg13 : memref<2048xf32, #tpu.memory_space<vmem>>) target(%dma_start3A_245 : memref<2048xf32, #tpu.memory_space<hbm>>) target_semaphore(%arg17 : memref<!tpu.dma_semaphore, #tpu.memory_space<semaphore_mem>>)
      %add3A_246 = arith.constant 2 : i32
      %add3A_247 = arith.addi %add3A_221, %add3A_246 : i32
      %lt3A_248 = arith.constant 16 : i32
      %lt3A_249 = arith.cmpi slt, %add3A_247, %lt3A_248 : i32
      %convert_element_type3A_250 = arith.extui %lt3A_249 : i1 to i32
      %cond3A_251 = arith.constant 0 : i32
      %cond3A_252 = arith.cmpi ne, %convert_element_type3A_250, %cond3A_251 : i32
      scf.if %cond3A_252 {
        %add3A_253 = arith.constant 2 : i32
        %add3A_254 = arith.addi %add3A_221, %add3A_253 : i32
        %mul3A_255 = arith.constant 2048 : i32
        %mul3A_256 = arith.muli %add3A_254, %mul3A_255 : i32
        %add3A_257 = arith.addi %mul3A_2, %mul3A_256 : i32
        %mul3A_258 = arith.constant 25 : i32
        %mul3A_259 = arith.muli %add3A_257, %mul3A_258 : i32
        %add3A_260 = arith.constant 0 : i32
        %add3A_261 = arith.addi %mul3A_259, %add3A_260 : i32
        %dma_start3A_262 = arith.constant 0 : i32
        %dma_start3A_263 = tpu.memref_slice %arg7[%dma_start3A_262] : memref<51200xf32, #tpu.memory_space<vmem>> -> memref<12800xf32, #tpu.memory_space<vmem>>
        %dma_start3A_264 = tpu.memref_slice %arg3[%add3A_261] : memref<26214400xf32, #tpu.memory_space<hbm>> -> memref<12800xf32, #tpu.memory_space<hbm>>
        %dma_start3A_265 = arith.constant 0 : i32
        %dma_start3A_266 = tpu.memref_slice %arg7[%dma_start3A_265] : memref<51200xf32, #tpu.memory_space<vmem>> -> memref<12800xf32, #tpu.memory_space<vmem>>
        %dma_start3A_267 = tpu.memref_slice %arg3[%add3A_261] : memref<26214400xf32, #tpu.memory_space<hbm>> -> memref<12800xf32, #tpu.memory_space<hbm>>
        tpu.enqueue_dma source(%dma_start3A_267 : memref<12800xf32, #tpu.memory_space<hbm>>) target(%dma_start3A_266 : memref<12800xf32, #tpu.memory_space<vmem>>) target_semaphore(%arg15 : memref<!tpu.dma_semaphore, #tpu.memory_space<semaphore_mem>>)
        %mul3A_268 = arith.constant 25 : i32
        %mul3A_269 = arith.muli %add3A_257, %mul3A_268 : i32
        %add3A_270 = arith.constant 12800 : i32
        %add3A_271 = arith.addi %mul3A_269, %add3A_270 : i32
        %dma_start3A_272 = arith.constant 12800 : i32
        %dma_start3A_273 = tpu.memref_slice %arg7[%dma_start3A_272] : memref<51200xf32, #tpu.memory_space<vmem>> -> memref<12800xf32, #tpu.memory_space<vmem>>
        %dma_start3A_274 = tpu.memref_slice %arg3[%add3A_271] : memref<26214400xf32, #tpu.memory_space<hbm>> -> memref<12800xf32, #tpu.memory_space<hbm>>
        %dma_start3A_275 = arith.constant 12800 : i32
        %dma_start3A_276 = tpu.memref_slice %arg7[%dma_start3A_275] : memref<51200xf32, #tpu.memory_space<vmem>> -> memref<12800xf32, #tpu.memory_space<vmem>>
        %dma_start3A_277 = tpu.memref_slice %arg3[%add3A_271] : memref<26214400xf32, #tpu.memory_space<hbm>> -> memref<12800xf32, #tpu.memory_space<hbm>>
        tpu.enqueue_dma source(%dma_start3A_277 : memref<12800xf32, #tpu.memory_space<hbm>>) target(%dma_start3A_276 : memref<12800xf32, #tpu.memory_space<vmem>>) target_semaphore(%arg15 : memref<!tpu.dma_semaphore, #tpu.memory_space<semaphore_mem>>)
        %mul3A_278 = arith.constant 25 : i32
        %mul3A_279 = arith.muli %add3A_257, %mul3A_278 : i32
        %add3A_280 = arith.constant 25600 : i32
        %add3A_281 = arith.addi %mul3A_279, %add3A_280 : i32
        %dma_start3A_282 = arith.constant 25600 : i32
        %dma_start3A_283 = tpu.memref_slice %arg7[%dma_start3A_282] : memref<51200xf32, #tpu.memory_space<vmem>> -> memref<12800xf32, #tpu.memory_space<vmem>>
        %dma_start3A_284 = tpu.memref_slice %arg3[%add3A_281] : memref<26214400xf32, #tpu.memory_space<hbm>> -> memref<12800xf32, #tpu.memory_space<hbm>>
        %dma_start3A_285 = arith.constant 25600 : i32
        %dma_start3A_286 = tpu.memref_slice %arg7[%dma_start3A_285] : memref<51200xf32, #tpu.memory_space<vmem>> -> memref<12800xf32, #tpu.memory_space<vmem>>
        %dma_start3A_287 = tpu.memref_slice %arg3[%add3A_281] : memref<26214400xf32, #tpu.memory_space<hbm>> -> memref<12800xf32, #tpu.memory_space<hbm>>
        tpu.enqueue_dma source(%dma_start3A_287 : memref<12800xf32, #tpu.memory_space<hbm>>) target(%dma_start3A_286 : memref<12800xf32, #tpu.memory_space<vmem>>) target_semaphore(%arg15 : memref<!tpu.dma_semaphore, #tpu.memory_space<semaphore_mem>>)
        %mul3A_288 = arith.constant 25 : i32
        %mul3A_289 = arith.muli %add3A_257, %mul3A_288 : i32
        %add3A_290 = arith.constant 38400 : i32
        %add3A_291 = arith.addi %mul3A_289, %add3A_290 : i32
        %dma_start3A_292 = arith.constant 38400 : i32
        %dma_start3A_293 = tpu.memref_slice %arg7[%dma_start3A_292] : memref<51200xf32, #tpu.memory_space<vmem>> -> memref<12800xf32, #tpu.memory_space<vmem>>
        %dma_start3A_294 = tpu.memref_slice %arg3[%add3A_291] : memref<26214400xf32, #tpu.memory_space<hbm>> -> memref<12800xf32, #tpu.memory_space<hbm>>
        %dma_start3A_295 = arith.constant 38400 : i32
        %dma_start3A_296 = tpu.memref_slice %arg7[%dma_start3A_295] : memref<51200xf32, #tpu.memory_space<vmem>> -> memref<12800xf32, #tpu.memory_space<vmem>>
        %dma_start3A_297 = tpu.memref_slice %arg3[%add3A_291] : memref<26214400xf32, #tpu.memory_space<hbm>> -> memref<12800xf32, #tpu.memory_space<hbm>>
        tpu.enqueue_dma source(%dma_start3A_297 : memref<12800xf32, #tpu.memory_space<hbm>>) target(%dma_start3A_296 : memref<12800xf32, #tpu.memory_space<vmem>>) target_semaphore(%arg15 : memref<!tpu.dma_semaphore, #tpu.memory_space<semaphore_mem>>)
        %dma_start3A_298 = tpu.memref_slice %arg2[%add3A_257] : memref<1048576xf32, #tpu.memory_space<hbm>> -> memref<2048xf32, #tpu.memory_space<hbm>>
        %dma_start3A_299 = tpu.memref_slice %arg2[%add3A_257] : memref<1048576xf32, #tpu.memory_space<hbm>> -> memref<2048xf32, #tpu.memory_space<hbm>>
        tpu.enqueue_dma source(%dma_start3A_299 : memref<2048xf32, #tpu.memory_space<hbm>>) target(%arg9 : memref<2048xf32, #tpu.memory_space<vmem>>) target_semaphore(%arg15 : memref<!tpu.dma_semaphore, #tpu.memory_space<semaphore_mem>>)
      } else {
      }
    }
    %scan3A_172 = arith.constant 8 : i32
    %dma_wait3A = arith.constant 0 : i32
    %dma_wait3A_173 = tpu.memref_slice %arg4[%dma_wait3A] : memref<1048576xf32, #tpu.memory_space<hbm>> -> memref<2048xf32, #tpu.memory_space<hbm>>
    %dma_wait3A_174 = arith.constant 0 : i32
    %dma_wait3A_175 = tpu.memref_slice %arg4[%dma_wait3A_174] : memref<1048576xf32, #tpu.memory_space<hbm>> -> memref<2048xf32, #tpu.memory_space<hbm>>
    tpu.wait_dma2 semaphore(%arg16 : memref<!tpu.dma_semaphore, #tpu.memory_space<semaphore_mem>>) src(%arg10 : memref<2048xf32, #tpu.memory_space<vmem>>) dst(%dma_wait3A_175 : memref<2048xf32, #tpu.memory_space<hbm>>)
    %dma_wait3A_176 = arith.constant 0 : i32
    %dma_wait3A_177 = tpu.memref_slice %arg5[%dma_wait3A_176] : memref<1048576xf32, #tpu.memory_space<hbm>> -> memref<2048xf32, #tpu.memory_space<hbm>>
    %dma_wait3A_178 = arith.constant 0 : i32
    %dma_wait3A_179 = tpu.memref_slice %arg5[%dma_wait3A_178] : memref<1048576xf32, #tpu.memory_space<hbm>> -> memref<2048xf32, #tpu.memory_space<hbm>>
    tpu.wait_dma2 semaphore(%arg16 : memref<!tpu.dma_semaphore, #tpu.memory_space<semaphore_mem>>) src(%arg12 : memref<2048xf32, #tpu.memory_space<vmem>>) dst(%dma_wait3A_179 : memref<2048xf32, #tpu.memory_space<hbm>>)
    %dma_wait3A_180 = arith.constant 0 : i32
    %dma_wait3A_181 = tpu.memref_slice %arg4[%dma_wait3A_180] : memref<1048576xf32, #tpu.memory_space<hbm>> -> memref<2048xf32, #tpu.memory_space<hbm>>
    %dma_wait3A_182 = arith.constant 0 : i32
    %dma_wait3A_183 = tpu.memref_slice %arg4[%dma_wait3A_182] : memref<1048576xf32, #tpu.memory_space<hbm>> -> memref<2048xf32, #tpu.memory_space<hbm>>
    tpu.wait_dma2 semaphore(%arg17 : memref<!tpu.dma_semaphore, #tpu.memory_space<semaphore_mem>>) src(%arg11 : memref<2048xf32, #tpu.memory_space<vmem>>) dst(%dma_wait3A_183 : memref<2048xf32, #tpu.memory_space<hbm>>)
    %dma_wait3A_184 = arith.constant 0 : i32
    %dma_wait3A_185 = tpu.memref_slice %arg5[%dma_wait3A_184] : memref<1048576xf32, #tpu.memory_space<hbm>> -> memref<2048xf32, #tpu.memory_space<hbm>>
    %dma_wait3A_186 = arith.constant 0 : i32
    %dma_wait3A_187 = tpu.memref_slice %arg5[%dma_wait3A_186] : memref<1048576xf32, #tpu.memory_space<hbm>> -> memref<2048xf32, #tpu.memory_space<hbm>>
    tpu.wait_dma2 semaphore(%arg17 : memref<!tpu.dma_semaphore, #tpu.memory_space<semaphore_mem>>) src(%arg13 : memref<2048xf32, #tpu.memory_space<vmem>>) dst(%dma_wait3A_187 : memref<2048xf32, #tpu.memory_space<hbm>>)
    return
  }
}

</mosaic_0001>

<sc_bundles>
// kernel: kernel.3.cloned.1.call-start
scs
__scs_entry_jumppad:
0x0: {  	(pc) =	sbr.rel $0x88, $3  }
0x1: {  	(tag) =	ssettag $0x0;
	lr =	simm.s32 $0x1  }
0x2: {  	[smem:$0x3F9F] =	sst lr;
	_ =	strace $0xD0000000  }
0x3: {  	_ = 	snop  }
0x4: {  	_ = 	snop  }
0x5: {  	_ = 	snop  }
0x6: {  	_ = 	snop  }
0x7: {  	_ = 	snop  }
__scs_overlays_trampoline_lowered:
0x8: {  	[smem:$0x3FAE] =	sst s0  }
0x9: {  	[smem:$0x3FAF] =	sst s1  }
0xa: {  	[smem:$0x3FB0] =	sst s2  }
0xb: {  	[smem:$0x3FB1] =	sst s3  }
0xc: {  	[smem:$0x3FB2] =	sst s4  }
0xd: {  	[smem:$0x3FB3] =	sst s5  }
0xe: {  	[smem:$0x3FB4] =	sst s6  }
0xf: {  	[smem:$0x3FB5] =	sst s7  }
0x10: {  	[smem:$0x3FB6] =	sst s8  }
0x11: {  	[smem:$0x3FB7] =	sst s9;
	s0 =	simm.s32 @!p0 $0x0  }
0x12: {  	s1 =	sld [smem:$0x3F9D];
	s0 =	simm.s32 @p0 $0x1  }
0x13: {  	[smem:$0x3FB8] =	sst s0;
	s0 =	simm.s32 @!p1 $0x0  }
0x14: {  	s2 =	sld [smem:$0x3F9C];
	s0 =	simm.s32 @p1 $0x1  }
0x15: {  	[smem:$0x3FB9] =	sst s0;
	s0 =	simm.s32 @!p2 $0x0  }
0x16: {  	s3 =	sld [smem:$0x3FDB];
	s0 =	simm.s32 @p2 $0x1  }
0x17: {  	s4 =	simm.s32 $0x1BF5;
	[smem:$0x3FBB] =	sst s0  }
0x18: {  	s0 =	sld [smem:$0x3F9E];
	_ =	swait.ge [sflag:s4], $0x0  }
0x19: {  	s7 =	sld [smem:$0x3F9F]  }
0x1a: {  	s8 =	sadd.s32 $0xFFFFE003, lr  }
0x1b: {  	s9 =	sadd.s32 $0xFFFFFEF7, lr;
	s5 =	simm.s32 $0xFFFFFFFF;
	p2 =	slt.u32 s8, $0xFFFFF086  }
0x1c: {  	p1 =	slt.u32 s9, $0xF7A;
	s5 =	simm.s32 @!p2 $0x0  }
0x1d: {  	s5 =	simm.s32 @p1 $0x1;
	p0 =	seq.s32 s7, s2  }
0x1e: {  	s7 =	smul.u32 @!p0 $0xF7A, s2;
	p2 =	seq.s32 @!p0 s5, $0x0  }
0x1f: {  	s9 =	smul.u32 $0xF7A, s1;
	s8 =	simm.s32 @!p0 $0x1BF5;
	p2 =	por !p2, p0  }
0x20: {  	[sflag:s8] =	ssyncset.s32 @!p0 $0xFFFFF086;
	s6 =	sadd.s32 @!p0 s3, s7;
	s7 =	simm.s32 @!p0 $0x108  }
0x21: {  	s3 =	sadd.s32 s3, s9;
	s6 =	sadd.s32 @!p0 $0x88, s6;
	s7 =	simm.s32 @p2 $0x1082  }
0x22: {  	[simem:s7], [sflag:s8] =	dma.local @!p0 [hbm:s6], $0xF7A  }
0x23: {  	s9 =	sor.u32 $0xD0000000, s2;
	s6 =	simm.s32 $0x108;
	_ =	swait.ge @!p0 [sflag:s8], $0x0  }
0x24: {  	s3 =	sadd.s32 $0x88, s3;
	s6 =	simm.s32 @!p1 $0x1082;
	[sflag:s4] =	ssyncset.s32 $0xFFFFF086  }
0x25: {  	[simem:s6], [sflag:s4] =	dma.local [hbm:s3], $0xF7A  }
0x26: {  	[smem:$0x3F9F] =	sst s1;
	(tag) =	ssettag s2;
	_ =	strace s9  }
0x27: {  	s1 =	sld [smem:$0x3FAF]  }
0x28: {  	s2 =	sld [smem:$0x3FB0]  }
0x29: {  	s4 =	sld [smem:$0x3FB2]  }
0x2a: {  	p0 =	seq.s32 s5, $0x0;
	s5 =	sld [smem:$0x3FB3]  }
0x2b: {  	s6 =	sld [smem:$0x3FB4]  }
0x2c: {  	s7 =	sld [smem:$0x3FB5]  }
0x2d: {  	s3 =	simm.s32 $0x108;
	s8 =	sld [smem:$0x3FB6]  }
0x2e: {  	s3 =	simm.s32 @!p0 $0x1082;
	s9 =	sld [smem:$0x3FB7]  }
0x2f: {  	lr =	sadd.s32 s0, s3;
	s0 =	sld [smem:$0x3FAE]  }
0x30: {  	s3 =	sld [smem:$0x3FB1]  }
0x31: {  	[smem:$0x3FBA] =	sst s10  }
0x32: {  	s10 =	sld [smem:$0x3FB8];
	_ =	sdelay $0x3  }
0x33: {  	p0 =	seq.s32 s10, $0x1;
	s10 =	sld [smem:$0x3FBA];
	_ =	sdelay $0x3  }
0x34: {  	[smem:$0x3FBA] =	sst s10  }
0x35: {  	s10 =	sld [smem:$0x3FB9];
	_ =	sdelay $0x3  }
0x36: {  	p1 =	seq.s32 s10, $0x1;
	s10 =	sld [smem:$0x3FBA];
	_ =	sdelay $0x3  }
0x37: {  	[smem:$0x3FBA] =	sst s10  }
0x38: {  	s10 =	sld [smem:$0x3FBB]  }
0x39: {  	_ = 	snop;
	(pc) =	sbr.ind lr, $3  }
0x3a: {  	_ = 	snop  }
0x3b: {  	_ = 	snop  }
0x3c: {  	p2 =	seq.s32 s10, $0x1;
	s10 =	sld [smem:$0x3FBA]  }
0x3d: {  	_ =	shalt  }
0x3e: {  	_ =	shalt  }
0x3f: {  	_ =	shalt  }
0x40: {  	_ =	shalt  }
0x41: {  	_ =	shalt  }
0x42: {  	_ =	shalt  }
0x43: {  	_ =	shalt  }
0x44: {  	_ =	shalt  }
0x45: {  	_ =	shalt  }
0x46: {  	_ =	shalt  }
0x47: {  	_ =	shalt  }
0x48: {  	_ =	shalt  }
0x49: {  	_ =	shalt  }
0x4a: {  	_ =	shalt  }
0x4b: {  	_ =	shalt  }
0x4c: {  	_ =	shalt  }
0x4d: {  	_ =	shalt  }
0x4e: {  	_ =	shalt  }
0x4f: {  	_ =	shalt  }
0x50: {  	_ =	shalt  }
0x51: {  	_ =	shalt  }
0x52: {  	_ =	shalt  }
0x53: {  	_ =	shalt  }
0x54: {  	_ =	shalt  }
0x55: {  	_ =	shalt  }
0x56: {  	_ =	shalt  }
0x57: {  	_ =	shalt  }
0x58: {  	_ =	shalt  }
0x59: {  	_ =	shalt  }
0x5a: {  	_ =	shalt  }
0x5b: {  	_ =	shalt  }
0x5c: {  	_ =	shalt  }
0x5d: {  	_ =	shalt  }
0x5e: {  	_ =	shalt  }
0x5f: {  	_ =	shalt  }
0x60: {  	_ =	shalt  }
0x61: {  	_ =	shalt  }
0x62: {  	_ =	shalt  }
0x63: {  	_ =	shalt  }
0x64: {  	_ =	shalt  }
0x65: {  	_ =	shalt  }
0x66: {  	_ =	shalt  }
0x67: {  	_ =	shalt  }
0x68: {  	_ =	shalt  }
0x69: {  	_ =	shalt  }
0x6a: {  	_ =	shalt  }
0x6b: {  	_ =	shalt  }
0x6c: {  	_ =	shalt  }
0x6d: {  	_ =	shalt  }
0x6e: {  	_ =	shalt  }
0x6f: {  	_ =	shalt  }
0x70: {  	_ =	shalt  }
0x71: {  	_ =	shalt  }
0x72: {  	_ =	shalt  }
0x73: {  	_ =	shalt  }
0x74: {  	_ =	shalt  }
0x75: {  	_ =	shalt  }
0x76: {  	_ =	shalt  }
0x77: {  	_ =	shalt  }
0x78: {  	_ =	shalt  }
0x79: {  	_ =	shalt  }
0x7a: {  	_ =	shalt  }
0x7b: {  	_ =	shalt  }
0x7c: {  	_ =	shalt  }
0x7d: {  	_ =	shalt  }
0x7e: {  	_ =	shalt  }
0x7f: {  	_ =	shalt  }
0x80: {  	_ =	shalt  }
0x81: {  	_ =	shalt  }
0x82: {  	_ =	shalt  }
0x83: {  	_ =	shalt  }
0x84: {  	_ =	shalt  }
0x85: {  	_ =	shalt  }
0x86: {  	_ =	shalt  }
0x87: {  	_ =	shalt  }
.Lfunc_end0:
.L_simem_size_0:
called_computation_lowered:
.L_overlay_start_0:
0x88: {  	s2 =	sld [smem:$0x3FD9]  }
0x89: {  	s3 =	sld [smem:$0x3FFE];
	_ =	sdelay $0x1  }
0x8a: {  	s1 =	srdreg.scid  }
0x8b: {  	s0 =	sand.u32 $0x1, s1  }
0x8c: {  	s14 =	sshll.u32 s0, $0xA;
	s2 =	sadd.s32 s3, s2  }
0x8d: {  	s2 =	sadd.s32 s2, s14  }
0x8e: {  	[smem:$0x3FC6] =	sst s2  }
0x8f: {  	_ = 	snop  }
0x90: {  	s2 =	sld [smem:$0x3FD0];
	_ =	sdelay $0x2  }
0x91: {  	s4 =	simm.s32 $0xA;
	s5 =	simm.s32 $0x10;
	s15 =	sld [smem:$0x3FC9]  }
0x92: {  	[smem:s5], [sflag:s4] =	dma.local [hbm:s2], $0x1  }
0x93: {  	_ =	swait.eq [sflag:s4], $0x1  }
0x94: {  	[sflag:s4] =	ssyncset.done $0x0  }
0x95: {  	s16 =	sld [smem:$0x10];
	[sflag:s4] =	ssyncadd.s32 $0xFFFFFFFF  }
0x96: {  	s17 =	sld [smem:$0x11];
	(tm) =	ssettm $0x1  }
0x97: {  	s18 =	sld [smem:$0x3FFB];
	_ =	sdelay $0x3  }
0x98: {  	_ =	strace s18  }
0x99: {  	s5 =	sld [smem:$0x3FFC];
	_ =	sdelay $0x3  }
0x9a: {  	_ =	strace s5  }
0x9b: {  	s5 =	sld [smem:$0x3FFD];
	_ =	sdelay $0x3  }
0x9c: {  	_ =	strace s5  }
0x9d: {  	_ =	strace $0x8FFFFFFF  }
0x9e: {  	s19 =	sld [smem:$0x3FDB];
	_ =	sdelay $0x1  }
0x9f: {  	s6 =	simm.s32 $_scs_section_size  }
0xa0: {  	s7 =	simm.s32 $_size__tile_overlayer_lowered;
	s8 =	simm.s32 $_tile_overlayer_lowered  }
0xa1: {  	s22 =	simm.s32 $0x1BFF;
	s21 =	sshll.u32 s8, $0x1;
	s5 =	sadd.s32 s6, s19  }
0xa2: {  	s9 =	simm.s32 $0x0;
	s20 =	sshll.u32 s7, $0x1;
	s7 =	sadd.s32 s21, s5  }
0xa3: {  	[timem:s9], [sflag:s22] =	dma.local [hbm:s7], s20  }
0xa4: {  	_ =	swait.ge [sflag:s22], s20  }
0xa5: {  	s6 =	ssub.s32 $0x0, s20;
	[sflag:s22] =	ssyncset.done $0x0  }
0xa6: {  	[sflag:s22] =	ssyncadd.s32 s6;
	_ =	sdelay $0x1  }
0xa7: {  	s23 =	simm.s32 $0x1B8B  }
0xa8: {  	_ =	swait.ge [sflag:s23], $0x1  }
0xa9: {  	[sflag:s23] =	ssyncset.done $0x0  }
0xaa: {  	s25 =	simm.s32 $0x1B8E;
	s24 =	sld [smem:$0x3FFE];
	[sflag:s23] =	ssyncadd.s32 $0xFFFFFFFF  }
0xab: {  	s26 =	simm.s32 $execute0_lowered;
	[smem:$0x3FD2] =	sst s25  }
0xac: {  	s7 =	sshll.u32 s26, $0x1;
	_ =	strace $0x80000046;
	[dreg:$0x1] =	wrdreg $0xFFFFFFFF  }
0xad: {  	s28 =	simm.s32 $_size_execute0_lowered;
	s5 =	sadd.s32 s5, s7;
	[dreg:$0x0] =	wrdreg $0x0  }
0xae: {  	s7 =	sshll.u32 s28, $0x1;
	[dreg:$0x2] =	wrdreg s5  }
0xaf: {  	[dreg:$0x3] =	wrdreg s7  }
0xb0: {  	[dreg:$0x4] =	wrdreg $0xC0  }
0xb1: {  	_ =	task [dreg:s9], $0x5FFFF  }
0xb2: {  	[dreg:$0x1] =	wrdreg $0xFFFFFFFF  }
0xb3: {  	[dreg:$0x0] =	wrdreg $0x60  }
0xb4: {  	[dreg:$0x2] =	wrdreg s15  }
0xb5: {  	[dreg:$0x3] =	wrdreg s24  }
0xb6: {  	[dreg:$0x4] =	wrdreg s16  }
0xb7: {  	[dreg:$0x5] =	wrdreg s17  }
0xb8: {  	[dreg:$0x6] =	wrdreg $0x9  }
0xb9: {  	_ =	task.clear_ibuf [dreg:s9], $0x7FFFF;
	_ =	strace $0x90000046  }
0xba: {  	s29 =	simm.s32 $0x9;
	_ =	strace $0x80000048  }
0xbb: {  	_ =	swait.ge [sflag:s29], $0x1  }
0xbc: {  	[sflag:s29] =	ssyncadd.s32 $0xFFFFFFFF  }
0xbd: {  	_ =	strace $0x90000048  }
0xbe: {  	_ =	sfence  }
0xbf: {  	s30 =	sld [smem:$0x0];
	_ =	sdelay $0x2  }
0xc0: {  	s31 =	sshll.u32 s1, $0xD;
	s1 =	sshrl.u32 s1, $0x2  }
0xc1: {  	s3 =	sand.u32 $0x4000, s31;
	s1 =	sadd.s32 s1, s30  }
0xc2: {  	s0 =	sor.u32 s3, s0;
	s1 =	sshll.u32 s1, $0x11  }
0xc3: {  	s0 =	sor.u32 s1, s0  }
0xc4: {  	s0 =	sadd.s32 $0x8F2B, s0  }
0xc5: {  	[sflag:s0] =	ssyncadd.remote.s32 $0x1  }
0xc6: {  	_ =	sfence.sel $0xFFFF  }
0xc7: {  	[dreg:$0x0] =	wrdreg $0xFFFFFFFF;
	(pc) =	sbr.abs _section_cstart, $3  }
0xc8: {  	[dreg:$0x1] =	wrdreg $0xFFFFFFFF  }
0xc9: {  	_ =	task.clear_ibuf [dreg:s9], $0x2FFFF;
	_ =	strace $0x9FFFFFFF  }
0xca: {  	(tm) =	ssettm $0x7FFFFFFF  }
0xcb: {  	_ =	shalt  }
tec
execute0_lowered:
.L_overlay_start_1:
0x0: {  	(tag) =	ssettag $0x1  }
0x1: {  	s1 =	rddreg [dreg:$0x0]  }
0x2: {  	s0 =	rddreg [dreg:$0x1];
	v0 =	vlaneseq.u32  }
0x3: {  	s3 =	rddreg [dreg:$0x2];
	s5 =	simm.s32 $0x0;
	v18 =	vmul.u32 $0x19, v0  }
0x4: {  	[smem:$0x7FF] =	sst s5  }
0x5: {  	s4 =	rddreg [dreg:$0x3];
	_ =	strace $0x80000047;
	v63 =	vadd.s32 $0x10, v18;
	[tilespmem:$0x1FE80] =	vst v18  }
0x6: {  	v19 =	vadd.s32 $0x1, v18;
	[tilespmem:$0x1FE70] =	vst v63  }
0x7: {  	v20 =	vadd.s32 $0x2, v18;
	[tilespmem:$0x1FE90] =	vst v19  }
0x8: {  	v21 =	vadd.s32 $0x3, v18;
	[tilespmem:$0x1FEA0] =	vst v20  }
0x9: {  	v22 =	vadd.s32 $0x4, v18;
	[tilespmem:$0x1FEB0] =	vst v21  }
0xa: {  	v23 =	vadd.s32 $0x5, v18;
	[tilespmem:$0x1FEC0] =	vst v22  }
0xb: {  	s2 =	srdreg.scid;
	v24 =	vadd.s32 $0x6, v18;
	[tilespmem:$0x1FED0] =	vst v23  }
0xc: {  	s6 =	stileid.u32;
	s28 =	simm.s32 $0x12C00;
	s29 =	simm.s32 $0x15E00;
	v25 =	vadd.s32 $0x7, v18;
	[tilespmem:$0x1FEE0] =	vst v24  }
0xd: {  	s30 =	simm.s32 $0x19800;
	s2 =	sand.u32 $0x1, s2;
	s6 =	sshll.u32 s6, $0x1;
	v26 =	vadd.s32 $0x8, v18;
	[tilespmem:$0x1FEF0] =	vst v25  }
0xe: {  	s31 =	simm.s32 $0x1;
	s8 =	sor.u32 s2, s6;
	s6 =	sadd.s32 $0x1000600, s0;
	v27 =	vadd.s32 $0x9, v18;
	[tilespmem:$0x1FF00] =	vst v26  }
0xf: {  	s2 =	ssub.s32 $0x2, s2;
	s0 =	sadd.s32 $0x1000C40, s0;
	s9 =	smul.u32 $0xC8000, s8;
	v28 =	vadd.s32 $0xA, v18;
	[tilespmem:$0x1FF10] =	vst v27  }
0x10: {  	s10 =	sshrl.u32 s2, $0x1;
	s7 =	sshll.u32 s8, $0xF;
	s8 =	sshll.u32 s8, $0xC;
	v29 =	vadd.s32 $0xB, v18;
	[tilespmem:$0x1FF20] =	vst v28  }
0x11: {  	v11 =	vadd.s32 $0xC, v18;
	s2 =	ssub.s32 s2, s10;
	s18 =	sor.u32 $0x800, s7;
	s8 =	sadd.s32 s1, s8;
	[tilespmem:$0x1FF30] =	vst v29  }
0x12: {  	v31 =	vadd.s32 $0xD, v18;
	s10 =	simm.s32 $0x0;
	[tilespmem:$0x1FF40] =	vst v11;
	s9 =	sshrl.u32 s9, $0x3;
	s11 =	smul.u32 $0x19, s18  }
0x13: {  	v32 =	vadd.s32 $0xE, v18;
	[tilespmem:$0x1FF50] =	vst v31;
	[dreg:$0x9] =	wrdreg s8;
	s23 =	sshrl.u32 s18, $0x3;
	s26 =	smax.u32 s2, $0x1  }
0x14: {  	v33 =	vadd.s32 $0xF, v18;
	[tilespmem:$0x1FF60] =	vst v32;
	s12 =	sadd.s32 s6, s9;
	s9 =	sadd.s32 s9, s0;
	[dreg:$0xf] =	wrdreg s26  }
0x15: {  	v44 =	vadd.s32 $0x15, v18;
	[tilespmem:$0x1FF70] =	vst v33;
	s18 =	sor.u32 $0x1000, s7;
	s2 =	simm.s32 $0x1B000;
	[dreg:$0x6] =	wrdreg s9  }
0x16: {  	v40 =	vadd.s32 $0x11, v18;
	[tilespmem:$0x1FF80] =	vst v44;
	s26 =	simm.s32 $0xFA00;
	s19 =	sadd.s32 $0xC80, s12;
	[dreg:$0x5] =	wrdreg s12  }
0x17: {  	v41 =	vadd.s32 $0x12, v18;
	[tilespmem:$0x1FF90] =	vst v40;
	s20 =	sadd.s32 $0x12C0, s12;
	s21 =	sshrl.u32 s11, $0x3;
	[dreg:$0x7] =	wrdreg s19  }
0x18: {  	v45 =	vadd.s32 $0x13, v18;
	[tilespmem:$0x1FFA0] =	vst v41;
	[dreg:$0x8] =	wrdreg s20;
	s22 =	sadd.s32 s6, s21;
	s0 =	sadd.s32 s21, s0  }
.Ltmp0:
0x19: {  	v49 =	vadd.s32 $0x14, v18;
	[tilespmem:$0x1FFB0] =	vst v45;
	s19 =	sor.u32 $0x1800, s7;
	[dreg:$0xb] =	wrdreg s0;
	(pc) =	sbr.rel .LBB2_1-.Ltmp0, $4  }
0x1a: {  	v50 =	vadd.s32 $0x16, v18;
	[tilespmem:$0x1FFC0] =	vst v49;
	s21 =	simm.s32 $0x2;
	s24 =	sadd.s32 $0xC80, s22;
	[dreg:$0xa] =	wrdreg s22  }
0x1b: {  	v51 =	vadd.s32 $0x17, v18;
	[tilespmem:$0x1FFD0] =	vst v50;
	s25 =	sadd.s32 $0x12C0, s22;
	s0 =	sadd.s32 s1, s23;
	[dreg:$0xc] =	wrdreg s24  }
0x1c: {  	v52 =	vadd.s32 $0x18, v18;
	[tilespmem:$0x1FFE0] =	vst v51;
	s22 =	simm.s32 $0x1A800;
	s23 =	simm.s32 $0x1B800;
	[dreg:$0xd] =	wrdreg s25  }
0x1d: {  	[tilespmem:$0x1FFF0] =	vst v52;
	[dreg:$0xe] =	wrdreg s0;
	s25 =	simm.s32 $0xC800;
	s0 =	simm.s32 $0x1A000  }
.LBB2_8:
0x1e: {  	s8 =	simm.s32 $0x3  }
0x1f: {  	_ =	swait.ge [sflag:s8], $0x800  }
0x20: {  	[sflag:s8] =	ssyncset.done $0x0  }
0x21: {  	[sflag:s8] =	ssyncadd.s32 $0xFFFFF800  }
0x22: {  	_ =	swait.ge [sflag:s8], $0x800  }
0x23: {  	[sflag:s8] =	ssyncset.done $0x0  }
0x24: {  	s9 =	simm.s32 $0x4;
	[sflag:s8] =	ssyncadd.s32 $0xFFFFF800  }
0x25: {  	_ =	swait.ge [sflag:s9], $0x800  }
0x26: {  	[sflag:s9] =	ssyncset.done $0x0  }
0x27: {  	[sflag:s9] =	ssyncadd.s32 $0xFFFFF800  }
0x28: {  	_ =	swait.ge [sflag:s9], $0x800  }
0x29: {  	s10 =	sadd.s32 $0x1, s10;
	s24 =	rddreg [dreg:$0xf]  }
0x2a: {  	p0 =	sne.s32 s10, s24  }
.Ltmp1:
0x2b: {  	_ = 	snop;
	(pc) =	sbr.rel @!p0 .LBB2_9-.Ltmp1, $3  }
0x2c: {  	_ =	sdelay $0x1  }
0x2d: {  	[sflag:s9] =	ssyncset.done $0x0  }
0x2e: {  	v11 =	vmov v30;
	v40 =	vmov v34;
	v41 =	vmov v37;
	[sflag:s9] =	ssyncadd.s32 $0xFFFFF800  }
.LBB2_1:
0x2f: {  	s8 =	rddreg [dreg:$0x5]  }
0x30: {  	[tilespmem:s5], [sflag:$0x1] =	stream.linear.gather [hbm4b:s8+s5], $0x3200, $0x38;
	[tilespmem:$0x1C000] =	vst v63  }
0x31: {  	s17 =	rddreg [dreg:$0x6];
	s9 =	simm.s32 $0x3200  }
0x32: {  	[tilespmem:s9], [sflag:$0x1] =	stream.linear.gather [hbm4b:s17+s5], $0x3200, $0x38;
	[tilespmem:$0x1C000] =	vst v63  }
0x33: {  	s20 =	rddreg [dreg:$0x7];
	s24 =	simm.s32 $0x6400  }
0x34: {  	[tilespmem:s24], [sflag:$0x1] =	stream.linear.gather [hbm4b:s20+s5], $0x3200, $0x38;
	[tilespmem:$0x1C000] =	vst v63  }
0x35: {  	s11 =	rddreg [dreg:$0x8];
	s12 =	simm.s32 $0x9600  }
0x36: {  	[tilespmem:s12], [sflag:$0x1] =	stream.linear.gather [hbm4b:s11+s5], $0x3200, $0x38;
	[tilespmem:$0x1C000] =	vst v63  }
0x37: {  	s13 =	rddreg [dreg:$0x9];
	s14 =	simm.s32 $0x19000  }
0x38: {  	[tilespmem:s14], [sflag:$0x1] =	stream.linear.gather [hbm4b:s13+s5], $0x800, $0x38;
	[tilespmem:$0x1C000] =	vst v63  }
0x39: {  	s15 =	rddreg [dreg:$0xa]  }
0x3a: {  	[tilespmem:s25], [sflag:$0x2] =	stream.linear.gather [hbm4b:s15+s5], $0x3200, $0x38;
	[tilespmem:$0x1C000] =	vst v63  }
0x3b: {  	s16 =	rddreg [dreg:$0xb]  }
0x3c: {  	[tilespmem:s26], [sflag:$0x2] =	stream.linear.gather [hbm4b:s16+s5], $0x3200, $0x38;
	[tilespmem:$0x1C000] =	vst v63  }
0x3d: {  	s17 =	rddreg [dreg:$0xc]  }
0x3e: {  	[tilespmem:s28], [sflag:$0x2] =	stream.linear.gather [hbm4b:s17+s5], $0x3200, $0x38;
	[tilespmem:$0x1C000] =	vst v63  }
0x3f: {  	s20 =	rddreg [dreg:$0xd]  }
0x40: {  	[tilespmem:s29], [sflag:$0x2] =	stream.linear.gather [hbm4b:s20+s5], $0x3200, $0x38;
	[tilespmem:$0x1C000] =	vst v63  }
0x41: {  	s24 =	rddreg [dreg:$0xe];
	s11 =	simm.s32 $0x0  }
0x42: {  	[tilespmem:s30], [sflag:$0x2] =	stream.linear.gather [hbm4b:s24+s5], $0x800, $0x38;
	[tilespmem:$0x1C000] =	vst v63  }
.LBB2_2:
0x43: {  	_ =	swait.ge [sflag:s31], $0xC800  }
0x44: {  	[sflag:s31] =	ssyncset.done $0x0  }
0x45: {  	[sflag:s31] =	ssyncadd.s32 $0xFFFF3800  }
0x46: {  	_ =	swait.ge [sflag:s31], $0x800  }
0x47: {  	p0 =	seq.s32 s11, $0x0;
	[sflag:s31] =	ssyncset.done $0x0  }
0x48: {  	s8 =	simm.s32 @!p0 $0x3;
	[sflag:s31] =	ssyncadd.s32 $0xFFFFF800  }
0x49: {  	_ =	swait.ge @!p0 [sflag:s8], $0x800  }
0x4a: {  	[sflag:s8] =	ssyncset.done @!p0 $0x0  }
0x4b: {  	[sflag:s8] =	ssyncadd.s32 @!p0 $0xFFFFF800  }
0x4c: {  	_ =	swait.ge @!p0 [sflag:s8], $0x800  }
0x4d: {  	[sflag:s8] =	ssyncset.done @!p0 $0x0  }
0x4e: {  	s15 =	simm.s32 $0x190;
	[sflag:s8] =	ssyncadd.s32 @!p0 $0xFFFFF800  }
0x4f: {  	v0 =	vld.idx.msk [tilespmem:v18+s15+$0x0], $0xffff  }
0x50: {  	v1 =	vld.idx.msk [tilespmem:v19+s15+$0x0], $0xffff  }
0x51: {  	v2 =	vld.idx.msk [tilespmem:v20+s15+$0x0], $0xffff;
	_ =	sdelay $0x1  }
0x52: {  	v3 =	vld.idx.msk [tilespmem:v21+s15+$0x0], $0xffff  }
0x53: {  	v4 =	vld.idx.msk [tilespmem:v22+s15+$0x0], $0xffff;
	v0 =	vmul.f32 $1.442695020e+00, v0  }
0x54: {  	v5 =	vld.idx.msk [tilespmem:v23+s15+$0x0], $0xffff;
	v1 =	vmul.f32 $1.442695020e+00, v1  }
0x55: {  	v6 =	vld.idx.msk [tilespmem:v24+s15+$0x0], $0xffff;
	v2 =	vmul.f32 $1.442695020e+00, v2;
	(erf) = vpow2.f32 v0  }
0x56: {  	v7 =	vld.idx.msk [tilespmem:v25+s15+$0x0], $0xffff;
	(erf) = vpow2.f32 v1  }
0x57: {  	(erf) = vpow2.f32 v2;
	v2 =	vld.idx.msk [tilespmem:v19+s15+$0xFFFFFE70], $0xffff  }
0x58: {  	v0 =	vmul.f32 $1.442695020e+00, v3;
	v1 =	vld.idx.msk [tilespmem:v18+s15+$0xFFFFFE70], $0xffff  }
0x59: {  	v3 =	vmul.f32 $1.442695020e+00, v4;
	v4 =	vmul.f32 $1.442695020e+00, v5  }
0x5a: {  	v5 =	vmul.f32 $1.442695020e+00, v6;
	(erf) = vpow2.f32 v0;
	v0 =	vld.idx.msk [tilespmem:v20+s15+$0xFFFFFE70], $0xffff  }
0x5b: {  	v6 =	vmul.f32 $1.442695020e+00, v7;
	(erf) = vpow2.f32 v3;
	v3 =	vld.idx.msk [tilespmem:v21+s15+$0xFFFFFE70], $0xffff  }
0x5c: {  	(erf) = vpow2.f32 v4;
	v4 =	vld.idx.msk [tilespmem:v22+s15+$0xFFFFFE70], $0xffff;
	v2 =	vmul.f32 $1.442695020e+00, v2  }
0x5d: {  	(erf) = vpow2.f32 v5;
	v5 =	vld.idx.msk [tilespmem:v23+s15+$0xFFFFFE70], $0xffff;
	v1 =	vmul.f32 $1.442695020e+00, v1  }
0x5e: {  	(erf) = vpow2.f32 v6;
	v6 =	vld.idx.msk [tilespmem:v24+s15+$0xFFFFFE70], $0xffff  }
0x5f: {  	v7 =	vld.idx.msk [tilespmem:v25+s15+$0xFFFFFE70], $0xffff;
	v0 =	vmul.f32 $1.442695020e+00, v0;
	(erf) = vpow2.f32 v1;
	v8 =	vpop (erf)  }
0x60: {  	v1 =	vmul.f32 $1.442695020e+00, v3;
	(erf) = vpow2.f32 v2;
	v2 =	vpop (erf)  }
0x61: {  	v3 =	vmul.f32 $1.442695020e+00, v4;
	(erf) = vpow2.f32 v0  }
0x62: {  	v0 =	vmul.f32 $1.442695020e+00, v5;
	v4 =	vpop (erf);
	(erf) = vpow2.f32 v1  }
0x63: {  	v1 =	vmul.f32 $1.442695020e+00, v6;
	v10 =	vpop (erf);
	(erf) = vpow2.f32 v3  }
0x64: {  	v3 =	vmul.f32 $1.442695020e+00, v7;
	v6 =	vpop (erf);
	(erf) = vpow2.f32 v0  }
0x65: {  	v12 =	vld.idx.msk [tilespmem:v26+s15+$0xFFFFFE70], $0xffff;
	v7 =	vpop (erf);
	(erf) = vpow2.f32 v1  }
0x66: {  	v16 =	vld.idx.msk [tilespmem:v27+s15+$0xFFFFFE70], $0xffff;
	v13 =	vpop (erf);
	(erf) = vpow2.f32 v3  }
0x67: {  	v17 =	vld.idx.msk [tilespmem:v28+s15+$0xFFFFFE70], $0xffff;
	v38 =	vpop (erf)  }
0x68: {  	v18 =	vld.idx.msk [tilespmem:v29+s15+$0xFFFFFE70], $0xffff;
	v0 =	vadd.f32 v2, v8;
	v1 =	vadd.f32 v10, v4;
	v14 =	vpop (erf)  }
0x69: {  	v5 =	vadd.f32 v7, v6;
	v30 =	vpop (erf)  }
0x6a: {  	v1 =	vadd.f32 v1, v0;
	v9 =	vadd.f32 v38, v13;
	v55 =	vpop (erf)  }
0x6b: {  	v36 =	vpop (erf)  }
0x6c: {  	v19 =	vld.idx.msk [tilespmem:v11+s15+$0xFFFFFE70], $0xffff;
	v12 =	vmul.f32 $1.442695020e+00, v12;
	v16 =	vmul.f32 $1.442695020e+00, v16;
	v9 =	vadd.f32 v9, v5;
	v59 =	vpop (erf)  }
0x6d: {  	v15 =	vmov v11;
	v17 =	vmul.f32 $1.442695020e+00, v17;
	v18 =	vmul.f32 $1.442695020e+00, v18;
	v56 =	vpop (erf)  }
0x6e: {  	v0 =	vmov v27;
	v9 =	vadd.f32 v9, v1;
	v1 =	vmov v26;
	v11 =	vpop (erf)  }
0x6f: {  	v60 =	vld.idx.msk [tilespmem:v31+s15+$0xFFFFFE70], $0xffff;
	v57 =	vadd.f32 v30, v14;
	v58 =	vadd.f32 v36, v55;
	(erf) = vpow2.f32 v12;
	v39 =	vpop (erf)  }
0x70: {  	v20 =	vsub.s32 $0x7EF311C3, v9;
	v62 =	vadd.f32 v56, v59;
	v35 =	vadd.f32 v39, v11  }
0x71: {  	v34 =	vld.idx.msk [tilespmem:v32+s15+$0xFFFFFE70], $0xffff;
	v12 =	vmul.f32 $1.442695020e+00, v19;
	v61 =	vmul.f32 v20, v9  }
0x72: {  	v43 =	vld.idx.msk [tilespmem:v29+s15+$0x0], $0xffff;
	v21 =	vadd.f32 v58, v57;
	(erf) = vpow2.f32 v16;
	v19 =	vadd.f32 v35, v62  }
0x73: {  	(erf) = vpow2.f32 v17;
	v24 =	vsub.f32 $2.000000000e+00, v61;
	v37 =	vld.idx.msk [tilespmem:v1+s15+$0x0], $0xffff  }
0x74: {  	v16 =	vmul.f32 $1.442695020e+00, v60;
	(erf) = vpow2.f32 v18;
	v21 =	vadd.f32 v19, v21;
	v19 =	vld.idx.msk [tilespmem:v0+s15+$0x0], $0xffff  }
0x75: {  	(erf) = vpow2.f32 v12;
	v20 =	vmul.f32 v20, v24  }
0x76: {  	v42 =	vld.idx.msk [tilespmem:v28+s15+$0x0], $0xffff;
	v17 =	vmul.f32 $1.442695020e+00, v34;
	(erf) = vpow2.f32 v16  }
0x77: {  	v47 =	vmul.f32 $1.442695020e+00, v43;
	v12 =	vld.idx.msk [tilespmem:v15+s15+$0x0], $0xffff;
	v9 =	vmul.f32 v20, v9  }
0x78: {  	(erf) = vpow2.f32 v17;
	v16 =	vmul.f32 $1.442695020e+00, v37  }
0x79: {  	v18 =	vsub.s32 $0x7EF311C3, v21;
	v9 =	vsub.f32 $2.000000000e+00, v9;
	v17 =	vmul.f32 $1.442695020e+00, v19;
	v19 =	vld.idx.msk [tilespmem:v31+s15+$0x0], $0xffff  }
0x7a: {  	v5 =	vpop (erf);
	v46 =	vmul.f32 v18, v21;
	(erf) = vpow2.f32 v16  }
0x7b: {  	v3 =	vpop (erf);
	v9 =	vmul.f32 v9, v20;
	v20 =	vmul.f32 $1.442695020e+00, v42;
	[tilespmem:$0x1FB60] =	vst v5  }
0x7c: {  	v16 =	vmul.f32 $1.442695020e+00, v12;
	v60 =	vpop (erf);
	(erf) = vpow2.f32 v17;
	v17 =	vld.idx.msk [tilespmem:v32+s15+$0x0], $0xffff;
	[tilespmem:$0x1FB70] =	vst v3  }
0x7d: {  	v35 =	vpop (erf);
	v9 =	vmul.f32 $5.952000140e+00, v9;
	[tilespmem:$0x1FB80] =	vst v60;
	(erf) = vpow2.f32 v20  }
0x7e: {  	v62 =	vpop (erf);
	v48 =	vld.idx.msk [tilespmem:v33+s15+$0x0], $0xffff;
	[tilespmem:$0x1FB90] =	vst v35;
	(erf) = vpow2.f32 v47;
	v20 =	vmul.f32 $1.442695020e+00, v19  }
0x7f: {  	v1 =	vpop (erf);
	[tilespmem:$0x1FBA0] =	vst v62;
	v8 =	vmul.f32 v9, v8;
	(erf) = vpow2.f32 v16  }
0x80: {  	s9 =	simm.s32 $0x19010;
	v2 =	vmul.f32 v9, v2;
	(erf) = vpow2.f32 v20;
	v20 =	vld.idx.msk [tilespmem:v63+s15+$0x0], $0xffff;
	[tilespmem:$0x1FBB0] =	vst v1  }
0x81: {  	v37 =	vadd.f32 $6.000000050e-03, v8;
	v0 =	vld [tilespmem:s9+$0x0]  }
0x82: {  	v8 =	vsub.f32 $2.000000000e+00, v46  }
0x83: {  	v4 =	vmul.f32 v9, v4;
	v19 =	vadd.f32 $6.000000050e-03, v2;
	v15 =	vadd.f32 $-3.000000000e+00, v37  }
0x84: {  	v10 =	vmul.f32 v9, v10;
	v8 =	vmul.f32 v18, v8;
	v2 =	vpop (erf)  }
0x85: {  	v57 =	vmovc v45;
	v58 =	vmovc v41;
	v16 =	vadd.f32 $6.000000050e-03, v4;
	v17 =	vmul.f32 $1.442695020e+00, v17;
	[tilespmem:$0x1FB50] =	vst v2;
	v4 =	vadd.f32 v15, v19  }
0x86: {  	v61 =	vmovc v49;
	v18 =	vmul.f32 v8, v21;
	v21 =	vadd.f32 $6.000000050e-03, v10;
	v10 =	vmul.f32 v9, v6;
	[tilespmem:$0x1FD30] =	vst v0  }
0x87: {  	v12 =	vmov v40;
	v31 =	vmul.f32 $1.442695020e+00, v48;
	v42 =	vpop (erf);
	(erf) = vpow2.f32 v17;
	v53 =	vld.idx.msk [tilespmem:v40+s15+$0x0], $0xffff  }
0x88: {  	v32 =	vmovc v33;
	v6 =	vadd.f32 v4, v16;
	v22 =	vadd.f32 $6.000000050e-03, v10;
	v10 =	vmul.f32 v9, v7;
	v54 =	vld.idx.msk [tilespmem:v41+s15+$0x0], $0xffff  }
0x89: {  	v2 =	vmov v44;
	v43 =	vpop (erf);
	(erf) = vpow2.f32 v31;
	v18 =	vsub.f32 $2.000000000e+00, v18;
	v17 =	vld.idx.msk [tilespmem:v45+s15+$0x0], $0xffff  }
0x8a: {  	v46 =	vpop (erf);
	v7 =	vadd.f32 v6, v21;
	v27 =	vld.idx.msk [tilespmem:v49+s15+$0x0], $0xffff;
	v24 =	vadd.f32 $6.000000050e-03, v10;
	v10 =	vmul.f32 v9, v13  }
0x8b: {  	v47 =	vpop (erf);
	v28 =	vld.idx.msk [tilespmem:v44+s15+$0x0], $0xffff;
	v40 =	vmul.f32 v18, v8;
	v8 =	vmax.f32 v0, $-3.000000000e+00;
	v44 =	vadd.f32 v43, v42  }
0x8c: {  	v33 =	vld.idx.msk [tilespmem:v50+s15+$0x0], $0xffff;
	v48 =	vpop (erf);
	v8 =	vmin.f32 v8, $3.000000000e+00;
	v13 =	vadd.f32 v7, v22;
	v25 =	vadd.f32 $6.000000050e-03, v10  }
0x8d: {  	v0 =	vmovc v50;
	v10 =	vadd.f32 v47, v46;
	vm13 =	vge.f32 v8, v15;
	vm7 =	vge.f32 v8, v4  }
0x8e: {  	v41 =	vld.idx.msk [tilespmem:v51+s15+$0x0], $0xffff;
	v49 =	vpop (erf);
	vm11 =	vge.f32 v8, v6;
	vm5 =	vge.f32 v8, v7;
	v18 =	vadd.f32 v13, v24  }
0x8f: {  	v50 =	vld.idx.msk [tilespmem:v52+s15+$0x0], $0xffff;
	v45 =	vadd.f32 v49, v48;
	v16 =	vsel vm11, v21, v16;
	v4 =	vsel vm11, v6, v4  }
0x90: {  	vm9 =	vge.f32 v8, v13;
	v20 =	vsel vm13, v53, v20;
	v34 =	vadd.f32 v18, v25  }
0x91: {  	v29 =	vmovc v51;
	v23 =	vsel vm13, v54, v53;
	v26 =	vsel vm11, v17, v54;
	v51 =	vsel vm9, v28, v27  }
0x92: {  	v31 =	vmovc v52;
	v17 =	vsel vm11, v27, v17;
	v27 =	vsel vm9, v33, v28;
	vm8 =	vge.f32 v8, v34  }
0x93: {  	v53 =	vld.idx.msk [tilespmem:v32+s15+$0xFFFFFE70], $0xffff;
	v54 =	vpop (erf);
	vm6 =	vge.f32 v8, v18;
	v20 =	vsel vm7, v26, v20;
	v52 =	vsel vm8, v41, v33  }
0x94: {  	v17 =	vsel vm7, v17, v23;
	v32 =	vsel vm6, v52, v51;
	v52 =	vsel vm8, v50, v41;
	v50 =	vpop (erf)  }
0x95: {  	v33 =	vsel vm5, v32, v20;
	v20 =	vsel vm6, v52, v27;
	v32 =	vadd.f32 v50, v54  }
0x96: {  	v26 =	vand.u32 $0x7FFFFFFF, v33;
	v41 =	vsel vm5, v20, v17;
	v17 =	vadd.f32 v10, v44  }
0x97: {  	v20 =	vsub.f32 $0.0e+00, v26;
	v10 =	vand.u32 $0x7FFFFFFF, v41;
	v23 =	vadd.f32 v32, v45  }
0x98: {  	v7 =	vsel vm9, v13, v7;
	v44 =	vmul.f32 $1.442695020e+00, v53;
	v51 =	vsub.f32 $0.0e+00, v10  }
0x99: {  	v10 =	vmul.f32 $5.952000140e+00, v40;
	v20 =	vmul.f32 $1.442695020e+00, v20;
	v23 =	vadd.f32 v23, v17  }
0x9a: {  	v13 =	vsel vm8, v34, v18;
	(erf) = vpow2.f32 v44;
	v52 =	vmul.f32 $1.442695020e+00, v51  }
0x9b: {  	(erf) = vpow2.f32 v20;
	v53 =	vsub.s32 $0x7EF311C3, v23;
	v20 =	vadd.f32 v1, v62;
	v62 =	vld [tilespmem:s9+$0xFFFFFFF0]  }
0x9c: {  	v17 =	vadd.f32 v35, v60;
	(erf) = vpow2.f32 v52;
	v60 =	vmul.f32 v53, v23  }
0x9d: {  	v22 =	vsel vm9, v24, v22;
	v7 =	vsel vm6, v13, v7;
	v14 =	vmul.f32 v10, v14  }
0x9e: {  	v45 =	vadd.f32 v3, v5;
	v3 =	vmul.f32 v10, v30;
	v26 =	vsub.f32 $2.000000000e+00, v60  }
0x9f: {  	v5 =	vmul.f32 v10, v36;
	v59 =	vmul.f32 v10, v59;
	v32 =	vadd.f32 $6.000000050e-03, v14  }
0xa0: {  	v35 =	vadd.f32 v17, v45;
	v28 =	vadd.f32 $6.000000050e-03, v3;
	[tilespmem:$0x1FD90] =	vst v62;
	v51 =	vmul.f32 v53, v26  }
0xa1: {  	v3 =	vmul.f32 v10, v55;
	v14 =	vadd.f32 $6.000000050e-03, v5;
	v27 =	vadd.f32 $-3.000000000e+00, v32;
	v30 =	vld.idx.msk [tilespmem:v63+s15+$0xFFFFFE70], $0xffff  }
0xa2: {  	v5 =	vmul.f32 v10, v11;
	v44 =	vadd.f32 $6.000000050e-03, v59;
	v36 =	vld.idx.msk [tilespmem:v12+s15+$0xFFFFFE70], $0xffff;
	v11 =	vmul.f32 v51, v23  }
0xa3: {  	v17 =	vadd.f32 $6.000000050e-03, v3;
	v3 =	vmul.f32 v10, v56;
	v12 =	vadd.f32 v27, v28;
	v60 =	vld.idx.msk [tilespmem:v58+s15+$0xFFFFFE70], $0xffff;
	v40 =	vpop (erf)  }
0xa4: {  	v62 =	vmax.f32 v62, $-3.000000000e+00;
	v56 =	vld.idx.msk [tilespmem:v57+s15+$0xFFFFFE70], $0xffff;
	v23 =	vadd.f32 $6.000000050e-03, v5;
	v57 =	vpop (erf);
	v5 =	vsub.f32 $2.000000000e+00, v11  }
0xa5: {  	v45 =	vadd.f32 $6.000000050e-03, v3;
	v3 =	vadd.f32 v12, v17;
	v58 =	vpop (erf);
	v11 =	vmul.f32 $8.466320110e-03, v57  }
0xa6: {  	v26 =	vmin.f32 v62, $3.000000000e+00;
	v63 =	vmul.f32 $8.466320110e-03, v58;
	v51 =	vmul.f32 v5, v51  }
0xa7: {  	vm0 =	vge.f32 v26, v27;
	vm2 =	vge.f32 v26, v3;
	v11 =	vsub.f32 $4.365884890e-02, v11  }
0xa8: {  	v52 =	vsel vm0, v36, v30;
	v59 =	vsub.f32 $4.365884890e-02, v63;
	v51 =	vmul.f32 $5.952000140e+00, v51  }
0xa9: {  	v5 =	vadd.f32 v3, v14;
	v53 =	vsel vm0, v60, v36;
	v30 =	vmul.f32 v11, v57  }
0xaa: {  	v55 =	vsel vm2, v56, v60;
	v59 =	vmul.f32 v59, v58;
	v42 =	vmul.f32 v51, v42  }
0xab: {  	v60 =	vld.idx.msk [tilespmem:v2+s15+$0xFFFFFE70], $0xffff;
	v2 =	vnsel vm13, $0xC0400000, v15;
	v43 =	vmul.f32 v51, v43;
	v62 =	vmul.f32 v51, v46  }
0xac: {  	v61 =	vld.idx.msk [tilespmem:v61+s15+$0xFFFFFE70], $0xffff;
	v47 =	vmul.f32 v51, v47;
	v36 =	vadd.f32 $-1.067985000e-01, v30;
	v59 =	vadd.f32 $-1.067985000e-01, v59  }
0xad: {  	v2 =	vsel vm7, v4, v2;
	v48 =	vmul.f32 v51, v48;
	v30 =	vmul.f32 v9, v38  }
0xae: {  	v2 =	vsel vm5, v7, v2;
	v9 =	vmul.f32 v36, v57;
	v36 =	vmul.f32 v59, v58  }
0xaf: {  	v11 =	vadd.f32 v5, v44;
	v49 =	vmul.f32 v51, v49;
	v54 =	vmul.f32 v51, v54  }
0xb0: {  	v63 =	vmul.f32 v51, v50;
	v9 =	vadd.f32 $1.765979080e-01, v9;
	v51 =	vadd.f32 $1.765979080e-01, v36  }
0xb1: {  	vm1 =	vge.f32 v26, v12;
	v56 =	vsel vm2, v61, v56;
	v2 =	vsub.f32 v8, v2  }
0xb2: {  	v46 =	vadd.f32 v11, v45;
	v9 =	vmul.f32 v9, v57;
	v38 =	vmul.f32 v51, v58  }
0xb3: {  	v55 =	vsel vm1, v55, v52;
	v52 =	vadd.f32 $6.000000050e-03, v42;
	v30 =	vadd.f32 $6.000000050e-03, v30  }
0xb4: {  	v50 =	vld.idx.msk [tilespmem:v0+s15+$0xFFFFFE70], $0xffff;
	v59 =	vsel vm13, v19, v37;
	v9 =	vadd.f32 $-2.445335240e-01, v9;
	v42 =	vadd.f32 $-2.445335240e-01, v38  }
0xb5: {  	vm10 =	vge.f32 v26, v11;
	v16 =	vsel vm7, v16, v59;
	v51 =	vsel vm8, v30, v25  }
0xb6: {  	v22 =	vsel vm6, v51, v22;
	v9 =	vmul.f32 v9, v57;
	v21 =	vmul.f32 v42, v58  }
0xb7: {  	v61 =	vsel vm10, v60, v61;
	v62 =	vadd.f32 $6.000000050e-03, v62;
	v22 =	vsel vm5, v22, v16  }
0xb8: {  	v59 =	vsub.s32 $0x7EF311C3, v22;
	v9 =	vadd.f32 $3.326524790e-01, v9;
	v21 =	vadd.f32 $3.326524790e-01, v21  }
0xb9: {  	v36 =	vadd.f32 $6.000000050e-03, v43;
	v43 =	vsel vm10, v50, v60;
	v60 =	vmul.f32 v59, v22  }
0xba: {  	v47 =	vadd.f32 $6.000000050e-03, v47;
	v9 =	vmul.f32 v9, v57;
	v21 =	vmul.f32 v21, v58  }
0xbb: {  	v19 =	vadd.f32 v46, v23;
	v42 =	vsub.f32 $2.000000000e+00, v60  }
0xbc: {  	v8 =	vmax.f32 v33, $0.0e+00;
	v6 =	vadd.f32 $-4.999635520e-01, v9;
	v9 =	vadd.f32 $-4.999635520e-01, v21  }
0xbd: {  	v37 =	vsel vm11, v47, v62;
	v25 =	vadd.f32 $6.000000050e-03, v48;
	v4 =	vmul.f32 v59, v42  }
0xbe: {  	v51 =	vadd.f32 $6.000000050e-03, v49;
	v6 =	vmul.f32 v6, v57;
	v9 =	vmul.f32 v9, v58  }
0xbf: {  	v16 =	vadd.f32 $6.000000050e-03, v54;
	v54 =	vadd.f32 $6.000000050e-03, v63;
	v18 =	vmul.f32 v4, v22  }
0xc0: {  	v49 =	vmax.f32 v41, $0.0e+00;
	v6 =	vadd.f32 $9.999995230e-01, v6;
	v9 =	vadd.f32 $9.999995230e-01, v9  }
0xc1: {  	v13 =	vld.idx.msk [tilespmem:v29+s15+$0xFFFFFE70], $0xffff;
	v63 =	vsel vm13, v36, v52;
	v48 =	vsel vm8, v54, v16;
	v7 =	vsub.f32 $2.000000000e+00, v18  }
0xc2: {  	v42 =	vsel vm9, v51, v25;
	v18 =	vld.idx.msk [tilespmem:v31+s15+$0xFFFFFE70], $0xffff;
	v6 =	vmul.f32 v6, v57;
	v9 =	vmul.f32 v9, v58  }
0xc3: {  	v38 =	vsel vm7, v37, v63;
	v4 =	vmul.f32 v7, v4;
	v7 =	vsel vm6, v48, v42  }
0xc4: {  	v0 =	vsel vm5, v7, v38;
	v6 =	vadd.f32 v6, v8;
	v8 =	vadd.f32 v9, v49  }
0xc5: {  	vm3 =	vge.f32 v26, v5;
	vm12 =	vge.f32 v26, v19;
	v33 =	vmul.f32 v4, v0  }
0xc6: {  	v2 =	vmul.f32 v4, v2;
	v63 =	vadd.f32 $1.000000050e-03, v6;
	v6 =	vadd.f32 $1.000000050e-03, v8  }
0xc7: {  	v4 =	vsel vm12, v13, v50;
	v7 =	vsel vm12, v18, v13;
	v13 =	vadd.f32 v33, v33  }
0xc8: {  	vm4 =	vge.f32 v26, v46;
	v8 =	vsub.f32 $1.000000000e+00, v2;
	v9 =	vadd.f32 v63, v6  }
0xc9: {  	v4 =	vsel vm4, v4, v61;
	v18 =	vsel vm1, v56, v53;
	v7 =	vsel vm4, v7, v43  }
0xca: {  	v1 =	vsel vm3, v4, v55;
	v56 =	vmul.f32 v8, v2;
	v4 =	vsub.f32 v9, v13  }
0xcb: {  	[tilespmem:$0x1FC10] =	vst v0;
	v0 =	vsel vm3, v7, v18;
	v7 =	vand.u32 $0x7FFFFFFF, v1  }
0xcc: {  	v7 =	vsub.f32 $0.0e+00, v7;
	v18 =	vand.u32 $0x7FFFFFFF, v0;
	v4 =	vmul.f32 v4, v56  }
0xcd: {  	v18 =	vsub.f32 $0.0e+00, v18  }
0xce: {  	v7 =	vmul.f32 $1.442695020e+00, v7;
	v4 =	vadd.f32 v4, v33  }
0xcf: {  	v18 =	vmul.f32 $1.442695020e+00, v18  }
0xd0: {  	(erf) = vpow2.f32 v7;
	v7 =	vsub.s32 $0x7EF311C3, v4  }
0xd1: {  	v24 =	vld [tilespmem:$0x1FB50];
	(erf) = vpow2.f32 v18;
	v18 =	vmul.f32 v7, v4;
	_ =	sdelay $0x1  }
0xd2: {  	v18 =	vsub.f32 $2.000000000e+00, v18;
	_ =	sdelay $0x1  }
0xd3: {  	v7 =	vmul.f32 v7, v18  }
0xd4: {  	v55 =	vld [tilespmem:$0x1FE80];
	v9 =	vadd.f32 v40, v24  }
0xd5: {  	v57 =	vld [tilespmem:$0x1FE90];
	v4 =	vmul.f32 v7, v4  }
0xd6: {  	v58 =	vld [tilespmem:$0x1FEA0];
	[tilespmem:$0x1FC00] =	vst v0;
	v0 =	vmul.f32 v2, v2;
	v9 =	vadd.f32 v9, v20  }
0xd7: {  	v10 =	vmul.f32 v10, v39;
	v42 =	vld [tilespmem:$0x1FEB0];
	v8 =	vmul.f32 v8, v8;
	v4 =	vsub.f32 $2.000000000e+00, v4  }
0xd8: {  	v6 =	vmul.f32 v6, v0;
	v2 =	vmul.f32 v56, v13;
	v9 =	vadd.f32 v9, v35  }
0xd9: {  	v10 =	vadd.f32 $6.000000050e-03, v10;
	v61 =	vld [tilespmem:$0x1FEC0];
	[tilespmem:$0x1FBD0] =	vst v0;
	v0 =	vmul.f32 v4, v7  }
0xda: {  	v30 =	vld [tilespmem:$0x1FEE0];
	[tilespmem:$0x1FBF0] =	vst v1;
	v2 =	vadd.f32 v6, v2;
	v6 =	vmul.f32 v63, v8;
	v20 =	vsub.s32 $0x7EF311C3, v9;
	v48 =	vpop (erf)  }
0xdb: {  	s16 =	simm.s32 $0x4B0;
	v15 =	vsel vm2, v14, v17;
	v31 =	vld [tilespmem:$0x1FED0];
	v53 =	vmul.f32 v20, v9;
	v8 =	vmul.f32 $8.466320110e-03, v48;
	[tilespmem:$0x1FC20] =	vst v0  }
0xdc: {  	v14 =	vsel vm0, v28, v32;
	v10 =	vsel vm12, v10, v23;
	v2 =	vadd.f32 v2, v6;
	v4 =	vld.idx.msk [tilespmem:v55+s16+$0x0], $0xffff  }
0xdd: {  	v54 =	vsel vm10, v45, v44;
	v17 =	vsub.f32 $2.000000000e+00, v53;
	v6 =	vsub.f32 $4.365884890e-02, v8;
	v8 =	vld.idx.msk [tilespmem:v57+s16+$0x0], $0xffff  }
0xde: {  	v14 =	vsel vm1, v15, v14;
	v10 =	vsel vm4, v10, v54;
	v7 =	vmul.f32 v33, v33;
	v18 =	vld.idx.msk [tilespmem:v58+s16+$0x0], $0xffff  }
0xdf: {  	v10 =	vsel vm3, v10, v14;
	v15 =	vmul.f32 v20, v17;
	v60 =	vld.idx.msk [tilespmem:v42+s16+$0x0], $0xffff  }
0xe0: {  	v13 =	vsub.s32 $0x7EF311C3, v10;
	v7 =	vmul.f32 v2, v7;
	v20 =	vmul.f32 v0, v0  }
0xe1: {  	v14 =	vmul.f32 v13, v10;
	v38 =	vld.idx.msk [tilespmem:v61+s16+$0x0], $0xffff;
	v4 =	vmul.f32 $1.442695020e+00, v4  }
0xe2: {  	v20 =	vmul.f32 v20, v7;
	v8 =	vmul.f32 $1.442695020e+00, v8  }
0xe3: {  	v5 =	vsel vm10, v11, v5;
	v11 =	vmul.f32 $1.442695020e+00, v18;
	(erf) = vpow2.f32 v4  }
0xe4: {  	v4 =	vmul.f32 $1.442695020e+00, v60;
	(erf) = vpow2.f32 v8  }
0xe5: {  	v9 =	vmul.f32 v15, v9;
	v41 =	vld.idx.msk [tilespmem:v31+s16+$0x0], $0xffff;
	[tilespmem:$0x1FC30] =	vst v20;
	(erf) = vpow2.f32 v11  }
0xe6: {  	v7 =	vld.idx.msk [tilespmem:v30+s16+$0x0], $0xffff;
	v8 =	vmul.f32 $1.442695020e+00, v38;
	(erf) = vpow2.f32 v4;
	v4 =	vsub.f32 $2.000000000e+00, v14  }
0xe7: {  	v9 =	vsub.f32 $2.000000000e+00, v9  }
0xe8: {  	(erf) = vpow2.f32 v8;
	v8 =	vmul.f32 v13, v4;
	v4 =	vld [tilespmem:$0x1FB60]  }
0xe9: {  	v1 =	vsel vm2, v3, v12;
	v9 =	vmul.f32 v9, v15;
	v0 =	vnsel vm0, $0xC0400000, v27  }
0xea: {  	v0 =	vsel vm1, v1, v0;
	v1 =	vmul.f32 $1.442695020e+00, v41  }
0xeb: {  	v49 =	vpop (erf);
	v9 =	vmul.f32 $5.952000140e+00, v9;
	v7 =	vmul.f32 $1.442695020e+00, v7  }
0xec: {  	v28 =	vld [tilespmem:$0x1FEF0];
	v17 =	vmul.f32 $8.466320110e-03, v49;
	(erf) = vpow2.f32 v1  }
0xed: {  	(erf) = vpow2.f32 v7;
	v7 =	vmul.f32 v9, v4;
	v4 =	vld [tilespmem:$0x1FB80];
	_ =	sdelay $0x1  }
0xee: {  	v15 =	vsub.f32 $4.365884890e-02, v17;
	v17 =	vadd.f32 $-3.000000000e+00, v52;
	_ =	sdelay $0x1  }
0xef: {  	v2 =	vnsel vm13, $0xC0400000, v17  }
0xf0: {  	v11 =	vadd.f32 v17, v36;
	v17 =	vadd.f32 $6.000000050e-03, v7;
	v7 =	vmul.f32 v9, v4;
	v4 =	vld [tilespmem:$0x1FB90];
	_ =	sdelay $0x1  }
0xf1: {  	v3 =	vld.idx.msk [tilespmem:v28+s16+$0x0], $0xffff;
	_ =	sdelay $0x2  }
0xf2: {  	v43 =	vmul.f32 v9, v4;
	v4 =	vld [tilespmem:$0x1FBA0];
	_ =	sdelay $0x1  }
0xf3: {  	v15 =	vmul.f32 v15, v49;
	v3 =	vmul.f32 $1.442695020e+00, v3  }
0xf4: {  	v6 =	vmul.f32 v6, v48  }
0xf5: {  	v19 =	vsel vm12, v19, v46;
	(erf) = vpow2.f32 v3  }
0xf6: {  	v6 =	vadd.f32 $-1.067985000e-01, v6;
	v52 =	vmul.f32 v9, v4;
	v4 =	vld [tilespmem:$0x1FBB0]  }
0xf7: {  	v12 =	vand.u32 $0x7FFFFF, v20;
	v1 =	vadd.f32 $-1.067985000e-01, v15;
	v15 =	vpop (erf)  }
0xf8: {  	v5 =	vsel vm4, v19, v5;
	v6 =	vmul.f32 v6, v48;
	v3 =	vld [tilespmem:$0x1FB70];
	v19 =	vpop (erf)  }
0xf9: {  	v59 =	vmov v29;
	v24 =	vmul.f32 v9, v24;
	v0 =	vsel vm3, v5, v0;
	v20 =	vpop (erf)  }
0xfa: {  	v54 =	vld.idx.msk [tilespmem:v55+s16+$0xFFFFFE70], $0xffff;
	v44 =	vmul.f32 v1, v49;
	v1 =	vor.u32 $0x3F800000, v12;
	v27 =	vmul.f32 v8, v10;
	v12 =	vpop (erf)  }
0xfb: {  	v55 =	vld.idx.msk [tilespmem:v57+s16+$0xFFFFFE70], $0xffff;
	v10 =	vadd.f32 v19, v15;
	v50 =	vadd.f32 v12, v20;
	v53 =	vmul.f32 v9, v4;
	v4 =	vpop (erf)  }
0xfc: {  	v57 =	vmul.f32 v9, v40;
	v58 =	vld.idx.msk [tilespmem:v58+s16+$0xFFFFFE70], $0xffff;
	v13 =	vadd.f32 $1.765979080e-01, v6;
	v18 =	vmul.f32 $5.000000000e-01, v1;
	v6 =	vpop (erf)  }
0xfd: {  	v29 =	vld.idx.msk [tilespmem:v42+s16+$0xFFFFFE70], $0xffff;
	vm13 =	vgt.f32 v1, $1.414213540e+00;
	v3 =	vmul.f32 v9, v3;
	v38 =	vadd.f32 v50, v10;
	v9 =	vpop (erf)  }
0xfe: {  	[tilespmem:$0x1FBC0] =	vst v0;
	v45 =	vsel vm13, v18, v1;
	v50 =	vld [tilespmem:$0x1FF10];
	v32 =	vadd.f32 $6.000000050e-03, v7;
	v1 =	vadd.f32 $6.000000050e-03, v43;
	v7 =	vpop (erf)  }
0xff: {  	v10 =	vld [tilespmem:$0x1FF20];
	[tilespmem:$0x1FC50] =	vst v7  }
0x100: {  	v18 =	vadd.f32 $6.000000050e-03, v52;
	v52 =	vadd.f32 v7, v9;
	v7 =	vsel vm2, v1, v32;
	v0 =	vld.idx.msk [tilespmem:v61+s16+$0xFFFFFE70], $0xffff  }
0x101: {  	[tilespmem:$0x1FBE0] =	vst v7;
	v7 =	vld [tilespmem:$0x1FF30]  }
0x102: {  	v23 =	vadd.f32 $6.000000050e-03, v53;
	v53 =	vld.idx.msk [tilespmem:v31+s16+$0xFFFFFE70], $0xffff  }
0x103: {  	v34 =	vmul.f32 $1.442695020e+00, v54;
	v54 =	vld.idx.msk [tilespmem:v30+s16+$0xFFFFFE70], $0xffff  }
0x104: {  	v30 =	vld [tilespmem:$0x1FF00]  }
0x105: {  	v22 =	vadd.f32 $6.000000050e-03, v57;
	v21 =	vmul.f32 $1.442695020e+00, v55;
	v5 =	vadd.f32 v6, v4  }
0x106: {  	v35 =	vmul.f32 $1.442695020e+00, v58;
	(erf) = vpow2.f32 v34;
	v36 =	vsub.f32 $2.000000000e+00, v27;
	v27 =	vld [tilespmem:$0x1FF60]  }
0x107: {  	v57 =	vmul.f32 $1.442695020e+00, v29;
	(erf) = vpow2.f32 v21;
	v5 =	vadd.f32 v52, v5;
	v55 =	vld.idx.msk [tilespmem:v28+s16+$0xFFFFFE70], $0xffff  }
0x108: {  	(erf) = vpow2.f32 v35;
	v52 =	vld.idx.msk [tilespmem:v50+s16+$0xFFFFFE70], $0xffff;
	v0 =	vmul.f32 $1.442695020e+00, v0  }
0x109: {  	(erf) = vpow2.f32 v57;
	v28 =	vld [tilespmem:$0x1FF50];
	v37 =	vadd.f32 v5, v38;
	v5 =	vmul.f32 $1.442695020e+00, v53  }
0x10a: {  	v14 =	vadd.f32 v11, v62;
	(erf) = vpow2.f32 v0;
	v0 =	vld.idx.msk [tilespmem:v10+s16+$0xFFFFFE70], $0xffff  }
0x10b: {  	(erf) = vpow2.f32 v5;
	v53 =	vld.idx.msk [tilespmem:v7+s16+$0xFFFFFE70], $0xffff;
	v5 =	vmul.f32 v36, v8  }
0x10c: {  	v11 =	vsel vm11, v14, v11;
	v14 =	vadd.f32 v14, v47;
	v47 =	vsub.s32 $0x7EF311C3, v37;
	v58 =	vld.idx.msk [tilespmem:v30+s16+$0xFFFFFE70], $0xffff  }
0x10d: {  	v38 =	vmul.f32 v47, v37;
	[tilespmem:$0x1FC60] =	vst v5;
	v5 =	vld [tilespmem:$0x1FF40]  }
0x10e: {  	v24 =	vadd.f32 $6.000000050e-03, v24;
	v25 =	vadd.f32 v14, v25  }
0x10f: {  	v3 =	vadd.f32 $6.000000050e-03, v3;
	v38 =	vsub.f32 $2.000000000e+00, v38  }
0x110: {  	v46 =	vsel vm12, v22, v24;
	v14 =	vsel vm9, v25, v14;
	v22 =	vmul.f32 $1.442695020e+00, v54  }
0x111: {  	v62 =	vsel vm0, v3, v17;
	v43 =	vadd.f32 $-3.000000000e+00, v17;
	v35 =	vmul.f32 v47, v38  }
0x112: {  	v39 =	vmul.f32 $1.442695020e+00, v55;
	v8 =	vadd.f32 v25, v51;
	(erf) = vpow2.f32 v22  }
0x113: {  	v3 =	vadd.f32 v43, v3;
	v55 =	vld.idx.msk [tilespmem:v28+s16+$0xFFFFFE70], $0xffff;
	v37 =	vmul.f32 v35, v37;
	v21 =	vmul.f32 $1.442695020e+00, v58  }
0x114: {  	v34 =	vmul.f32 $1.442695020e+00, v52;
	(erf) = vpow2.f32 v39;
	v16 =	vadd.f32 v8, v16;
	v57 =	vld.idx.msk [tilespmem:v27+s16+$0xFFFFFE70], $0xffff  }
0x115: {  	v0 =	vmul.f32 $1.442695020e+00, v0;
	v42 =	vsub.f32 $2.000000000e+00, v37;
	(erf) = vpow2.f32 v21;
	v54 =	vld.idx.msk [tilespmem:v5+s16+$0xFFFFFE70], $0xffff  }
0x116: {  	v60 =	vld.idx.msk [tilespmem:v30+s16+$0x0], $0xffff;
	v8 =	vsel vm8, v16, v8;
	v16 =	vmul.f32 $1.442695020e+00, v53;
	(erf) = vpow2.f32 v34;
	[tilespmem:$0x1FC90] =	vst v43  }
0x117: {  	(erf) = vpow2.f32 v0;
	v0 =	vsel vm7, v11, v2;
	v11 =	vmul.f32 v42, v35;
	v47 =	vld.idx.msk [tilespmem:v50+s16+$0x0], $0xffff  }
0x118: {  	v8 =	vsel vm6, v8, v14;
	v17 =	vmul.f32 $1.442695020e+00, v55;
	v2 =	vld.idx.msk [tilespmem:v10+s16+$0x0], $0xffff;
	[tilespmem:$0x1FC70] =	vst v3  }
0x119: {  	v51 =	vpop (erf);
	(erf) = vpow2.f32 v16;
	v3 =	vadd.f32 v3, v32;
	v14 =	vld.idx.msk [tilespmem:v7+s16+$0x0], $0xffff;
	v7 =	vmul.f32 $5.952000140e+00, v11  }
0x11a: {  	v16 =	vmul.f32 $1.442695020e+00, v57;
	v0 =	vsel vm5, v8, v0;
	v58 =	vmul.f32 $1.442695020e+00, v54  }
0x11b: {  	v11 =	vmul.f32 $1.442695020e+00, v60;
	[tilespmem:$0x1FC80] =	vst v3;
	v50 =	vadd.f32 v3, v1;
	v3 =	vld [tilespmem:$0x1FF70];
	v15 =	vmul.f32 v7, v15  }
0x11c: {  	v42 =	vpop (erf);
	[tilespmem:$0x1FC40] =	vst v0;
	v0 =	vmul.f32 $1.442695020e+00, v47;
	(erf) = vpow2.f32 v58  }
0x11d: {  	v41 =	vpop (erf);
	v2 =	vmul.f32 $1.442695020e+00, v2;
	(erf) = vpow2.f32 v17  }
0x11e: {  	v61 =	vsel vm10, v23, v18;
	v29 =	vpop (erf);
	v14 =	vmul.f32 $1.442695020e+00, v14;
	(erf) = vpow2.f32 v16  }
0x11f: {  	v43 =	vpop (erf);
	v47 =	vadd.f32 $6.000000050e-03, v15;
	v15 =	vadd.f32 v50, v18;
	v18 =	vld.idx.msk [tilespmem:v27+s16+$0x0], $0xffff;
	(erf) = vpow2.f32 v11  }
0x120: {  	v52 =	vpop (erf);
	v17 =	vld.idx.msk [tilespmem:v28+s16+$0x0], $0xffff;
	(erf) = vpow2.f32 v0;
	v0 =	vmul.f32 v7, v19  }
0x121: {  	v54 =	vpop (erf);
	v16 =	vld.idx.msk [tilespmem:v5+s16+$0x0], $0xffff;
	(erf) = vpow2.f32 v2  }
0x122: {  	v34 =	vadd.f32 $6.000000050e-03, v0;
	(erf) = vpow2.f32 v14;
	v14 =	vpop (erf);
	v0 =	vld [tilespmem:$0x1FE70]  }
0x123: {  	s17 =	simm.s32 $0x19030;
	v2 =	vmul.f32 v7, v20;
	v20 =	vld.idx.msk [tilespmem:v3+s16+$0x0], $0xffff;
	[tilespmem:$0x1FD40] =	vst v14  }
0x124: {  	v1 =	vld [tilespmem:s17+$0x0];
	_ =	sdelay $0x3  }
0x125: {  	v19 =	vadd.f32 v15, v23;
	v16 =	vmul.f32 $1.442695020e+00, v16  }
0x126: {  	v58 =	vld [tilespmem:$0x1FF90];
	v60 =	vmul.f32 $1.442695020e+00, v17;
	[tilespmem:$0x1FD60] =	vst v1  }
0x127: {  	v55 =	vadd.f32 v19, v24;
	(erf) = vpow2.f32 v16;
	v24 =	vld.idx.msk [tilespmem:v0+s16+$0x0], $0xffff  }
0x128: {  	v0 =	vpop (erf);
	(erf) = vpow2.f32 v60;
	v60 =	vld [tilespmem:$0x1FFA0]  }
0x129: {  	v57 =	vld [tilespmem:$0x1FFB0]  }
0x12a: {  	v53 =	vld [tilespmem:$0x1FFC0];
	_ =	sdelay $0x1  }
0x12b: {  	[tilespmem:$0x1FCC0] =	vst v0;
	v0 =	vsel vm12, v55, v19;
	_ =	sdelay $0x1  }
0x12c: {  	v55 =	vld [tilespmem:$0x1FF80]  }
0x12d: {  	v38 =	vld.idx.msk [tilespmem:v58+s16+$0x0], $0xffff;
	[tilespmem:$0x1FCA0] =	vst v0;
	v0 =	vpop (erf)  }
0x12e: {  	v22 =	vld.idx.msk [tilespmem:v60+s16+$0x0], $0xffff;
	[tilespmem:$0x1FCD0] =	vst v0  }
0x12f: {  	v23 =	vld.idx.msk [tilespmem:v57+s16+$0x0], $0xffff  }
0x130: {  	v19 =	vmul.f32 $1.442695020e+00, v20;
	v0 =	vpop (erf);
	v20 =	vld.idx.msk [tilespmem:v53+s16+$0x0], $0xffff  }
0x131: {  	[tilespmem:$0x1FCE0] =	vst v0;
	v0 =	vsel vm10, v15, v50;
	v50 =	vld [tilespmem:$0x1FFD0];
	_ =	sdelay $0x6  }
0x132: {  	v28 =	vadd.f32 $-3.000000000e+00, v47;
	v39 =	vld.idx.msk [tilespmem:v55+s16+$0x0], $0xffff;
	[tilespmem:$0x1FCB0] =	vst v0;
	v0 =	vpop (erf)  }
0x133: {  	v21 =	vld.idx.msk [tilespmem:v50+s16+$0x0], $0xffff;
	[tilespmem:$0x1FCF0] =	vst v0  }
0x134: {  	v12 =	vmul.f32 v7, v12;
	v31 =	vadd.f32 $6.000000050e-03, v2;
	v27 =	vadd.f32 v28, v34;
	v0 =	vpop (erf);
	v40 =	vld.idx.msk [tilespmem:v59+s16+$0x0], $0xffff  }
0x135: {  	[tilespmem:$0x1FD00] =	vst v0;
	v0 =	vld [tilespmem:$0x1FFF0]  }
0x136: {  	v30 =	vadd.f32 $6.000000050e-03, v12;
	v12 =	vmul.f32 v7, v4;
	v16 =	vadd.f32 v27, v31;
	_ =	sdelay $0x1  }
0x137: {  	v35 =	vadd.f32 $6.000000050e-03, v12;
	v18 =	vmul.f32 $1.442695020e+00, v18;
	v17 =	vadd.f32 v16, v30  }
0x138: {  	v13 =	vmul.f32 v13, v48;
	v12 =	vmul.f32 v7, v6  }
0x139: {  	v32 =	vmax.f32 v1, $-3.000000000e+00;
	v25 =	vadd.f32 v17, v35;
	(erf) = vpow2.f32 v18  }
0x13a: {  	v18 =	vadd.f32 $6.000000050e-03, v12;
	v12 =	vmul.f32 v7, v9;
	v9 =	vmin.f32 v32, $3.000000000e+00  }
0x13b: {  	v13 =	vadd.f32 $-2.445335240e-01, v13;
	vm11 =	vge.f32 v9, v16;
	(erf) = vpow2.f32 v19  }
0x13c: {  	v19 =	vadd.f32 $6.000000050e-03, v12;
	v12 =	vadd.f32 v25, v18;
	v1 =	vld.idx.msk [tilespmem:v0+s16+$0x0], $0xffff;
	v0 =	vsel vm11, v23, v22  }
0x13d: {  	vm12 =	vge.f32 v9, v28;
	vm5 =	vge.f32 v9, v27;
	vm9 =	vge.f32 v9, v25  }
0x13e: {  	vm7 =	vge.f32 v9, v17;
	v24 =	vsel vm12, v38, v24;
	v37 =	vadd.f32 v12, v19;
	v4 =	vpop (erf)  }
0x13f: {  	vm6 =	vge.f32 v9, v12;
	[tilespmem:$0x1FD10] =	vst v4;
	v4 =	vadd.f32 $1.765979080e-01, v44;
	v5 =	vsel vm5, v0, v24;
	v0 =	vpop (erf)  }
0x140: {  	vm8 =	vge.f32 v9, v37;
	v2 =	vsel vm12, v22, v38;
	v23 =	vsel vm11, v20, v23;
	v11 =	vpop (erf)  }
0x141: {  	v32 =	vsel vm8, v40, v21;
	v20 =	vsel vm9, v39, v20;
	v4 =	vmul.f32 v4, v49;
	v10 =	vpop (erf)  }
0x142: {  	v21 =	vsel vm9, v21, v39;
	v20 =	vsel vm6, v32, v20;
	v36 =	vpop (erf);
	v44 =	vadd.f32 v10, v11  }
0x143: {  	v2 =	vsel vm5, v23, v2;
	[tilespmem:$0x1FD20] =	vst v0;
	v0 =	vadd.f32 $-2.445335240e-01, v4;
	v1 =	vsel vm8, v1, v40;
	v23 =	vpop (erf)  }
0x144: {  	v4 =	vmul.f32 v13, v48;
	v3 =	vld.idx.msk [tilespmem:v3+s16+$0xFFFFFE70], $0xffff;
	v1 =	vsel vm6, v1, v21;
	v39 =	vpop (erf);
	v22 =	vadd.f32 v23, v36  }
0x145: {  	v13 =	vsel vm7, v20, v5;
	v15 =	vsel vm7, v1, v2;
	v1 =	vmul.f32 v0, v49;
	v8 =	vpop (erf)  }
0x146: {  	v4 =	vadd.f32 $3.326524790e-01, v4;
	v0 =	vand.u32 $0x7FFFFFFF, v13;
	v6 =	vadd.f32 v22, v44;
	v44 =	vpop (erf)  }
0x147: {  	v0 =	vsub.f32 $0.0e+00, v0;
	v1 =	vadd.f32 $3.326524790e-01, v1;
	v40 =	vpop (erf)  }
0x148: {  	v4 =	vmul.f32 v4, v48;
	v24 =	vadd.f32 v8, v39;
	v32 =	vadd.f32 v40, v44  }
0x149: {  	v5 =	vadd.f32 $-1.000000000e+00, v45;
	v3 =	vmul.f32 $1.442695020e+00, v3;
	v2 =	vmul.f32 v1, v49  }
0x14a: {  	v1 =	vmul.f32 $1.442695020e+00, v0;
	v0 =	vand.u32 $0x7FFFFFFF, v15;
	v45 =	vadd.f32 v32, v24  }
0x14b: {  	v38 =	vmul.f32 $1.178451030e-01, v5;
	(erf) = vpow2.f32 v3;
	v0 =	vsub.f32 $0.0e+00, v0  }
0x14c: {  	(erf) = vpow2.f32 v1;
	v1 =	vadd.f32 $-4.999635520e-01, v4;
	v4 =	vadd.f32 v45, v6;
	v6 =	vld [tilespmem:$0x1FBC0]  }
0x14d: {  	v3 =	vadd.f32 $-1.845594790e-01, v38  }
0x14e: {  	v0 =	vmul.f32 $1.442695020e+00, v0  }
0x14f: {  	v3 =	vmul.f32 v3, v5  }
0x150: {  	(erf) = vpow2.f32 v0  }
0x151: {  	v0 =	vadd.f32 $2.045543790e-01, v3;
	v3 =	vsub.s32 $0x7EF311C3, v4;
	v45 =	vsub.f32 v26, v6  }
0x152: {  	v32 =	vmovc v41;
	v6 =	vadd.f32 v42, v51;
	v26 =	vadd.f32 v29, v41;
	v41 =	vmul.f32 v3, v4  }
0x153: {  	v22 =	vmovc v42;
	v38 =	vmov v43;
	v42 =	vadd.f32 v52, v43;
	v43 =	vadd.f32 v14, v54  }
0x154: {  	v21 =	vsel vm4, v46, v61;
	v46 =	vsub.f32 $2.000000000e+00, v41  }
0x155: {  	v6 =	vadd.f32 v26, v6;
	v61 =	vadd.f32 v43, v42  }
0x156: {  	v2 =	vadd.f32 $-4.999635520e-01, v2;
	v14 =	vld [tilespmem:$0x1FBD0]  }
0x157: {  	v1 =	vmul.f32 v1, v48;
	v3 =	vmul.f32 v3, v46;
	v46 =	vadd.f32 v61, v6;
	v6 =	vld [tilespmem:$0x1FBF0];
	_ =	sdelay $0x1  }
0x158: {  	v2 =	vmul.f32 v2, v49;
	v1 =	vadd.f32 $9.999995230e-01, v1;
	_ =	sdelay $0x1  }
0x159: {  	v2 =	vadd.f32 $9.999995230e-01, v2;
	v1 =	vmul.f32 v1, v48;
	v4 =	vmul.f32 v3, v4  }
0x15a: {  	v33 =	vmul.f32 v14, v33;
	v14 =	vld [tilespmem:$0x1FBE0];
	v6 =	vmax.f32 v6, $0.0e+00  }
0x15b: {  	v2 =	vmul.f32 v2, v49;
	v4 =	vsub.f32 $2.000000000e+00, v4;
	v49 =	vadd.f32 v1, v6;
	v6 =	vld [tilespmem:$0x1FC00];
	_ =	sdelay $0x1  }
0x15c: {  	v24 =	vmul.f32 v63, v56;
	v3 =	vmul.f32 v4, v3  }
0x15d: {  	v41 =	vpop (erf)  }
0x15e: {  	v48 =	vsel vm1, v14, v62;
	v1 =	vadd.f32 v24, v33;
	v33 =	vpop (erf);
	v14 =	vld [tilespmem:$0x1FC10];
	v3 =	vmul.f32 $5.952000140e+00, v3  }
0x15f: {  	v20 =	vmovc v51;
	v51 =	vmovc v29;
	v26 =	vsub.s32 $0x7EF311C3, v46;
	v29 =	vmul.f32 $8.466320110e-03, v33;
	v6 =	vmax.f32 v6, $0.0e+00  }
0x160: {  	v11 =	vmul.f32 v3, v11;
	v2 =	vadd.f32 v2, v6;
	v6 =	vmul.f32 v26, v46  }
0x161: {  	v61 =	vpop (erf);
	v10 =	vmul.f32 v3, v10;
	v36 =	vmul.f32 v3, v36  }
0x162: {  	v23 =	vmul.f32 v3, v23;
	v4 =	vsub.f32 $2.000000000e+00, v6;
	v6 =	vmul.f32 $8.466320110e-03, v61  }
0x163: {  	v39 =	vmul.f32 v3, v39;
	v1 =	vmul.f32 v1, v14;
	v14 =	vld [tilespmem:$0x1FC20]  }
0x164: {  	v56 =	vmul.f32 v3, v8;
	v62 =	vmul.f32 v26, v4;
	v4 =	vsub.f32 $4.365884890e-02, v6  }
0x165: {  	v42 =	vsub.f32 $4.365884890e-02, v29;
	v44 =	vmul.f32 v3, v44;
	v40 =	vmul.f32 v3, v40;
	v3 =	vld [tilespmem:$0x1FC40]  }
0x166: {  	v0 =	vmul.f32 v0, v5;
	v6 =	vld [tilespmem:$0x1FC30];
	v4 =	vmul.f32 v4, v61  }
0x167: {  	v30 =	vsel vm11, v30, v31;
	v43 =	vmul.f32 v42, v33  }
0x168: {  	v0 =	vadd.f32 $-2.492949520e-01, v0;
	v1 =	vmul.f32 v14, v1;
	v4 =	vadd.f32 $-1.067985000e-01, v4  }
0x169: {  	v28 =	vnsel vm12, $0xC0400000, v28;
	v16 =	vsel vm11, v16, v27;
	v42 =	vadd.f32 $-1.067985000e-01, v43  }
0x16a: {  	v0 =	vmul.f32 v0, v5;
	v26 =	vadd.f32 v1, v3;
	v3 =	vmul.f32 v4, v61;
	v4 =	vld [tilespmem:$0x1FC50]  }
0x16b: {  	v8 =	vimm.s32 $0xFFFFFF81;
	v1 =	vmul.f32 v42, v33;
	v6 =	vshrl.u32 v6, $0x17  }
0x16c: {  	v0 =	vadd.f32 $3.331793250e-01, v0;
	v8 =	vsel vm13, $0xFFFFFF82, v8;
	v6 =	vand.u32 $0xFF, v6  }
0x16d: {  	v16 =	vsel vm5, v16, v28;
	v1 =	vadd.f32 $1.765979080e-01, v1;
	v6 =	vadd.s32 v6, v8  }
0x16e: {  	v0 =	vmul.f32 v0, v5;
	v3 =	vadd.f32 $1.765979080e-01, v3;
	v63 =	vcvt.s32.f32 v6  }
0x16f: {  	v6 =	vadd.f32 $6.000000050e-03, v10;
	v10 =	vmul.f32 v1, v33;
	v7 =	vmul.f32 v7, v4  }
0x170: {  	v0 =	vadd.f32 $-5.000073310e-01, v0;
	v4 =	vadd.f32 $6.000000050e-03, v11;
	v11 =	vmul.f32 v3, v61  }
0x171: {  	v18 =	vsel vm9, v18, v35;
	v10 =	vadd.f32 $-2.445335240e-01, v10;
	v7 =	vadd.f32 $6.000000050e-03, v7  }
0x172: {  	v12 =	vsel vm8, v37, v12;
	v0 =	vmul.f32 v0, v5;
	v11 =	vadd.f32 $-2.445335240e-01, v11  }
0x173: {  	v8 =	vsel vm12, v34, v47;
	v10 =	vmul.f32 v10, v33;
	v7 =	vsel vm8, v7, v19  }
0x174: {  	v19 =	vsel vm5, v30, v8;
	v11 =	vmul.f32 v11, v61;
	v7 =	vsel vm6, v7, v18  }
0x175: {  	v0 =	vadd.f32 $1.000000720e+00, v0;
	v24 =	vadd.f32 $6.000000050e-03, v36;
	v7 =	vsel vm7, v7, v19  }
0x176: {  	v10 =	vadd.f32 $3.326524790e-01, v10;
	v11 =	vadd.f32 $3.326524790e-01, v11;
	v18 =	vsub.s32 $0x7EF311C3, v7  }
0x177: {  	v43 =	vadd.f32 $6.000000050e-03, v56;
	v19 =	vadd.f32 $6.000000050e-03, v40;
	v40 =	vmul.f32 v18, v7  }
0x178: {  	v36 =	vld [tilespmem:$0x1FC60];
	v14 =	vsel vm9, v25, v17;
	v10 =	vmul.f32 v10, v33;
	v11 =	vmul.f32 v11, v61  }
0x179: {  	v12 =	vsel vm6, v12, v14;
	v42 =	vadd.f32 $6.000000050e-03, v44;
	v29 =	vsub.f32 $2.000000000e+00, v40  }
0x17a: {  	v12 =	vsel vm7, v12, v16;
	v10 =	vadd.f32 $-4.999635520e-01, v10;
	v11 =	vadd.f32 $-4.999635520e-01, v11  }
0x17b: {  	v9 =	vsub.f32 v9, v12;
	v12 =	vmax.f32 v13, $0.0e+00;
	v18 =	vmul.f32 v18, v29  }
0x17c: {  	v1 =	vadd.f32 $6.000000050e-03, v23;
	v10 =	vmul.f32 v10, v33;
	v11 =	vmul.f32 v11, v61  }
0x17d: {  	v13 =	vmax.f32 v15, $0.0e+00;
	v3 =	vmul.f32 v36, v45;
	v7 =	vmul.f32 v18, v7  }
0x17e: {  	v45 =	vsel vm11, v1, v24;
	v10 =	vadd.f32 $9.999995230e-01, v10;
	v11 =	vadd.f32 $9.999995230e-01, v11  }
0x17f: {  	v44 =	vsel vm12, v6, v4;
	v8 =	vadd.f32 $6.000000050e-03, v39;
	v7 =	vsub.f32 $2.000000000e+00, v7  }
0x180: {  	v47 =	vsel vm5, v45, v44;
	v10 =	vmul.f32 v10, v33;
	v11 =	vmul.f32 v11, v61  }
0x181: {  	v56 =	vsel vm9, v43, v8;
	v14 =	vsel vm8, v19, v42;
	v7 =	vmul.f32 v7, v18  }
0x182: {  	v14 =	vsel vm6, v14, v56;
	v10 =	vadd.f32 v10, v12;
	v11 =	vadd.f32 v11, v13  }
0x183: {  	v44 =	vsel vm7, v14, v47;
	v12 =	vmul.f32 v62, v46;
	v14 =	vmul.f32 v7, v9  }
0x184: {  	v45 =	vadd.f32 $1.000000050e-03, v10;
	v10 =	vadd.f32 $1.000000050e-03, v11;
	v46 =	vmul.f32 v7, v44  }
0x185: {  	v9 =	vmul.f32 v0, v5;
	v0 =	vsub.f32 $2.000000000e+00, v12;
	v5 =	vsub.f32 $1.000000000e+00, v14  }
0x186: {  	v11 =	vadd.f32 v45, v10;
	v25 =	vadd.f32 v46, v46;
	_ =	sdelay $0x1  }
0x187: {  	v0 =	vmul.f32 v0, v62;
	v47 =	vmul.f32 v5, v14;
	v11 =	vsub.f32 v11, v25  }
0x188: {  	v12 =	vld [tilespmem:$0x1FC80]  }
0x189: {  	v13 =	vmul.f32 $5.952000140e+00, v0;
	v0 =	vmul.f32 v11, v47;
	v11 =	vld [tilespmem:$0x1FC70];
	_ =	sdelay $0x4  }
0x18a: {  	v11 =	vsel vm2, v12, v11;
	v12 =	vld [tilespmem:$0x1FC90]  }
0x18b: {  	v17 =	vld [tilespmem:$0x1FCB0]  }
0x18c: {  	v15 =	vld [tilespmem:$0x1FCA0];
	_ =	sdelay $0x2  }
0x18d: {  	v31 =	vadd.f32 v0, v46;
	v12 =	vnsel vm0, $0xC0400000, v12  }
0x18e: {  	v11 =	vsel vm1, v11, v12;
	v12 =	vmul.f32 v13, v20  }
0x18f: {  	v15 =	vsel vm4, v15, v17;
	v19 =	vsub.s32 $0x7EF311C3, v31  }
0x190: {  	v20 =	vsel vm3, v15, v11;
	v15 =	vadd.f32 $6.000000050e-03, v12;
	v12 =	vmul.f32 v19, v31  }
0x191: {  	v18 =	vld [tilespmem:s17+$0xFFFFFFF0]  }
0x192: {  	v11 =	vmul.f32 v13, v22;
	v22 =	vsub.f32 $2.000000000e+00, v12;
	v12 =	vld [tilespmem:$0x1FE70];
	_ =	sdelay $0x3  }
0x193: {  	v23 =	vmul.f32 $6.931471820e-01, v63;
	v7 =	vsel vm3, v21, v48;
	[tilespmem:$0x1FDB0] =	vst v18;
	v0 =	vmax.f32 v18, $-3.000000000e+00  }
0x194: {  	v40 =	vld.idx.msk [tilespmem:v58+s16+$0xFFFFFE70], $0xffff;
	v62 =	vmul.f32 v13, v51;
	v63 =	vmul.f32 v13, v38;
	v48 =	vmin.f32 v0, $3.000000000e+00  }
0x195: {  	v35 =	vld.idx.msk [tilespmem:v57+s16+$0xFFFFFE70], $0xffff;
	v18 =	vadd.f32 $6.000000050e-03, v11;
	v11 =	vmul.f32 v13, v32;
	v0 =	vadd.f32 $-3.000000000e+00, v15  }
0x196: {  	v51 =	vadd.f32 $6.000000050e-03, v63;
	v63 =	vmul.f32 v14, v14;
	v14 =	vmul.f32 v19, v22;
	v22 =	vld.idx.msk [tilespmem:v60+s16+$0xFFFFFE70], $0xffff  }
0x197: {  	v16 =	vmul.f32 v36, v7;
	v11 =	vadd.f32 $6.000000050e-03, v11;
	v36 =	vld.idx.msk [tilespmem:v12+s16+$0xFFFFFE70], $0xffff;
	v12 =	vadd.f32 v0, v18;
	_ =	sdelay $0x1  }
0x198: {  	v2 =	vadd.f32 $1.000000050e-03, v2;
	v31 =	vmul.f32 v14, v31;
	v19 =	vadd.f32 v12, v11  }
0x199: {  	v27 =	vsub.f32 $1.000000000e+00, v3;
	v21 =	vadd.f32 $1.000000050e-03, v49  }
0x19a: {  	vm1 =	vge.f32 v48, v0;
	v31 =	vsub.f32 $2.000000000e+00, v31;
	vm10 =	vge.f32 v48, v19  }
0x19b: {  	vm2 =	vge.f32 v48, v12;
	v61 =	vsel vm1, v40, v36;
	v33 =	vsel vm10, v35, v22  }
0x19c: {  	v5 =	vmul.f32 v5, v5;
	v49 =	vmul.f32 v31, v14;
	v31 =	vsel vm2, v33, v61;
	v61 =	vld [tilespmem:$0x1FFF0]  }
0x19d: {  	v29 =	vadd.f32 v21, v2;
	v25 =	vmul.f32 v47, v25;
	v10 =	vmul.f32 v10, v63  }
0x19e: {  	v28 =	vmul.f32 v3, v3;
	v30 =	vadd.f32 v16, v16;
	v32 =	vadd.f32 $6.000000050e-03, v62  }
0x19f: {  	v34 =	vmul.f32 v13, v52;
	v5 =	vmul.f32 v45, v5;
	v10 =	vadd.f32 v10, v25  }
0x1a0: {  	v29 =	vsub.f32 v29, v30;
	v56 =	vmul.f32 v13, v54;
	v54 =	vld.idx.msk [tilespmem:v55+s16+$0xFFFFFE70], $0xffff;
	v52 =	vadd.f32 v19, v32  }
0x1a1: {  	v34 =	vadd.f32 $6.000000050e-03, v34;
	v25 =	vld.idx.msk [tilespmem:v53+s16+$0xFFFFFE70], $0xffff;
	v5 =	vadd.f32 v10, v5;
	v14 =	vmul.f32 v46, v46  }
0x1a2: {  	v10 =	vld.idx.msk [tilespmem:v50+s16+$0xFFFFFE70], $0xffff;
	v62 =	vmovc v57;
	v57 =	vmul.f32 v2, v28;
	v2 =	vadd.f32 $-3.000000000e+00, v4;
	v53 =	vadd.f32 v52, v51  }
0x1a3: {  	v39 =	vadd.f32 $6.000000050e-03, v56;
	v50 =	vld.idx.msk [tilespmem:v59+s16+$0xFFFFFE70], $0xffff;
	v5 =	vmul.f32 v5, v14;
	v14 =	vmul.f32 v49, v49  }
0x1a4: {  	v4 =	vadd.f32 v2, v6;
	v2 =	vnsel vm12, $0xC0400000, v2;
	v55 =	vadd.f32 v53, v34;
	v37 =	vld.idx.msk [tilespmem:v61+s16+$0xFFFFFE70], $0xffff  }
0x1a5: {  	v36 =	vsel vm1, v22, v40;
	v22 =	vmul.f32 v27, v3;
	v3 =	vmul.f32 v14, v5  }
0x1a6: {  	v17 =	vsel vm10, v25, v35;
	v40 =	vadd.f32 v4, v24;
	v5 =	vadd.f32 v55, v39  }
0x1a7: {  	vm3 =	vge.f32 v48, v52;
	v17 =	vsel vm2, v17, v36;
	vm13 =	vge.f32 v48, v53  }
0x1a8: {  	v14 =	vmul.f32 v29, v22;
	v38 =	vsel vm13, v10, v54;
	vm14 =	vge.f32 v48, v5  }
0x1a9: {  	v10 =	vsel vm14, v50, v10;
	v33 =	vsel vm14, v37, v50;
	v50 =	vand.u32 $0x7FFFFF, v3  }
0x1aa: {  	v30 =	vmul.f32 v22, v30;
	v25 =	vsel vm13, v54, v25;
	v35 =	vor.u32 $0x3F800000, v50  }
0x1ab: {  	v56 =	vld [tilespmem:$0x1FCE0];
	v14 =	vadd.f32 v14, v16;
	vm4 =	vge.f32 v48, v55;
	v6 =	vmul.f32 $5.000000000e-01, v35  }
0x1ac: {  	v24 =	vld [tilespmem:$0x1FD20];
	v30 =	vadd.f32 v57, v30;
	v10 =	vsel vm4, v10, v25;
	vm0 =	vgt.f32 v35, $1.414213540e+00  }
0x1ad: {  	v57 =	vld [tilespmem:$0x1FCF0];
	v29 =	vsel vm4, v33, v38;
	v25 =	vsel vm0, v6, v35;
	v35 =	vsel vm3, v10, v31  }
0x1ae: {  	[tilespmem:$0x1FD50] =	vst v2;
	v2 =	vimm.s32 $0xFFFFFF81;
	v50 =	vld [tilespmem:$0x1FCD0];
	v17 =	vsel vm3, v29, v17;
	v31 =	vand.u32 $0x7FFFFFFF, v35  }
0x1af: {  	v38 =	vand.u32 $0x7FFFFFFF, v17;
	v6 =	vsel vm0, $0xFFFFFF82, v2;
	v2 =	vld [tilespmem:$0x1FD00];
	v37 =	vsub.f32 $0.0e+00, v31  }
0x1b0: {  	v54 =	vsub.s32 $0x7EF311C3, v14;
	v31 =	vsub.f32 $0.0e+00, v38;
	v38 =	vld [tilespmem:$0x1FD10]  }
0x1b1: {  	v10 =	vmul.f32 v54, v14;
	v29 =	vmul.f32 $1.442695020e+00, v37;
	v37 =	vld [tilespmem:$0x1FCC0]  }
0x1b2: {  	v28 =	vmul.f32 v28, v16;
	v22 =	vmul.f32 v21, v22  }
0x1b3: {  	v10 =	vsub.f32 $2.000000000e+00, v10  }
0x1b4: {  	v27 =	vmul.f32 v27, v27;
	v1 =	vadd.f32 v40, v1;
	v28 =	vadd.f32 v22, v28;
	v22 =	vld [tilespmem:$0x1FD30]  }
0x1b5: {  	v33 =	vmul.f32 v54, v10;
	v54 =	vadd.f32 v41, v24;
	v36 =	vadd.f32 v38, v2  }
0x1b6: {  	(erf) = vpow2.f32 v29;
	v29 =	vadd.f32 v57, v56;
	v10 =	vadd.f32 v50, v37  }
0x1b7: {  	v4 =	vsel vm11, v40, v4;
	v40 =	vadd.f32 v54, v36  }
0x1b8: {  	v21 =	vmul.f32 v21, v27;
	v27 =	vadd.f32 v29, v10;
	v10 =	vadd.f32 v1, v8  }
0x1b9: {  	v54 =	vmul.f32 v28, v7;
	v29 =	vand.u32 $0x7FFFFFFF, v22;
	v8 =	vmul.f32 v16, v16  }
0x1ba: {  	v16 =	vadd.f32 v30, v21;
	v7 =	vsel vm9, v10, v1;
	v1 =	vadd.f32 v9, v23  }
0x1bb: {  	v14 =	vmul.f32 v33, v14;
	vm0 =	vle.f32 v29, $3.000000000e+00  }
0x1bc: {  	[tilespmem:$0x1FDA0] =	vst v1;
	v1 =	vmul.f32 v16, v8;
	v16 =	vsel vm0, v26, v22  }
0x1bd: {  	v31 =	vmul.f32 $1.442695020e+00, v31;
	v14 =	vsub.f32 $2.000000000e+00, v14;
	[tilespmem:$0x1FE50] =	vst v16;
	v16 =	vld [tilespmem:$0x1FD40];
	_ =	sdelay $0x1  }
0x1be: {  	(erf) = vpow2.f32 v31;
	v14 =	vmul.f32 v14, v33;
	v27 =	vadd.f32 v40, v27;
	_ =	sdelay $0x1  }
0x1bf: {  	v9 =	vmul.f32 v14, v14;
	v8 =	vmul.f32 v14, v54;
	v14 =	vsub.s32 $0x7EF311C3, v27  }
0x1c0: {  	v31 =	vld [tilespmem:$0x1FEA0];
	v13 =	vmul.f32 v13, v16;
	v16 =	vmul.f32 v14, v27  }
0x1c1: {  	v8 =	vadd.f32 v8, v20  }
0x1c2: {  	v40 =	vld [tilespmem:$0x1FEC0];
	v13 =	vadd.f32 $6.000000050e-03, v13;
	v16 =	vsub.f32 $2.000000000e+00, v16  }
0x1c3: {  	v15 =	vsel vm1, v18, v15;
	v11 =	vsel vm10, v32, v11;
	v30 =	vld [tilespmem:$0x1FEF0];
	v1 =	vmul.f32 v9, v1  }
0x1c4: {  	v21 =	vpop (erf);
	[tilespmem:$0x1FE40] =	vst v8;
	v8 =	vsel vm13, v34, v51;
	v13 =	vsel vm14, v13, v39;
	v14 =	vmul.f32 v14, v16  }
0x1c5: {  	v11 =	vsel vm2, v11, v15;
	v20 =	vmul.f32 $8.466320110e-03, v21;
	v8 =	vsel vm4, v13, v8  }
0x1c6: {  	v23 =	vpop (erf);
	[tilespmem:$0x1FD80] =	vst v1;
	v1 =	vsel vm3, v8, v11;
	v8 =	vmul.f32 v14, v27  }
0x1c7: {  	s20 =	simm.s32 $0x7D0;
	v18 =	vmul.f32 $8.466320110e-03, v23;
	v20 =	vsub.f32 $4.365884890e-02, v20  }
0x1c8: {  	v28 =	vld.idx.msk [tilespmem:v31+s20+$0x0], $0xffff;
	v8 =	vsub.f32 $2.000000000e+00, v8  }
0x1c9: {  	v32 =	vld [tilespmem:$0x1FE80];
	v15 =	vmul.f32 v20, v21;
	v13 =	vsub.f32 $4.365884890e-02, v18  }
0x1ca: {  	v0 =	vnsel vm1, $0xC0400000, v0;
	v5 =	vsel vm14, v5, v55;
	v55 =	vld.idx.msk [tilespmem:v40+s20+$0x0], $0xffff;
	v8 =	vmul.f32 v8, v14  }
0x1cb: {  	v33 =	vld.idx.msk [tilespmem:v30+s20+$0x0], $0xffff;
	v11 =	vadd.f32 $-1.067985000e-01, v15;
	v9 =	vmul.f32 v13, v23;
	v13 =	vsel vm13, v53, v52  }
0x1cc: {  	v12 =	vsel vm10, v19, v12;
	v39 =	vld [tilespmem:$0x1FEB0];
	v5 =	vsel vm4, v5, v13;
	v13 =	vmul.f32 $5.952000140e+00, v8  }
0x1cd: {  	v51 =	vld [tilespmem:$0x1FED0];
	v28 =	vmul.f32 $1.442695020e+00, v28;
	v15 =	vsub.s32 $0x7EF311C3, v1;
	v11 =	vmul.f32 v11, v21  }
0x1ce: {  	v0 =	vsel vm2, v12, v0;
	v16 =	vmul.f32 v15, v1;
	v22 =	vmul.f32 v13, v38;
	v38 =	vld [tilespmem:$0x1FE90]  }
0x1cf: {  	v53 =	vmul.f32 $1.442695020e+00, v55;
	v9 =	vadd.f32 $-1.067985000e-01, v9;
	v11 =	vadd.f32 $1.765979080e-01, v11  }
0x1d0: {  	v55 =	vmul.f32 $1.442695020e+00, v33;
	v0 =	vsel vm3, v5, v0;
	v12 =	vsub.f32 $2.000000000e+00, v16  }
0x1d1: {  	v9 =	vmul.f32 v9, v23;
	v11 =	vmul.f32 v11, v21;
	v8 =	vadd.f32 $-1.000000000e+00, v25  }
0x1d2: {  	v16 =	vmax.f32 v17, $0.0e+00;
	v12 =	vmul.f32 v15, v12;
	v17 =	vmul.f32 v13, v37  }
0x1d3: {  	v9 =	vadd.f32 $1.765979080e-01, v9;
	v15 =	vmul.f32 v13, v50;
	v18 =	vmul.f32 $1.178451030e-01, v8;
	v50 =	vld [tilespmem:$0x1FEE0]  }
0x1d4: {  	v54 =	vld.idx.msk [tilespmem:v39+s20+$0x0], $0xffff;
	v11 =	vadd.f32 $-2.445335240e-01, v11;
	v19 =	vmul.f32 v13, v56;
	v20 =	vmul.f32 v13, v57  }
0x1d5: {  	v56 =	vmul.f32 v13, v2;
	v57 =	vld.idx.msk [tilespmem:v32+s20+$0x0], $0xffff;
	v9 =	vmul.f32 v9, v23;
	v18 =	vadd.f32 $-1.845594790e-01, v18  }
0x1d6: {  	v14 =	vmax.f32 v35, $0.0e+00;
	v24 =	vmul.f32 v13, v24;
	v11 =	vmul.f32 v11, v21;
	v27 =	vld.idx.msk [tilespmem:v38+s20+$0x0], $0xffff  }
0x1d7: {  	v36 =	vadd.f32 $6.000000050e-03, v56;
	v56 =	vld.idx.msk [tilespmem:v51+s20+$0x0], $0xffff;
	v9 =	vadd.f32 $-2.445335240e-01, v9;
	v18 =	vmul.f32 v18, v8  }
0x1d8: {  	v13 =	vmul.f32 v13, v41;
	v1 =	vmul.f32 v12, v1;
	v11 =	vadd.f32 $3.326524790e-01, v11  }
0x1d9: {  	v41 =	vmul.f32 $1.442695020e+00, v54;
	v9 =	vmul.f32 v9, v23;
	v18 =	vadd.f32 $2.045543790e-01, v18  }
0x1da: {  	v0 =	vsub.f32 v48, v0;
	v26 =	vmul.f32 $1.442695020e+00, v57;
	v11 =	vmul.f32 v11, v21  }
0x1db: {  	v9 =	vadd.f32 $3.326524790e-01, v9;
	v18 =	vmul.f32 v18, v8;
	v57 =	vld.idx.msk [tilespmem:v50+s20+$0x0], $0xffff;
	v27 =	vmul.f32 $1.442695020e+00, v27  }
0x1dc: {  	(erf) = vpow2.f32 v26;
	v25 =	vmul.f32 $1.442695020e+00, v56;
	v11 =	vadd.f32 $-4.999635520e-01, v11  }
0x1dd: {  	v9 =	vmul.f32 v9, v23;
	v18 =	vadd.f32 $-2.492949520e-01, v18;
	(erf) = vpow2.f32 v27  }
0x1de: {  	v19 =	vadd.f32 $6.000000050e-03, v19;
	v5 =	vmul.f32 v11, v21;
	(erf) = vpow2.f32 v28  }
0x1df: {  	v1 =	vsub.f32 $2.000000000e+00, v1;
	v18 =	vmul.f32 v18, v8;
	(erf) = vpow2.f32 v41  }
0x1e0: {  	v20 =	vadd.f32 $6.000000050e-03, v20;
	v54 =	vmul.f32 $1.442695020e+00, v57;
	(erf) = vpow2.f32 v53  }
0x1e1: {  	v37 =	vmul.f32 v1, v12;
	v9 =	vadd.f32 $-4.999635520e-01, v9;
	(erf) = vpow2.f32 v25  }
0x1e2: {  	v5 =	vadd.f32 $9.999995230e-01, v5;
	v18 =	vadd.f32 $3.331793250e-01, v18;
	(erf) = vpow2.f32 v54  }
0x1e3: {  	v22 =	vadd.f32 $6.000000050e-03, v22;
	v9 =	vmul.f32 v9, v23;
	(erf) = vpow2.f32 v55  }
0x1e4: {  	v13 =	vadd.f32 $6.000000050e-03, v13;
	v12 =	vmul.f32 v63, v46;
	v5 =	vmul.f32 v5, v21  }
0x1e5: {  	v1 =	vadd.f32 $9.999995230e-01, v9;
	v29 =	vpop (erf);
	v9 =	vmul.f32 v18, v8;
	v41 =	vmul.f32 v45, v47  }
0x1e6: {  	[tilespmem:$0x1FD70] =	vst v0;
	v0 =	vld [tilespmem:$0x1FD50];
	v11 =	vadd.f32 $6.000000050e-03, v24;
	v33 =	vadd.f32 v5, v14;
	v18 =	vpop (erf)  }
0x1e7: {  	v3 =	vshrl.u32 v3, $0x17;
	v5 =	vadd.f32 $-5.000073310e-01, v9;
	v9 =	vadd.f32 v41, v12;
	v34 =	vpop (erf)  }
0x1e8: {  	v3 =	vand.u32 $0xFF, v3;
	v35 =	vld [tilespmem:$0x1FF20];
	v17 =	vadd.f32 $6.000000050e-03, v17;
	v15 =	vadd.f32 $6.000000050e-03, v15;
	v14 =	vpop (erf)  }
0x1e9: {  	v52 =	vsel vm10, v20, v19;
	v56 =	vsel vm13, v22, v36;
	v46 =	vld.idx.msk [tilespmem:v32+s20+$0xFFFFFE70], $0xffff;
	v13 =	vsel vm14, v13, v11;
	v12 =	vpop (erf)  }
0x1ea: {  	v57 =	vsel vm1, v15, v17;
	v13 =	vsel vm4, v13, v56;
	v56 =	vld.idx.msk [tilespmem:v40+s20+$0xFFFFFE70], $0xffff;
	v45 =	vadd.f32 v10, v43;
	v10 =	vpop (erf)  }
0x1eb: {  	v2 =	vsel vm5, v4, v0;
	v0 =	vld [tilespmem:$0x1FF00];
	v1 =	vmul.f32 v1, v23;
	v53 =	vmul.f32 v9, v44;
	v9 =	vpop (erf)  }
0x1ec: {  	v54 =	vld.idx.msk [tilespmem:v31+s20+$0xFFFFFE70], $0xffff;
	v31 =	vadd.s32 v3, v6;
	v6 =	vadd.f32 v18, v29;
	v55 =	vadd.f32 v14, v34;
	v43 =	vpop (erf)  }
0x1ed: {  	v24 =	vsel vm2, v52, v57;
	v28 =	vld.idx.msk [tilespmem:v51+s20+$0xFFFFFE70], $0xffff;
	v57 =	vadd.f32 v10, v12;
	v63 =	vadd.f32 v43, v9  }
0x1ee: {  	v47 =	vld.idx.msk [tilespmem:v38+s20+$0xFFFFFE70], $0xffff;
	v32 =	vadd.f32 v1, v16;
	v16 =	vadd.f32 v45, v42  }
0x1ef: {  	v1 =	vld [tilespmem:$0x1FF40];
	v6 =	vadd.f32 v55, v6;
	v48 =	vadd.f32 v63, v57  }
0x1f0: {  	v52 =	vmul.f32 v5, v8;
	v3 =	vld.idx.msk [tilespmem:v39+s20+$0xFFFFFE70], $0xffff  }
0x1f1: {  	v16 =	vsel vm8, v16, v45;
	v4 =	vmul.f32 v49, v53;
	v53 =	vld [tilespmem:$0x1FF10];
	v6 =	vadd.f32 v48, v6  }
0x1f2: {  	v7 =	vsel vm6, v16, v7;
	v16 =	vld.idx.msk [tilespmem:v50+s20+$0xFFFFFE70], $0xffff  }
0x1f3: {  	v27 =	vadd.f32 $1.000000720e+00, v52;
	v55 =	vld [tilespmem:$0x1FF30];
	v52 =	vsub.s32 $0x7EF311C3, v6  }
0x1f4: {  	v21 =	vmul.f32 $1.442695020e+00, v46;
	v49 =	vld.idx.msk [tilespmem:v30+s20+$0xFFFFFE70], $0xffff;
	v7 =	vsel vm7, v7, v2;
	v2 =	vmul.f32 v52, v6  }
0x1f5: {  	v46 =	vadd.f32 $-3.000000000e+00, v17;
	v17 =	vmul.f32 $1.442695020e+00, v56;
	v26 =	vmul.f32 $1.442695020e+00, v47;
	v63 =	vld [tilespmem:$0x1FF50]  }
0x1f6: {  	(erf) = vpow2.f32 v21;
	v38 =	vmul.f32 $1.442695020e+00, v54;
	v57 =	vsub.f32 $2.000000000e+00, v2;
	v2 =	vld [tilespmem:$0x1FF60]  }
0x1f7: {  	v51 =	vld.idx.msk [tilespmem:v0+s20+$0xFFFFFE70], $0xffff;
	(erf) = vpow2.f32 v26;
	v3 =	vmul.f32 $1.442695020e+00, v3  }
0x1f8: {  	v39 =	vld [tilespmem:$0x1FD60];
	v50 =	vmul.f32 $1.442695020e+00, v28;
	(erf) = vpow2.f32 v38  }
0x1f9: {  	v25 =	vmul.f32 v27, v8;
	(erf) = vpow2.f32 v3;
	v3 =	vld.idx.msk [tilespmem:v53+s20+$0xFFFFFE70], $0xffff  }
0x1fa: {  	v15 =	vadd.f32 v46, v15;
	v16 =	vmul.f32 $1.442695020e+00, v16;
	(erf) = vpow2.f32 v17;
	v17 =	vld.idx.msk [tilespmem:v35+s20+$0xFFFFFE70], $0xffff  }
0x1fb: {  	v5 =	vsel vm3, v13, v24;
	v54 =	vmul.f32 $1.442695020e+00, v49;
	(erf) = vpow2.f32 v50;
	v56 =	vld.idx.msk [tilespmem:v55+s20+$0xFFFFFE70], $0xffff  }
0x1fc: {  	v23 =	vmul.f32 $1.442695020e+00, v51;
	(erf) = vpow2.f32 v16;
	v16 =	vld.idx.msk [tilespmem:v1+s20+$0xFFFFFE70], $0xffff;
	[tilespmem:$0x1FE30] =	vst v5  }
0x1fd: {  	v8 =	vadd.f32 v15, v19;
	(erf) = vpow2.f32 v54;
	v13 =	vld.idx.msk [tilespmem:v63+s20+$0xFFFFFE70], $0xffff;
	v19 =	vmul.f32 v52, v57  }
0x1fe: {  	(erf) = vpow2.f32 v23;
	v3 =	vmul.f32 $1.442695020e+00, v3;
	v42 =	vld.idx.msk [tilespmem:v2+s20+$0xFFFFFE70], $0xffff  }
0x1ff: {  	v20 =	vadd.f32 v8, v20;
	v17 =	vmul.f32 $1.442695020e+00, v17;
	v45 =	vld.idx.msk [tilespmem:v0+s20+$0x0], $0xffff;
	v6 =	vmul.f32 v19, v6  }
0x200: {  	v28 =	vadd.f32 v4, v7;
	(erf) = vpow2.f32 v3;
	v47 =	vld.idx.msk [tilespmem:v53+s20+$0x0], $0xffff;
	v44 =	vmul.f32 $1.442695020e+00, v56  }
0x201: {  	v36 =	vadd.f32 v20, v36;
	v16 =	vmul.f32 $1.442695020e+00, v16;
	v4 =	vld.idx.msk [tilespmem:v35+s20+$0x0], $0xffff;
	(erf) = vpow2.f32 v17  }
0x202: {  	v51 =	vpop (erf);
	v0 =	vld [tilespmem:$0x1FE70];
	(erf) = vpow2.f32 v44;
	v3 =	vsub.f32 $2.000000000e+00, v6;
	v13 =	vmul.f32 $1.442695020e+00, v13  }
0x203: {  	v22 =	vadd.f32 v36, v22;
	v54 =	vld.idx.msk [tilespmem:v63+s20+$0x0], $0xffff;
	v6 =	vpop (erf);
	(erf) = vpow2.f32 v16;
	v17 =	vmul.f32 $1.442695020e+00, v42  }
0x204: {  	v7 =	vmul.f32 v3, v19;
	v16 =	vld.idx.msk [tilespmem:v55+s20+$0x0], $0xffff;
	(erf) = vpow2.f32 v13  }
0x205: {  	v11 =	vadd.f32 v22, v11;
	v21 =	vpop (erf);
	(erf) = vpow2.f32 v17;
	v17 =	vld.idx.msk [tilespmem:v1+s20+$0x0], $0xffff  }
0x206: {  	v30 =	vsel vm10, v8, v15;
	v27 =	vmul.f32 $5.952000140e+00, v7;
	v1 =	vld [tilespmem:$0x1FF70]  }
0x207: {  	v22 =	vsel vm14, v11, v22;
	v11 =	vmul.f32 $1.442695020e+00, v45;
	v8 =	vmul.f32 $1.442695020e+00, v4  }
0x208: {  	v41 =	vand.u32 $0x7FFFFFFF, v39;
	v13 =	vmul.f32 $1.442695020e+00, v47;
	v53 =	vmul.f32 v27, v29  }
0x209: {  	v20 =	vsel vm13, v36, v20;
	v36 =	vld [tilespmem:$0x1FF80];
	v24 =	vmul.f32 $1.442695020e+00, v54;
	v50 =	vpop (erf);
	(erf) = vpow2.f32 v11  }
0x20a: {  	v35 =	vld [tilespmem:$0x1FFC0];
	v7 =	vpop (erf);
	v11 =	vmul.f32 v27, v18;
	(erf) = vpow2.f32 v13;
	v13 =	vadd.f32 $6.000000050e-03, v53  }
0x20b: {  	v44 =	vld.idx.msk [tilespmem:v0+s20+$0x0], $0xffff;
	v56 =	vadd.f32 v50, v21;
	v19 =	vpop (erf);
	v15 =	vmul.f32 $1.442695020e+00, v16;
	(erf) = vpow2.f32 v8  }
0x20c: {  	v55 =	vld.idx.msk [tilespmem:v2+s20+$0x0], $0xffff;
	v47 =	vpop (erf);
	v16 =	vadd.f32 $6.000000050e-03, v11;
	v8 =	vmul.f32 v27, v34;
	v11 =	vadd.f32 $-3.000000000e+00, v13  }
0x20d: {  	v38 =	vpop (erf);
	v18 =	vadd.f32 v6, v51;
	v34 =	vld [tilespmem:$0x1FFD0];
	(erf) = vpow2.f32 v15;
	v17 =	vmul.f32 $1.442695020e+00, v17  }
0x20e: {  	s14 =	simm.s32 $0x19050;
	v0 =	vpop (erf);
	v15 =	vadd.f32 $6.000000050e-03, v8;
	v8 =	vmul.f32 v27, v14;
	v49 =	vadd.f32 v11, v16;
	v57 =	vld.idx.msk [tilespmem:v1+s20+$0x0], $0xffff  }
0x20f: {  	v45 =	vld [tilespmem:s14+$0x0];
	v12 =	vmul.f32 v27, v12;
	v10 =	vmul.f32 v27, v10;
	v14 =	vadd.f32 v56, v18;
	[tilespmem:$0x1FDC0] =	vst v0;
	v0 =	vpop (erf)  }
0x210: {  	(erf) = vpow2.f32 v17;
	v18 =	vadd.f32 $6.000000050e-03, v8;
	v8 =	vadd.f32 v49, v15;
	v26 =	vld.idx.msk [tilespmem:v58+s20+$0x0], $0xffff;
	[tilespmem:$0x1FDD0] =	vst v0;
	v0 =	vpop (erf)  }
0x211: {  	v23 =	vmul.f32 $1.442695020e+00, v55;
	v17 =	vadd.f32 $6.000000050e-03, v12;
	(erf) = vpow2.f32 v24;
	v24 =	vld.idx.msk [tilespmem:v60+s20+$0x0], $0xffff;
	[tilespmem:$0x1FDE0] =	vst v0;
	v0 =	vpop (erf)  }
0x212: {  	vm8 =	vle.f32 v41, $3.000000000e+00;
	v12 =	vadd.f32 v38, v47;
	v53 =	vadd.f32 v8, v18;
	v48 =	vld.idx.msk [tilespmem:v62+s20+$0x0], $0xffff;
	[tilespmem:$0x1FDF0] =	vst v0;
	v0 =	vpop (erf)  }
0x213: {  	v58 =	vadd.f32 v19, v7;
	(erf) = vpow2.f32 v23;
	v23 =	vld.idx.msk [tilespmem:v35+s20+$0x0], $0xffff;
	[tilespmem:$0x1FE00] =	vst v0;
	v0 =	vpop (erf);
	v29 =	vmul.f32 $1.442695020e+00, v57  }
0x214: {  	v55 =	vadd.f32 $6.000000050e-03, v10;
	v62 =	vmul.f32 v27, v9;
	v10 =	vadd.f32 v53, v17;
	v52 =	vld.idx.msk [tilespmem:v36+s20+$0x0], $0xffff;
	[tilespmem:$0x1FE10] =	vst v0;
	v0 =	vpop (erf)  }
0x215: {  	v63 =	vadd.f32 v12, v58;
	v9 =	vmax.f32 v45, $-3.000000000e+00;
	(erf) = vpow2.f32 v29;
	v29 =	vld.idx.msk [tilespmem:v34+s20+$0x0], $0xffff;
	[tilespmem:$0x1FE20] =	vst v0  }
0x216: {  	v40 =	vmovc v61;
	v9 =	vmin.f32 v9, $3.000000000e+00;
	v56 =	vadd.f32 $6.000000050e-03, v62;
	v12 =	vadd.f32 v10, v55;
	v58 =	vld.idx.msk [tilespmem:v59+s20+$0x0], $0xffff  }
0x217: {  	v41 =	vmovc v60;
	v54 =	vsel vm4, v22, v20;
	v57 =	vadd.f32 v63, v14;
	vm12 =	vge.f32 v9, v11  }
0x218: {  	v42 =	vmovc v59;
	vm7 =	vge.f32 v9, v8;
	vm5 =	vge.f32 v9, v49;
	v14 =	vadd.f32 v12, v56  }
0x219: {  	v22 =	vsel vm12, v26, v44;
	vm9 =	vge.f32 v9, v10;
	v26 =	vsel vm12, v24, v26;
	v59 =	vpop (erf)  }
0x21a: {  	v20 =	vld.idx.msk [tilespmem:v61+s20+$0x0], $0xffff;
	v24 =	vsel vm7, v48, v24;
	v60 =	vpop (erf);
	v44 =	vsel vm7, v23, v48;
	vm4 =	vge.f32 v9, v14  }
0x21b: {  	v22 =	vsel vm5, v24, v22;
	v61 =	vpop (erf);
	v24 =	vsel vm9, v29, v52;
	v48 =	vsel vm4, v58, v29;
	v29 =	vld.idx.msk [tilespmem:v1+s20+$0xFFFFFE70], $0xffff  }
0x21c: {  	v62 =	vpop (erf)  }
0x21d: {  	vm6 =	vge.f32 v9, v12;
	v23 =	vsel vm9, v52, v23;
	v63 =	vpop (erf)  }
0x21e: {  	v2 =	vadd.f32 v60, v59;
	v1 =	vadd.f32 v62, v61;
	v23 =	vsel vm6, v48, v23;
	v48 =	vpop (erf)  }
0x21f: {  	vm10 =	vge.f32 v9, v53;
	v52 =	vsel vm4, v20, v58;
	v4 =	vpop (erf)  }
0x220: {  	v58 =	vsub.s32 $0x7EF311C3, v57;
	v1 =	vadd.f32 v1, v2;
	v3 =	vpop (erf);
	v2 =	vmul.f32 $1.442695020e+00, v29  }
0x221: {  	v23 =	vsel vm10, v23, v22;
	v22 =	vadd.f32 v48, v63;
	v0 =	vadd.f32 v3, v4  }
0x222: {  	v20 =	vmul.f32 v58, v57;
	(erf) = vpow2.f32 v2;
	v2 =	vld [tilespmem:$0x1FD70]  }
0x223: {  	v31 =	vcvt.s32.f32 v31;
	v26 =	vsel vm5, v44, v26;
	v0 =	vadd.f32 v0, v22  }
0x224: {  	v24 =	vsel vm6, v52, v24;
	v20 =	vsub.f32 $2.000000000e+00, v20;
	v52 =	vand.u32 $0x7FFFFFFF, v23  }
0x225: {  	v29 =	vmul.f32 v37, v5;
	v1 =	vadd.f32 v0, v1;
	v0 =	vsub.f32 $0.0e+00, v52  }
0x226: {  	v22 =	vsel vm10, v24, v26;
	v24 =	vadd.f32 $1.000000050e-03, v33;
	v26 =	vadd.f32 $1.000000050e-03, v32  }
0x227: {  	v2 =	vmul.f32 v37, v2;
	v0 =	vmul.f32 $1.442695020e+00, v0;
	v32 =	vsub.s32 $0x7EF311C3, v1  }
0x228: {  	v20 =	vmul.f32 v58, v20;
	v52 =	vadd.f32 v29, v29;
	v58 =	vmul.f32 v32, v1  }
0x229: {  	v33 =	vsub.f32 $1.000000000e+00, v2;
	(erf) = vpow2.f32 v0;
	v0 =	vadd.f32 v24, v26  }
0x22a: {  	v31 =	vmul.f32 $6.931471820e-01, v31;
	v44 =	vand.u32 $0x7FFFFFFF, v22;
	v37 =	vsub.f32 $2.000000000e+00, v58  }
0x22b: {  	v58 =	vmul.f32 v2, v2;
	v2 =	vmul.f32 v33, v2;
	v0 =	vsub.f32 v0, v52  }
0x22c: {  	v33 =	vmul.f32 v33, v33;
	v32 =	vmul.f32 v32, v37;
	v37 =	vsub.f32 $0.0e+00, v44  }
0x22d: {  	v26 =	vmul.f32 v26, v58;
	v44 =	vadd.f32 v25, v31;
	v25 =	vmul.f32 v0, v2  }
0x22e: {  	v0 =	vsel vm8, v28, v39;
	v5 =	vmul.f32 v2, v52;
	v37 =	vmul.f32 $1.442695020e+00, v37  }
0x22f: {  	v31 =	vmul.f32 v24, v2;
	[tilespmem:$0x1FE60] =	vst v0;
	v1 =	vmul.f32 v32, v1;
	v0 =	vld [tilespmem:$0x1FD80];
	v25 =	vadd.f32 v25, v29  }
0x230: {  	v2 =	vmul.f32 v24, v33;
	v5 =	vadd.f32 v26, v5;
	(erf) = vpow2.f32 v37  }
0x231: {  	v37 =	vmul.f32 v20, v57;
	v1 =	vsub.f32 $2.000000000e+00, v1;
	v39 =	vsub.s32 $0x7EF311C3, v25  }
0x232: {  	v2 =	vadd.f32 v5, v2;
	v5 =	vmul.f32 v29, v29;
	v57 =	vmul.f32 v39, v25  }
0x233: {  	v27 =	vmul.f32 v27, v43;
	v1 =	vmul.f32 v1, v32;
	v32 =	vsub.f32 $2.000000000e+00, v37  }
0x234: {  	v24 =	vmul.f32 v2, v5;
	v5 =	vand.u32 $0x7FFFFF, v0;
	v2 =	vsub.f32 $2.000000000e+00, v57  }
0x235: {  	v52 =	vmul.f32 v58, v29;
	v20 =	vmul.f32 v32, v20;
	v32 =	vor.u32 $0x3F800000, v5  }
0x236: {  	v33 =	vmul.f32 $5.952000140e+00, v1;
	v1 =	vnsel vm1, $0xC0400000, v46;
	v5 =	vmul.f32 v39, v2  }
0x237: {  	v37 =	vsel vm2, v30, v1;
	v2 =	vmul.f32 $5.000000000e-01, v32;
	v1 =	vmul.f32 $5.952000140e+00, v20  }
0x238: {  	v29 =	vpop (erf);
	v28 =	vmul.f32 v33, v59;
	v20 =	vsel vm3, v54, v37;
	v37 =	vmul.f32 v33, v60  }
0x239: {  	v16 =	vsel vm12, v16, v13;
	v26 =	vpop (erf);
	v57 =	vmul.f32 v33, v61;
	v58 =	vmul.f32 v33, v62  }
0x23a: {  	v15 =	vsel vm7, v18, v15;
	v39 =	vmul.f32 $8.466320110e-03, v26;
	v48 =	vmul.f32 v33, v48;
	v60 =	vld [tilespmem:$0x1FD90];
	v59 =	vpop (erf)  }
0x23b: {  	vm11 =	vgt.f32 v32, $1.414213540e+00;
	v4 =	vmul.f32 v33, v4;
	v62 =	vmul.f32 $8.466320110e-03, v59  }
0x23c: {  	v46 =	vsel vm11, v2, v32;
	v2 =	vmul.f32 v33, v63;
	v54 =	vsub.f32 $4.365884890e-02, v39  }
0x23d: {  	v33 =	vmul.f32 v33, v3;
	v3 =	vmul.f32 v1, v51;
	v32 =	vsub.f32 $4.365884890e-02, v62  }
0x23e: {  	v8 =	vsel vm7, v8, v49;
	v17 =	vsel vm9, v55, v17;
	v39 =	vmul.f32 v54, v26  }
0x23f: {  	v51 =	vadd.f32 $6.000000050e-03, v3;
	v13 =	vand.u32 $0x7FFFFFFF, v60;
	v3 =	vmul.f32 v32, v59  }
0x240: {  	v55 =	vadd.f32 $6.000000050e-03, v27;
	vm1 =	vle.f32 v13, $3.000000000e+00;
	v13 =	vadd.f32 $-1.067985000e-01, v39  }
0x241: {  	v15 =	vsel vm5, v15, v16;
	v10 =	vsel vm9, v10, v53;
	v3 =	vadd.f32 $-1.067985000e-01, v3  }
0x242: {  	v12 =	vsel vm4, v14, v12;
	v6 =	vmul.f32 v1, v6;
	v13 =	vmul.f32 v13, v26  }
0x243: {  	v28 =	vadd.f32 $6.000000050e-03, v28;
	v30 =	vadd.f32 $6.000000050e-03, v37;
	v3 =	vmul.f32 v3, v59  }
0x244: {  	v10 =	vsel vm6, v12, v10;
	v54 =	vadd.f32 $6.000000050e-03, v6;
	v6 =	vadd.f32 $1.765979080e-01, v13  }
0x245: {  	v19 =	vmul.f32 v1, v19;
	v27 =	vadd.f32 $6.000000050e-03, v48;
	v43 =	vadd.f32 $1.765979080e-01, v3  }
0x246: {  	v18 =	vadd.f32 $-3.000000000e+00, v28;
	v13 =	vmul.f32 v1, v50;
	v6 =	vmul.f32 v6, v26  }
0x247: {  	v2 =	vadd.f32 $6.000000050e-03, v2;
	v50 =	vmul.f32 v1, v7;
	v7 =	vmul.f32 v43, v59  }
0x248: {  	v28 =	vsel vm12, v30, v28;
	v19 =	vadd.f32 $6.000000050e-03, v19;
	v6 =	vadd.f32 $-2.445335240e-01, v6  }
0x249: {  	v37 =	vnsel vm12, $0xC0400000, v18;
	v32 =	vnsel vm12, $0xC0400000, v11;
	v61 =	vadd.f32 $-2.445335240e-01, v7  }
0x24a: {  	v11 =	vmul.f32 v1, v21;
	v21 =	vsel vm4, v55, v56;
	v6 =	vmul.f32 v6, v26  }
0x24b: {  	v62 =	vadd.f32 $6.000000050e-03, v57;
	v16 =	vsel vm6, v21, v17;
	v17 =	vmul.f32 v61, v59  }
0x24c: {  	v39 =	vadd.f32 $6.000000050e-03, v58;
	v15 =	vsel vm10, v16, v15;
	v6 =	vadd.f32 $3.326524790e-01, v6  }
0x24d: {  	v56 =	vadd.f32 $6.000000050e-03, v4;
	v16 =	vadd.f32 $3.326524790e-01, v17;
	v17 =	vsub.s32 $0x7EF311C3, v15  }
0x24e: {  	v58 =	vsel vm7, v39, v62;
	v6 =	vmul.f32 v6, v26;
	v43 =	vmul.f32 v17, v15  }
0x24f: {  	v4 =	vadd.f32 $6.000000050e-03, v33;
	v28 =	vsel vm5, v58, v28;
	v16 =	vmul.f32 v16, v59  }
0x250: {  	v8 =	vsel vm5, v8, v32;
	v6 =	vadd.f32 $-4.999635520e-01, v6;
	v48 =	vsub.f32 $2.000000000e+00, v43  }
0x251: {  	v11 =	vadd.f32 $6.000000050e-03, v11;
	v4 =	vsel vm4, v4, v56;
	v16 =	vadd.f32 $-4.999635520e-01, v16  }
0x252: {  	v8 =	vsel vm10, v10, v8;
	v6 =	vmul.f32 v6, v26;
	v17 =	vmul.f32 v17, v48  }
0x253: {  	v8 =	vsub.f32 v9, v8;
	v3 =	vadd.f32 $-3.000000000e+00, v51;
	v16 =	vmul.f32 v16, v59  }
0x254: {  	v13 =	vadd.f32 $6.000000050e-03, v13;
	v6 =	vadd.f32 $9.999995230e-01, v6;
	v14 =	vmul.f32 v17, v15  }
0x255: {  	v9 =	vmax.f32 v23, $0.0e+00;
	v7 =	vadd.f32 v3, v54;
	v12 =	vadd.f32 $9.999995230e-01, v16  }
0x256: {  	v61 =	vsel vm9, v27, v2;
	v6 =	vmul.f32 v6, v26;
	v10 =	vsub.f32 $2.000000000e+00, v14  }
0x257: {  	v4 =	vsel vm6, v4, v61;
	v15 =	vadd.f32 v18, v30;
	v12 =	vmul.f32 v12, v59  }
0x258: {  	v6 =	vadd.f32 v6, v9;
	v14 =	vmax.f32 v22, $0.0e+00;
	v10 =	vmul.f32 v10, v17  }
0x259: {  	v49 =	vsel vm10, v4, v28;
	v22 =	vadd.f32 $6.000000050e-03, v50;
	v9 =	vadd.f32 v12, v14  }
0x25a: {  	v12 =	vadd.f32 v15, v62;
	v14 =	vmul.f32 v10, v8;
	v8 =	vmul.f32 v10, v49;
	v10 =	vld [tilespmem:$0x1FF90]  }
0x25b: {  	v63 =	vld [tilespmem:$0x1FE70];
	v4 =	vadd.f32 $1.000000050e-03, v6;
	v18 =	vadd.f32 $1.000000050e-03, v9;
	v9 =	vmul.f32 v1, v47  }
0x25c: {  	v59 =	vld [tilespmem:s14+$0xFFFFFFF0];
	v17 =	vadd.f32 v7, v11;
	v6 =	vadd.f32 v12, v39  }
0x25d: {  	v50 =	vshrl.u32 v0, $0x17;
	v0 =	vadd.f32 v31, v52;
	v32 =	vadd.f32 $6.000000050e-03, v9;
	v9 =	vld [tilespmem:$0x1FFB0]  }
0x25e: {  	v47 =	vadd.f32 v17, v13;
	v2 =	vadd.f32 v6, v2  }
0x25f: {  	v25 =	vmul.f32 v5, v25;
	v21 =	vsub.f32 $1.000000000e+00, v14;
	v28 =	vadd.f32 v8, v8  }
0x260: {  	v41 =	vld.idx.msk [tilespmem:v41+s20+$0xFFFFFE70], $0xffff;
	v12 =	vsel vm7, v12, v15;
	v53 =	vadd.f32 v47, v22;
	v27 =	vadd.f32 v2, v27  }
0x261: {  	v40 =	vld.idx.msk [tilespmem:v40+s20+$0xFFFFFE70], $0xffff;
	v37 =	vsel vm5, v12, v37;
	v57 =	vmul.f32 v8, v8;
	v62 =	vadd.f32 v4, v18  }
0x262: {  	v55 =	vadd.f32 v53, v19;
	v58 =	vadd.f32 v27, v56;
	v39 =	vld.idx.msk [tilespmem:v10+s20+$0xFFFFFE70], $0xffff;
	v10 =	vmax.f32 v59, $-3.000000000e+00  }
0x263: {  	v16 =	vld.idx.msk [tilespmem:v63+s20+$0xFFFFFE70], $0xffff;
	v23 =	vsub.f32 v62, v28;
	v2 =	vsel vm9, v2, v6;
	v10 =	vmin.f32 v10, $3.000000000e+00  }
0x264: {  	v62 =	vld.idx.msk [tilespmem:v42+s20+$0xFFFFFE70], $0xffff;
	v27 =	vsel vm4, v58, v27;
	v58 =	vadd.f32 v55, v32;
	vm3 =	vge.f32 v10, v3  }
0x265: {  	vm2 =	vge.f32 v10, v7;
	vm4 =	vge.f32 v10, v17;
	v43 =	vld.idx.msk [tilespmem:v9+s20+$0xFFFFFE70], $0xffff;
	v9 =	vmul.f32 v21, v14  }
0x266: {  	v61 =	vld.idx.msk [tilespmem:v36+s20+$0xFFFFFE70], $0xffff;
	v27 =	vsel vm6, v27, v2;
	vm6 =	vge.f32 v10, v53;
	vm9 =	vge.f32 v10, v55  }
0x267: {  	v56 =	vld [tilespmem:$0x1FDB0];
	vm5 =	vge.f32 v10, v47;
	vm7 =	vge.f32 v10, v58;
	v23 =	vmul.f32 v23, v9  }
0x268: {  	v15 =	vld.idx.msk [tilespmem:v35+s20+$0xFFFFFE70], $0xffff;
	v21 =	vmul.f32 v21, v21;
	v19 =	vsel vm6, v19, v22;
	v7 =	vsel vm4, v17, v7  }
0x269: {  	v3 =	vnsel vm3, $0xC0400000, v3;
	v6 =	vsel vm3, v39, v16;
	v16 =	vld.idx.msk [tilespmem:v34+s20+$0xFFFFFE70], $0xffff;
	v23 =	vadd.f32 v23, v8  }
0x26a: {  	v11 =	vsel vm4, v13, v11;
	v48 =	vsel vm7, v40, v62;
	v3 =	vsel vm2, v7, v3  }
0x26b: {  	v26 =	vsel vm3, v41, v39;
	v30 =	vsel vm4, v43, v41;
	v41 =	vsub.s32 $0x7EF311C3, v23  }
0x26c: {  	v21 =	vmul.f32 v4, v21;
	v34 =	vand.u32 $0x7FFFFFFF, v56;
	v2 =	vmul.f32 v41, v23  }
0x26d: {  	v36 =	vld [tilespmem:$0x1FDE0];
	v4 =	vmul.f32 v4, v9;
	v12 =	vsel vm4, v15, v43;
	v15 =	vsel vm6, v61, v15  }
0x26e: {  	v39 =	vld [tilespmem:$0x1FDF0];
	v42 =	vsel vm6, v16, v61;
	v16 =	vsel vm7, v62, v16;
	v2 =	vsub.f32 $2.000000000e+00, v2  }
0x26f: {  	v31 =	vld [tilespmem:$0x1FDC0];
	vm12 =	vle.f32 v34, $3.000000000e+00;
	v30 =	vsel vm2, v30, v6;
	v15 =	vsel vm9, v16, v15  }
0x270: {  	v33 =	vsel vm9, v48, v42;
	v16 =	vmul.f32 v14, v14;
	v42 =	vld [tilespmem:$0x1FE20];
	v2 =	vmul.f32 v41, v2  }
0x271: {  	v35 =	vld [tilespmem:$0x1FDD0];
	v12 =	vsel vm2, v12, v26;
	v14 =	vsel vm5, v15, v30;
	v15 =	vmul.f32 v9, v28  }
0x272: {  	v40 =	vld [tilespmem:$0x1FE00];
	v18 =	vmul.f32 v18, v16;
	v43 =	vand.u32 $0x7FFFFFFF, v14;
	v23 =	vmul.f32 v2, v23  }
0x273: {  	v62 =	vadd.f32 v39, v36;
	v48 =	vimm.s32 $0xFFFFFF81;
	v28 =	vsub.f32 $0.0e+00, v43;
	v41 =	vld [tilespmem:$0x1FE10]  }
0x274: {  	v26 =	vsel vm11, $0xFFFFFF82, v48;
	v18 =	vadd.f32 v18, v15;
	v23 =	vsub.f32 $2.000000000e+00, v23  }
0x275: {  	v12 =	vsel vm5, v33, v12;
	v28 =	vmul.f32 $1.442695020e+00, v28;
	v52 =	vadd.f32 v29, v42  }
0x276: {  	v6 =	vld [tilespmem:$0x1FDA0];
	v18 =	vadd.f32 v18, v21;
	v15 =	vmul.f32 v23, v2;
	v2 =	vand.u32 $0x7FFFFFFF, v12  }
0x277: {  	(erf) = vpow2.f32 v28;
	v28 =	vadd.f32 v35, v31;
	v2 =	vsub.f32 $0.0e+00, v2  }
0x278: {  	v18 =	vmul.f32 v18, v57;
	v57 =	vld [tilespmem:$0x1FE30];
	v23 =	vand.u32 $0xFF, v50;
	v50 =	vadd.f32 v41, v40  }
0x279: {  	vm11 =	vmmov vm1;
	v8 =	vmul.f32 v16, v8;
	v2 =	vmul.f32 $1.442695020e+00, v2  }
0x27a: {  	v62 =	vadd.f32 v62, v28;
	v61 =	vmul.f32 v15, v15;
	v21 =	vadd.f32 v52, v50  }
0x27b: {  	v6 =	vnsel vm0, $0x0, v6;
	v52 =	vmul.f32 v1, v38;
	v1 =	vld [tilespmem:$0x1FE40];
	(erf) = vpow2.f32 v2  }
0x27c: {  	v18 =	vmul.f32 v61, v18;
	v61 =	vsub.f32 $2.000000000e+00, v25;
	v21 =	vadd.f32 v21, v62  }
0x27d: {  	v4 =	vadd.f32 v4, v8;
	v0 =	vmul.f32 v0, v57;
	v2 =	vadd.s32 v23, v26  }
0x27e: {  	v33 =	vand.u32 $0x7FFFFF, v18;
	v23 =	vmul.f32 v61, v5;
	v50 =	vsub.s32 $0x7EF311C3, v21  }
0x27f: {  	v5 =	vsel vm10, v27, v37;
	v37 =	vsel vm3, v54, v51;
	v57 =	vmul.f32 v50, v21  }
0x280: {  	v26 =	vor.u32 $0x3F800000, v33;
	v1 =	vsel vm11, v1, v60;
	v0 =	vmul.f32 v23, v0  }
0x281: {  	v43 =	vmul.f32 $5.000000000e-01, v26;
	vm0 =	vgt.f32 v26, $1.414213540e+00;
	v33 =	vpop (erf);
	v61 =	vsub.f32 $2.000000000e+00, v57  }
0x282: {  	v34 =	vadd.f32 v0, v20;
	v0 =	vmul.f32 $8.466320110e-03, v33;
	v20 =	vadd.f32 $6.000000050e-03, v52  }
0x283: {  	v25 =	vsel vm0, v43, v26;
	v22 =	vmul.f32 v50, v61;
	v50 =	vsel vm6, v53, v47  }
0x284: {  	v53 =	vadd.f32 $-1.000000000e+00, v25;
	v0 =	vsub.f32 $4.365884890e-02, v0;
	v20 =	vsel vm7, v20, v32;
	v62 =	vpop (erf)  }
0x285: {  	v19 =	vsel vm9, v20, v19;
	v20 =	vmul.f32 v23, v23;
	v13 =	vmul.f32 $8.466320110e-03, v62  }
0x286: {  	v11 =	vsel vm2, v11, v37;
	v21 =	vmul.f32 v22, v21;
	v25 =	vmul.f32 $1.178451030e-01, v53  }
0x287: {  	v0 =	vmul.f32 v0, v33;
	v11 =	vsel vm5, v19, v11;
	v13 =	vsub.f32 $4.365884890e-02, v13  }
0x288: {  	v19 =	vmul.f32 v20, v24;
	v20 =	vsub.s32 $0x7EF311C3, v11;
	v21 =	vsub.f32 $2.000000000e+00, v21  }
0x289: {  	v25 =	vadd.f32 $-1.845594790e-01, v25;
	v38 =	vmul.f32 v20, v11;
	v13 =	vmul.f32 v13, v62  }
0x28a: {  	v37 =	vadd.f32 $-1.000000000e+00, v46;
	v0 =	vadd.f32 $-1.067985000e-01, v0;
	v21 =	vmul.f32 v21, v22  }
0x28b: {  	v25 =	vmul.f32 v25, v53;
	v51 =	vsub.f32 $2.000000000e+00, v38;
	v13 =	vadd.f32 $-1.067985000e-01, v13  }
0x28c: {  	v43 =	vsel vm7, v58, v55;
	v0 =	vmul.f32 v0, v33;
	v21 =	vmul.f32 $5.952000140e+00, v21  }
0x28d: {  	v17 =	vsel vm9, v43, v50;
	v20 =	vmul.f32 v20, v51;
	v13 =	vmul.f32 v13, v62  }
0x28e: {  	v0 =	vadd.f32 $1.765979080e-01, v0;
	v52 =	vmul.f32 v21, v31;
	v54 =	vmul.f32 v21, v35  }
0x28f: {  	v7 =	vmul.f32 v21, v36;
	v55 =	vmul.f32 v21, v39;
	v13 =	vadd.f32 $1.765979080e-01, v13  }
0x290: {  	v3 =	vsel vm5, v17, v3;
	v57 =	vmul.f32 v21, v40;
	v0 =	vmul.f32 v0, v33  }
0x291: {  	v25 =	vadd.f32 $2.045543790e-01, v25;
	v58 =	vmul.f32 v21, v41;
	v13 =	vmul.f32 v13, v62  }
0x292: {  	v60 =	vmul.f32 v21, v42;
	v21 =	vmul.f32 v21, v29;
	v0 =	vadd.f32 $-2.445335240e-01, v0  }
0x293: {  	v11 =	vmul.f32 v20, v11;
	v38 =	vadd.f32 $6.000000050e-03, v57;
	v13 =	vadd.f32 $-2.445335240e-01, v13  }
0x294: {  	v35 =	vadd.f32 $6.000000050e-03, v60;
	v17 =	vadd.f32 $6.000000050e-03, v21;
	v0 =	vmul.f32 v0, v33  }
0x295: {  	v36 =	vadd.f32 $6.000000050e-03, v58;
	v11 =	vsub.f32 $2.000000000e+00, v11;
	v13 =	vmul.f32 v13, v62  }
0x296: {  	v61 =	vmul.f32 v25, v53;
	v17 =	vsel vm7, v17, v35;
	v0 =	vadd.f32 $3.326524790e-01, v0  }
0x297: {  	v11 =	vmul.f32 v11, v20;
	v20 =	vsel vm6, v36, v38;
	v13 =	vadd.f32 $3.326524790e-01, v13  }
0x298: {  	v17 =	vsel vm9, v17, v20;
	v20 =	vmul.f32 $1.178451030e-01, v37;
	v0 =	vmul.f32 v0, v33  }
0x299: {  	v21 =	vadd.f32 $-2.492949520e-01, v61;
	v13 =	vmul.f32 v13, v62  }
0x29a: {  	v4 =	vmul.f32 v4, v49;
	v16 =	vadd.f32 $-1.845594790e-01, v20;
	v0 =	vadd.f32 $-4.999635520e-01, v0  }
0x29b: {  	v3 =	vsub.f32 v10, v3;
	v10 =	vadd.f32 $-4.999635520e-01, v13;
	v13 =	vmul.f32 v21, v53  }
0x29c: {  	v16 =	vmul.f32 v16, v37;
	v0 =	vmul.f32 v0, v33  }
0x29d: {  	v13 =	vadd.f32 $3.331793250e-01, v13  }
0x29e: {  	v4 =	vmul.f32 v15, v4;
	v16 =	vadd.f32 $2.045543790e-01, v16;
	v0 =	vadd.f32 $9.999995230e-01, v0  }
0x29f: {  	v14 =	vmax.f32 v14, $0.0e+00;
	v13 =	vmul.f32 v13, v53  }
0x2a0: {  	v4 =	vadd.f32 v4, v5;
	v8 =	vmul.f32 v16, v37;
	v0 =	vmul.f32 v0, v33  }
0x2a1: {  	v26 =	vsel vm0, $0xFFFFFF82, v48;
	v10 =	vmul.f32 v10, v62;
	v13 =	vadd.f32 $-5.000073310e-01, v13  }
0x2a2: {  	v16 =	vshrl.u32 v18, $0x17;
	v8 =	vadd.f32 $-2.492949520e-01, v8;
	v0 =	vadd.f32 v0, v14  }
0x2a3: {  	v14 =	vand.u32 $0xFF, v16;
	v10 =	vadd.f32 $9.999995230e-01, v10;
	v13 =	vmul.f32 v13, v53  }
0x2a4: {  	v5 =	vand.u32 $0x7FFFFFFF, v45;
	v8 =	vmul.f32 v8, v37;
	v14 =	vadd.s32 v14, v26  }
0x2a5: {  	v14 =	vcvt.s32.f32 v14;
	v10 =	vmul.f32 v10, v62;
	v13 =	vadd.f32 $1.000000720e+00, v13  }
0x2a6: {  	v12 =	vmax.f32 v12, $0.0e+00;
	vm0 =	vle.f32 v5, $3.000000000e+00;
	v5 =	vadd.f32 $3.331793250e-01, v8  }
0x2a7: {  	v10 =	vadd.f32 v10, v12;
	v12 =	vmul.f32 v13, v53;
	v13 =	vmul.f32 $6.931471820e-01, v14;
	_ =	sdelay $0x1  }
0x2a8: {  	v8 =	vadd.f32 v12, v13;
	v13 =	vsel vm0, v4, v45;
	v4 =	vmul.f32 v5, v37;
	v5 =	vld [tilespmem:$0x1FE50];
	_ =	sdelay $0x2  }
0x2a9: {  	v41 =	vadd.f32 $6.000000050e-03, v7;
	v40 =	vadd.f32 $6.000000050e-03, v55  }
0x2aa: {  	s24 =	simm.s32 $0x1A010;
	v7 =	vadd.f32 $6.000000050e-03, v54;
	v20 =	vadd.f32 $6.000000050e-03, v52  }
0x2ab: {  	s15 =	simm.s32 $0x1B010;
	[tilespmem:s24+$0x0] =	vst v5  }
0x2ac: {  	v2 =	vcvt.s32.f32 v2;
	v9 =	vsel vm4, v40, v41;
	v62 =	vsel vm3, v7, v20;
	[tilespmem:s15+$0x0] =	vst v6  }
0x2ad: {  	v9 =	vsel vm2, v9, v62;
	v5 =	vmul.f32 v11, v3;
	v3 =	vld [tilespmem:$0x1FE60]  }
0x2ae: {  	v57 =	vmul.f32 $6.931471820e-01, v2;
	v39 =	vsel vm5, v17, v9  }
0x2af: {  	v14 =	vnsel vm8, $0x0, v44;
	v12 =	vand.u32 $0x7FFFFF, v19;
	v19 =	vshrl.u32 v19, $0x17  }
0x2b0: {  	v16 =	vor.u32 $0x3F800000, v12;
	v15 =	vadd.f32 $-5.000073310e-01, v4;
	v9 =	vsub.f32 $1.000000000e+00, v5  }
0x2b1: {  	s17 =	simm.s32 $0x1A030;
	v4 =	vadd.f32 $1.000000050e-03, v0;
	v0 =	vmul.f32 v11, v39;
	v6 =	vadd.f32 $1.000000050e-03, v10  }
0x2b2: {  	s16 =	simm.s32 $0x1B030;
	v2 =	vnsel vm0, $0x0, v8;
	vm8 =	vgt.f32 v16, $1.414213540e+00;
	v10 =	vmul.f32 v9, v5;
	[tilespmem:s17+$0x0] =	vst v3  }
0x2b3: {  	v11 =	vadd.f32 v4, v6;
	v3 =	vmul.f32 v5, v5;
	[tilespmem:s16+$0x0] =	vst v14;
	v14 =	vadd.f32 v0, v0  }
0x2b4: {  	s8 =	simm.s32 $0x1A050;
	v8 =	vmul.f32 v0, v0;
	[tilespmem:s24+$0xFFFFFFF0] =	vst v1;
	v1 =	vadd.f32 $-3.000000000e+00, v20;
	v5 =	vmul.f32 v4, v10  }
0x2b5: {  	s20 =	simm.s32 $0x1B050;
	[tilespmem:s8+$0x0] =	vst v13;
	v6 =	vmul.f32 v6, v3;
	v12 =	vsub.f32 v11, v14;
	v11 =	vmul.f32 v9, v9  }
0x2b6: {  	s12 =	sshll.u32 s11, $0xC;
	s13 =	simm.s32 $0x4;
	s24 =	simm.s32 $0xAF0;
	[tilespmem:s20+$0x0] =	vst v2;
	v2 =	vadd.f32 v1, v7;
	v9 =	vmul.f32 $5.000000000e-01, v16;
	v7 =	vmul.f32 v10, v14  }
.LBB2_3:
0x2b7: {  	v24 =	vld [tilespmem:$0x1FE80]  }
0x2b8: {  	v25 =	vld [tilespmem:$0x1FE90]  }
0x2b9: {  	v26 =	vld [tilespmem:$0x1FEA0]  }
0x2ba: {  	v27 =	vld [tilespmem:$0x1FEB0]  }
0x2bb: {  	v28 =	vld [tilespmem:$0x1FEC0]  }
0x2bc: {  	v29 =	vld [tilespmem:$0x1FED0]  }
0x2bd: {  	v30 =	vld [tilespmem:$0x1FEE0]  }
0x2be: {  	v31 =	vld [tilespmem:$0x1FEF0]  }
0x2bf: {  	v49 =	vld [tilespmem:$0x1FF90]  }
0x2c0: {  	v54 =	vld [tilespmem:$0x1FFA0]  }
0x2c1: {  	v55 =	vld [tilespmem:$0x1FFB0]  }
0x2c2: {  	v42 =	vld [tilespmem:$0x1FF80]  }
0x2c3: {  	vm0 =	vmmov vm12;
	v32 =	vld [tilespmem:$0x1FF10];
	v10 =	vmul.f32 v12, v10;
	v12 =	vadd.f32 v2, v41  }
0x2c4: {  	v3 =	vmul.f32 v3, v0;
	v33 =	vld [tilespmem:$0x1FF20];
	v11 =	vmul.f32 v4, v11;
	v6 =	vadd.f32 v6, v7  }
0x2c5: {  	v4 =	vsel vm8, v9, v16;
	v9 =	vimm.s32 $0x0;
	v17 =	vadd.f32 v12, v40;
	v40 =	vld [tilespmem:$0x1FFE0]  }
0x2c6: {  	v10 =	vadd.f32 v10, v0;
	v0 =	vadd.f32 v6, v11;
	v6 =	vsel vm8, $0xFFFFFF82, v48;
	v48 =	vld.idx.msk [tilespmem:v63+s24+$0xFFFFFE70], $0xffff  }
0x2c7: {  	v9 =	vsel vm0, $0xFFFFFFFF, v9;
	v13 =	vld.idx.msk [tilespmem:v24+s24+$0x0], $0xffff  }
0x2c8: {  	[tilespmem:$0x1FB20] =	vst v9;
	v9 =	vld.idx.msk [tilespmem:v25+s24+$0x0], $0xffff  }
0x2c9: {  	v7 =	vld.idx.msk [tilespmem:v26+s24+$0x0], $0xffff  }
0x2ca: {  	v4 =	vadd.f32 $-1.000000000e+00, v4;
	v14 =	vmul.f32 v15, v37;
	v15 =	vld.idx.msk [tilespmem:v27+s24+$0x0], $0xffff  }
0x2cb: {  	v16 =	vld.idx.msk [tilespmem:v28+s24+$0x0], $0xffff  }
0x2cc: {  	v11 =	vmul.f32 $1.178451030e-01, v4;
	v20 =	vld.idx.msk [tilespmem:v29+s24+$0x0], $0xffff  }
0x2cd: {  	v23 =	vadd.f32 v5, v3;
	v5 =	vld.idx.msk [tilespmem:v31+s24+$0x0], $0xffff  }
0x2ce: {  	v0 =	vmul.f32 v0, v8;
	v8 =	vadd.f32 $-1.845594790e-01, v11;
	v60 =	vld.idx.msk [tilespmem:v24+s24+$0xFFFFFE70], $0xffff  }
0x2cf: {  	v19 =	vand.u32 $0xFF, v19;
	v61 =	vld.idx.msk [tilespmem:v25+s24+$0xFFFFFE70], $0xffff  }
0x2d0: {  	v18 =	vsub.s32 $0x7EF311C3, v10;
	v8 =	vmul.f32 v8, v4;
	v50 =	vld.idx.msk [tilespmem:v49+s24+$0xFFFFFE70], $0xffff;
	v11 =	vmul.f32 $1.442695020e+00, v13  }
0x2d1: {  	v22 =	vadd.f32 v17, v38;
	v13 =	vld.idx.msk [tilespmem:v30+s24+$0x0], $0xffff;
	v3 =	vmul.f32 $1.442695020e+00, v9;
	v7 =	vmul.f32 $1.442695020e+00, v7  }
0x2d2: {  	v52 =	vld.idx.msk [tilespmem:v54+s24+$0xFFFFFE70], $0xffff;
	v62 =	vadd.f32 $2.045543790e-01, v8;
	v15 =	vmul.f32 $1.442695020e+00, v15;
	(erf) = vpow2.f32 v11  }
0x2d3: {  	v8 =	vmul.f32 $1.442695020e+00, v16;
	v16 =	vadd.s32 v19, v6;
	v6 =	vld.idx.msk [tilespmem:v27+s24+$0xFFFFFE70], $0xffff;
	(erf) = vpow2.f32 v3  }
0x2d4: {  	v21 =	vmul.f32 v18, v10;
	v19 =	vld.idx.msk [tilespmem:v28+s24+$0xFFFFFE70], $0xffff;
	(erf) = vpow2.f32 v7  }
0x2d5: {  	v11 =	vadd.f32 v22, v36;
	v3 =	vld.idx.msk [tilespmem:v26+s24+$0xFFFFFE70], $0xffff;
	v7 =	vmul.f32 $1.442695020e+00, v20;
	(erf) = vpow2.f32 v15  }
0x2d6: {  	v1 =	vnsel vm3, $0xC0400000, v1;
	v27 =	vld [tilespmem:$0x1FFC0];
	v13 =	vmul.f32 $1.442695020e+00, v13;
	(erf) = vpow2.f32 v8  }
0x2d7: {  	v5 =	vmul.f32 $1.442695020e+00, v5;
	v20 =	vld.idx.msk [tilespmem:v29+s24+$0xFFFFFE70], $0xffff;
	v15 =	vadd.f32 v11, v35;
	(erf) = vpow2.f32 v7  }
0x2d8: {  	v9 =	vsub.f32 $2.000000000e+00, v21;
	v21 =	vmul.f32 $1.442695020e+00, v60;
	v35 =	vld [tilespmem:$0x1FFD0];
	(erf) = vpow2.f32 v13  }
0x2d9: {  	v7 =	vsel vm7, v15, v11;
	v11 =	vld.idx.msk [tilespmem:v30+s24+$0xFFFFFE70], $0xffff;
	v15 =	vmul.f32 $1.442695020e+00, v61;
	(erf) = vpow2.f32 v5  }
0x2da: {  	v2 =	vsel vm4, v12, v2;
	v25 =	vld [tilespmem:$0x1FFF0];
	v3 =	vmul.f32 $1.442695020e+00, v3;
	(erf) = vpow2.f32 v21  }
0x2db: {  	v53 =	vld.idx.msk [tilespmem:v55+s24+$0xFFFFFE70], $0xffff;
	v30 =	vmul.f32 $1.442695020e+00, v6;
	v13 =	vsel vm6, v22, v17;
	(erf) = vpow2.f32 v15  }
0x2dc: {  	v51 =	vld.idx.msk [tilespmem:v42+s24+$0xFFFFFE70], $0xffff;
	v12 =	vsel vm9, v7, v13;
	v13 =	vmul.f32 $1.442695020e+00, v19;
	v8 =	vpop (erf);
	(erf) = vpow2.f32 v3  }
0x2dd: {  	v1 =	vsel vm2, v2, v1;
	v45 =	vld.idx.msk [tilespmem:v40+s24+$0xFFFFFE70], $0xffff;
	v19 =	vmul.f32 $1.442695020e+00, v20;
	v5 =	vpop (erf);
	(erf) = vpow2.f32 v30  }
0x2de: {  	v17 =	vld.idx.msk [tilespmem:v31+s24+$0xFFFFFE70], $0xffff;
	v15 =	vmul.f32 $1.442695020e+00, v11;
	v11 =	vand.u32 $0x7FFFFFFF, v59;
	v7 =	vpop (erf);
	(erf) = vpow2.f32 v13  }
0x2df: {  	v14 =	vadd.f32 $1.000000720e+00, v14;
	v9 =	vmul.f32 v18, v9;
	v29 =	vld [tilespmem:$0x1FF00];
	v6 =	vpop (erf);
	(erf) = vpow2.f32 v19  }
0x2e0: {  	v47 =	vld.idx.msk [tilespmem:v27+s24+$0xFFFFFE70], $0xffff;
	v12 =	vsel vm5, v12, v1;
	v1 =	vpop (erf);
	(erf) = vpow2.f32 v15;
	v15 =	vsel vm0, v34, v56  }
0x2e1: {  	v10 =	vmul.f32 v9, v10;
	vm2 =	vle.f32 v11, $3.000000000e+00;
	v44 =	vld.idx.msk [tilespmem:v35+s24+$0xFFFFFE70], $0xffff;
	v11 =	vmov v59;
	v2 =	vpop (erf);
	[tilespmem:s17+$0xFFFFFFF0] =	vst v15  }
0x2e2: {  	v14 =	vmul.f32 v14, v37;
	[tilespmem:$0x1FDB0] =	vst v11;
	v3 =	vpop (erf);
	v11 =	vld.idx.msk [tilespmem:v25+s24+$0xFFFFFE70], $0xffff  }
0x2e3: {  	v36 =	vld [tilespmem:$0x1FF40];
	v10 =	vsub.f32 $2.000000000e+00, v10;
	v13 =	vmul.f32 $1.442695020e+00, v17;
	v46 =	vpop (erf)  }
0x2e4: {  	v14 =	vadd.f32 v14, v57;
	v31 =	vmul.f32 v23, v39;
	v19 =	vimm.s32 $0x0;
	v34 =	vld [tilespmem:$0x1FF30];
	v43 =	vpop (erf)  }
0x2e5: {  	v38 =	vld [tilespmem:$0x1FF60];
	v9 =	vmul.f32 v10, v9;
	v17 =	vsel vm2, $0xFFFFFFFF, v19;
	(erf) = vpow2.f32 v13;
	v56 =	vpop (erf)  }
0x2e6: {  	v37 =	vld [tilespmem:$0x1FF50];
	[tilespmem:$0x1FAF0] =	vst v17;
	v13 =	vmul.f32 v62, v4;
	v15 =	vadd.f32 v6, v7;
	v18 =	vadd.f32 v2, v1;
	v58 =	vpop (erf)  }
0x2e7: {  	v17 =	vld.idx.msk [tilespmem:v29+s24+$0xFFFFFE70], $0xffff;
	v19 =	vadd.f32 v46, v3;
	v59 =	vpop (erf);
	[tilespmem:$0x1FA40] =	vst v11;
	v11 =	vadd.f32 v5, v8  }
0x2e8: {  	vm1 =	vmmov vm11;
	v39 =	vld [tilespmem:$0x1FF70];
	v13 =	vadd.f32 $-2.492949520e-01, v13;
	v41 =	vadd.f32 v59, v58  }
0x2e9: {  	v21 =	vmul.f32 v9, v31;
	v20 =	vld.idx.msk [tilespmem:v32+s24+$0xFFFFFE70], $0xffff;
	v11 =	vadd.f32 v15, v11;
	v15 =	vadd.f32 v19, v18  }
0x2ea: {  	v14 =	vnsel vm1, $0x0, v14;
	v9 =	vmul.f32 v9, v9;
	v22 =	vld.idx.msk [tilespmem:v33+s24+$0xFFFFFE70], $0xffff;
	v10 =	vmul.f32 v13, v4  }
0x2eb: {  	v16 =	vcvt.s32.f32 v16;
	v13 =	vld.idx.msk [tilespmem:v36+s24+$0xFFFFFE70], $0xffff;
	v60 =	vpop (erf);
	v19 =	vadd.f32 v56, v43;
	v11 =	vadd.f32 v15, v11  }
0x2ec: {  	v0 =	vmul.f32 v9, v0;
	v10 =	vadd.f32 $3.331793250e-01, v10;
	v17 =	vmul.f32 $1.442695020e+00, v17;
	v61 =	vpop (erf);
	v18 =	vld.idx.msk [tilespmem:v34+s24+$0xFFFFFE70], $0xffff  }
0x2ed: {  	v24 =	vld.idx.msk [tilespmem:v38+s24+$0xFFFFFE70], $0xffff;
	v15 =	vmul.f32 $6.931471820e-01, v16;
	v19 =	vadd.f32 v41, v19;
	v41 =	vpop (erf);
	v26 =	vsub.s32 $0x7EF311C3, v11  }
0x2ee: {  	v20 =	vmul.f32 $1.442695020e+00, v20;
	v23 =	vadd.f32 v61, v60;
	v16 =	vld.idx.msk [tilespmem:v37+s24+$0xFFFFFE70], $0xffff;
	v62 =	vpop (erf);
	v30 =	vmul.f32 v26, v11  }
0x2ef: {  	v22 =	vmul.f32 $1.442695020e+00, v22;
	(erf) = vpow2.f32 v17;
	[tilespmem:$0x1FA90] =	vst v62;
	v31 =	vadd.f32 v62, v41;
	v62 =	vmovc v4;
	v4 =	vmovc v15  }
0x2f0: {  	v28 =	vld.idx.msk [tilespmem:v39+s24+$0xFFFFFE70], $0xffff;
	v13 =	vmul.f32 $1.442695020e+00, v13;
	(erf) = vpow2.f32 v20;
	[tilespmem:$0x1FA60] =	vst v4;
	v4 =	vsub.f32 $2.000000000e+00, v30  }
0x2f1: {  	v34 =	vld.idx.msk [tilespmem:v34+s24+$0x0], $0xffff;
	v15 =	vmul.f32 $1.442695020e+00, v18;
	(erf) = vpow2.f32 v22;
	v17 =	vadd.f32 v31, v23  }
0x2f2: {  	[tilespmem:s15+$0xFFFFFFF0] =	vst v14;
	v14 =	vand.u32 $0x7FFFFF, v0;
	v18 =	vld.idx.msk [tilespmem:v29+s24+$0x0], $0xffff;
	v10 =	vmul.f32 v10, v62;
	v20 =	vmul.f32 v26, v4  }
0x2f3: {  	v16 =	vmul.f32 $1.442695020e+00, v16;
	(erf) = vpow2.f32 v15;
	v17 =	vadd.f32 v17, v19;
	v19 =	vld.idx.msk [tilespmem:v32+s24+$0x0], $0xffff  }
0x2f4: {  	v32 =	vld.idx.msk [tilespmem:v33+s24+$0x0], $0xffff;
	(erf) = vpow2.f32 v13;
	v4 =	vadd.f32 v21, v12;
	v11 =	vmul.f32 v20, v11  }
0x2f5: {  	v13 =	vld.idx.msk [tilespmem:v36+s24+$0x0], $0xffff;
	v12 =	vmul.f32 $1.442695020e+00, v24;
	(erf) = vpow2.f32 v16;
	v33 =	vsub.s32 $0x7EF311C3, v17  }
0x2f6: {  	v10 =	vadd.f32 $-5.000073310e-01, v10;
	v16 =	vld.idx.msk [tilespmem:v37+s24+$0x0], $0xffff;
	v9 =	vmul.f32 v33, v17;
	v11 =	vsub.f32 $2.000000000e+00, v11  }
0x2f7: {  	[tilespmem:$0x1FA70] =	vst v62;
	(erf) = vpow2.f32 v12;
	v12 =	vmul.f32 $1.442695020e+00, v18;
	v18 =	vor.u32 $0x3F800000, v14  }
0x2f8: {  	[tilespmem:$0x1FB10] =	vst v18;
	vm8 =	vgt.f32 v18, $1.414213540e+00;
	v18 =	vmul.f32 $1.442695020e+00, v34;
	v20 =	vmul.f32 v11, v20  }
0x2f9: {  	[tilespmem:$0x1FB00] =	vst v10;
	v15 =	vmul.f32 $1.442695020e+00, v19;
	v19 =	vpop (erf);
	v14 =	vmul.f32 $1.442695020e+00, v32  }
0x2fa: {  	v10 =	vmul.f32 $1.442695020e+00, v13;
	[tilespmem:$0x1FAB0] =	vst v19;
	v62 =	vmul.f32 $5.952000140e+00, v20;
	v11 =	vpop (erf)  }
0x2fb: {  	v13 =	vmul.f32 $1.442695020e+00, v16;
	(erf) = vpow2.f32 v12;
	[tilespmem:$0x1FAC0] =	vst v11;
	v11 =	vadd.f32 v11, v19;
	v19 =	vpop (erf)  }
0x2fc: {  	v0 =	vshrl.u32 v0, $0x17;
	(erf) = vpow2.f32 v15;
	v20 =	vmul.f32 v62, v8;
	v8 =	vpop (erf)  }
0x2fd: {  	v9 =	vsub.f32 $2.000000000e+00, v9;
	v12 =	vld.idx.msk [tilespmem:v38+s24+$0x0], $0xffff;
	(erf) = vpow2.f32 v14;
	v5 =	vmul.f32 v62, v5;
	v38 =	vpop (erf)  }
0x2fe: {  	[tilespmem:$0x1FB30] =	vst v0;
	v14 =	vld.idx.msk [tilespmem:v39+s24+$0x0], $0xffff;
	v7 =	vmul.f32 v62, v7;
	(erf) = vpow2.f32 v18;
	v0 =	vadd.f32 $6.000000050e-03, v20;
	v39 =	vpop (erf)  }
0x2ff: {  	[tilespmem:$0x1FAE0] =	vst v8;
	v8 =	vadd.f32 v8, v19;
	(erf) = vpow2.f32 v10;
	v10 =	vadd.f32 v39, v38  }
0x300: {  	v6 =	vmul.f32 v62, v6;
	v5 =	vadd.f32 $6.000000050e-03, v5;
	v57 =	vadd.f32 $-3.000000000e+00, v0  }
0x301: {  	v36 =	vpop (erf);
	(erf) = vpow2.f32 v13;
	[tilespmem:$0x1FA80] =	vst v10;
	v10 =	vmul.f32 v33, v9;
	v9 =	vadd.f32 $6.000000050e-03, v7  }
0x302: {  	s14 =	sadd.s32 $0x20, s14;
	v15 =	vld.idx.msk [tilespmem:v63+s24+$0x0], $0xffff;
	v7 =	vadd.f32 v8, v11;
	v63 =	vadd.f32 v57, v5  }
0x303: {  	[tilespmem:$0x1FA50] =	vst v4;
	v4 =	vmul.f32 $1.442695020e+00, v28;
	v18 =	vld [tilespmem:s14+$0x0];
	v11 =	vadd.f32 $6.000000050e-03, v6;
	v6 =	vmul.f32 v62, v1  }
0x304: {  	v28 =	vld.idx.msk [tilespmem:v40+s24+$0x0], $0xffff;
	v8 =	vmul.f32 $1.442695020e+00, v12;
	[tilespmem:$0x1FAA0] =	vst v7;
	v7 =	vmul.f32 v10, v17;
	v22 =	vpop (erf);
	v1 =	vadd.f32 v63, v9  }
0x305: {  	v13 =	vld.idx.msk [tilespmem:v54+s24+$0x0], $0xffff;
	v14 =	vmul.f32 $1.442695020e+00, v14;
	v16 =	vadd.f32 $6.000000050e-03, v6;
	v6 =	vmul.f32 v62, v2;
	v23 =	vpop (erf)  }
0x306: {  	v12 =	vld.idx.msk [tilespmem:v49+s24+$0x0], $0xffff;
	(erf) = vpow2.f32 v8;
	v7 =	vsub.f32 $2.000000000e+00, v7;
	v24 =	vpop (erf);
	v2 =	vadd.f32 v1, v11  }
0x307: {  	[tilespmem:$0x1FAD0] =	vst v19;
	v19 =	vmul.f32 v62, v3;
	v17 =	vld.idx.msk [tilespmem:v55+s24+$0x0], $0xffff;
	v20 =	vadd.f32 $6.000000050e-03, v6;
	v26 =	vpop (erf);
	(erf) = vpow2.f32 v14  }
0x308: {  	v8 =	vld.idx.msk [tilespmem:v27+s24+$0x0], $0xffff;
	v7 =	vmul.f32 v7, v10;
	v10 =	vmax.f32 v18, $-3.000000000e+00;
	v6 =	vadd.f32 v2, v16  }
0x309: {  	v21 =	vadd.f32 $6.000000050e-03, v19;
	[tilespmem:$0x1FB40] =	vst v18;
	v37 =	vadd.f32 v23, v22;
	v14 =	vld.idx.msk [tilespmem:v35+s24+$0x0], $0xffff;
	v30 =	vpop (erf);
	v3 =	vmin.f32 v10, $3.000000000e+00  }
0x30a: {  	v18 =	vld.idx.msk [tilespmem:v42+s24+$0x0], $0xffff;
	v40 =	vadd.f32 v26, v24;
	v49 =	vpop (erf);
	vm12 =	vge.f32 v3, v57;
	v10 =	vadd.f32 v6, v20  }
0x30b: {  	v42 =	vld.idx.msk [tilespmem:v25+s24+$0x0], $0xffff;
	v19 =	vadd.f32 v49, v30;
	vm11 =	vge.f32 v3, v63;
	vm1 =	vge.f32 v3, v1  }
0x30c: {  	v15 =	vsel vm12, v12, v15;
	v25 =	vsel vm12, v13, v12;
	v12 =	vadd.f32 v10, v21  }
0x30d: {  	vm10 =	vge.f32 v3, v2;
	v13 =	vsel vm1, v17, v13;
	v17 =	vsel vm1, v8, v17  }
0x30e: {  	vm15 =	vge.f32 v3, v6;
	v13 =	vsel vm11, v13, v15;
	vm14 =	vge.f32 v3, v12  }
0x30f: {  	vm13 =	vge.f32 v3, v10;
	v8 =	vsel vm15, v18, v8;
	v15 =	vsel vm14, v28, v14  }
0x310: {  	v54 =	vpop (erf);
	v14 =	vsel vm15, v14, v18;
	v18 =	vsel vm14, v42, v28;
	v8 =	vsel vm13, v15, v8  }
0x311: {  	v29 =	vpop (erf);
	v15 =	vsel vm10, v8, v13;
	v8 =	vsel vm11, v17, v25;
	v13 =	vsel vm13, v18, v14  }
0x312: {  	v14 =	vadd.f32 v29, v54;
	v18 =	vand.u32 $0x7FFFFFFF, v15;
	v17 =	vsel vm10, v13, v8  }
0x313: {  	v8 =	vadd.f32 v40, v37;
	v13 =	vsub.f32 $0.0e+00, v18;
	v18 =	vand.u32 $0x7FFFFFFF, v17  }
0x314: {  	v7 =	vmul.f32 $5.952000140e+00, v7;
	v14 =	vadd.f32 v14, v19;
	v18 =	vsub.f32 $0.0e+00, v18  }
0x315: {  	v35 =	vld [tilespmem:s14+$0xFFFFFFF0];
	v0 =	vsel vm12, v5, v0;
	(erf) = vpow2.f32 v4;
	v13 =	vmul.f32 $1.442695020e+00, v13  }
0x316: {  	v4 =	vmul.f32 v7, v43;
	v28 =	vadd.f32 v14, v8;
	v8 =	vmul.f32 $1.442695020e+00, v18  }
0x317: {  	v5 =	vsel vm1, v11, v9;
	v14 =	vmul.f32 v7, v56;
	(erf) = vpow2.f32 v13  }
0x318: {  	v4 =	vadd.f32 $6.000000050e-03, v4;
	v37 =	vsub.s32 $0x7EF311C3, v28;
	(erf) = vpow2.f32 v8  }
0x319: {  	v1 =	vsel vm1, v1, v63;
	v8 =	vadd.f32 $6.000000050e-03, v14;
	v14 =	vmul.f32 v37, v28  }
0x31a: {  	v19 =	vmax.f32 v35, $-3.000000000e+00;
	v13 =	vmul.f32 v7, v58;
	v58 =	vadd.f32 $-3.000000000e+00, v4  }
0x31b: {  	v16 =	vsel vm15, v20, v16;
	v43 =	vmin.f32 v19, $3.000000000e+00;
	v14 =	vsub.f32 $2.000000000e+00, v14  }
0x31c: {  	v19 =	vmul.f32 v7, v60;
	v60 =	vadd.f32 $6.000000050e-03, v13;
	v25 =	vadd.f32 v58, v8  }
0x31d: {  	v0 =	vsel vm11, v5, v0;
	v2 =	vsel vm15, v6, v2;
	v32 =	vmul.f32 v37, v14  }
0x31e: {  	v42 =	vmul.f32 v7, v41;
	v18 =	vmul.f32 v7, v59;
	v59 =	vadd.f32 v25, v60  }
0x31f: {  	v40 =	vmul.f32 v7, v61;
	v56 =	vpop (erf);
	vm3 =	vge.f32 v43, v58;
	v28 =	vmul.f32 v32, v28  }
0x320: {  	v33 =	vsel vm3, v50, v48;
	v27 =	vsel vm3, v52, v50;
	vm4 =	vge.f32 v43, v59;
	v55 =	vpop (erf)  }
0x321: {  	v50 =	vsel vm4, v53, v52;
	v31 =	vsel vm4, v47, v53;
	v53 =	vsub.f32 $2.000000000e+00, v28;
	v37 =	vpop (erf)  }
0x322: {  	v13 =	vadd.f32 $6.000000050e-03, v18;
	v48 =	vmul.f32 $8.466320110e-03, v55;
	v41 =	vmul.f32 $8.466320110e-03, v37  }
0x323: {  	v18 =	vadd.f32 $6.000000050e-03, v19;
	v19 =	vadd.f32 $6.000000050e-03, v40;
	v32 =	vmul.f32 v53, v32  }
0x324: {  	v6 =	vsel vm14, v12, v10;
	v48 =	vsub.f32 $4.365884890e-02, v48;
	v34 =	vsub.f32 $4.365884890e-02, v41  }
0x325: {  	vm2 =	vge.f32 v43, v25;
	v61 =	vadd.f32 v59, v13;
	v32 =	vmul.f32 $5.952000140e+00, v32  }
0x326: {  	v28 =	vsel vm2, v50, v33;
	v33 =	vmul.f32 v48, v55;
	v34 =	vmul.f32 v34, v37  }
0x327: {  	v52 =	vadd.f32 v61, v18;
	v22 =	vmul.f32 v32, v22;
	v23 =	vmul.f32 v32, v23  }
0x328: {  	v24 =	vmul.f32 v32, v24;
	v33 =	vadd.f32 $-1.067985000e-01, v33;
	v34 =	vadd.f32 $-1.067985000e-01, v34  }
0x329: {  	v14 =	vadd.f32 $6.000000050e-03, v42;
	v26 =	vmul.f32 v32, v26;
	v30 =	vmul.f32 v32, v30  }
0x32a: {  	vm6 =	vge.f32 v43, v52;
	v33 =	vmul.f32 v33, v55;
	v34 =	vmul.f32 v34, v37  }
0x32b: {  	v53 =	vadd.f32 v52, v19;
	v48 =	vmul.f32 v32, v49;
	v54 =	vmul.f32 v32, v54  }
0x32c: {  	v50 =	vld [tilespmem:$0x1FA40];
	v29 =	vmul.f32 v32, v29;
	v32 =	vadd.f32 $1.765979080e-01, v33;
	v40 =	vadd.f32 $1.765979080e-01, v34  }
0x32d: {  	v42 =	vsel vm6, v51, v47;
	v47 =	vsel vm6, v44, v51;
	v41 =	vmul.f32 v62, v46  }
0x32e: {  	v51 =	vadd.f32 v53, v14;
	v46 =	vmul.f32 v32, v55;
	v62 =	vmul.f32 v40, v37  }
0x32f: {  	v2 =	vsel vm13, v6, v2;
	vm5 =	vge.f32 v43, v61;
	v40 =	vadd.f32 $6.000000050e-03, v41  }
0x330: {  	vm7 =	vge.f32 v43, v51;
	v9 =	vadd.f32 $-2.445335240e-01, v46;
	v11 =	vadd.f32 $-2.445335240e-01, v62  }
0x331: {  	v44 =	vsel vm7, v45, v44;
	v45 =	vsel vm7, v50, v45;
	v20 =	vsel vm14, v40, v21  }
0x332: {  	v5 =	vsel vm13, v20, v16;
	v9 =	vmul.f32 v9, v55;
	v16 =	vmul.f32 v11, v37  }
0x333: {  	v50 =	vadd.f32 $6.000000050e-03, v22;
	v49 =	vadd.f32 $6.000000050e-03, v23;
	v0 =	vsel vm10, v5, v0  }
0x334: {  	v5 =	vadd.f32 $3.326524790e-01, v9;
	v20 =	vsub.s32 $0x7EF311C3, v0;
	v16 =	vadd.f32 $3.326524790e-01, v16  }
0x335: {  	v22 =	vadd.f32 $6.000000050e-03, v24;
	v23 =	vadd.f32 $6.000000050e-03, v26;
	v41 =	vmul.f32 v20, v0  }
0x336: {  	v46 =	vadd.f32 $6.000000050e-03, v48;
	v5 =	vmul.f32 v5, v55;
	v16 =	vmul.f32 v16, v37  }
0x337: {  	v33 =	vsel vm1, v23, v22;
	v21 =	vadd.f32 $6.000000050e-03, v29;
	v24 =	vsub.f32 $2.000000000e+00, v41  }
0x338: {  	v40 =	vnsel vm12, $0xC0400000, v57;
	v5 =	vadd.f32 $-4.999635520e-01, v5;
	v16 =	vadd.f32 $-4.999635520e-01, v16  }
0x339: {  	v1 =	vsel vm11, v1, v40;
	v11 =	vadd.f32 $6.000000050e-03, v30;
	v20 =	vmul.f32 v20, v24  }
0x33a: {  	v1 =	vsel vm10, v2, v1;
	v5 =	vmul.f32 v5, v55;
	v16 =	vmul.f32 v16, v37  }
0x33b: {  	v9 =	vadd.f32 $6.000000050e-03, v54;
	v1 =	vsub.f32 v3, v1;
	v0 =	vmul.f32 v20, v0  }
0x33c: {  	v54 =	vsel vm12, v49, v50;
	v5 =	vadd.f32 $9.999995230e-01, v5;
	v6 =	vadd.f32 $9.999995230e-01, v16  }
0x33d: {  	v3 =	vmax.f32 v15, $0.0e+00;
	v26 =	vsel vm11, v33, v54;
	v0 =	vsub.f32 $2.000000000e+00, v0  }
0x33e: {  	v10 =	vsel vm14, v21, v9;
	v2 =	vmul.f32 v5, v55;
	v5 =	vmul.f32 v6, v37  }
0x33f: {  	v41 =	vsel vm15, v46, v11;
	v6 =	vmax.f32 v17, $0.0e+00;
	v12 =	vmul.f32 v0, v20  }
0x340: {  	v0 =	vsel vm13, v10, v41;
	v2 =	vadd.f32 v2, v3;
	v3 =	vadd.f32 v5, v6  }
0x341: {  	vm9 =	vge.f32 v43, v53;
	v0 =	vsel vm10, v0, v26;
	v5 =	vmul.f32 v12, v1  }
0x342: {  	v1 =	vadd.f32 $1.000000050e-03, v2;
	v2 =	vmul.f32 v12, v0;
	v6 =	vadd.f32 $1.000000050e-03, v3  }
0x343: {  	v15 =	vsel vm2, v31, v27;
	v10 =	vsel vm9, v45, v47;
	v12 =	vsub.f32 $1.000000000e+00, v5  }
0x344: {  	v55 =	vld [tilespmem:$0x1FA80];
	v3 =	vsel vm9, v44, v42;
	v17 =	vadd.f32 v2, v2;
	v16 =	vadd.f32 v1, v6  }
0x345: {  	v29 =	vld [tilespmem:$0x1FAA0];
	v10 =	vsel vm5, v10, v15;
	v54 =	vsel vm5, v3, v28  }
0x346: {  	v28 =	vld [tilespmem:$0x1FA90];
	v15 =	vand.u32 $0x7FFFFFFF, v54;
	v3 =	vmul.f32 v12, v5;
	v16 =	vsub.f32 v16, v17  }
0x347: {  	v20 =	vadd.f32 v56, v36;
	v62 =	vand.u32 $0x7FFFFFFF, v10;
	v15 =	vsub.f32 $0.0e+00, v15  }
0x348: {  	v24 =	vsub.f32 $0.0e+00, v62;
	v16 =	vmul.f32 v16, v3  }
0x349: {  	v4 =	vsel vm3, v8, v4;
	v20 =	vadd.f32 v20, v55;
	v15 =	vmul.f32 $1.442695020e+00, v15  }
0x34a: {  	v18 =	vsel vm6, v19, v18;
	v19 =	vmul.f32 $1.442695020e+00, v24;
	v16 =	vadd.f32 v16, v2  }
0x34b: {  	v20 =	vadd.f32 v20, v29;
	v7 =	vmul.f32 v7, v28;
	(erf) = vpow2.f32 v15  }
0x34c: {  	v13 =	vsel vm4, v13, v60;
	(erf) = vpow2.f32 v19;
	v31 =	vsub.s32 $0x7EF311C3, v16  }
0x34d: {  	v30 =	vsub.s32 $0x7EF311C3, v20;
	v7 =	vadd.f32 $6.000000050e-03, v7;
	v8 =	vmul.f32 v31, v16  }
0x34e: {  	v4 =	vsel vm2, v13, v4;
	v15 =	vmul.f32 v30, v20  }
0x34f: {  	v12 =	vmul.f32 v12, v12;
	v7 =	vsel vm7, v7, v14;
	v8 =	vsub.f32 $2.000000000e+00, v8  }
0x350: {  	v32 =	vmul.f32 v3, v17;
	v14 =	vsub.f32 $2.000000000e+00, v15;
	v7 =	vsel vm9, v7, v18  }
0x351: {  	v13 =	vsel vm5, v7, v4;
	v4 =	vmul.f32 v5, v5;
	v5 =	vmul.f32 v31, v8  }
0x352: {  	v15 =	vsel vm6, v52, v61;
	v7 =	vsel vm7, v51, v53;
	v14 =	vmul.f32 v30, v14  }
0x353: {  	v15 =	vsel vm9, v7, v15;
	v6 =	vmul.f32 v6, v4;
	v7 =	vmul.f32 v5, v16  }
0x354: {  	v16 =	vmul.f32 v14, v20;
	v20 =	vpop (erf)  }
0x355: {  	v12 =	vmul.f32 v1, v12;
	v6 =	vadd.f32 v6, v32;
	v17 =	vpop (erf);
	v7 =	vsub.f32 $2.000000000e+00, v7  }
0x356: {  	v19 =	vsel vm4, v59, v25;
	v59 =	vmovc v35;
	v16 =	vsub.f32 $2.000000000e+00, v16;
	v35 =	vmul.f32 $8.466320110e-03, v17  }
0x357: {  	v6 =	vadd.f32 v6, v12;
	v5 =	vmul.f32 v7, v5;
	v7 =	vmul.f32 v2, v2  }
0x358: {  	v12 =	vmul.f32 v16, v14;
	v16 =	vsub.f32 $4.365884890e-02, v35  }
0x359: {  	v33 =	vmul.f32 $8.466320110e-03, v20;
	v6 =	vmul.f32 v6, v7  }
0x35a: {  	v7 =	vmul.f32 v5, v5;
	v16 =	vmul.f32 v16, v17  }
0x35b: {  	v48 =	vimm.s32 $0xFFFFFF81  }
0x35c: {  	v14 =	vsub.f32 $4.365884890e-02, v33;
	v24 =	vmul.f32 v7, v6;
	v7 =	vadd.f32 $-1.067985000e-01, v16;
	v16 =	vld [tilespmem:$0x1FAB0]  }
0x35d: {  	v10 =	vmax.f32 v10, $0.0e+00;
	v18 =	vsub.s32 $0x7EF311C3, v13;
	v8 =	vnsel vm3, $0xC0400000, v58  }
0x35e: {  	v8 =	vsel vm2, v19, v8;
	v19 =	vmul.f32 v18, v13;
	v14 =	vmul.f32 v14, v20  }
0x35f: {  	v21 =	vmax.f32 v54, $0.0e+00;
	v58 =	vadd.f32 $-3.000000000e+00, v50;
	v12 =	vmul.f32 $5.952000140e+00, v12  }
0x360: {  	v1 =	vmul.f32 v1, v3;
	v19 =	vsub.f32 $2.000000000e+00, v19;
	v6 =	vadd.f32 $-1.067985000e-01, v14  }
0x361: {  	v8 =	vsel vm5, v15, v8;
	v60 =	vadd.f32 v58, v49;
	v16 =	vmul.f32 v12, v16  }
0x362: {  	v42 =	vld [tilespmem:$0x1FAE0];
	v3 =	vnsel vm12, $0xC0400000, v58;
	v14 =	vmul.f32 v18, v19;
	v40 =	vmul.f32 v6, v20  }
0x363: {  	v19 =	vand.u32 $0x7FFFFF, v24;
	v7 =	vmul.f32 v7, v17;
	v6 =	vadd.f32 $6.000000050e-03, v16;
	v16 =	vld [tilespmem:$0x1FAD0]  }
0x364: {  	v2 =	vmul.f32 v4, v2;
	v19 =	vor.u32 $0x3F800000, v19;
	v25 =	vadd.f32 $1.765979080e-01, v40  }
0x365: {  	v8 =	vsub.f32 v43, v8;
	v41 =	vmul.f32 $5.000000000e-01, v19;
	v7 =	vadd.f32 $1.765979080e-01, v7  }
0x366: {  	v1 =	vadd.f32 v1, v2;
	vm0 =	vgt.f32 v19, $1.414213540e+00;
	v25 =	vmul.f32 v25, v20  }
0x367: {  	v4 =	vld [tilespmem:$0x1FAF0];
	v27 =	vmul.f32 v12, v42;
	v19 =	vsel vm0, v41, v19;
	v45 =	vmul.f32 v7, v17  }
0x368: {  	v19 =	vadd.f32 $-1.000000000e+00, v19;
	v25 =	vadd.f32 $-2.445335240e-01, v25;
	v16 =	vmul.f32 v12, v16  }
0x369: {  	v44 =	vmul.f32 v12, v38;
	v47 =	vmul.f32 v12, v36;
	v26 =	vadd.f32 $-2.445335240e-01, v45  }
0x36a: {  	v51 =	vmul.f32 $1.178451030e-01, v19;
	v41 =	vadd.f32 $6.000000050e-03, v16;
	v16 =	vmul.f32 v25, v20  }
0x36b: {  	v18 =	vld [tilespmem:$0x1FAC0];
	v0 =	vmul.f32 v1, v0;
	v38 =	vadd.f32 $6.000000050e-03, v44;
	v52 =	vmul.f32 v26, v17  }
0x36c: {  	vm12 =	vnez.u8 v4;
	v53 =	vadd.f32 $-1.845594790e-01, v51;
	v15 =	vadd.f32 $3.326524790e-01, v16  }
0x36d: {  	v13 =	vmul.f32 v14, v13;
	v35 =	vadd.f32 $6.000000050e-03, v47;
	v16 =	vadd.f32 $3.326524790e-01, v52  }
0x36e: {  	v2 =	vshrl.u32 v24, $0x17;
	v54 =	vmul.f32 v53, v19;
	v15 =	vmul.f32 v15, v20  }
0x36f: {  	v2 =	vand.u32 $0xFF, v2;
	v13 =	vsub.f32 $2.000000000e+00, v13;
	v16 =	vmul.f32 v16, v17  }
0x370: {  	v18 =	vmul.f32 v12, v18;
	v25 =	vadd.f32 $2.045543790e-01, v54;
	v15 =	vadd.f32 $-4.999635520e-01, v15  }
0x371: {  	v13 =	vmul.f32 v13, v14;
	v14 =	vadd.f32 v60, v22;
	v16 =	vadd.f32 $-4.999635520e-01, v16  }
0x372: {  	v40 =	vadd.f32 $6.000000050e-03, v27;
	v25 =	vmul.f32 v25, v19;
	v15 =	vmul.f32 v15, v20  }
0x373: {  	v7 =	vadd.f32 $6.000000050e-03, v18;
	v23 =	vadd.f32 v14, v23;
	v16 =	vmul.f32 v16, v17  }
0x374: {  	v18 =	vmul.f32 v12, v39;
	v25 =	vadd.f32 $-2.492949520e-01, v25;
	v15 =	vadd.f32 $9.999995230e-01, v15  }
0x375: {  	v4 =	vsel vm1, v14, v60;
	v12 =	vmul.f32 v12, v56;
	v16 =	vadd.f32 $9.999995230e-01, v16  }
0x376: {  	v36 =	vadd.f32 $6.000000050e-03, v18;
	v62 =	vmul.f32 v25, v19;
	v15 =	vmul.f32 v15, v20  }
0x377: {  	v16 =	vmul.f32 v16, v17;
	v20 =	vmul.f32 v13, v8;
	v8 =	vadd.f32 v23, v11  }
0x378: {  	v61 =	vsel vm3, v7, v6;
	v12 =	vadd.f32 $6.000000050e-03, v12;
	v17 =	vadd.f32 $3.331793250e-01, v62  }
0x379: {  	v3 =	vsel vm11, v4, v3;
	v10 =	vadd.f32 v16, v10;
	v16 =	vadd.f32 v8, v46  }
0x37a: {  	v55 =	vsel vm6, v36, v38;
	v11 =	vadd.f32 v15, v21;
	v15 =	vmul.f32 v17, v19  }
0x37b: {  	v18 =	vsel vm4, v40, v41;
	v12 =	vsel vm7, v12, v35;
	v9 =	vadd.f32 v16, v9  }
0x37c: {  	v4 =	vld [tilespmem:$0x1FB20];
	v12 =	vsel vm9, v12, v55;
	v14 =	vadd.f32 $-5.000073310e-01, v15;
	v15 =	vsel vm0, $0xFFFFFF82, v48  }
0x37d: {  	v8 =	vsel vm15, v8, v23;
	v1 =	vadd.s32 v2, v15;
	v2 =	vsel vm14, v9, v16  }
0x37e: {  	v18 =	vsel vm2, v18, v61;
	v14 =	vmul.f32 v14, v19;
	v2 =	vsel vm13, v2, v8;
	v8 =	vld [tilespmem:$0x1FB40]  }
0x37f: {  	v0 =	vmul.f32 v5, v0;
	v39 =	vsel vm5, v12, v18  }
0x380: {  	v1 =	vcvt.s32.f32 v1;
	v9 =	vadd.f32 $1.000000720e+00, v14;
	v2 =	vsel vm10, v2, v3  }
0x381: {  	vm11 =	vnez.u8 v4;
	v16 =	vld [tilespmem:$0x1FB10];
	v2 =	vadd.f32 v0, v2;
	v0 =	vmul.f32 v13, v39  }
0x382: {  	v4 =	vadd.f32 $1.000000050e-03, v11;
	v1 =	vmul.f32 $6.931471820e-01, v1;
	v3 =	vmul.f32 v9, v19  }
0x383: {  	s13 =	sadd.s32 $0x2, s13;
	v63 =	vld [tilespmem:$0x1FE70];
	v9 =	vsub.f32 $1.000000000e+00, v20;
	v13 =	vadd.f32 v0, v0;
	v5 =	vand.u32 $0x7FFFFFFF, v8  }
0x384: {  	p1 =	slt.u32 s13, $0x7E;
	v34 =	vld [tilespmem:$0x1FA50];
	v1 =	vadd.f32 v3, v1;
	v3 =	vmul.f32 v20, v20;
	vm0 =	vle.f32 v5, $3.000000000e+00  }
.Ltmp2:
0x385: {  	s17 =	smov.u32 s8;
	s8 =	sadd.s32 $0x20, s8;
	v57 =	vld [tilespmem:$0x1FA60];
	v11 =	vmul.f32 v9, v9;
	v5 =	vadd.f32 $1.000000050e-03, v10;
	v2 =	vsel vm0, v2, v8;
	(pc) =	sbr.rel @p1 .LBB2_3-.Ltmp2, $4  }
0x386: {  	s15 =	smov.u32 s16;
	s16 =	smov.u32 s20;
	s20 =	sadd.s32 $0x20, s20;
	v37 =	vld [tilespmem:$0x1FA70];
	v10 =	vmul.f32 v9, v20;
	v9 =	vmul.f32 $5.000000000e-01, v16;
	v1 =	vnsel vm0, $0x0, v1;
	[tilespmem:s8+$0x0] =	vst v2  }
0x387: {  	v56 =	vld [tilespmem:$0x1FDB0];
	v8 =	vmul.f32 v0, v0;
	v2 =	vadd.f32 v4, v5;
	[tilespmem:s20+$0x0] =	vst v1;
	v1 =	vadd.f32 $-3.000000000e+00, v6  }
0x388: {  	v15 =	vld [tilespmem:$0x1FB00];
	v6 =	vmul.f32 v5, v3;
	v5 =	vmul.f32 v4, v10  }
0x389: {  	s24 =	sadd.s32 $0x320, s24;
	v19 =	vld [tilespmem:$0x1FB30];
	v12 =	vsub.f32 v2, v13;
	v2 =	vadd.f32 v1, v7;
	v7 =	vmul.f32 v10, v13  }
0x38a: {  	_ = 	snop  }
0x38b: {  	v10 =	vmul.f32 v12, v10;
	_ =	sdelay $0x1  }
0x38c: {  	v10 =	vadd.f32 v10, v0;
	_ =	sdelay $0x1  }
0x38d: {  	v12 =	vsub.s32 $0x7EF311C3, v10  }
0x38e: {  	v13 =	vmul.f32 v12, v10;
	_ =	sdelay $0x1  }
0x38f: {  	v13 =	vsub.f32 $2.000000000e+00, v13;
	_ =	sdelay $0x1  }
0x390: {  	v12 =	vmul.f32 v12, v13;
	_ =	sdelay $0x1  }
0x391: {  	v10 =	vmul.f32 v12, v10;
	_ =	sdelay $0x1  }
0x392: {  	v4 =	vmul.f32 v4, v11;
	v6 =	vadd.f32 v6, v7;
	v7 =	vsub.f32 $2.000000000e+00, v10;
	_ =	sdelay $0x1  }
0x393: {  	v4 =	vadd.f32 v6, v4;
	v6 =	vmul.f32 v7, v12;
	_ =	sdelay $0x1  }
0x394: {  	v4 =	vmul.f32 v4, v8;
	v7 =	vmul.f32 v6, v6;
	_ =	sdelay $0x1  }
0x395: {  	v4 =	vmul.f32 v7, v4;
	_ =	sdelay $0x1  }
0x396: {  	v7 =	vand.u32 $0x7FFFFF, v4  }
0x397: {  	v7 =	vor.u32 $0x3F800000, v7  }
0x398: {  	v8 =	vmul.f32 $5.000000000e-01, v7  }
0x399: {  	v9 =	vsel vm8, v9, v16;
	vm10 =	vgt.f32 v7, $1.414213540e+00  }
0x39a: {  	v9 =	vadd.f32 $-1.000000000e+00, v9;
	v7 =	vsel vm10, v8, v7  }
0x39b: {  	v7 =	vadd.f32 $-1.000000000e+00, v7  }
0x39c: {  	v8 =	vmul.f32 $1.178451030e-01, v9  }
0x39d: {  	v10 =	vmul.f32 $1.178451030e-01, v7  }
0x39e: {  	v8 =	vadd.f32 $-1.845594790e-01, v8  }
0x39f: {  	v10 =	vadd.f32 $-1.845594790e-01, v10  }
0x3a0: {  	v8 =	vmul.f32 v8, v9  }
0x3a1: {  	v10 =	vmul.f32 v10, v7  }
0x3a2: {  	v8 =	vadd.f32 $2.045543790e-01, v8  }
0x3a3: {  	vm1 =	vmmov vm11;
	v10 =	vadd.f32 $2.045543790e-01, v10  }
0x3a4: {  	vm0 =	vmmov vm12;
	v1 =	vnsel vm3, $0xC0400000, v1;
	v8 =	vmul.f32 v8, v9  }
0x3a5: {  	v11 =	vadd.f32 v2, v41;
	v0 =	vmul.f32 v3, v0;
	v10 =	vmul.f32 v10, v7  }
0x3a6: {  	v14 =	vmul.f32 v15, v37;
	v15 =	vsel vm8, $0xFFFFFF82, v48;
	v8 =	vadd.f32 $-2.492949520e-01, v8  }
0x3a7: {  	v2 =	vsel vm4, v11, v2;
	v16 =	vand.u32 $0xFF, v19;
	v10 =	vadd.f32 $-2.492949520e-01, v10  }
0x3a8: {  	v1 =	vsel vm2, v2, v1;
	v2 =	vand.u32 $0x7FFFFFFF, v59;
	v8 =	vmul.f32 v8, v9  }
0x3a9: {  	v0 =	vadd.f32 v5, v0;
	v12 =	vadd.f32 v11, v40;
	v10 =	vmul.f32 v10, v7  }
0x3aa: {  	v5 =	vadd.s32 v16, v15;
	v14 =	vadd.f32 $1.000000720e+00, v14;
	v8 =	vadd.f32 $3.331793250e-01, v8  }
0x3ab: {  	v5 =	vcvt.s32.f32 v5;
	v13 =	vadd.f32 v12, v38;
	v10 =	vadd.f32 $3.331793250e-01, v10  }
0x3ac: {  	vm2 =	vle.f32 v2, $3.000000000e+00;
	v0 =	vmul.f32 v0, v39;
	v8 =	vmul.f32 v8, v9  }
0x3ad: {  	v5 =	vmul.f32 $6.931471820e-01, v5;
	v3 =	vadd.f32 v13, v36;
	v10 =	vmul.f32 v10, v7  }
0x3ae: {  	v11 =	vmul.f32 v14, v37;
	v0 =	vmul.f32 v6, v0;
	v2 =	vadd.f32 $-5.000073310e-01, v8  }
0x3af: {  	v17 =	vadd.f32 v3, v35;
	v4 =	vshrl.u32 v4, $0x17;
	v8 =	vadd.f32 $-5.000073310e-01, v10  }
0x3b0: {  	v12 =	vsel vm6, v13, v12;
	v4 =	vand.u32 $0xFF, v4;
	v2 =	vmul.f32 v2, v9  }
0x3b1: {  	v3 =	vsel vm7, v17, v3;
	v10 =	vsel vm10, $0xFFFFFF82, v48;
	v8 =	vmul.f32 v8, v7  }
0x3b2: {  	v3 =	vsel vm9, v3, v12;
	v4 =	vadd.s32 v4, v10;
	v2 =	vadd.f32 $1.000000720e+00, v2  }
0x3b3: {  	v1 =	vsel vm5, v3, v1;
	v4 =	vcvt.s32.f32 v4;
	v6 =	vadd.f32 $1.000000720e+00, v8  }
0x3b4: {  	v3 =	vsel vm0, v34, v56;
	v2 =	vmul.f32 v2, v9;
	v8 =	vadd.f32 v11, v57  }
0x3b5: {  	v0 =	vadd.f32 v0, v1;
	v1 =	vmul.f32 $6.931471820e-01, v4;
	v4 =	vmul.f32 v6, v7  }
0x3b6: {  	[tilespmem:s17+$0xFFFFFFF0] =	vst v3;
	v2 =	vadd.f32 v2, v5;
	v3 =	vnsel vm1, $0x0, v8;
	vm1 =	vmmov vm2  }
0x3b7: {  	vm0 =	vmmov vm0;
	[tilespmem:s15+$0xFFFFFFF0] =	vst v3;
	v0 =	vsel vm1, v0, v59;
	v1 =	vadd.f32 v4, v1  }
0x3b8: {  	s9 =	sor.u32 s7, s12;
	[tilespmem:s8+$0xFFFFFFF0] =	vst v0;
	v0 =	vnsel vm0, $0x0, v2;
	vm0 =	vmmov vm1  }
0x3b9: {  	s14 =	sshrl.u32 s9, $0x3;
	[tilespmem:s16+$0xFFFFFFF0] =	vst v0;
	v0 =	vnsel vm0, $0x0, v1  }
0x3ba: {  	p1 =	seq.s32 s11, $0x7;
	s8 =	sadd.s32 s3, s14;
	[tilespmem:s20+$0xFFFFFFF0] =	vst v0  }
0x3bb: {  	[hbm4b:s8+s5] =	stream.linear.scatter [tilespmem:s0], [sflag:$0x3], $0x800, $0x38;
	[tilespmem:$0x1C000] =	vst v63  }
0x3bc: {  	s8 =	sadd.s32 @!p1 s12, s18  }
0x3bd: {  	s9 =	sadd.s32 s4, s14;
	s13 =	smul.u32 @!p1 $0x19, s8  }
0x3be: {  	[hbm4b:s9+s5] =	stream.linear.scatter [tilespmem:s2], [sflag:$0x3], $0x800, $0x38;
	[tilespmem:$0x1C000] =	vst v63  }
0x3bf: {  	s9 =	sshrl.u32 @!p1 s13, $0x3  }
0x3c0: {  	s13 =	simm.s32 @!p1 $0x0;
	s9 =	sadd.s32 @!p1 s6, s9  }
0x3c1: {  	[tilespmem:s13], [sflag:$0x1] =	stream.linear.gather @!p1 [hbm4b:s9+s13], $0x3200, $0x38;
	[tilespmem:$0x1C000] =	vst v63  }
0x3c2: {  	s16 =	simm.s32 @!p1 $0x3200;
	s15 =	sadd.s32 @!p1 $0x640, s9  }
0x3c3: {  	[tilespmem:s16], [sflag:$0x1] =	stream.linear.gather @!p1 [hbm4b:s15+s13], $0x3200, $0x38;
	[tilespmem:$0x1C000] =	vst v63  }
0x3c4: {  	s15 =	sadd.s32 @!p1 $0xC80, s9;
	s16 =	simm.s32 @!p1 $0x6400  }
0x3c5: {  	[tilespmem:s16], [sflag:$0x1] =	stream.linear.gather @!p1 [hbm4b:s15+s13], $0x3200, $0x38;
	[tilespmem:$0x1C000] =	vst v63  }
0x3c6: {  	s8 =	sshrl.u32 @!p1 s8, $0x3;
	s9 =	sadd.s32 @!p1 $0x12C0, s9;
	s15 =	simm.s32 @!p1 $0x9600  }
0x3c7: {  	[tilespmem:s15], [sflag:$0x1] =	stream.linear.gather @!p1 [hbm4b:s9+s13], $0x3200, $0x38;
	[tilespmem:$0x1C000] =	vst v63  }
0x3c8: {  	s8 =	sadd.s32 @!p1 s1, s8;
	s9 =	simm.s32 @!p1 $0x19000  }
0x3c9: {  	[tilespmem:s9], [sflag:$0x1] =	stream.linear.gather @!p1 [hbm4b:s8+s13], $0x800, $0x38;
	[tilespmem:$0x1C000] =	vst v63  }
0x3ca: {  	_ =	swait.ge [sflag:s21], $0xC800  }
0x3cb: {  	[sflag:s21] =	ssyncset.done $0x0  }
0x3cc: {  	[sflag:s21] =	ssyncadd.s32 $0xFFFF3800  }
0x3cd: {  	_ =	swait.ge [sflag:s21], $0x800  }
0x3ce: {  	[sflag:s21] =	ssyncset.done $0x0  }
0x3cf: {  	s8 =	simm.s32 @!p0 $0x4;
	[sflag:s21] =	ssyncadd.s32 $0xFFFFF800  }
0x3d0: {  	_ =	swait.ge @!p0 [sflag:s8], $0x800  }
0x3d1: {  	[sflag:s8] =	ssyncset.done @!p0 $0x0  }
0x3d2: {  	[sflag:s8] =	ssyncadd.s32 @!p0 $0xFFFFF800  }
0x3d3: {  	_ =	swait.ge @!p0 [sflag:s8], $0x800  }
0x3d4: {  	v15 =	vld [tilespmem:$0x1FE80]  }
0x3d5: {  	v14 =	vld [tilespmem:$0x1FE90]  }
0x3d6: {  	v13 =	vld [tilespmem:$0x1FEA0]  }
0x3d7: {  	v12 =	vld [tilespmem:$0x1FEB0]  }
0x3d8: {  	v11 =	vld [tilespmem:$0x1FEC0]  }
0x3d9: {  	v10 =	vld [tilespmem:$0x1FED0]  }
0x3da: {  	[sflag:s8] =	ssyncset.done @!p0 $0x0;
	v9 =	vld [tilespmem:$0x1FEE0]  }
0x3db: {  	s13 =	simm.s32 $0xC990;
	v8 =	vld [tilespmem:$0x1FEF0];
	[sflag:s8] =	ssyncadd.s32 @!p0 $0xFFFFF800  }
0x3dc: {  	v0 =	vld.idx.msk [tilespmem:v15+s13+$0x0], $0xffff  }
0x3dd: {  	v1 =	vld.idx.msk [tilespmem:v14+s13+$0x0], $0xffff  }
0x3de: {  	v2 =	vld.idx.msk [tilespmem:v13+s13+$0x0], $0xffff  }
0x3df: {  	v3 =	vld.idx.msk [tilespmem:v12+s13+$0x0], $0xffff  }
0x3e0: {  	v4 =	vld.idx.msk [tilespmem:v11+s13+$0x0], $0xffff  }
0x3e1: {  	v5 =	vld.idx.msk [tilespmem:v10+s13+$0x0], $0xffff;
	v0 =	vmul.f32 $1.442695020e+00, v0  }
0x3e2: {  	v6 =	vld.idx.msk [tilespmem:v9+s13+$0x0], $0xffff;
	v1 =	vmul.f32 $1.442695020e+00, v1  }
0x3e3: {  	v7 =	vld.idx.msk [tilespmem:v8+s13+$0x0], $0xffff;
	v2 =	vmul.f32 $1.442695020e+00, v2;
	(erf) = vpow2.f32 v0  }
0x3e4: {  	v0 =	vmul.f32 $1.442695020e+00, v3;
	(erf) = vpow2.f32 v1;
	v1 =	vld.idx.msk [tilespmem:v15+s13+$0xFFFFFE70], $0xffff  }
0x3e5: {  	v3 =	vmul.f32 $1.442695020e+00, v4;
	(erf) = vpow2.f32 v2;
	v2 =	vld.idx.msk [tilespmem:v14+s13+$0xFFFFFE70], $0xffff  }
0x3e6: {  	v4 =	vmul.f32 $1.442695020e+00, v5;
	(erf) = vpow2.f32 v0  }
0x3e7: {  	v5 =	vmul.f32 $1.442695020e+00, v6;
	(erf) = vpow2.f32 v3  }
0x3e8: {  	v0 =	vld.idx.msk [tilespmem:v13+s13+$0xFFFFFE70], $0xffff;
	(erf) = vpow2.f32 v4  }
0x3e9: {  	v6 =	vmul.f32 $1.442695020e+00, v7;
	v3 =	vld.idx.msk [tilespmem:v12+s13+$0xFFFFFE70], $0xffff;
	(erf) = vpow2.f32 v5  }
0x3ea: {  	v4 =	vld.idx.msk [tilespmem:v11+s13+$0xFFFFFE70], $0xffff;
	v1 =	vmul.f32 $1.442695020e+00, v1;
	v2 =	vmul.f32 $1.442695020e+00, v2  }
0x3eb: {  	v5 =	vld.idx.msk [tilespmem:v10+s13+$0xFFFFFE70], $0xffff;
	(erf) = vpow2.f32 v6  }
0x3ec: {  	v6 =	vld.idx.msk [tilespmem:v9+s13+$0xFFFFFE70], $0xffff;
	(erf) = vpow2.f32 v1  }
0x3ed: {  	v7 =	vld.idx.msk [tilespmem:v8+s13+$0xFFFFFE70], $0xffff;
	v8 =	vpop (erf);
	(erf) = vpow2.f32 v2  }
0x3ee: {  	v32 =	vld [tilespmem:$0x1FF00];
	v0 =	vmul.f32 $1.442695020e+00, v0;
	v2 =	vpop (erf)  }
0x3ef: {  	v1 =	vmul.f32 $1.442695020e+00, v3;
	v3 =	vmul.f32 $1.442695020e+00, v4;
	v4 =	vpop (erf)  }
0x3f0: {  	(erf) = vpow2.f32 v0;
	v0 =	vmul.f32 $1.442695020e+00, v5;
	v10 =	vpop (erf)  }
0x3f1: {  	(erf) = vpow2.f32 v1;
	v1 =	vmul.f32 $1.442695020e+00, v6;
	v6 =	vpop (erf)  }
0x3f2: {  	(erf) = vpow2.f32 v3;
	v3 =	vmul.f32 $1.442695020e+00, v7;
	v7 =	vpop (erf)  }
0x3f3: {  	(erf) = vpow2.f32 v0;
	v13 =	vpop (erf)  }
0x3f4: {  	(erf) = vpow2.f32 v1;
	v39 =	vpop (erf)  }
0x3f5: {  	v0 =	vadd.f32 v2, v8;
	v1 =	vadd.f32 v10, v4;
	(erf) = vpow2.f32 v3;
	v14 =	vpop (erf)  }
0x3f6: {  	v12 =	vld.idx.msk [tilespmem:v32+s13+$0xFFFFFE70], $0xffff;
	v5 =	vadd.f32 v7, v6;
	v9 =	vadd.f32 v39, v13;
	v37 =	vpop (erf)  }
0x3f7: {  	v33 =	vld [tilespmem:$0x1FF10]  }
0x3f8: {  	v1 =	vadd.f32 v1, v0;
	v9 =	vadd.f32 v9, v5;
	v31 =	vld [tilespmem:$0x1FF20]  }
0x3f9: {  	v29 =	vld [tilespmem:$0x1FF30]  }
0x3fa: {  	v9 =	vadd.f32 v9, v1;
	v1 =	vld [tilespmem:$0x1FF40]  }
0x3fb: {  	v28 =	vld [tilespmem:$0x1FF50];
	_ =	sdelay $0x1  }
0x3fc: {  	v0 =	vld [tilespmem:$0x1FF60];
	v20 =	vsub.s32 $0x7EF311C3, v9  }
0x3fd: {  	v55 =	vpop (erf);
	v24 =	vmul.f32 v20, v9  }
0x3fe: {  	v5 =	vpop (erf);
	v16 =	vld.idx.msk [tilespmem:v33+s13+$0xFFFFFE70], $0xffff  }
0x3ff: {  	v11 =	vpop (erf);
	v24 =	vsub.f32 $2.000000000e+00, v24;
	v17 =	vld.idx.msk [tilespmem:v31+s13+$0xFFFFFE70], $0xffff  }
0x400: {  	v59 =	vpop (erf);
	v18 =	vld.idx.msk [tilespmem:v29+s13+$0xFFFFFE70], $0xffff  }
0x401: {  	v12 =	vmul.f32 $1.442695020e+00, v12;
	v30 =	vpop (erf);
	v20 =	vmul.f32 v20, v24;
	v19 =	vld.idx.msk [tilespmem:v1+s13+$0xFFFFFE70], $0xffff  }
0x402: {  	v21 =	vadd.f32 v37, v14;
	v22 =	vadd.f32 v5, v55;
	v3 =	vpop (erf);
	v23 =	vld.idx.msk [tilespmem:v28+s13+$0xFFFFFE70], $0xffff  }
0x403: {  	(erf) = vpow2.f32 v12;
	v25 =	vadd.f32 v59, v11;
	[tilespmem:$0x1F730] =	vst v3;
	v9 =	vmul.f32 v20, v9  }
0x404: {  	v21 =	vadd.f32 v22, v21;
	v27 =	vadd.f32 v3, v30;
	v26 =	vld.idx.msk [tilespmem:v0+s13+$0xFFFFFE70], $0xffff;
	v16 =	vmul.f32 $1.442695020e+00, v16  }
0x405: {  	v45 =	vld.idx.msk [tilespmem:v31+s13+$0x0], $0xffff;
	v17 =	vmul.f32 $1.442695020e+00, v17;
	v18 =	vmul.f32 $1.442695020e+00, v18;
	v9 =	vsub.f32 $2.000000000e+00, v9  }
0x406: {  	v46 =	vld.idx.msk [tilespmem:v29+s13+$0x0], $0xffff;
	v12 =	vmul.f32 $1.442695020e+00, v19;
	v19 =	vadd.f32 v27, v25;
	(erf) = vpow2.f32 v16  }
0x407: {  	v44 =	vld.idx.msk [tilespmem:v32+s13+$0x0], $0xffff;
	v16 =	vmul.f32 $1.442695020e+00, v23;
	(erf) = vpow2.f32 v17  }
0x408: {  	v9 =	vmul.f32 v9, v20;
	v21 =	vadd.f32 v19, v21;
	v19 =	vld.idx.msk [tilespmem:v33+s13+$0x0], $0xffff;
	(erf) = vpow2.f32 v18  }
0x409: {  	v17 =	vmul.f32 $1.442695020e+00, v26;
	(erf) = vpow2.f32 v12  }
0x40a: {  	v35 =	vld [tilespmem:$0x1FF70];
	v9 =	vmul.f32 $5.952000140e+00, v9;
	(erf) = vpow2.f32 v16  }
0x40b: {  	v48 =	vmul.f32 $1.442695020e+00, v45;
	v49 =	vmul.f32 $1.442695020e+00, v46;
	v12 =	vld.idx.msk [tilespmem:v1+s13+$0x0], $0xffff  }
0x40c: {  	v16 =	vmul.f32 $1.442695020e+00, v44;
	v8 =	vmul.f32 v9, v8  }
0x40d: {  	(erf) = vpow2.f32 v17;
	v17 =	vmul.f32 $1.442695020e+00, v19  }
0x40e: {  	v56 =	vld [tilespmem:$0x1FF90];
	v34 =	vpop (erf);
	v18 =	vsub.s32 $0x7EF311C3, v21;
	v2 =	vmul.f32 v9, v2;
	(erf) = vpow2.f32 v16  }
0x40f: {  	v47 =	vmul.f32 v18, v21;
	v19 =	vld.idx.msk [tilespmem:v28+s13+$0x0], $0xffff;
	[tilespmem:$0x1F740] =	vst v34;
	(erf) = vpow2.f32 v17;
	v3 =	vpop (erf)  }
0x410: {  	v16 =	vmul.f32 $1.442695020e+00, v12;
	v17 =	vld.idx.msk [tilespmem:v0+s13+$0x0], $0xffff;
	(erf) = vpow2.f32 v48;
	[tilespmem:$0x1F750] =	vst v3;
	v62 =	vpop (erf)  }
0x411: {  	v57 =	vld [tilespmem:$0x1FFA0];
	v38 =	vadd.f32 $6.000000050e-03, v8;
	(erf) = vpow2.f32 v49;
	[tilespmem:$0x1F760] =	vst v62;
	v60 =	vpop (erf)  }
0x412: {  	v8 =	vsub.f32 $2.000000000e+00, v47;
	(erf) = vpow2.f32 v16;
	v51 =	vld.idx.msk [tilespmem:v35+s13+$0x0], $0xffff;
	v16 =	vadd.f32 $6.000000050e-03, v2;
	[tilespmem:$0x1F770] =	vst v60;
	v2 =	vpop (erf)  }
0x413: {  	v58 =	vld [tilespmem:$0x1FFB0];
	[tilespmem:$0x1F780] =	vst v2;
	v1 =	vpop (erf)  }
0x414: {  	s15 =	simm.s32 $0x19810;
	v8 =	vmul.f32 v18, v8;
	v52 =	vld.idx.msk [tilespmem:v63+s13+$0x0], $0xffff;
	[tilespmem:$0x1F790] =	vst v1  }
0x415: {  	v10 =	vmul.f32 v9, v10;
	v12 =	vld [tilespmem:s15+$0x0]  }
0x416: {  	v61 =	vld [tilespmem:$0x1FFC0];
	v4 =	vmul.f32 v9, v4;
	v15 =	vadd.f32 $-3.000000000e+00, v38;
	v18 =	vmul.f32 v8, v21  }
0x417: {  	v24 =	vld [tilespmem:$0x1FF80];
	v21 =	vadd.f32 $6.000000050e-03, v10;
	v10 =	vmul.f32 v9, v6;
	v50 =	vmul.f32 $1.442695020e+00, v19  }
0x418: {  	v36 =	vld [tilespmem:$0x1FFE0];
	v32 =	vadd.f32 $6.000000050e-03, v4;
	v4 =	vadd.f32 v15, v16;
	v0 =	vpop (erf)  }
0x419: {  	v22 =	vadd.f32 $6.000000050e-03, v10;
	v10 =	vmul.f32 v9, v7;
	(erf) = vpow2.f32 v50;
	[tilespmem:$0x1F720] =	vst v0;
	v0 =	vld [tilespmem:$0x1FFD0]  }
0x41a: {  	v29 =	vld [tilespmem:$0x1FFF0];
	v6 =	vadd.f32 v4, v32;
	[tilespmem:$0x1F910] =	vst v12  }
0x41b: {  	v18 =	vsub.f32 $2.000000000e+00, v18;
	v17 =	vmul.f32 $1.442695020e+00, v17;
	v19 =	vadd.f32 $6.000000050e-03, v10;
	v53 =	vld.idx.msk [tilespmem:v56+s13+$0x0], $0xffff  }
0x41c: {  	v42 =	vpop (erf);
	v10 =	vmul.f32 v9, v13;
	v33 =	vmul.f32 $1.442695020e+00, v51;
	v7 =	vadd.f32 v6, v21;
	v54 =	vld.idx.msk [tilespmem:v57+s13+$0x0], $0xffff  }
0x41d: {  	v40 =	vmul.f32 v18, v8;
	(erf) = vpow2.f32 v17;
	v43 =	vpop (erf);
	v17 =	vld.idx.msk [tilespmem:v58+s13+$0x0], $0xffff  }
0x41e: {  	v46 =	vpop (erf);
	(erf) = vpow2.f32 v33;
	v13 =	vadd.f32 v7, v22;
	v8 =	vmax.f32 v12, $-3.000000000e+00;
	v27 =	vld.idx.msk [tilespmem:v61+s13+$0x0], $0xffff  }
0x41f: {  	v25 =	vadd.f32 $6.000000050e-03, v10;
	v44 =	vadd.f32 v43, v42;
	v47 =	vpop (erf);
	v28 =	vld.idx.msk [tilespmem:v24+s13+$0x0], $0xffff;
	v8 =	vmin.f32 v8, $3.000000000e+00  }
0x420: {  	v41 =	vld.idx.msk [tilespmem:v36+s13+$0x0], $0xffff;
	v10 =	vadd.f32 v47, v46;
	v18 =	vadd.f32 v13, v19;
	vm13 =	vge.f32 v8, v15  }
0x421: {  	v48 =	vpop (erf);
	vm7 =	vge.f32 v8, v4;
	vm11 =	vge.f32 v8, v6;
	vm9 =	vge.f32 v8, v13;
	v33 =	vld.idx.msk [tilespmem:v0+s13+$0x0], $0xffff  }
0x422: {  	v50 =	vld.idx.msk [tilespmem:v29+s13+$0x0], $0xffff;
	vm5 =	vge.f32 v8, v7;
	v49 =	vpop (erf);
	v22 =	vsel vm9, v19, v22;
	v4 =	vsel vm11, v6, v4  }
0x423: {  	v45 =	vadd.f32 v49, v48;
	v31 =	vadd.f32 v18, v25;
	vm6 =	vge.f32 v8, v18  }
0x424: {  	v20 =	vsel vm13, v53, v52;
	v23 =	vsel vm13, v54, v53;
	v26 =	vsel vm11, v17, v54  }
0x425: {  	vm8 =	vge.f32 v8, v31;
	v51 =	vsel vm9, v28, v27;
	v17 =	vsel vm11, v27, v17  }
0x426: {  	v53 =	vld.idx.msk [tilespmem:v35+s13+$0xFFFFFE70], $0xffff;
	v54 =	vpop (erf);
	v20 =	vsel vm7, v26, v20;
	v17 =	vsel vm7, v17, v23;
	v52 =	vsel vm8, v41, v33  }
0x427: {  	v41 =	vsel vm8, v50, v41;
	v50 =	vpop (erf);
	v35 =	vsel vm6, v52, v51;
	v52 =	vsel vm9, v33, v28  }
0x428: {  	v28 =	vadd.f32 v50, v54;
	v33 =	vsel vm5, v35, v20;
	v52 =	vsel vm6, v41, v52  }
0x429: {  	v26 =	vand.u32 $0x7FFFFFFF, v33;
	v41 =	vsel vm5, v52, v17;
	v17 =	vadd.f32 v10, v44  }
0x42a: {  	v23 =	vadd.f32 v28, v45;
	v35 =	vsub.f32 $0.0e+00, v26;
	v10 =	vand.u32 $0x7FFFFFFF, v41  }
0x42b: {  	v7 =	vsel vm9, v13, v7;
	v44 =	vmul.f32 $1.442695020e+00, v53;
	v51 =	vsub.f32 $0.0e+00, v10  }
0x42c: {  	v10 =	vmul.f32 $5.952000140e+00, v40;
	v23 =	vadd.f32 v23, v17;
	v20 =	vmul.f32 $1.442695020e+00, v35  }
0x42d: {  	v45 =	vadd.f32 v3, v34;
	(erf) = vpow2.f32 v44;
	v52 =	vmul.f32 $1.442695020e+00, v51  }
0x42e: {  	v17 =	vadd.f32 v60, v62;
	v53 =	vsub.s32 $0x7EF311C3, v23;
	(erf) = vpow2.f32 v20  }
0x42f: {  	v13 =	vsel vm8, v31, v18;
	v62 =	vld [tilespmem:s15+$0xFFFFFFF0];
	v60 =	vmul.f32 v53, v23;
	(erf) = vpow2.f32 v52  }
0x430: {  	v7 =	vsel vm6, v13, v7;
	v14 =	vmul.f32 v10, v14;
	v35 =	vadd.f32 v17, v45  }
0x431: {  	v3 =	vmul.f32 v10, v37;
	v5 =	vmul.f32 v10, v5;
	v26 =	vsub.f32 $2.000000000e+00, v60  }
0x432: {  	v44 =	vmul.f32 v10, v11;
	v20 =	vadd.f32 v1, v2;
	v2 =	vnsel vm13, $0xC0400000, v15  }
0x433: {  	v34 =	vadd.f32 $6.000000050e-03, v14;
	v28 =	vadd.f32 $6.000000050e-03, v3;
	v51 =	vmul.f32 v53, v26  }
0x434: {  	v3 =	vmul.f32 v10, v55;
	v14 =	vadd.f32 $6.000000050e-03, v5;
	v5 =	vmul.f32 v10, v30;
	[tilespmem:$0x1F970] =	vst v62  }
0x435: {  	v44 =	vadd.f32 $6.000000050e-03, v44;
	v2 =	vsel vm7, v4, v2;
	v52 =	vld.idx.msk [tilespmem:v63+s13+$0xFFFFFE70], $0xffff;
	v11 =	vmul.f32 v51, v23  }
0x436: {  	v62 =	vmax.f32 v62, $-3.000000000e+00;
	v27 =	vadd.f32 $-3.000000000e+00, v34;
	v17 =	vadd.f32 $6.000000050e-03, v3;
	v37 =	vld.idx.msk [tilespmem:v56+s13+$0xFFFFFE70], $0xffff;
	v40 =	vpop (erf)  }
0x437: {  	v2 =	vsel vm5, v7, v2;
	v60 =	vld.idx.msk [tilespmem:v57+s13+$0xFFFFFE70], $0xffff;
	v23 =	vadd.f32 $6.000000050e-03, v5;
	v5 =	vsub.f32 $2.000000000e+00, v11;
	v57 =	vpop (erf)  }
0x438: {  	v3 =	vmul.f32 v10, v59;
	v56 =	vld.idx.msk [tilespmem:v58+s13+$0xFFFFFE70], $0xffff;
	v26 =	vmin.f32 v62, $3.000000000e+00;
	v58 =	vpop (erf);
	v11 =	vmul.f32 $8.466320110e-03, v57  }
0x439: {  	v12 =	vadd.f32 v27, v28;
	v51 =	vmul.f32 v5, v51;
	v63 =	vmul.f32 $8.466320110e-03, v58  }
0x43a: {  	v45 =	vadd.f32 $6.000000050e-03, v3;
	vm0 =	vge.f32 v26, v27;
	v11 =	vsub.f32 $4.365884890e-02, v11  }
0x43b: {  	v3 =	vadd.f32 v12, v17;
	v51 =	vmul.f32 $5.952000140e+00, v51;
	v59 =	vsub.f32 $4.365884890e-02, v63  }
0x43c: {  	vm1 =	vge.f32 v26, v12;
	v52 =	vsel vm0, v37, v52;
	v30 =	vmul.f32 v11, v57  }
0x43d: {  	v53 =	vsel vm0, v60, v37;
	v42 =	vmul.f32 v51, v42;
	v59 =	vmul.f32 v59, v58  }
0x43e: {  	vm2 =	vge.f32 v26, v3;
	v43 =	vmul.f32 v51, v43;
	v62 =	vmul.f32 v51, v46  }
0x43f: {  	v61 =	vld.idx.msk [tilespmem:v61+s13+$0xFFFFFE70], $0xffff;
	v47 =	vmul.f32 v51, v47;
	v37 =	vadd.f32 $-1.067985000e-01, v30;
	v59 =	vadd.f32 $-1.067985000e-01, v59  }
0x440: {  	v5 =	vadd.f32 v3, v14;
	v48 =	vmul.f32 v51, v48;
	v30 =	vmul.f32 v9, v39  }
0x441: {  	v55 =	vsel vm2, v56, v60;
	v60 =	vld.idx.msk [tilespmem:v24+s13+$0xFFFFFE70], $0xffff;
	v9 =	vmul.f32 v37, v57;
	v24 =	vmul.f32 v59, v58  }
0x442: {  	v11 =	vadd.f32 v5, v44;
	v49 =	vmul.f32 v51, v49;
	v54 =	vmul.f32 v51, v54  }
0x443: {  	v63 =	vmul.f32 v51, v50;
	v9 =	vadd.f32 $1.765979080e-01, v9;
	v51 =	vadd.f32 $1.765979080e-01, v24  }
0x444: {  	v2 =	vsub.f32 v8, v2;
	v56 =	vsel vm2, v61, v56;
	v55 =	vsel vm1, v55, v52  }
0x445: {  	v46 =	vadd.f32 v11, v45;
	v9 =	vmul.f32 v9, v57;
	v39 =	vmul.f32 v51, v58  }
0x446: {  	v52 =	vadd.f32 $6.000000050e-03, v42;
	v30 =	vadd.f32 $6.000000050e-03, v30;
	v59 =	vsel vm13, v16, v38  }
0x447: {  	v50 =	vld.idx.msk [tilespmem:v0+s13+$0xFFFFFE70], $0xffff;
	v16 =	vsel vm11, v21, v32;
	v9 =	vadd.f32 $-2.445335240e-01, v9;
	v42 =	vadd.f32 $-2.445335240e-01, v39  }
0x448: {  	vm10 =	vge.f32 v26, v11;
	v16 =	vsel vm7, v16, v59;
	v51 =	vsel vm8, v30, v25  }
0x449: {  	v22 =	vsel vm6, v51, v22;
	v9 =	vmul.f32 v9, v57;
	v21 =	vmul.f32 v42, v58  }
0x44a: {  	v62 =	vadd.f32 $6.000000050e-03, v62;
	v61 =	vsel vm10, v60, v61;
	v22 =	vsel vm5, v22, v16  }
0x44b: {  	v59 =	vsub.s32 $0x7EF311C3, v22;
	v9 =	vadd.f32 $3.326524790e-01, v9;
	v21 =	vadd.f32 $3.326524790e-01, v21  }
0x44c: {  	v37 =	vadd.f32 $6.000000050e-03, v43;
	v43 =	vsel vm10, v50, v60;
	v60 =	vmul.f32 v59, v22  }
0x44d: {  	v47 =	vadd.f32 $6.000000050e-03, v47;
	v9 =	vmul.f32 v9, v57;
	v21 =	vmul.f32 v21, v58  }
0x44e: {  	v38 =	vadd.f32 v46, v23;
	v42 =	vsub.f32 $2.000000000e+00, v60  }
0x44f: {  	v8 =	vmax.f32 v33, $0.0e+00;
	v6 =	vadd.f32 $-4.999635520e-01, v9;
	v9 =	vadd.f32 $-4.999635520e-01, v21  }
0x450: {  	v32 =	vsel vm11, v47, v62;
	v25 =	vadd.f32 $6.000000050e-03, v48;
	v4 =	vmul.f32 v59, v42  }
0x451: {  	v51 =	vadd.f32 $6.000000050e-03, v49;
	v6 =	vmul.f32 v6, v57;
	v9 =	vmul.f32 v9, v58  }
0x452: {  	v16 =	vadd.f32 $6.000000050e-03, v54;
	v54 =	vadd.f32 $6.000000050e-03, v63;
	v18 =	vmul.f32 v4, v22  }
0x453: {  	v49 =	vmax.f32 v41, $0.0e+00;
	v6 =	vadd.f32 $9.999995230e-01, v6;
	v9 =	vadd.f32 $9.999995230e-01, v9  }
0x454: {  	v13 =	vld.idx.msk [tilespmem:v36+s13+$0xFFFFFE70], $0xffff;
	v63 =	vsel vm13, v37, v52;
	v48 =	vsel vm8, v54, v16;
	v7 =	vsub.f32 $2.000000000e+00, v18  }
0x455: {  	v42 =	vsel vm9, v51, v25;
	v18 =	vld.idx.msk [tilespmem:v29+s13+$0xFFFFFE70], $0xffff;
	v6 =	vmul.f32 v6, v57;
	v9 =	vmul.f32 v9, v58  }
0x456: {  	v39 =	vsel vm7, v32, v63;
	v4 =	vmul.f32 v7, v4;
	v7 =	vsel vm6, v48, v42  }
0x457: {  	v0 =	vsel vm5, v7, v39;
	v6 =	vadd.f32 v6, v8;
	v8 =	vadd.f32 v9, v49  }
0x458: {  	vm3 =	vge.f32 v26, v5;
	vm12 =	vge.f32 v26, v38;
	v33 =	vmul.f32 v4, v0  }
0x459: {  	v2 =	vmul.f32 v4, v2;
	v19 =	vadd.f32 $1.000000050e-03, v6;
	v6 =	vadd.f32 $1.000000050e-03, v8  }
0x45a: {  	v4 =	vsel vm12, v13, v50;
	v7 =	vsel vm12, v18, v13;
	v13 =	vadd.f32 v33, v33  }
0x45b: {  	vm4 =	vge.f32 v26, v46;
	v8 =	vsub.f32 $1.000000000e+00, v2;
	v9 =	vadd.f32 v19, v6  }
0x45c: {  	v4 =	vsel vm4, v4, v61;
	v18 =	vsel vm1, v56, v53;
	v7 =	vsel vm4, v7, v43  }
0x45d: {  	v1 =	vsel vm3, v4, v55;
	v43 =	vmul.f32 v8, v2;
	v4 =	vsub.f32 v9, v13  }
0x45e: {  	[tilespmem:$0x1F7F0] =	vst v0;
	v0 =	vsel vm3, v7, v18;
	v7 =	vand.u32 $0x7FFFFFFF, v1  }
0x45f: {  	v7 =	vsub.f32 $0.0e+00, v7;
	v18 =	vand.u32 $0x7FFFFFFF, v0;
	v4 =	vmul.f32 v4, v43  }
0x460: {  	v24 =	vld [tilespmem:$0x1F720];
	v18 =	vsub.f32 $0.0e+00, v18  }
0x461: {  	v7 =	vmul.f32 $1.442695020e+00, v7;
	v4 =	vadd.f32 v4, v33  }
0x462: {  	v18 =	vmul.f32 $1.442695020e+00, v18  }
0x463: {  	(erf) = vpow2.f32 v7;
	v7 =	vsub.s32 $0x7EF311C3, v4  }
0x464: {  	(erf) = vpow2.f32 v18;
	v18 =	vmul.f32 v7, v4  }
0x465: {  	v9 =	vadd.f32 v40, v24  }
0x466: {  	[tilespmem:$0x1F7E0] =	vst v0;
	v0 =	vld [tilespmem:$0x1F730];
	v18 =	vsub.f32 $2.000000000e+00, v18  }
0x467: {  	v9 =	vadd.f32 v9, v20  }
0x468: {  	v7 =	vmul.f32 v7, v18  }
0x469: {  	v15 =	vsel vm2, v14, v17;
	v14 =	vsel vm0, v28, v34;
	v57 =	vld [tilespmem:$0x1FE80];
	v9 =	vadd.f32 v9, v35  }
0x46a: {  	v14 =	vsel vm1, v15, v14;
	v58 =	vld [tilespmem:$0x1FE90];
	v4 =	vmul.f32 v7, v4  }
0x46b: {  	v60 =	vld [tilespmem:$0x1FEA0];
	v10 =	vmul.f32 v10, v0;
	v0 =	vmul.f32 v2, v2;
	v54 =	vsub.s32 $0x7EF311C3, v9  }
0x46c: {  	v63 =	vld [tilespmem:$0x1FEB0];
	v8 =	vmul.f32 v8, v8;
	v55 =	vmul.f32 v54, v9;
	v4 =	vsub.f32 $2.000000000e+00, v4  }
0x46d: {  	[tilespmem:$0x1F7D0] =	vst v1;
	v2 =	vmul.f32 v43, v13;
	v10 =	vadd.f32 $6.000000050e-03, v10;
	v6 =	vmul.f32 v6, v0  }
0x46e: {  	v39 =	vld [tilespmem:$0x1FEC0];
	v56 =	vsel vm10, v45, v44;
	[tilespmem:$0x1F7A0] =	vst v0;
	v17 =	vsub.f32 $2.000000000e+00, v55;
	v0 =	vmul.f32 v4, v7  }
0x46f: {  	v31 =	vld [tilespmem:$0x1FED0];
	[tilespmem:$0x1F7C0] =	vst v19;
	v10 =	vsel vm12, v10, v23;
	v2 =	vadd.f32 v6, v2;
	v6 =	vmul.f32 v19, v8;
	v48 =	vpop (erf)  }
0x470: {  	s16 =	simm.s32 $0xCCB0;
	v30 =	vld [tilespmem:$0x1FEE0];
	v10 =	vsel vm4, v10, v56;
	v8 =	vmul.f32 $8.466320110e-03, v48;
	v15 =	vmul.f32 v54, v17;
	[tilespmem:$0x1F800] =	vst v0  }
0x471: {  	v10 =	vsel vm3, v10, v14;
	v4 =	vld.idx.msk [tilespmem:v57+s16+$0x0], $0xffff  }
0x472: {  	v2 =	vadd.f32 v2, v6;
	v6 =	vsub.f32 $4.365884890e-02, v8;
	v9 =	vmul.f32 v15, v9;
	v8 =	vld.idx.msk [tilespmem:v58+s16+$0x0], $0xffff  }
0x473: {  	v13 =	vsub.s32 $0x7EF311C3, v10;
	v49 =	vpop (erf);
	v7 =	vmul.f32 v33, v33;
	v18 =	vld.idx.msk [tilespmem:v60+s16+$0x0], $0xffff  }
0x474: {  	v14 =	vmul.f32 v13, v10;
	v17 =	vmul.f32 $8.466320110e-03, v49;
	v9 =	vsub.f32 $2.000000000e+00, v9;
	v44 =	vld.idx.msk [tilespmem:v63+s16+$0x0], $0xffff  }
0x475: {  	v7 =	vmul.f32 v2, v7;
	v61 =	vmul.f32 v0, v0  }
0x476: {  	v9 =	vmul.f32 v9, v15;
	v45 =	vld.idx.msk [tilespmem:v39+s16+$0x0], $0xffff;
	v4 =	vmul.f32 $1.442695020e+00, v4  }
0x477: {  	v20 =	vmul.f32 v61, v7;
	v8 =	vmul.f32 $1.442695020e+00, v8  }
0x478: {  	v5 =	vsel vm10, v11, v5;
	v11 =	vmul.f32 $1.442695020e+00, v18;
	(erf) = vpow2.f32 v4  }
0x479: {  	v4 =	vmul.f32 $1.442695020e+00, v44;
	(erf) = vpow2.f32 v8  }
0x47a: {  	v15 =	vsub.f32 $4.365884890e-02, v17;
	v17 =	vadd.f32 $-3.000000000e+00, v52;
	v52 =	vld.idx.msk [tilespmem:v31+s16+$0x0], $0xffff;
	[tilespmem:$0x1F810] =	vst v20;
	(erf) = vpow2.f32 v11  }
0x47b: {  	v7 =	vld.idx.msk [tilespmem:v30+s16+$0x0], $0xffff;
	v8 =	vmul.f32 $1.442695020e+00, v45;
	(erf) = vpow2.f32 v4;
	v4 =	vsub.f32 $2.000000000e+00, v14;
	_ =	sdelay $0x1  }
0x47c: {  	(erf) = vpow2.f32 v8;
	v8 =	vmul.f32 v13, v4;
	v4 =	vld [tilespmem:$0x1F740]  }
0x47d: {  	v1 =	vsel vm2, v3, v12;
	v0 =	vnsel vm0, $0xC0400000, v27  }
0x47e: {  	v0 =	vsel vm1, v1, v0;
	v1 =	vmul.f32 $1.442695020e+00, v52  }
0x47f: {  	v9 =	vmul.f32 $5.952000140e+00, v9;
	v7 =	vmul.f32 $1.442695020e+00, v7  }
0x480: {  	v28 =	vld [tilespmem:$0x1FEF0];
	(erf) = vpow2.f32 v1  }
0x481: {  	(erf) = vpow2.f32 v7;
	v7 =	vmul.f32 v9, v4;
	v4 =	vld [tilespmem:$0x1F760];
	_ =	sdelay $0x3  }
0x482: {  	v2 =	vnsel vm13, $0xC0400000, v17  }
0x483: {  	v11 =	vadd.f32 v17, v37;
	v17 =	vadd.f32 $6.000000050e-03, v7;
	v7 =	vmul.f32 v9, v4;
	v4 =	vld [tilespmem:$0x1F770];
	_ =	sdelay $0x1  }
0x484: {  	v3 =	vld.idx.msk [tilespmem:v28+s16+$0x0], $0xffff;
	_ =	sdelay $0x2  }
0x485: {  	v53 =	vmul.f32 v9, v4;
	v4 =	vld [tilespmem:$0x1F780];
	_ =	sdelay $0x1  }
0x486: {  	v15 =	vmul.f32 v15, v49;
	v3 =	vmul.f32 $1.442695020e+00, v3  }
0x487: {  	v6 =	vmul.f32 v6, v48  }
0x488: {  	v19 =	vsel vm12, v38, v46;
	(erf) = vpow2.f32 v3  }
0x489: {  	v6 =	vadd.f32 $-1.067985000e-01, v6;
	v54 =	vmul.f32 v9, v4;
	v4 =	vld [tilespmem:$0x1F790]  }
0x48a: {  	v12 =	vand.u32 $0x7FFFFF, v20;
	v1 =	vadd.f32 $-1.067985000e-01, v15;
	v15 =	vpop (erf)  }
0x48b: {  	v5 =	vsel vm4, v19, v5;
	v6 =	vmul.f32 v6, v48;
	v3 =	vld [tilespmem:$0x1F750];
	v19 =	vpop (erf)  }
0x48c: {  	v44 =	vmul.f32 v1, v49;
	v1 =	vor.u32 $0x3F800000, v12;
	v20 =	vpop (erf)  }
0x48d: {  	v18 =	vmul.f32 $5.000000000e-01, v1;
	v12 =	vpop (erf)  }
0x48e: {  	v24 =	vmul.f32 v9, v24;
	v56 =	vld.idx.msk [tilespmem:v57+s16+$0xFFFFFE70], $0xffff;
	vm13 =	vgt.f32 v1, $1.414213540e+00;
	v55 =	vmul.f32 v9, v4;
	v4 =	vpop (erf)  }
0x48f: {  	v57 =	vld.idx.msk [tilespmem:v58+s16+$0xFFFFFE70], $0xffff;
	v58 =	vmul.f32 v9, v40;
	v13 =	vadd.f32 $1.765979080e-01, v6;
	v45 =	vsel vm13, v18, v1;
	v6 =	vpop (erf)  }
0x490: {  	v3 =	vmul.f32 v9, v3;
	v32 =	vadd.f32 $6.000000050e-03, v7;
	v1 =	vadd.f32 $6.000000050e-03, v53;
	v9 =	vpop (erf)  }
0x491: {  	v27 =	vld.idx.msk [tilespmem:v60+s16+$0xFFFFFE70], $0xffff;
	v7 =	vpop (erf)  }
0x492: {  	v29 =	vld.idx.msk [tilespmem:v63+s16+$0xFFFFFE70], $0xffff;
	[tilespmem:$0x1F830] =	vst v7;
	v50 =	vadd.f32 v7, v9;
	v7 =	vsel vm2, v1, v32  }
0x493: {  	v14 =	vadd.f32 v11, v62;
	v62 =	vsel vm3, v5, v0;
	v0 =	vld.idx.msk [tilespmem:v39+s16+$0xFFFFFE70], $0xffff;
	[tilespmem:$0x1F7B0] =	vst v7  }
0x494: {  	v59 =	vmov v36;
	v36 =	vmul.f32 v8, v10;
	v10 =	vadd.f32 v19, v15;
	v52 =	vld.idx.msk [tilespmem:v31+s16+$0xFFFFFE70], $0xffff  }
0x495: {  	v21 =	vmul.f32 $1.442695020e+00, v57;
	v57 =	vld [tilespmem:$0x1FF00];
	v46 =	vadd.f32 v12, v20;
	v5 =	vadd.f32 v6, v4  }
0x496: {  	v7 =	vld [tilespmem:$0x1FF30]  }
0x497: {  	v38 =	vadd.f32 v46, v10;
	v5 =	vadd.f32 v50, v5;
	v53 =	vld.idx.msk [tilespmem:v30+s16+$0xFFFFFE70], $0xffff  }
0x498: {  	v34 =	vmul.f32 $1.442695020e+00, v56;
	v30 =	vld [tilespmem:$0x1FF10]  }
0x499: {  	v56 =	vadd.f32 v5, v38;
	v5 =	vmul.f32 $1.442695020e+00, v52;
	v52 =	vld [tilespmem:$0x1FF20]  }
0x49a: {  	(erf) = vpow2.f32 v34  }
0x49b: {  	v35 =	vmul.f32 $1.442695020e+00, v27;
	(erf) = vpow2.f32 v21;
	v10 =	vld [tilespmem:$0x1FF50]  }
0x49c: {  	v18 =	vadd.f32 $6.000000050e-03, v54;
	v23 =	vadd.f32 $6.000000050e-03, v55;
	v55 =	vmul.f32 $1.442695020e+00, v29;
	v54 =	vld.idx.msk [tilespmem:v28+s16+$0xFFFFFE70], $0xffff  }
0x49d: {  	v22 =	vadd.f32 $6.000000050e-03, v58;
	(erf) = vpow2.f32 v35;
	v58 =	vld.idx.msk [tilespmem:v57+s16+$0xFFFFFE70], $0xffff;
	v0 =	vmul.f32 $1.442695020e+00, v0  }
0x49e: {  	v36 =	vsub.f32 $2.000000000e+00, v36;
	(erf) = vpow2.f32 v55;
	v50 =	vld [tilespmem:$0x1FF40]  }
0x49f: {  	v11 =	vsel vm11, v14, v11;
	v14 =	vadd.f32 v14, v47;
	(erf) = vpow2.f32 v0;
	v31 =	vld.idx.msk [tilespmem:v7+s16+$0xFFFFFE70], $0xffff  }
0x4a0: {  	(erf) = vpow2.f32 v5;
	v5 =	vmul.f32 v36, v8;
	v63 =	vld.idx.msk [tilespmem:v30+s16+$0xFFFFFE70], $0xffff  }
0x4a1: {  	v25 =	vadd.f32 v14, v25;
	v60 =	vsub.s32 $0x7EF311C3, v56;
	v0 =	vld.idx.msk [tilespmem:v52+s16+$0xFFFFFE70], $0xffff  }
0x4a2: {  	v24 =	vadd.f32 $6.000000050e-03, v24;
	v38 =	vmul.f32 v60, v56;
	[tilespmem:$0x1F840] =	vst v5;
	v5 =	vld [tilespmem:$0x1FF60]  }
0x4a3: {  	v14 =	vsel vm9, v25, v14  }
0x4a4: {  	v46 =	vsel vm12, v22, v24;
	v22 =	vmul.f32 $1.442695020e+00, v53;
	v38 =	vsub.f32 $2.000000000e+00, v38  }
0x4a5: {  	v39 =	vmul.f32 $1.442695020e+00, v54;
	v21 =	vmul.f32 $1.442695020e+00, v58;
	v8 =	vadd.f32 v25, v51  }
0x4a6: {  	v3 =	vadd.f32 $6.000000050e-03, v3;
	(erf) = vpow2.f32 v22;
	v35 =	vmul.f32 v60, v38;
	v53 =	vld.idx.msk [tilespmem:v50+s16+$0xFFFFFE70], $0xffff  }
0x4a7: {  	(erf) = vpow2.f32 v39;
	v16 =	vadd.f32 v8, v16;
	v60 =	vadd.f32 $-3.000000000e+00, v17;
	v54 =	vld.idx.msk [tilespmem:v10+s16+$0xFFFFFE70], $0xffff  }
0x4a8: {  	v47 =	vsel vm0, v3, v17;
	(erf) = vpow2.f32 v21;
	v37 =	vmul.f32 v35, v56  }
0x4a9: {  	v8 =	vsel vm8, v16, v8;
	v3 =	vadd.f32 v60, v3;
	v34 =	vmul.f32 $1.442695020e+00, v63;
	v57 =	vld.idx.msk [tilespmem:v57+s16+$0x0], $0xffff  }
0x4aa: {  	v16 =	vmul.f32 $1.442695020e+00, v31;
	v8 =	vsel vm6, v8, v14;
	v0 =	vmul.f32 $1.442695020e+00, v0;
	v55 =	vld.idx.msk [tilespmem:v5+s16+$0xFFFFFE70], $0xffff;
	[tilespmem:$0x1F870] =	vst v60  }
0x4ab: {  	v58 =	vsub.f32 $2.000000000e+00, v37;
	(erf) = vpow2.f32 v34;
	v56 =	vmul.f32 $1.442695020e+00, v53;
	v63 =	vld.idx.msk [tilespmem:v30+s16+$0x0], $0xffff  }
0x4ac: {  	v17 =	vmul.f32 $1.442695020e+00, v54;
	(erf) = vpow2.f32 v0;
	v0 =	vsel vm7, v11, v2;
	v2 =	vld.idx.msk [tilespmem:v52+s16+$0x0], $0xffff;
	[tilespmem:$0x1F850] =	vst v3  }
0x4ad: {  	v42 =	vpop (erf);
	v11 =	vmul.f32 v58, v35;
	(erf) = vpow2.f32 v16;
	v3 =	vadd.f32 v3, v32;
	v14 =	vld.idx.msk [tilespmem:v7+s16+$0x0], $0xffff  }
0x4ae: {  	(erf) = vpow2.f32 v56  }
0x4af: {  	v28 =	vpop (erf);
	(erf) = vpow2.f32 v17;
	v7 =	vmul.f32 $5.952000140e+00, v11;
	[tilespmem:$0x1F860] =	vst v3;
	v21 =	vadd.f32 v3, v1;
	v3 =	vld [tilespmem:$0x1FF70]  }
0x4b0: {  	v0 =	vsel vm5, v8, v0;
	v11 =	vmul.f32 $1.442695020e+00, v57;
	v16 =	vmul.f32 $1.442695020e+00, v55  }
0x4b1: {  	v41 =	vpop (erf);
	[tilespmem:$0x1F820] =	vst v0;
	v15 =	vmul.f32 v7, v15;
	v0 =	vmul.f32 $1.442695020e+00, v63  }
0x4b2: {  	v61 =	vsel vm10, v23, v18;
	v52 =	vpop (erf);
	(erf) = vpow2.f32 v16;
	v14 =	vmul.f32 $1.442695020e+00, v14  }
0x4b3: {  	v51 =	vpop (erf);
	v17 =	vld.idx.msk [tilespmem:v10+s16+$0x0], $0xffff;
	v2 =	vmul.f32 $1.442695020e+00, v2;
	v34 =	vadd.f32 $6.000000050e-03, v15;
	(erf) = vpow2.f32 v11  }
0x4b4: {  	v53 =	vpop (erf);
	v15 =	vadd.f32 v21, v18;
	v18 =	vld.idx.msk [tilespmem:v5+s16+$0x0], $0xffff;
	(erf) = vpow2.f32 v0;
	v0 =	vmul.f32 v7, v19  }
0x4b5: {  	v54 =	vpop (erf);
	v16 =	vld.idx.msk [tilespmem:v50+s16+$0x0], $0xffff;
	(erf) = vpow2.f32 v2  }
0x4b6: {  	v31 =	vadd.f32 $6.000000050e-03, v0;
	(erf) = vpow2.f32 v14;
	v14 =	vpop (erf);
	v0 =	vld [tilespmem:$0x1FE70]  }
0x4b7: {  	s17 =	simm.s32 $0x19830;
	v40 =	vld.idx.msk [tilespmem:v3+s16+$0x0], $0xffff;
	[tilespmem:$0x1F920] =	vst v14  }
0x4b8: {  	v1 =	vld [tilespmem:s17+$0x0]  }
0x4b9: {  	v58 =	vld [tilespmem:$0x1FF90]  }
0x4ba: {  	v60 =	vld [tilespmem:$0x1FFA0]  }
0x4bb: {  	v19 =	vadd.f32 v15, v23  }
0x4bc: {  	v56 =	vld [tilespmem:$0x1FFB0];
	v12 =	vmul.f32 v7, v12;
	v16 =	vmul.f32 $1.442695020e+00, v16  }
0x4bd: {  	v63 =	vld [tilespmem:$0x1FFC0];
	v55 =	vmul.f32 $1.442695020e+00, v17;
	v50 =	vadd.f32 v19, v24;
	[tilespmem:$0x1F940] =	vst v1  }
0x4be: {  	v29 =	vadd.f32 $6.000000050e-03, v12;
	(erf) = vpow2.f32 v16;
	v24 =	vld.idx.msk [tilespmem:v0+s16+$0x0], $0xffff;
	v0 =	vpop (erf)  }
0x4bf: {  	v12 =	vmul.f32 v7, v4;
	(erf) = vpow2.f32 v55;
	v55 =	vld [tilespmem:$0x1FF80];
	[tilespmem:$0x1F8A0] =	vst v0;
	v0 =	vsel vm12, v50, v19  }
0x4c0: {  	v18 =	vmul.f32 $1.442695020e+00, v18;
	v50 =	vld [tilespmem:$0x1FFD0]  }
0x4c1: {  	v32 =	vadd.f32 $-3.000000000e+00, v34;
	v35 =	vadd.f32 $6.000000050e-03, v12;
	v12 =	vmul.f32 v7, v6;
	v38 =	vld.idx.msk [tilespmem:v58+s16+$0x0], $0xffff;
	[tilespmem:$0x1F880] =	vst v0  }
0x4c2: {  	v2 =	vmul.f32 v7, v20;
	v57 =	vmax.f32 v1, $-3.000000000e+00;
	v22 =	vld.idx.msk [tilespmem:v60+s16+$0x0], $0xffff;
	v0 =	vpop (erf);
	(erf) = vpow2.f32 v18  }
0x4c3: {  	v18 =	vadd.f32 $6.000000050e-03, v12;
	v12 =	vmul.f32 v7, v9;
	v9 =	vmin.f32 v57, $3.000000000e+00;
	v57 =	vld [tilespmem:$0x1FFF0];
	[tilespmem:$0x1F8B0] =	vst v0  }
0x4c4: {  	v30 =	vadd.f32 $6.000000050e-03, v2;
	v27 =	vadd.f32 v32, v31;
	v0 =	vpop (erf);
	v23 =	vld.idx.msk [tilespmem:v56+s16+$0x0], $0xffff  }
0x4c5: {  	v20 =	vld.idx.msk [tilespmem:v63+s16+$0x0], $0xffff;
	[tilespmem:$0x1F8C0] =	vst v0;
	v0 =	vsel vm10, v15, v21  }
0x4c6: {  	v16 =	vadd.f32 v27, v30;
	_ =	sdelay $0x1  }
0x4c7: {  	v13 =	vmul.f32 v13, v48;
	v17 =	vadd.f32 v16, v29;
	v39 =	vld.idx.msk [tilespmem:v55+s16+$0x0], $0xffff;
	[tilespmem:$0x1F890] =	vst v0;
	v0 =	vpop (erf)  }
0x4c8: {  	v19 =	vmul.f32 $1.442695020e+00, v40;
	vm11 =	vge.f32 v9, v16;
	v21 =	vld.idx.msk [tilespmem:v50+s16+$0x0], $0xffff;
	[tilespmem:$0x1F8D0] =	vst v0;
	v0 =	vpop (erf)  }
0x4c9: {  	v13 =	vadd.f32 $-2.445335240e-01, v13;
	v25 =	vadd.f32 v17, v35;
	v40 =	vld.idx.msk [tilespmem:v59+s16+$0x0], $0xffff;
	[tilespmem:$0x1F8E0] =	vst v0;
	v0 =	vsel vm11, v23, v22  }
0x4ca: {  	(erf) = vpow2.f32 v19;
	vm12 =	vge.f32 v9, v32;
	vm5 =	vge.f32 v9, v27  }
0x4cb: {  	v19 =	vadd.f32 $6.000000050e-03, v12;
	v12 =	vadd.f32 v25, v18;
	v24 =	vsel vm12, v38, v24;
	v4 =	vpop (erf)  }
0x4cc: {  	vm9 =	vge.f32 v9, v25;
	v1 =	vld.idx.msk [tilespmem:v57+s16+$0x0], $0xffff;
	[tilespmem:$0x1F8F0] =	vst v4;
	v5 =	vsel vm5, v0, v24;
	v4 =	vadd.f32 $1.765979080e-01, v44;
	v0 =	vpop (erf)  }
0x4cd: {  	vm7 =	vge.f32 v9, v17;
	v15 =	vadd.f32 v12, v19;
	v23 =	vsel vm11, v20, v23;
	v11 =	vpop (erf)  }
0x4ce: {  	v2 =	vsel vm12, v22, v38;
	vm6 =	vge.f32 v9, v12;
	v4 =	vmul.f32 v4, v49;
	v10 =	vpop (erf)  }
0x4cf: {  	vm8 =	vge.f32 v9, v15;
	v2 =	vsel vm5, v23, v2;
	v20 =	vsel vm9, v39, v20;
	v36 =	vpop (erf)  }
0x4d0: {  	[tilespmem:$0x1F900] =	vst v0;
	v24 =	vsel vm8, v40, v21;
	v21 =	vsel vm9, v21, v39;
	v0 =	vadd.f32 $-2.445335240e-01, v4;
	v23 =	vpop (erf)  }
0x4d1: {  	v4 =	vmul.f32 v13, v48;
	v1 =	vsel vm8, v1, v40;
	v44 =	vadd.f32 v23, v36  }
0x4d2: {  	v3 =	vld.idx.msk [tilespmem:v3+s16+$0xFFFFFE70], $0xffff;
	v20 =	vsel vm6, v24, v20;
	v38 =	vadd.f32 v10, v11;
	v1 =	vsel vm6, v1, v21  }
0x4d3: {  	v13 =	vsel vm7, v20, v5;
	v5 =	vadd.f32 $-1.000000000e+00, v45;
	v4 =	vadd.f32 $3.326524790e-01, v4;
	v39 =	vpop (erf)  }
0x4d4: {  	v20 =	vsel vm7, v1, v2;
	v1 =	vmul.f32 v0, v49;
	v0 =	vand.u32 $0x7FFFFFFF, v13;
	v8 =	vpop (erf)  }
0x4d5: {  	v0 =	vsub.f32 $0.0e+00, v0;
	v6 =	vadd.f32 v44, v38;
	v44 =	vpop (erf)  }
0x4d6: {  	v4 =	vmul.f32 v4, v48;
	v24 =	vadd.f32 v8, v39;
	v1 =	vadd.f32 $3.326524790e-01, v1;
	v40 =	vpop (erf)  }
0x4d7: {  	v3 =	vmul.f32 $1.442695020e+00, v3;
	v38 =	vmul.f32 $1.178451030e-01, v5;
	v37 =	vadd.f32 v40, v44  }
0x4d8: {  	v2 =	vmul.f32 v1, v49;
	v1 =	vmul.f32 $1.442695020e+00, v0;
	v0 =	vand.u32 $0x7FFFFFFF, v20  }
0x4d9: {  	(erf) = vpow2.f32 v3;
	v3 =	vadd.f32 $-1.845594790e-01, v38;
	v45 =	vadd.f32 v37, v24  }
0x4da: {  	v0 =	vsub.f32 $0.0e+00, v0;
	(erf) = vpow2.f32 v1  }
0x4db: {  	v1 =	vadd.f32 $-4.999635520e-01, v4;
	v3 =	vmul.f32 v3, v5;
	v4 =	vadd.f32 v45, v6  }
0x4dc: {  	v38 =	vmovc v42;
	v0 =	vmul.f32 $1.442695020e+00, v0;
	v6 =	vadd.f32 v28, v42;
	v42 =	vadd.f32 v14, v54;
	v14 =	vld [tilespmem:$0x1F7A0]  }
0x4dd: {  	v22 =	vadd.f32 v52, v41  }
0x4de: {  	(erf) = vpow2.f32 v0;
	v0 =	vadd.f32 $2.045543790e-01, v3;
	v3 =	vsub.s32 $0x7EF311C3, v4  }
0x4df: {  	v24 =	vmovc v41;
	v41 =	vadd.f32 v53, v51;
	v37 =	vmov v28;
	v28 =	vmul.f32 v3, v4  }
0x4e0: {  	v21 =	vsel vm4, v46, v61;
	v45 =	vsub.f32 v26, v62;
	v6 =	vadd.f32 v22, v6  }
0x4e1: {  	v62 =	vadd.f32 v42, v41;
	v33 =	vmul.f32 v14, v33;
	v46 =	vsub.f32 $2.000000000e+00, v28;
	v14 =	vld [tilespmem:$0x1F7B0]  }
0x4e2: {  	v1 =	vmul.f32 v1, v48  }
0x4e3: {  	v2 =	vadd.f32 $-4.999635520e-01, v2;
	v3 =	vmul.f32 v3, v46;
	v46 =	vadd.f32 v62, v6;
	v6 =	vld [tilespmem:$0x1F7D0]  }
0x4e4: {  	v1 =	vadd.f32 $9.999995230e-01, v1  }
0x4e5: {  	v2 =	vmul.f32 v2, v49  }
0x4e6: {  	v1 =	vmul.f32 v1, v48;
	v4 =	vmul.f32 v3, v4;
	v48 =	vsel vm1, v14, v47;
	v14 =	vld [tilespmem:$0x1F7C0]  }
0x4e7: {  	v2 =	vadd.f32 $9.999995230e-01, v2  }
0x4e8: {  	v4 =	vsub.f32 $2.000000000e+00, v4;
	v6 =	vmax.f32 v6, $0.0e+00  }
0x4e9: {  	v0 =	vmul.f32 v0, v5;
	v2 =	vmul.f32 v2, v49;
	v49 =	vadd.f32 v1, v6;
	v6 =	vld [tilespmem:$0x1F7E0]  }
0x4ea: {  	v3 =	vmul.f32 v4, v3  }
0x4eb: {  	v0 =	vadd.f32 $-2.492949520e-01, v0;
	v22 =	vmul.f32 v14, v43  }
0x4ec: {  	v41 =	vpop (erf);
	v3 =	vmul.f32 $5.952000140e+00, v3  }
0x4ed: {  	v0 =	vmul.f32 v0, v5;
	v26 =	vsub.s32 $0x7EF311C3, v46;
	v14 =	vld [tilespmem:$0x1F7F0];
	v1 =	vadd.f32 v22, v33;
	v33 =	vpop (erf)  }
0x4ee: {  	v11 =	vmul.f32 v3, v11;
	v6 =	vmax.f32 v6, $0.0e+00;
	v28 =	vmul.f32 $8.466320110e-03, v33  }
0x4ef: {  	v10 =	vmul.f32 v3, v10;
	v2 =	vadd.f32 v2, v6;
	v6 =	vmul.f32 v26, v46  }
0x4f0: {  	v36 =	vmul.f32 v3, v36;
	v23 =	vmul.f32 v3, v23;
	v61 =	vpop (erf);
	v42 =	vsub.f32 $4.365884890e-02, v28  }
0x4f1: {  	v39 =	vmul.f32 v3, v39;
	v4 =	vsub.f32 $2.000000000e+00, v6;
	v6 =	vmul.f32 $8.466320110e-03, v61  }
0x4f2: {  	v1 =	vmul.f32 v1, v14;
	v14 =	vld [tilespmem:$0x1F800];
	v43 =	vmul.f32 v42, v33  }
0x4f3: {  	v44 =	vmul.f32 v3, v44;
	v62 =	vmul.f32 v26, v4;
	v4 =	vsub.f32 $4.365884890e-02, v6  }
0x4f4: {  	v40 =	vmul.f32 v3, v40;
	v42 =	vadd.f32 $-1.067985000e-01, v43;
	v43 =	vmul.f32 v3, v8;
	v3 =	vld [tilespmem:$0x1F820]  }
0x4f5: {  	v0 =	vadd.f32 $3.331793250e-01, v0;
	v6 =	vld [tilespmem:$0x1F810];
	v4 =	vmul.f32 v4, v61;
	_ =	sdelay $0x1  }
0x4f6: {  	v0 =	vmul.f32 v0, v5;
	v1 =	vmul.f32 v14, v1;
	v4 =	vadd.f32 $-1.067985000e-01, v4  }
0x4f7: {  	v30 =	vsel vm11, v29, v30;
	v18 =	vsel vm9, v18, v35  }
0x4f8: {  	v0 =	vadd.f32 $-5.000073310e-01, v0;
	v26 =	vadd.f32 v1, v3;
	v3 =	vmul.f32 v4, v61;
	v4 =	vld [tilespmem:$0x1F830]  }
0x4f9: {  	v8 =	vimm.s32 $0xFFFFFF81;
	v6 =	vshrl.u32 v6, $0x17;
	v1 =	vmul.f32 v42, v33  }
0x4fa: {  	v0 =	vmul.f32 v0, v5;
	v8 =	vsel vm13, $0xFFFFFF82, v8;
	v6 =	vand.u32 $0xFF, v6  }
0x4fb: {  	v16 =	vsel vm11, v16, v27;
	v6 =	vadd.s32 v6, v8;
	v1 =	vadd.f32 $1.765979080e-01, v1  }
0x4fc: {  	v0 =	vadd.f32 $1.000000720e+00, v0;
	v3 =	vadd.f32 $1.765979080e-01, v3;
	v47 =	vcvt.s32.f32 v6  }
0x4fd: {  	v6 =	vadd.f32 $6.000000050e-03, v10;
	v10 =	vmul.f32 v1, v33;
	v7 =	vmul.f32 v7, v4  }
0x4fe: {  	v22 =	vadd.f32 $6.000000050e-03, v36;
	v4 =	vadd.f32 $6.000000050e-03, v11;
	v11 =	vmul.f32 v3, v61  }
0x4ff: {  	v12 =	vsel vm8, v15, v12;
	v10 =	vadd.f32 $-2.445335240e-01, v10;
	v7 =	vadd.f32 $6.000000050e-03, v7  }
0x500: {  	v14 =	vsel vm9, v25, v17;
	v43 =	vadd.f32 $6.000000050e-03, v43;
	v11 =	vadd.f32 $-2.445335240e-01, v11  }
0x501: {  	v8 =	vsel vm12, v31, v34;
	v10 =	vmul.f32 v10, v33;
	v7 =	vsel vm8, v7, v19  }
0x502: {  	v19 =	vsel vm5, v30, v8;
	v11 =	vmul.f32 v11, v61;
	v7 =	vsel vm6, v7, v18  }
0x503: {  	v42 =	vadd.f32 $6.000000050e-03, v44;
	v44 =	vnsel vm12, $0xC0400000, v32;
	v7 =	vsel vm7, v7, v19  }
0x504: {  	v10 =	vadd.f32 $3.326524790e-01, v10;
	v11 =	vadd.f32 $3.326524790e-01, v11;
	v18 =	vsub.s32 $0x7EF311C3, v7  }
0x505: {  	v12 =	vsel vm6, v12, v14;
	v16 =	vsel vm5, v16, v44;
	v36 =	vmul.f32 v18, v7  }
0x506: {  	v34 =	vld [tilespmem:$0x1F840];
	v12 =	vsel vm7, v12, v16;
	v10 =	vmul.f32 v10, v33;
	v11 =	vmul.f32 v11, v61  }
0x507: {  	v9 =	vsub.f32 v9, v12;
	v29 =	vsub.f32 $2.000000000e+00, v36  }
0x508: {  	v12 =	vmax.f32 v13, $0.0e+00;
	v10 =	vadd.f32 $-4.999635520e-01, v10;
	v11 =	vadd.f32 $-4.999635520e-01, v11  }
0x509: {  	v1 =	vadd.f32 $6.000000050e-03, v23;
	v23 =	vmul.f32 $6.931471820e-01, v47;
	v18 =	vmul.f32 v18, v29  }
0x50a: {  	v13 =	vmax.f32 v20, $0.0e+00;
	v10 =	vmul.f32 v10, v33;
	v11 =	vmul.f32 v11, v61  }
0x50b: {  	v3 =	vmul.f32 v34, v45;
	v8 =	vadd.f32 $6.000000050e-03, v39;
	v7 =	vmul.f32 v18, v7  }
0x50c: {  	v39 =	vsel vm12, v6, v4;
	v10 =	vadd.f32 $9.999995230e-01, v10;
	v11 =	vadd.f32 $9.999995230e-01, v11  }
0x50d: {  	v19 =	vadd.f32 $6.000000050e-03, v40;
	v40 =	vsel vm11, v1, v22;
	v7 =	vsub.f32 $2.000000000e+00, v7  }
0x50e: {  	v47 =	vsel vm9, v43, v8;
	v10 =	vmul.f32 v10, v33;
	v11 =	vmul.f32 v11, v61  }
0x50f: {  	v45 =	vsel vm5, v40, v39;
	v14 =	vsel vm8, v19, v42;
	v7 =	vmul.f32 v7, v18  }
0x510: {  	v14 =	vsel vm6, v14, v47;
	v10 =	vadd.f32 v10, v12;
	v11 =	vadd.f32 v11, v13  }
0x511: {  	v44 =	vsel vm7, v14, v45;
	v12 =	vmul.f32 v62, v46;
	v14 =	vmul.f32 v7, v9  }
0x512: {  	v45 =	vadd.f32 $1.000000050e-03, v10;
	v10 =	vadd.f32 $1.000000050e-03, v11;
	v46 =	vmul.f32 v7, v44  }
0x513: {  	v9 =	vmul.f32 v0, v5;
	v0 =	vsub.f32 $2.000000000e+00, v12;
	v5 =	vsub.f32 $1.000000000e+00, v14  }
0x514: {  	v11 =	vadd.f32 v45, v10;
	v25 =	vadd.f32 v46, v46;
	_ =	sdelay $0x1  }
0x515: {  	v0 =	vmul.f32 v0, v62;
	v47 =	vmul.f32 v5, v14;
	v11 =	vsub.f32 v11, v25  }
0x516: {  	v12 =	vld [tilespmem:$0x1F860]  }
0x517: {  	v13 =	vmul.f32 $5.952000140e+00, v0;
	v0 =	vmul.f32 v11, v47;
	v11 =	vld [tilespmem:$0x1F850];
	_ =	sdelay $0x3  }
0x518: {  	v15 =	vld [tilespmem:$0x1F880]  }
0x519: {  	v11 =	vsel vm2, v12, v11;
	v12 =	vld [tilespmem:$0x1F870]  }
0x51a: {  	v17 =	vld [tilespmem:$0x1F890];
	_ =	sdelay $0x2  }
0x51b: {  	v18 =	vld [tilespmem:s17+$0xFFFFFFF0]  }
0x51c: {  	v2 =	vadd.f32 $1.000000050e-03, v2;
	v31 =	vadd.f32 v0, v46;
	v12 =	vnsel vm0, $0xC0400000, v12  }
0x51d: {  	v15 =	vsel vm4, v15, v17;
	v11 =	vsel vm1, v11, v12;
	v12 =	vmul.f32 v13, v38  }
0x51e: {  	v7 =	vsel vm3, v21, v48;
	v19 =	vsub.s32 $0x7EF311C3, v31;
	v20 =	vsel vm3, v15, v11  }
0x51f: {  	v11 =	vmul.f32 v13, v37;
	v15 =	vadd.f32 $6.000000050e-03, v12;
	v12 =	vmul.f32 v19, v31  }
0x520: {  	v21 =	vadd.f32 $1.000000050e-03, v49;
	v16 =	vmul.f32 v34, v7;
	v0 =	vmax.f32 v18, $-3.000000000e+00  }
0x521: {  	[tilespmem:$0x1F990] =	vst v18;
	v18 =	vadd.f32 $6.000000050e-03, v11;
	v11 =	vmul.f32 v13, v24;
	v24 =	vsub.f32 $2.000000000e+00, v12;
	v12 =	vld [tilespmem:$0x1FE70]  }
0x522: {  	v28 =	vmul.f32 v3, v3;
	v29 =	vadd.f32 v21, v2  }
0x523: {  	v30 =	vadd.f32 v16, v16;
	v5 =	vmul.f32 v5, v5;
	v61 =	vmul.f32 v13, v52  }
0x524: {  	v27 =	vsub.f32 $1.000000000e+00, v3;
	v62 =	vmul.f32 v13, v51;
	v38 =	vmul.f32 v14, v14  }
0x525: {  	v29 =	vsub.f32 v29, v30;
	v34 =	vmul.f32 v13, v53;
	v54 =	vmul.f32 v13, v54  }
0x526: {  	v25 =	vmul.f32 v47, v25;
	v32 =	vadd.f32 $6.000000050e-03, v61;
	v10 =	vmul.f32 v10, v38  }
0x527: {  	v40 =	vld.idx.msk [tilespmem:v58+s16+$0xFFFFFE70], $0xffff;
	v51 =	vadd.f32 $6.000000050e-03, v62;
	v48 =	vmin.f32 v0, $3.000000000e+00;
	v0 =	vadd.f32 $-3.000000000e+00, v15  }
0x528: {  	v33 =	vld.idx.msk [tilespmem:v60+s16+$0xFFFFFE70], $0xffff;
	v34 =	vadd.f32 $6.000000050e-03, v34;
	v10 =	vadd.f32 v10, v25;
	v14 =	vmul.f32 v19, v24  }
0x529: {  	v5 =	vmul.f32 v45, v5;
	v11 =	vadd.f32 $6.000000050e-03, v11;
	v36 =	vld.idx.msk [tilespmem:v12+s16+$0xFFFFFE70], $0xffff;
	v12 =	vadd.f32 v0, v18  }
0x52a: {  	v35 =	vld.idx.msk [tilespmem:v56+s16+$0xFFFFFE70], $0xffff;
	v39 =	vadd.f32 $6.000000050e-03, v54;
	v62 =	vmovc v56;
	v56 =	vmul.f32 v27, v3;
	v31 =	vmul.f32 v14, v31  }
0x52b: {  	v5 =	vadd.f32 v10, v5;
	v10 =	vld.idx.msk [tilespmem:v50+s16+$0xFFFFFE70], $0xffff;
	v19 =	vadd.f32 v12, v11  }
0x52c: {  	v61 =	vmovc v57;
	v30 =	vmul.f32 v56, v30;
	v50 =	vld.idx.msk [tilespmem:v57+s16+$0xFFFFFE70], $0xffff;
	v57 =	vmul.f32 v2, v28;
	v31 =	vsub.f32 $2.000000000e+00, v31  }
0x52d: {  	v2 =	vadd.f32 $-3.000000000e+00, v4;
	v28 =	vmul.f32 v28, v16;
	v52 =	vadd.f32 v19, v32  }
0x52e: {  	vm1 =	vge.f32 v48, v0;
	v49 =	vmul.f32 v31, v14;
	v14 =	vmul.f32 v46, v46  }
0x52f: {  	v25 =	vld.idx.msk [tilespmem:v63+s16+$0xFFFFFE70], $0xffff;
	v4 =	vadd.f32 v2, v6;
	v2 =	vnsel vm12, $0xC0400000, v2;
	v53 =	vadd.f32 v52, v51  }
0x530: {  	v54 =	vld.idx.msk [tilespmem:v55+s16+$0xFFFFFE70], $0xffff;
	v30 =	vadd.f32 v57, v30;
	v5 =	vmul.f32 v5, v14;
	v14 =	vmul.f32 v49, v49  }
0x531: {  	v24 =	vsel vm1, v40, v36;
	v36 =	vsel vm1, v33, v40;
	v40 =	vld.idx.msk [tilespmem:v59+s16+$0xFFFFFE70], $0xffff;
	v55 =	vadd.f32 v53, v34  }
0x532: {  	vm2 =	vge.f32 v48, v12;
	vm10 =	vge.f32 v48, v19;
	v3 =	vmul.f32 v14, v5  }
0x533: {  	v14 =	vmul.f32 v29, v56;
	v33 =	vsel vm10, v35, v33;
	v5 =	vadd.f32 v55, v39  }
0x534: {  	v17 =	vsel vm10, v25, v35;
	v31 =	vsel vm2, v33, v24;
	vm3 =	vge.f32 v48, v52  }
0x535: {  	v17 =	vsel vm2, v17, v36;
	vm13 =	vge.f32 v48, v53;
	vm14 =	vge.f32 v48, v5  }
0x536: {  	v25 =	vsel vm13, v54, v25;
	v33 =	vsel vm14, v50, v40;
	v50 =	vand.u32 $0x7FFFFF, v3  }
0x537: {  	v37 =	vsel vm13, v10, v54;
	vm4 =	vge.f32 v48, v55;
	v35 =	vor.u32 $0x3F800000, v50  }
0x538: {  	v57 =	vld [tilespmem:$0x1F8D0];
	v10 =	vsel vm14, v40, v10;
	v40 =	vadd.f32 v4, v22;
	v6 =	vmul.f32 $5.000000000e-01, v35  }
0x539: {  	[tilespmem:$0x1F930] =	vst v2;
	v2 =	vld [tilespmem:$0x1F8E0];
	v22 =	vmul.f32 v21, v56;
	v10 =	vsel vm4, v10, v25;
	vm0 =	vgt.f32 v35, $1.414213540e+00  }
0x53a: {  	v24 =	vld [tilespmem:$0x1F900];
	v29 =	vsel vm4, v33, v37;
	v25 =	vsel vm0, v6, v35;
	v35 =	vsel vm3, v10, v31  }
0x53b: {  	v14 =	vadd.f32 v14, v16;
	v56 =	vld [tilespmem:$0x1F8C0];
	v17 =	vsel vm3, v29, v17;
	v31 =	vand.u32 $0x7FFFFFFF, v35  }
0x53c: {  	v28 =	vadd.f32 v22, v28;
	v22 =	vld [tilespmem:$0x1F8F0];
	v50 =	vand.u32 $0x7FFFFFFF, v17;
	v37 =	vsub.f32 $0.0e+00, v31  }
0x53d: {  	v27 =	vmul.f32 v27, v27;
	v54 =	vsub.s32 $0x7EF311C3, v14;
	v31 =	vsub.f32 $0.0e+00, v50;
	v50 =	vld [tilespmem:$0x1F8B0]  }
0x53e: {  	v10 =	vmul.f32 v54, v14;
	v29 =	vmul.f32 $1.442695020e+00, v37;
	v37 =	vld [tilespmem:$0x1F8A0];
	_ =	sdelay $0x1  }
0x53f: {  	v21 =	vmul.f32 v21, v27;
	v10 =	vsub.f32 $2.000000000e+00, v10  }
0x540: {  	v4 =	vsel vm11, v40, v4;
	v1 =	vadd.f32 v40, v1;
	v40 =	vld [tilespmem:$0x1F910];
	v6 =	vimm.s32 $0xFFFFFF81  }
0x541: {  	v36 =	vadd.f32 v22, v2;
	v33 =	vmul.f32 v54, v10;
	v54 =	vadd.f32 v41, v24  }
0x542: {  	(erf) = vpow2.f32 v29;
	v29 =	vadd.f32 v57, v56;
	v10 =	vadd.f32 v50, v37  }
0x543: {  	v31 =	vmul.f32 $1.442695020e+00, v31;
	v14 =	vmul.f32 v33, v14;
	v54 =	vadd.f32 v54, v36  }
0x544: {  	v36 =	vmul.f32 v28, v7;
	v27 =	vadd.f32 v29, v10;
	v10 =	vadd.f32 v1, v8  }
0x545: {  	v14 =	vsub.f32 $2.000000000e+00, v14;
	v29 =	vand.u32 $0x7FFFFFFF, v40;
	v8 =	vmul.f32 v16, v16  }
0x546: {  	v16 =	vadd.f32 v30, v21;
	v7 =	vsel vm9, v10, v1;
	v1 =	vadd.f32 v9, v23  }
0x547: {  	v6 =	vsel vm0, $0xFFFFFF82, v6;
	(erf) = vpow2.f32 v31;
	vm0 =	vle.f32 v29, $3.000000000e+00  }
0x548: {  	v31 =	vld [tilespmem:$0x1FEA0];
	v14 =	vmul.f32 v14, v33;
	[tilespmem:$0x1F980] =	vst v1;
	v1 =	vmul.f32 v16, v8;
	v16 =	vsel vm0, v26, v40  }
0x549: {  	[tilespmem:$0x1FA20] =	vst v16;
	v16 =	vld [tilespmem:$0x1F920]  }
0x54a: {  	v8 =	vmul.f32 v14, v36  }
0x54b: {  	v27 =	vadd.f32 v54, v27;
	v9 =	vmul.f32 v14, v14;
	v21 =	vpop (erf)  }
0x54c: {  	v40 =	vmul.f32 $8.466320110e-03, v21;
	v8 =	vadd.f32 v8, v20  }
0x54d: {  	v14 =	vsub.s32 $0x7EF311C3, v27;
	v1 =	vmul.f32 v9, v1  }
0x54e: {  	v20 =	vsub.f32 $4.365884890e-02, v40;
	v40 =	vld [tilespmem:$0x1FEC0];
	[tilespmem:$0x1FA10] =	vst v8;
	v13 =	vmul.f32 v13, v16;
	v16 =	vmul.f32 v14, v27  }
0x54f: {  	s20 =	simm.s32 $0xCFD0;
	[tilespmem:$0x1F960] =	vst v1  }
0x550: {  	v15 =	vsel vm1, v18, v15;
	v28 =	vld.idx.msk [tilespmem:v31+s20+$0x0], $0xffff;
	v13 =	vadd.f32 $6.000000050e-03, v13;
	v16 =	vsub.f32 $2.000000000e+00, v16  }
0x551: {  	v0 =	vnsel vm1, $0xC0400000, v0;
	v11 =	vsel vm10, v32, v11;
	v8 =	vsel vm13, v34, v51;
	v51 =	vld [tilespmem:$0x1FED0]  }
0x552: {  	v12 =	vsel vm10, v19, v12;
	v23 =	vpop (erf);
	v13 =	vsel vm14, v13, v39;
	v14 =	vmul.f32 v14, v16  }
0x553: {  	v11 =	vsel vm2, v11, v15;
	v18 =	vmul.f32 $8.466320110e-03, v23;
	v8 =	vsel vm4, v13, v8  }
0x554: {  	v15 =	vmul.f32 v20, v21;
	v1 =	vsel vm3, v8, v11;
	v8 =	vmul.f32 v14, v27  }
0x555: {  	v0 =	vsel vm2, v12, v0;
	v39 =	vld [tilespmem:$0x1FEB0];
	v28 =	vmul.f32 $1.442695020e+00, v28;
	v13 =	vsub.f32 $4.365884890e-02, v18  }
0x556: {  	v54 =	vld.idx.msk [tilespmem:v40+s20+$0x0], $0xffff;
	v11 =	vadd.f32 $-1.067985000e-01, v15;
	v15 =	vsub.s32 $0x7EF311C3, v1;
	v8 =	vsub.f32 $2.000000000e+00, v8  }
0x557: {  	v32 =	vld [tilespmem:$0x1FE80];
	v5 =	vsel vm14, v5, v55;
	v9 =	vmul.f32 v13, v23;
	v16 =	vmul.f32 v15, v1  }
0x558: {  	v13 =	vsel vm13, v53, v52;
	v52 =	vld [tilespmem:$0x1FE90];
	v11 =	vmul.f32 v11, v21;
	v8 =	vmul.f32 v8, v14  }
0x559: {  	v55 =	vld.idx.msk [tilespmem:v51+s20+$0x0], $0xffff;
	v5 =	vsel vm4, v5, v13;
	v9 =	vadd.f32 $-1.067985000e-01, v9;
	v12 =	vsub.f32 $2.000000000e+00, v16  }
0x55a: {  	v0 =	vsel vm3, v5, v0;
	v11 =	vadd.f32 $1.765979080e-01, v11;
	v13 =	vmul.f32 $5.952000140e+00, v8  }
0x55b: {  	v14 =	vmax.f32 v35, $0.0e+00;
	v34 =	vmul.f32 $1.442695020e+00, v54;
	v12 =	vmul.f32 v15, v12  }
0x55c: {  	v30 =	vld [tilespmem:$0x1FEF0];
	v16 =	vmax.f32 v17, $0.0e+00;
	v15 =	vmul.f32 v13, v50;
	v50 =	vmul.f32 v13, v2  }
0x55d: {  	v9 =	vmul.f32 v9, v23;
	v11 =	vmul.f32 v11, v21;
	v8 =	vadd.f32 $-1.000000000e+00, v25;
	v29 =	vld.idx.msk [tilespmem:v39+s20+$0x0], $0xffff  }
0x55e: {  	v25 =	vmul.f32 $1.442695020e+00, v55;
	v17 =	vmul.f32 v13, v37;
	v36 =	vadd.f32 $6.000000050e-03, v50;
	v50 =	vld [tilespmem:$0x1FEE0]  }
0x55f: {  	v9 =	vadd.f32 $1.765979080e-01, v9;
	v18 =	vmul.f32 $1.178451030e-01, v8;
	v19 =	vmul.f32 v13, v56;
	v56 =	vld.idx.msk [tilespmem:v32+s20+$0x0], $0xffff  }
0x560: {  	v11 =	vadd.f32 $-2.445335240e-01, v11;
	v20 =	vmul.f32 v13, v57;
	v22 =	vmul.f32 v13, v22;
	v57 =	vld.idx.msk [tilespmem:v52+s20+$0x0], $0xffff  }
0x561: {  	v24 =	vmul.f32 v13, v24;
	v9 =	vmul.f32 v9, v23;
	v18 =	vadd.f32 $-1.845594790e-01, v18  }
0x562: {  	v0 =	vsub.f32 v48, v0;
	v13 =	vmul.f32 v13, v41;
	v11 =	vmul.f32 v11, v21  }
0x563: {  	v1 =	vmul.f32 v12, v1;
	v9 =	vadd.f32 $-2.445335240e-01, v9;
	v18 =	vmul.f32 v18, v8  }
0x564: {  	v33 =	vmul.f32 $1.442695020e+00, v29;
	v11 =	vadd.f32 $3.326524790e-01, v11;
	v26 =	vmul.f32 $1.442695020e+00, v56  }
0x565: {  	v9 =	vmul.f32 v9, v23;
	v18 =	vadd.f32 $2.045543790e-01, v18;
	v27 =	vmul.f32 $1.442695020e+00, v57  }
0x566: {  	v1 =	vsub.f32 $2.000000000e+00, v1;
	v11 =	vmul.f32 v11, v21;
	(erf) = vpow2.f32 v26;
	v56 =	vld.idx.msk [tilespmem:v50+s20+$0x0], $0xffff  }
0x567: {  	v57 =	vld.idx.msk [tilespmem:v30+s20+$0x0], $0xffff;
	v9 =	vadd.f32 $3.326524790e-01, v9;
	v18 =	vmul.f32 v18, v8;
	(erf) = vpow2.f32 v27  }
0x568: {  	v37 =	vmul.f32 v1, v12;
	v11 =	vadd.f32 $-4.999635520e-01, v11;
	(erf) = vpow2.f32 v28  }
0x569: {  	v9 =	vmul.f32 v9, v23;
	(erf) = vpow2.f32 v33;
	v18 =	vadd.f32 $-2.492949520e-01, v18  }
0x56a: {  	v17 =	vadd.f32 $6.000000050e-03, v17;
	v5 =	vmul.f32 v11, v21;
	(erf) = vpow2.f32 v34  }
0x56b: {  	v15 =	vadd.f32 $6.000000050e-03, v15;
	v18 =	vmul.f32 v18, v8;
	v41 =	vmul.f32 $1.442695020e+00, v56  }
0x56c: {  	v9 =	vadd.f32 $-4.999635520e-01, v9;
	v53 =	vmul.f32 $1.442695020e+00, v57;
	(erf) = vpow2.f32 v25  }
0x56d: {  	v5 =	vadd.f32 $9.999995230e-01, v5;
	v18 =	vadd.f32 $3.331793250e-01, v18;
	(erf) = vpow2.f32 v41  }
0x56e: {  	v22 =	vadd.f32 $6.000000050e-03, v22;
	v9 =	vmul.f32 v9, v23;
	(erf) = vpow2.f32 v53  }
0x56f: {  	v13 =	vadd.f32 $6.000000050e-03, v13;
	v12 =	vmul.f32 v38, v46;
	v5 =	vmul.f32 v5, v21  }
0x570: {  	v1 =	vadd.f32 $9.999995230e-01, v9;
	v56 =	vmul.f32 v45, v47;
	v29 =	vpop (erf);
	v9 =	vmul.f32 v18, v8  }
0x571: {  	v3 =	vshrl.u32 v3, $0x17;
	v11 =	vadd.f32 $6.000000050e-03, v24;
	v33 =	vadd.f32 v5, v14;
	v18 =	vpop (erf)  }
0x572: {  	v3 =	vand.u32 $0xFF, v3;
	v5 =	vadd.f32 $-5.000073310e-01, v9;
	v9 =	vadd.f32 v56, v12;
	v34 =	vpop (erf)  }
0x573: {  	v19 =	vadd.f32 $6.000000050e-03, v19;
	v20 =	vadd.f32 $6.000000050e-03, v20;
	v54 =	vsel vm13, v22, v36;
	v14 =	vpop (erf)  }
0x574: {  	v35 =	vld [tilespmem:$0x1FF20];
	[tilespmem:$0x1F950] =	vst v0;
	v57 =	vadd.f32 v10, v43;
	v13 =	vsel vm14, v13, v11;
	v1 =	vmul.f32 v1, v23;
	v12 =	vpop (erf)  }
0x575: {  	v55 =	vsel vm1, v15, v17;
	v26 =	vsel vm10, v20, v19;
	v46 =	vld.idx.msk [tilespmem:v52+s20+$0xFFFFFE70], $0xffff;
	v13 =	vsel vm4, v13, v54;
	v10 =	vpop (erf)  }
0x576: {  	v45 =	vld.idx.msk [tilespmem:v32+s20+$0xFFFFFE70], $0xffff;
	v32 =	vadd.f32 v1, v16;
	v16 =	vadd.f32 v57, v42;
	v52 =	vmul.f32 v9, v44;
	v9 =	vpop (erf)  }
0x577: {  	v53 =	vld.idx.msk [tilespmem:v31+s20+$0xFFFFFE70], $0xffff;
	v31 =	vadd.s32 v3, v6;
	v6 =	vadd.f32 v18, v29;
	v54 =	vadd.f32 v14, v34;
	v43 =	vpop (erf)  }
0x578: {  	v0 =	vld [tilespmem:$0x1F930];
	v16 =	vsel vm8, v16, v57;
	v56 =	vadd.f32 v10, v12;
	v57 =	vadd.f32 v43, v9  }
0x579: {  	v24 =	vsel vm2, v26, v55;
	v55 =	vld.idx.msk [tilespmem:v40+s20+$0xFFFFFE70], $0xffff  }
0x57a: {  	v28 =	vld.idx.msk [tilespmem:v51+s20+$0xFFFFFE70], $0xffff;
	v6 =	vadd.f32 v54, v6;
	v47 =	vadd.f32 v57, v56  }
0x57b: {  	v7 =	vsel vm6, v16, v7;
	v16 =	vld.idx.msk [tilespmem:v50+s20+$0xFFFFFE70], $0xffff  }
0x57c: {  	v50 =	vld [tilespmem:$0x1FF00];
	v6 =	vadd.f32 v47, v6  }
0x57d: {  	v2 =	vsel vm5, v4, v0;
	v26 =	vmul.f32 $1.442695020e+00, v46;
	v38 =	vmul.f32 $1.442695020e+00, v53;
	v53 =	vld [tilespmem:$0x1FF10]  }
0x57e: {  	v46 =	vadd.f32 $-3.000000000e+00, v17;
	v3 =	vld.idx.msk [tilespmem:v39+s20+$0xFFFFFE70], $0xffff;
	v4 =	vmul.f32 v49, v52;
	v52 =	vsub.s32 $0x7EF311C3, v6  }
0x57f: {  	v17 =	vmul.f32 $1.442695020e+00, v55;
	v55 =	vld [tilespmem:$0x1FF30];
	v7 =	vsel vm7, v7, v2;
	v2 =	vmul.f32 v52, v6  }
0x580: {  	v1 =	vld [tilespmem:$0x1FF50];
	v48 =	vmul.f32 v5, v8;
	v21 =	vmul.f32 $1.442695020e+00, v45  }
0x581: {  	v57 =	vsub.f32 $2.000000000e+00, v2;
	v2 =	vld [tilespmem:$0x1FF40]  }
0x582: {  	v27 =	vadd.f32 $1.000000720e+00, v48;
	v48 =	vld.idx.msk [tilespmem:v30+s20+$0xFFFFFE70], $0xffff;
	(erf) = vpow2.f32 v21  }
0x583: {  	v0 =	vld [tilespmem:$0x1FF60];
	v3 =	vmul.f32 $1.442695020e+00, v3;
	(erf) = vpow2.f32 v26  }
0x584: {  	v49 =	vmul.f32 $1.442695020e+00, v28;
	(erf) = vpow2.f32 v38;
	v51 =	vld.idx.msk [tilespmem:v50+s20+$0xFFFFFE70], $0xffff  }
0x585: {  	v25 =	vmul.f32 v27, v8;
	(erf) = vpow2.f32 v3;
	v3 =	vld.idx.msk [tilespmem:v53+s20+$0xFFFFFE70], $0xffff  }
0x586: {  	v15 =	vadd.f32 v46, v15;
	v39 =	vld [tilespmem:$0x1F940];
	v16 =	vmul.f32 $1.442695020e+00, v16;
	(erf) = vpow2.f32 v17  }
0x587: {  	v5 =	vsel vm3, v13, v24;
	v17 =	vld.idx.msk [tilespmem:v35+s20+$0xFFFFFE70], $0xffff;
	v54 =	vmul.f32 $1.442695020e+00, v48;
	(erf) = vpow2.f32 v49  }
0x588: {  	v8 =	vadd.f32 v15, v19;
	(erf) = vpow2.f32 v16;
	v56 =	vld.idx.msk [tilespmem:v55+s20+$0xFFFFFE70], $0xffff;
	v19 =	vmul.f32 v52, v57  }
0x589: {  	(erf) = vpow2.f32 v54;
	v23 =	vmul.f32 $1.442695020e+00, v51;
	v16 =	vld.idx.msk [tilespmem:v2+s20+$0xFFFFFE70], $0xffff;
	[tilespmem:$0x1FA00] =	vst v5  }
0x58a: {  	v3 =	vmul.f32 $1.442695020e+00, v3;
	v6 =	vmul.f32 v19, v6;
	v13 =	vld.idx.msk [tilespmem:v1+s20+$0xFFFFFE70], $0xffff  }
0x58b: {  	(erf) = vpow2.f32 v23;
	v42 =	vld.idx.msk [tilespmem:v0+s20+$0xFFFFFE70], $0xffff  }
0x58c: {  	v20 =	vadd.f32 v8, v20;
	(erf) = vpow2.f32 v3;
	v3 =	vsub.f32 $2.000000000e+00, v6;
	v45 =	vld.idx.msk [tilespmem:v50+s20+$0x0], $0xffff  }
0x58d: {  	v28 =	vadd.f32 v4, v7;
	v17 =	vmul.f32 $1.442695020e+00, v17;
	v47 =	vld.idx.msk [tilespmem:v53+s20+$0x0], $0xffff  }
0x58e: {  	v36 =	vadd.f32 v20, v36;
	v44 =	vmul.f32 $1.442695020e+00, v56;
	v7 =	vmul.f32 v3, v19;
	v4 =	vld.idx.msk [tilespmem:v35+s20+$0x0], $0xffff  }
0x58f: {  	(erf) = vpow2.f32 v17;
	v54 =	vld.idx.msk [tilespmem:v1+s20+$0x0], $0xffff;
	v16 =	vmul.f32 $1.442695020e+00, v16  }
0x590: {  	v22 =	vadd.f32 v36, v22;
	v51 =	vpop (erf);
	(erf) = vpow2.f32 v44;
	v1 =	vld [tilespmem:$0x1FF70];
	v27 =	vmul.f32 $5.952000140e+00, v7  }
0x591: {  	v6 =	vpop (erf);
	(erf) = vpow2.f32 v16;
	v16 =	vld.idx.msk [tilespmem:v55+s20+$0x0], $0xffff  }
0x592: {  	v11 =	vadd.f32 v22, v11;
	v53 =	vmul.f32 v27, v29;
	v13 =	vmul.f32 $1.442695020e+00, v13;
	v55 =	vld.idx.msk [tilespmem:v0+s20+$0x0], $0xffff  }
0x593: {  	v40 =	vand.u32 $0x7FFFFFFF, v39;
	v12 =	vmul.f32 v27, v12;
	v17 =	vmul.f32 $1.442695020e+00, v42;
	v0 =	vld [tilespmem:$0x1FE70]  }
0x594: {  	v22 =	vsel vm14, v11, v22;
	v11 =	vmul.f32 $1.442695020e+00, v45;
	(erf) = vpow2.f32 v13  }
0x595: {  	v30 =	vsel vm10, v8, v15;
	v21 =	vpop (erf);
	v13 =	vmul.f32 $1.442695020e+00, v47;
	(erf) = vpow2.f32 v17;
	v17 =	vld.idx.msk [tilespmem:v2+s20+$0x0], $0xffff  }
0x596: {  	v20 =	vsel vm13, v36, v20;
	v50 =	vpop (erf);
	v8 =	vmul.f32 $1.442695020e+00, v4;
	(erf) = vpow2.f32 v11  }
0x597: {  	v7 =	vpop (erf);
	v11 =	vmul.f32 v27, v18;
	(erf) = vpow2.f32 v13;
	v13 =	vadd.f32 $6.000000050e-03, v53  }
0x598: {  	v35 =	vld [tilespmem:$0x1FF80];
	v56 =	vadd.f32 v50, v21;
	v19 =	vpop (erf);
	v15 =	vmul.f32 $1.442695020e+00, v16;
	(erf) = vpow2.f32 v8  }
0x599: {  	v47 =	vpop (erf);
	v57 =	vld.idx.msk [tilespmem:v1+s20+$0x0], $0xffff;
	v16 =	vadd.f32 $6.000000050e-03, v11;
	v8 =	vmul.f32 v27, v34;
	v11 =	vadd.f32 $-3.000000000e+00, v13  }
0x59a: {  	v36 =	vpop (erf);
	v18 =	vadd.f32 v6, v51;
	v34 =	vld [tilespmem:$0x1FFD0];
	v17 =	vmul.f32 $1.442695020e+00, v17;
	(erf) = vpow2.f32 v15  }
0x59b: {  	s15 =	simm.s32 $0x19850;
	v15 =	vadd.f32 $6.000000050e-03, v8;
	v8 =	vmul.f32 v27, v14;
	v44 =	vld.idx.msk [tilespmem:v0+s20+$0x0], $0xffff;
	v49 =	vadd.f32 v11, v16;
	v0 =	vpop (erf)  }
0x59c: {  	v10 =	vmul.f32 v27, v10;
	v24 =	vmul.f32 $1.442695020e+00, v54;
	v45 =	vld [tilespmem:s15+$0x0];
	v14 =	vadd.f32 v56, v18;
	[tilespmem:$0x1F9A0] =	vst v0;
	v0 =	vpop (erf)  }
0x59d: {  	(erf) = vpow2.f32 v17;
	v18 =	vadd.f32 $6.000000050e-03, v8;
	v26 =	vld.idx.msk [tilespmem:v58+s20+$0x0], $0xffff;
	v8 =	vadd.f32 v49, v15;
	[tilespmem:$0x1F9B0] =	vst v0;
	v0 =	vpop (erf)  }
0x59e: {  	vm8 =	vle.f32 v40, $3.000000000e+00;
	v23 =	vmul.f32 $1.442695020e+00, v55;
	(erf) = vpow2.f32 v24;
	v24 =	vld.idx.msk [tilespmem:v60+s20+$0x0], $0xffff;
	[tilespmem:$0x1F9C0] =	vst v0;
	v0 =	vpop (erf)  }
0x59f: {  	v29 =	vmul.f32 $1.442695020e+00, v57;
	v17 =	vadd.f32 $6.000000050e-03, v12;
	v48 =	vld.idx.msk [tilespmem:v62+s20+$0x0], $0xffff;
	v53 =	vadd.f32 v8, v18;
	[tilespmem:$0x1F9D0] =	vst v0;
	v0 =	vpop (erf)  }
0x5a0: {  	v12 =	vadd.f32 v36, v47;
	v58 =	vadd.f32 v19, v7;
	(erf) = vpow2.f32 v23;
	v23 =	vld.idx.msk [tilespmem:v63+s20+$0x0], $0xffff;
	[tilespmem:$0x1F9E0] =	vst v0;
	v0 =	vpop (erf)  }
0x5a1: {  	v55 =	vadd.f32 $6.000000050e-03, v10;
	v63 =	vmul.f32 v27, v9;
	v52 =	vld.idx.msk [tilespmem:v35+s20+$0x0], $0xffff;
	v10 =	vadd.f32 v53, v17;
	[tilespmem:$0x1F9F0] =	vst v0  }
0x5a2: {  	v38 =	vadd.f32 v12, v58;
	v9 =	vmax.f32 v45, $-3.000000000e+00;
	(erf) = vpow2.f32 v29;
	v29 =	vld.idx.msk [tilespmem:v34+s20+$0x0], $0xffff  }
0x5a3: {  	v41 =	vmovc v60;
	v40 =	vmovc v59;
	v9 =	vmin.f32 v9, $3.000000000e+00;
	v58 =	vld.idx.msk [tilespmem:v59+s20+$0x0], $0xffff;
	v56 =	vadd.f32 $6.000000050e-03, v63;
	v12 =	vadd.f32 v10, v55  }
0x5a4: {  	v54 =	vsel vm4, v22, v20;
	v42 =	vpop (erf);
	v57 =	vadd.f32 v38, v14;
	vm12 =	vge.f32 v9, v11  }
0x5a5: {  	v59 =	vpop (erf);
	vm7 =	vge.f32 v9, v8;
	vm5 =	vge.f32 v9, v49;
	v14 =	vadd.f32 v12, v56  }
0x5a6: {  	v20 =	vld.idx.msk [tilespmem:v61+s20+$0x0], $0xffff;
	v60 =	vpop (erf);
	v22 =	vsel vm12, v26, v44;
	v26 =	vsel vm12, v24, v26;
	vm9 =	vge.f32 v9, v10  }
0x5a7: {  	v38 =	vmovc v61;
	v24 =	vsel vm7, v48, v24;
	v44 =	vsel vm7, v23, v48;
	vm4 =	vge.f32 v9, v14  }
0x5a8: {  	v61 =	vpop (erf);
	v22 =	vsel vm5, v24, v22;
	v24 =	vsel vm9, v29, v52;
	v48 =	vsel vm4, v58, v29;
	v29 =	vld.idx.msk [tilespmem:v1+s20+$0xFFFFFE70], $0xffff  }
0x5a9: {  	v62 =	vpop (erf)  }
0x5aa: {  	vm6 =	vge.f32 v9, v12;
	v23 =	vsel vm9, v52, v23;
	v63 =	vpop (erf)  }
0x5ab: {  	v2 =	vadd.f32 v60, v59;
	v1 =	vadd.f32 v62, v61;
	v23 =	vsel vm6, v48, v23;
	v48 =	vpop (erf)  }
0x5ac: {  	vm10 =	vge.f32 v9, v53;
	v52 =	vsel vm4, v20, v58;
	v4 =	vpop (erf)  }
0x5ad: {  	v58 =	vsub.s32 $0x7EF311C3, v57;
	v1 =	vadd.f32 v1, v2;
	v3 =	vpop (erf);
	v2 =	vmul.f32 $1.442695020e+00, v29  }
0x5ae: {  	v23 =	vsel vm10, v23, v22;
	v22 =	vadd.f32 v48, v63;
	v0 =	vadd.f32 v3, v4  }
0x5af: {  	v20 =	vmul.f32 v58, v57;
	(erf) = vpow2.f32 v2;
	v2 =	vld [tilespmem:$0x1F950]  }
0x5b0: {  	v31 =	vcvt.s32.f32 v31;
	v26 =	vsel vm5, v44, v26;
	v0 =	vadd.f32 v0, v22  }
0x5b1: {  	v24 =	vsel vm6, v52, v24;
	v20 =	vsub.f32 $2.000000000e+00, v20;
	v52 =	vand.u32 $0x7FFFFFFF, v23  }
0x5b2: {  	v29 =	vmul.f32 v37, v5;
	v1 =	vadd.f32 v0, v1;
	v0 =	vsub.f32 $0.0e+00, v52  }
0x5b3: {  	v22 =	vsel vm10, v24, v26;
	v24 =	vadd.f32 $1.000000050e-03, v33;
	v26 =	vadd.f32 $1.000000050e-03, v32  }
0x5b4: {  	v2 =	vmul.f32 v37, v2;
	v0 =	vmul.f32 $1.442695020e+00, v0;
	v32 =	vsub.s32 $0x7EF311C3, v1  }
0x5b5: {  	v20 =	vmul.f32 v58, v20;
	v52 =	vadd.f32 v29, v29;
	v58 =	vmul.f32 v32, v1  }
0x5b6: {  	v33 =	vsub.f32 $1.000000000e+00, v2;
	(erf) = vpow2.f32 v0;
	v0 =	vadd.f32 v24, v26  }
0x5b7: {  	v31 =	vmul.f32 $6.931471820e-01, v31;
	v44 =	vand.u32 $0x7FFFFFFF, v22;
	v37 =	vsub.f32 $2.000000000e+00, v58  }
0x5b8: {  	v58 =	vmul.f32 v2, v2;
	v2 =	vmul.f32 v33, v2;
	v0 =	vsub.f32 v0, v52  }
0x5b9: {  	v33 =	vmul.f32 v33, v33;
	v32 =	vmul.f32 v32, v37;
	v37 =	vsub.f32 $0.0e+00, v44  }
0x5ba: {  	v26 =	vmul.f32 v26, v58;
	v44 =	vadd.f32 v25, v31;
	v25 =	vmul.f32 v0, v2  }
0x5bb: {  	v0 =	vsel vm8, v28, v39;
	v5 =	vmul.f32 v2, v52;
	v37 =	vmul.f32 $1.442695020e+00, v37  }
0x5bc: {  	v31 =	vmul.f32 v24, v2;
	[tilespmem:$0x1FA30] =	vst v0;
	v1 =	vmul.f32 v32, v1;
	v0 =	vld [tilespmem:$0x1F960];
	v25 =	vadd.f32 v25, v29  }
0x5bd: {  	v2 =	vmul.f32 v24, v33;
	v5 =	vadd.f32 v26, v5;
	(erf) = vpow2.f32 v37  }
0x5be: {  	v37 =	vmul.f32 v20, v57;
	v1 =	vsub.f32 $2.000000000e+00, v1;
	v39 =	vsub.s32 $0x7EF311C3, v25  }
0x5bf: {  	v2 =	vadd.f32 v5, v2;
	v5 =	vmul.f32 v29, v29;
	v57 =	vmul.f32 v39, v25  }
0x5c0: {  	v1 =	vmul.f32 v1, v32;
	v32 =	vsub.f32 $2.000000000e+00, v37  }
0x5c1: {  	v24 =	vmul.f32 v2, v5;
	v5 =	vand.u32 $0x7FFFFF, v0;
	v2 =	vsub.f32 $2.000000000e+00, v57  }
0x5c2: {  	v52 =	vmul.f32 v58, v29;
	v20 =	vmul.f32 v32, v20;
	v32 =	vor.u32 $0x3F800000, v5  }
0x5c3: {  	v33 =	vmul.f32 $5.952000140e+00, v1;
	v1 =	vnsel vm1, $0xC0400000, v46;
	v5 =	vmul.f32 v39, v2  }
0x5c4: {  	v37 =	vsel vm2, v30, v1;
	v2 =	vmul.f32 $5.000000000e-01, v32;
	v1 =	vmul.f32 $5.952000140e+00, v20  }
0x5c5: {  	v29 =	vpop (erf);
	v28 =	vmul.f32 v33, v59;
	v20 =	vsel vm3, v54, v37;
	v37 =	vmul.f32 v33, v60  }
0x5c6: {  	v26 =	vpop (erf);
	v57 =	vmul.f32 v33, v61;
	v58 =	vmul.f32 v33, v62  }
0x5c7: {  	v54 =	vmul.f32 $8.466320110e-03, v26;
	v48 =	vmul.f32 v33, v48;
	v59 =	vpop (erf)  }
0x5c8: {  	vm11 =	vgt.f32 v32, $1.414213540e+00;
	v4 =	vmul.f32 v33, v4;
	v60 =	vld [tilespmem:$0x1F970];
	v39 =	vmul.f32 $8.466320110e-03, v59  }
0x5c9: {  	v46 =	vsel vm11, v2, v32;
	v2 =	vmul.f32 v33, v63;
	v54 =	vsub.f32 $4.365884890e-02, v54  }
0x5ca: {  	v33 =	vmul.f32 v33, v3;
	v3 =	vmul.f32 v1, v51;
	v32 =	vsub.f32 $4.365884890e-02, v39;
	_ =	sdelay $0x1  }
0x5cb: {  	v54 =	vmul.f32 v54, v26;
	v51 =	vadd.f32 $6.000000050e-03, v3;
	v3 =	vmul.f32 v32, v59  }
0x5cc: {  	v16 =	vsel vm12, v16, v13;
	v13 =	vand.u32 $0x7FFFFFFF, v60  }
0x5cd: {  	vm1 =	vle.f32 v13, $3.000000000e+00;
	v13 =	vadd.f32 $-1.067985000e-01, v54;
	v3 =	vadd.f32 $-1.067985000e-01, v3  }
0x5ce: {  	v6 =	vmul.f32 v1, v6  }
0x5cf: {  	v13 =	vmul.f32 v13, v26;
	v3 =	vmul.f32 v3, v59  }
0x5d0: {  	v54 =	vadd.f32 $6.000000050e-03, v6  }
0x5d1: {  	v27 =	vmul.f32 v27, v43;
	v6 =	vadd.f32 $1.765979080e-01, v13;
	v62 =	vadd.f32 $1.765979080e-01, v3  }
0x5d2: {  	v15 =	vsel vm7, v18, v15;
	v13 =	vmul.f32 v1, v50;
	v50 =	vmul.f32 v1, v7  }
0x5d3: {  	v8 =	vsel vm7, v8, v49;
	v6 =	vmul.f32 v6, v26;
	v7 =	vmul.f32 v62, v59  }
0x5d4: {  	v17 =	vsel vm9, v55, v17;
	v15 =	vsel vm5, v15, v16;
	v39 =	vadd.f32 $6.000000050e-03, v27  }
0x5d5: {  	v10 =	vsel vm9, v10, v53;
	v6 =	vadd.f32 $-2.445335240e-01, v6;
	v43 =	vadd.f32 $-2.445335240e-01, v7  }
0x5d6: {  	v32 =	vnsel vm12, $0xC0400000, v11;
	v11 =	vmul.f32 v1, v21;
	v21 =	vsel vm4, v39, v56  }
0x5d7: {  	v16 =	vsel vm6, v21, v17;
	v6 =	vmul.f32 v6, v26;
	v17 =	vmul.f32 v43, v59  }
0x5d8: {  	v12 =	vsel vm4, v14, v12;
	v28 =	vadd.f32 $6.000000050e-03, v28;
	v30 =	vadd.f32 $6.000000050e-03, v37  }
0x5d9: {  	v15 =	vsel vm10, v16, v15;
	v6 =	vadd.f32 $3.326524790e-01, v6;
	v16 =	vadd.f32 $3.326524790e-01, v17  }
0x5da: {  	v19 =	vmul.f32 v1, v19;
	v61 =	vadd.f32 $6.000000050e-03, v57;
	v18 =	vadd.f32 $-3.000000000e+00, v28  }
0x5db: {  	v6 =	vmul.f32 v6, v26;
	v17 =	vsub.s32 $0x7EF311C3, v15;
	v16 =	vmul.f32 v16, v59  }
0x5dc: {  	v2 =	vadd.f32 $6.000000050e-03, v2;
	v19 =	vadd.f32 $6.000000050e-03, v19;
	v39 =	vmul.f32 v17, v15  }
0x5dd: {  	v10 =	vsel vm6, v12, v10;
	v6 =	vadd.f32 $-4.999635520e-01, v6;
	v16 =	vadd.f32 $-4.999635520e-01, v16  }
0x5de: {  	v28 =	vsel vm12, v30, v28;
	v27 =	vadd.f32 $6.000000050e-03, v48;
	v48 =	vsub.f32 $2.000000000e+00, v39  }
0x5df: {  	v56 =	vadd.f32 $6.000000050e-03, v4;
	v6 =	vmul.f32 v6, v26;
	v16 =	vmul.f32 v16, v59  }
0x5e0: {  	v4 =	vadd.f32 $6.000000050e-03, v33;
	v8 =	vsel vm5, v8, v32;
	v17 =	vmul.f32 v17, v48  }
0x5e1: {  	v8 =	vsel vm10, v10, v8;
	v6 =	vadd.f32 $9.999995230e-01, v6;
	v12 =	vadd.f32 $9.999995230e-01, v16  }
0x5e2: {  	v49 =	vsel vm9, v27, v2;
	v8 =	vsub.f32 v9, v8;
	v14 =	vmul.f32 v17, v15  }
0x5e3: {  	v9 =	vmax.f32 v23, $0.0e+00;
	v6 =	vmul.f32 v6, v26;
	v12 =	vmul.f32 v12, v59  }
0x5e4: {  	v62 =	vadd.f32 $6.000000050e-03, v58;
	v10 =	vsub.f32 $2.000000000e+00, v14;
	v14 =	vmax.f32 v22, $0.0e+00  }
0x5e5: {  	v4 =	vsel vm4, v4, v56;
	v6 =	vadd.f32 v6, v9;
	v9 =	vadd.f32 v12, v14  }
0x5e6: {  	v37 =	vnsel vm12, $0xC0400000, v18;
	v4 =	vsel vm6, v4, v49;
	v43 =	vsel vm7, v62, v61  }
0x5e7: {  	v15 =	vadd.f32 v18, v30;
	v18 =	vadd.f32 $1.000000050e-03, v9;
	v9 =	vmul.f32 v1, v47  }
0x5e8: {  	v63 =	vld [tilespmem:$0x1FE70];
	v3 =	vadd.f32 $-3.000000000e+00, v51;
	v28 =	vsel vm5, v43, v28;
	v10 =	vmul.f32 v10, v17  }
0x5e9: {  	v11 =	vadd.f32 $6.000000050e-03, v11;
	v49 =	vsel vm10, v4, v28;
	v32 =	vadd.f32 $6.000000050e-03, v9;
	v9 =	vld [tilespmem:$0x1FFB0]  }
0x5ea: {  	v7 =	vadd.f32 v3, v54;
	v14 =	vmul.f32 v10, v8;
	v8 =	vmul.f32 v10, v49;
	v10 =	vld [tilespmem:$0x1FF90]  }
0x5eb: {  	v13 =	vadd.f32 $6.000000050e-03, v13;
	v12 =	vadd.f32 v15, v61  }
0x5ec: {  	v22 =	vadd.f32 $6.000000050e-03, v50;
	v17 =	vadd.f32 v7, v11  }
0x5ed: {  	v4 =	vadd.f32 $1.000000050e-03, v6;
	v6 =	vadd.f32 v12, v62  }
0x5ee: {  	v12 =	vsel vm7, v12, v15;
	v47 =	vadd.f32 v17, v13;
	v15 =	vld [tilespmem:$0x1FFC0];
	v21 =	vsub.f32 $1.000000000e+00, v14  }
0x5ef: {  	v25 =	vmul.f32 v5, v25;
	v59 =	vld [tilespmem:s15+$0xFFFFFFF0];
	v28 =	vadd.f32 v8, v8;
	v61 =	vadd.f32 v4, v18  }
0x5f0: {  	v16 =	vld.idx.msk [tilespmem:v63+s20+$0xFFFFFE70], $0xffff;
	v50 =	vshrl.u32 v0, $0x17;
	v0 =	vadd.f32 v31, v52;
	v2 =	vadd.f32 v6, v2  }
0x5f1: {  	v53 =	vadd.f32 v47, v22;
	v23 =	vsub.f32 v61, v28;
	v33 =	vld.idx.msk [tilespmem:v9+s20+$0xFFFFFE70], $0xffff;
	v9 =	vmul.f32 v21, v14  }
0x5f2: {  	v52 =	vadd.f32 v29, v42;
	v37 =	vsel vm5, v12, v37;
	v27 =	vadd.f32 v2, v27;
	v62 =	vld.idx.msk [tilespmem:v10+s20+$0xFFFFFE70], $0xffff  }
0x5f3: {  	v39 =	vld.idx.msk [tilespmem:v41+s20+$0xFFFFFE70], $0xffff;
	v57 =	vmul.f32 v8, v8;
	v55 =	vadd.f32 v53, v19;
	v23 =	vmul.f32 v23, v9  }
0x5f4: {  	v43 =	vld.idx.msk [tilespmem:v35+s20+$0xFFFFFE70], $0xffff;
	v2 =	vsel vm9, v2, v6;
	v41 =	vadd.f32 v27, v56;
	v10 =	vmax.f32 v59, $-3.000000000e+00  }
0x5f5: {  	v61 =	vld.idx.msk [tilespmem:v40+s20+$0xFFFFFE70], $0xffff;
	v58 =	vadd.f32 v55, v32;
	v10 =	vmin.f32 v10, $3.000000000e+00;
	v23 =	vadd.f32 v23, v8  }
0x5f6: {  	v15 =	vld.idx.msk [tilespmem:v15+s20+$0xFFFFFE70], $0xffff;
	v27 =	vsel vm4, v41, v27;
	vm3 =	vge.f32 v10, v3;
	vm2 =	vge.f32 v10, v7  }
0x5f7: {  	vm4 =	vge.f32 v10, v17;
	v6 =	vsel vm3, v62, v16;
	v16 =	vld.idx.msk [tilespmem:v34+s20+$0xFFFFFE70], $0xffff;
	v40 =	vsub.s32 $0x7EF311C3, v23  }
0x5f8: {  	v27 =	vsel vm6, v27, v2;
	v26 =	vsel vm3, v39, v62;
	v62 =	vld.idx.msk [tilespmem:v38+s20+$0xFFFFFE70], $0xffff;
	v2 =	vmul.f32 v40, v23  }
0x5f9: {  	vm6 =	vge.f32 v10, v53;
	vm7 =	vge.f32 v10, v58;
	vm9 =	vge.f32 v10, v55  }
0x5fa: {  	vm5 =	vge.f32 v10, v47;
	v21 =	vmul.f32 v21, v21;
	v2 =	vsub.f32 $2.000000000e+00, v2  }
0x5fb: {  	v30 =	vsel vm4, v33, v39;
	v12 =	vsel vm4, v15, v33;
	v15 =	vsel vm6, v43, v15  }
0x5fc: {  	v30 =	vsel vm2, v30, v6;
	v12 =	vsel vm2, v12, v26;
	v2 =	vmul.f32 v40, v2  }
0x5fd: {  	v41 =	vsel vm6, v16, v43;
	v16 =	vsel vm7, v61, v16;
	v48 =	vsel vm7, v62, v61  }
0x5fe: {  	v15 =	vsel vm9, v16, v15;
	v16 =	vmul.f32 v14, v14;
	v23 =	vmul.f32 v2, v23  }
0x5ff: {  	v35 =	vld [tilespmem:$0x1F9C0];
	v33 =	vsel vm9, v48, v41;
	v14 =	vsel vm5, v15, v30;
	v15 =	vmul.f32 v9, v28  }
0x600: {  	v31 =	vld [tilespmem:$0x1F9A0];
	v18 =	vmul.f32 v18, v16;
	v43 =	vand.u32 $0x7FFFFFFF, v14;
	v23 =	vsub.f32 $2.000000000e+00, v23  }
0x601: {  	v19 =	vsel vm6, v19, v22;
	v38 =	vld [tilespmem:$0x1F9D0];
	v12 =	vsel vm5, v33, v12;
	v28 =	vsub.f32 $0.0e+00, v43  }
0x602: {  	v34 =	vld [tilespmem:$0x1F9B0];
	v18 =	vadd.f32 v18, v15;
	v15 =	vmul.f32 v23, v2;
	v2 =	vand.u32 $0x7FFFFFFF, v12  }
0x603: {  	v11 =	vsel vm4, v13, v11;
	v21 =	vmul.f32 v4, v21;
	v39 =	vld [tilespmem:$0x1F9E0];
	v2 =	vsub.f32 $0.0e+00, v2  }
0x604: {  	v7 =	vsel vm4, v17, v7;
	v3 =	vnsel vm3, $0xC0400000, v3;
	v40 =	vld [tilespmem:$0x1F9F0];
	v28 =	vmul.f32 $1.442695020e+00, v28  }
0x605: {  	v3 =	vsel vm2, v7, v3;
	v18 =	vadd.f32 v18, v21;
	v2 =	vmul.f32 $1.442695020e+00, v2  }
0x606: {  	v56 =	vld [tilespmem:$0x1F990];
	v4 =	vmul.f32 v4, v9;
	v62 =	vadd.f32 v38, v35;
	(erf) = vpow2.f32 v28  }
0x607: {  	v48 =	vimm.s32 $0xFFFFFF81;
	v18 =	vmul.f32 v18, v57;
	v57 =	vld [tilespmem:$0x1FA00];
	(erf) = vpow2.f32 v2  }
0x608: {  	v26 =	vsel vm11, $0xFFFFFF82, v48;
	v8 =	vmul.f32 v16, v8;
	v61 =	vmul.f32 v15, v15  }
0x609: {  	v6 =	vld [tilespmem:$0x1F980];
	v28 =	vadd.f32 v34, v31;
	v23 =	vand.u32 $0xFF, v50;
	v50 =	vadd.f32 v40, v39  }
0x60a: {  	v4 =	vadd.f32 v4, v8;
	v18 =	vmul.f32 v61, v18;
	v61 =	vsub.f32 $2.000000000e+00, v25  }
0x60b: {  	v33 =	vand.u32 $0x7FFFFFFF, v56;
	v62 =	vadd.f32 v62, v28;
	v21 =	vadd.f32 v52, v50  }
0x60c: {  	v0 =	vmul.f32 v0, v57;
	v2 =	vadd.s32 v23, v26;
	v23 =	vmul.f32 v61, v5  }
0x60d: {  	vm11 =	vmmov vm1;
	v4 =	vmul.f32 v4, v49;
	v21 =	vadd.f32 v21, v62  }
0x60e: {  	v6 =	vnsel vm0, $0x0, v6;
	v50 =	vmul.f32 v1, v36;
	v0 =	vmul.f32 v23, v0  }
0x60f: {  	v1 =	vld [tilespmem:$0x1FA10];
	v5 =	vsel vm10, v27, v37;
	v43 =	vsub.s32 $0x7EF311C3, v21;
	vm10 =	vle.f32 v33, $3.000000000e+00;
	v33 =	vpop (erf)  }
0x610: {  	v52 =	vmul.f32 v43, v21;
	v57 =	vadd.f32 v0, v20;
	v0 =	vmul.f32 $8.466320110e-03, v33;
	v28 =	vpop (erf)  }
0x611: {  	v36 =	vsel vm7, v58, v55;
	v62 =	vsel vm3, v54, v51;
	v13 =	vmul.f32 $8.466320110e-03, v28  }
0x612: {  	v30 =	vand.u32 $0x7FFFFF, v18;
	v61 =	vsub.f32 $2.000000000e+00, v52;
	v0 =	vsub.f32 $4.365884890e-02, v0  }
0x613: {  	v11 =	vsel vm2, v11, v62;
	v26 =	vor.u32 $0x3F800000, v30;
	v13 =	vsub.f32 $4.365884890e-02, v13  }
0x614: {  	v1 =	vsel vm11, v1, v60;
	v22 =	vmul.f32 v43, v61;
	v0 =	vmul.f32 v0, v33  }
0x615: {  	v60 =	vadd.f32 $6.000000050e-03, v50;
	v41 =	vmul.f32 $5.000000000e-01, v26;
	v13 =	vmul.f32 v13, v28  }
0x616: {  	vm0 =	vgt.f32 v26, $1.414213540e+00;
	v21 =	vmul.f32 v22, v21;
	v0 =	vadd.f32 $-1.067985000e-01, v0  }
0x617: {  	v27 =	vmul.f32 v23, v23;
	v25 =	vsel vm0, v41, v26;
	v13 =	vadd.f32 $-1.067985000e-01, v13  }
0x618: {  	v23 =	vadd.f32 $-1.000000000e+00, v25;
	v21 =	vsub.f32 $2.000000000e+00, v21;
	v0 =	vmul.f32 v0, v33  }
0x619: {  	v37 =	vsel vm6, v53, v47;
	v20 =	vsel vm7, v60, v32;
	v13 =	vmul.f32 v13, v28  }
0x61a: {  	v25 =	vmul.f32 $1.178451030e-01, v23;
	v21 =	vmul.f32 v21, v22;
	v0 =	vadd.f32 $1.765979080e-01, v0  }
0x61b: {  	v17 =	vsel vm9, v36, v37;
	v19 =	vsel vm9, v20, v19;
	v13 =	vadd.f32 $1.765979080e-01, v13  }
0x61c: {  	v25 =	vadd.f32 $-1.845594790e-01, v25;
	v21 =	vmul.f32 $5.952000140e+00, v21;
	v0 =	vmul.f32 v0, v33  }
0x61d: {  	v11 =	vsel vm5, v19, v11;
	v19 =	vmul.f32 v27, v24;
	v13 =	vmul.f32 v13, v28  }
0x61e: {  	v25 =	vmul.f32 v25, v23;
	v43 =	vmul.f32 v21, v31;
	v0 =	vadd.f32 $-2.445335240e-01, v0  }
0x61f: {  	v24 =	vmul.f32 v21, v34;
	v7 =	vmul.f32 v21, v35;
	v13 =	vadd.f32 $-2.445335240e-01, v13  }
0x620: {  	v60 =	vadd.f32 $-1.000000000e+00, v46;
	v47 =	vmul.f32 v21, v38;
	v0 =	vmul.f32 v0, v33  }
0x621: {  	v25 =	vadd.f32 $2.045543790e-01, v25;
	v50 =	vmul.f32 v21, v39;
	v13 =	vmul.f32 v13, v28  }
0x622: {  	v51 =	vmul.f32 v21, v40;
	v52 =	vmul.f32 v21, v42;
	v0 =	vadd.f32 $3.326524790e-01, v0  }
0x623: {  	v21 =	vmul.f32 v21, v29;
	v53 =	vmul.f32 v25, v23;
	v13 =	vadd.f32 $3.326524790e-01, v13  }
0x624: {  	v3 =	vsel vm5, v17, v3;
	v55 =	vmul.f32 $1.178451030e-01, v60;
	v0 =	vmul.f32 v0, v33  }
0x625: {  	v17 =	vadd.f32 $6.000000050e-03, v21;
	v21 =	vadd.f32 $-2.492949520e-01, v53;
	v13 =	vmul.f32 v13, v28  }
0x626: {  	v4 =	vmul.f32 v15, v4;
	v16 =	vadd.f32 $-1.845594790e-01, v55;
	v0 =	vadd.f32 $-4.999635520e-01, v0  }
0x627: {  	v3 =	vsub.f32 v10, v3;
	v10 =	vadd.f32 $-4.999635520e-01, v13;
	v13 =	vmul.f32 v21, v23  }
0x628: {  	v16 =	vmul.f32 v16, v60;
	v0 =	vmul.f32 v0, v33  }
0x629: {  	v14 =	vmax.f32 v14, $0.0e+00;
	v4 =	vadd.f32 v4, v5;
	v13 =	vadd.f32 $3.331793250e-01, v13  }
0x62a: {  	v12 =	vmax.f32 v12, $0.0e+00;
	v16 =	vadd.f32 $2.045543790e-01, v16;
	v0 =	vadd.f32 $9.999995230e-01, v0  }
0x62b: {  	v5 =	vand.u32 $0x7FFFFFFF, v45;
	v26 =	vsel vm0, $0xFFFFFF82, v48;
	v13 =	vmul.f32 v13, v23  }
0x62c: {  	v30 =	vsub.s32 $0x7EF311C3, v11;
	v8 =	vmul.f32 v16, v60;
	v0 =	vmul.f32 v0, v33  }
0x62d: {  	v32 =	vmul.f32 v30, v11;
	v10 =	vmul.f32 v10, v28;
	v13 =	vadd.f32 $-5.000073310e-01, v13  }
0x62e: {  	v16 =	vshrl.u32 v18, $0x17;
	v8 =	vadd.f32 $-2.492949520e-01, v8;
	v0 =	vadd.f32 v0, v14  }
0x62f: {  	v14 =	vand.u32 $0xFF, v16;
	v10 =	vadd.f32 $9.999995230e-01, v10;
	v13 =	vmul.f32 v13, v23  }
0x630: {  	v41 =	vsub.f32 $2.000000000e+00, v32;
	v8 =	vmul.f32 v8, v60;
	v14 =	vadd.s32 v14, v26  }
0x631: {  	v14 =	vcvt.s32.f32 v14;
	v10 =	vmul.f32 v10, v28;
	v13 =	vadd.f32 $1.000000720e+00, v13  }
0x632: {  	vm0 =	vle.f32 v5, $3.000000000e+00;
	v20 =	vmul.f32 v30, v41;
	v5 =	vadd.f32 $3.331793250e-01, v8  }
0x633: {  	v10 =	vadd.f32 v10, v12;
	v12 =	vmul.f32 v13, v23;
	v13 =	vmul.f32 $6.931471820e-01, v14  }
0x634: {  	v11 =	vmul.f32 v20, v11  }
0x635: {  	v8 =	vadd.f32 v12, v13;
	v13 =	vsel vm0, v4, v45;
	v4 =	vmul.f32 v5, v60;
	v5 =	vld [tilespmem:$0x1FA20];
	_ =	sdelay $0x1  }
0x636: {  	v11 =	vsub.f32 $2.000000000e+00, v11;
	v38 =	vadd.f32 $6.000000050e-03, v50  }
0x637: {  	v36 =	vadd.f32 $6.000000050e-03, v51;
	v35 =	vadd.f32 $6.000000050e-03, v52  }
0x638: {  	s24 =	simm.s32 $0x1A810;
	v2 =	vcvt.s32.f32 v2;
	v58 =	vadd.f32 $6.000000050e-03, v43;
	v41 =	vadd.f32 $6.000000050e-03, v7  }
0x639: {  	s16 =	simm.s32 $0x1B810;
	v40 =	vadd.f32 $6.000000050e-03, v47;
	v7 =	vadd.f32 $6.000000050e-03, v24;
	v11 =	vmul.f32 v11, v20;
	[tilespmem:s24+$0x0] =	vst v5  }
0x63a: {  	v42 =	vshrl.u32 v19, $0x17;
	v54 =	vsel vm6, v36, v38;
	v17 =	vsel vm7, v17, v35;
	[tilespmem:s16+$0x0] =	vst v6  }
0x63b: {  	v9 =	vsel vm4, v40, v41;
	v62 =	vsel vm3, v7, v58;
	v5 =	vmul.f32 v11, v3;
	v3 =	vld [tilespmem:$0x1FA30]  }
0x63c: {  	v17 =	vsel vm9, v17, v54;
	v9 =	vsel vm2, v9, v62;
	v62 =	vmul.f32 $6.931471820e-01, v2  }
0x63d: {  	v39 =	vsel vm5, v17, v9;
	v14 =	vnsel vm8, $0x0, v44;
	v12 =	vand.u32 $0x7FFFFF, v19  }
0x63e: {  	v15 =	vor.u32 $0x3F800000, v12;
	v16 =	vadd.f32 $-5.000073310e-01, v4;
	v9 =	vsub.f32 $1.000000000e+00, v5  }
0x63f: {  	s20 =	simm.s32 $0x1A830;
	v4 =	vadd.f32 $1.000000050e-03, v0;
	v0 =	vmul.f32 v11, v39;
	v6 =	vadd.f32 $1.000000050e-03, v10  }
0x640: {  	s17 =	simm.s32 $0x1B830;
	v2 =	vnsel vm0, $0x0, v8;
	vm8 =	vgt.f32 v15, $1.414213540e+00;
	v10 =	vmul.f32 v9, v5;
	[tilespmem:s20+$0x0] =	vst v3  }
0x641: {  	v11 =	vadd.f32 v4, v6;
	v3 =	vmul.f32 v5, v5;
	[tilespmem:s17+$0x0] =	vst v14;
	v14 =	vadd.f32 v0, v0  }
0x642: {  	s13 =	simm.s32 $0x1A850;
	v8 =	vmul.f32 v0, v0;
	[tilespmem:s24+$0xFFFFFFF0] =	vst v1;
	v1 =	vadd.f32 $-3.000000000e+00, v58;
	v5 =	vmul.f32 v4, v10  }
0x643: {  	s8 =	simm.s32 $0x1B850;
	[tilespmem:s13+$0x0] =	vst v13;
	v6 =	vmul.f32 v6, v3;
	v12 =	vsub.f32 v11, v14;
	v11 =	vmul.f32 v9, v9  }
0x644: {  	s9 =	simm.s32 $0xD2F0;
	s24 =	simm.s32 $0x4;
	[tilespmem:s8+$0x0] =	vst v2;
	v2 =	vadd.f32 v1, v7;
	v9 =	vmul.f32 $5.000000000e-01, v15;
	v7 =	vmul.f32 v10, v14  }
.LBB2_5:
0x645: {  	v24 =	vld [tilespmem:$0x1FE80]  }
0x646: {  	v25 =	vld [tilespmem:$0x1FE90]  }
0x647: {  	v26 =	vld [tilespmem:$0x1FEA0]  }
0x648: {  	v27 =	vld [tilespmem:$0x1FEB0]  }
0x649: {  	v28 =	vld [tilespmem:$0x1FEC0]  }
0x64a: {  	v29 =	vld [tilespmem:$0x1FED0]  }
0x64b: {  	v30 =	vld [tilespmem:$0x1FEE0]  }
0x64c: {  	v31 =	vld [tilespmem:$0x1FEF0]  }
0x64d: {  	v49 =	vld [tilespmem:$0x1FF90]  }
0x64e: {  	v54 =	vld [tilespmem:$0x1FFA0]  }
0x64f: {  	v32 =	vld [tilespmem:$0x1FF10]  }
0x650: {  	v33 =	vld [tilespmem:$0x1FF20];
	v10 =	vmul.f32 v12, v10;
	v12 =	vadd.f32 v2, v41  }
0x651: {  	v34 =	vld [tilespmem:$0x1FF30];
	v11 =	vmul.f32 v4, v11;
	v6 =	vadd.f32 v6, v7  }
0x652: {  	vm0 =	vmmov vm10;
	v3 =	vmul.f32 v3, v0;
	v17 =	vadd.f32 v12, v40;
	v40 =	vld [tilespmem:$0x1FFE0]  }
0x653: {  	v10 =	vadd.f32 v10, v0;
	v0 =	vadd.f32 v6, v11;
	v6 =	vsel vm8, $0xFFFFFF82, v48;
	v48 =	vld.idx.msk [tilespmem:v63+s9+$0xFFFFFE70], $0xffff  }
0x654: {  	v4 =	vsel vm8, v9, v15;
	v9 =	vimm.s32 $0x0;
	v19 =	vand.u32 $0xFF, v42;
	v42 =	vld [tilespmem:$0x1FF80]  }
0x655: {  	v9 =	vsel vm0, $0xFFFFFFFF, v9;
	v13 =	vld.idx.msk [tilespmem:v24+s9+$0x0], $0xffff  }
0x656: {  	[tilespmem:$0x1F6F0] =	vst v9;
	v9 =	vld.idx.msk [tilespmem:v25+s9+$0x0], $0xffff  }
0x657: {  	v7 =	vld.idx.msk [tilespmem:v26+s9+$0x0], $0xffff  }
0x658: {  	v15 =	vld.idx.msk [tilespmem:v27+s9+$0x0], $0xffff  }
0x659: {  	v14 =	vmul.f32 v16, v60;
	v16 =	vld.idx.msk [tilespmem:v28+s9+$0x0], $0xffff  }
0x65a: {  	v4 =	vadd.f32 $-1.000000000e+00, v4;
	v20 =	vld.idx.msk [tilespmem:v29+s9+$0x0], $0xffff  }
0x65b: {  	v23 =	vadd.f32 v5, v3;
	v5 =	vld.idx.msk [tilespmem:v31+s9+$0x0], $0xffff  }
0x65c: {  	v11 =	vmul.f32 $1.178451030e-01, v4;
	v55 =	vld.idx.msk [tilespmem:v24+s9+$0xFFFFFE70], $0xffff  }
0x65d: {  	v58 =	vld.idx.msk [tilespmem:v25+s9+$0xFFFFFE70], $0xffff  }
0x65e: {  	v18 =	vsub.s32 $0x7EF311C3, v10;
	v0 =	vmul.f32 v0, v8;
	v8 =	vadd.f32 $-1.845594790e-01, v11;
	v29 =	vld.idx.msk [tilespmem:v29+s9+$0xFFFFFE70], $0xffff  }
0x65f: {  	v21 =	vmul.f32 v18, v10;
	v50 =	vld.idx.msk [tilespmem:v49+s9+$0xFFFFFE70], $0xffff  }
0x660: {  	v8 =	vmul.f32 v8, v4;
	v52 =	vld.idx.msk [tilespmem:v54+s9+$0xFFFFFE70], $0xffff;
	v11 =	vmul.f32 $1.442695020e+00, v13  }
0x661: {  	v22 =	vadd.f32 v17, v38;
	v13 =	vld.idx.msk [tilespmem:v30+s9+$0x0], $0xffff;
	v3 =	vmul.f32 $1.442695020e+00, v9;
	v7 =	vmul.f32 $1.442695020e+00, v7  }
0x662: {  	v25 =	vld [tilespmem:$0x1FFF0];
	v61 =	vadd.f32 $2.045543790e-01, v8;
	v15 =	vmul.f32 $1.442695020e+00, v15;
	(erf) = vpow2.f32 v11  }
0x663: {  	v8 =	vmul.f32 $1.442695020e+00, v16;
	v16 =	vadd.s32 v19, v6;
	v6 =	vld.idx.msk [tilespmem:v27+s9+$0xFFFFFE70], $0xffff;
	(erf) = vpow2.f32 v3  }
0x664: {  	v9 =	vsub.f32 $2.000000000e+00, v21;
	v19 =	vld.idx.msk [tilespmem:v28+s9+$0xFFFFFE70], $0xffff;
	v21 =	vmul.f32 $1.442695020e+00, v55;
	(erf) = vpow2.f32 v7  }
0x665: {  	v11 =	vadd.f32 v22, v36;
	v3 =	vld.idx.msk [tilespmem:v26+s9+$0xFFFFFE70], $0xffff;
	v7 =	vmul.f32 $1.442695020e+00, v20;
	(erf) = vpow2.f32 v15  }
0x666: {  	v55 =	vld [tilespmem:$0x1FFB0];
	v13 =	vmul.f32 $1.442695020e+00, v13;
	(erf) = vpow2.f32 v8  }
0x667: {  	v5 =	vmul.f32 $1.442695020e+00, v5;
	v27 =	vld [tilespmem:$0x1FFC0];
	v15 =	vadd.f32 v11, v35;
	(erf) = vpow2.f32 v7  }
0x668: {  	v1 =	vnsel vm3, $0xC0400000, v1;
	v35 =	vld [tilespmem:$0x1FFD0];
	(erf) = vpow2.f32 v13  }
0x669: {  	v7 =	vsel vm7, v15, v11;
	v11 =	vld.idx.msk [tilespmem:v30+s9+$0xFFFFFE70], $0xffff;
	v15 =	vmul.f32 $1.442695020e+00, v58;
	(erf) = vpow2.f32 v5  }
0x66a: {  	v2 =	vsel vm4, v12, v2;
	v45 =	vld.idx.msk [tilespmem:v40+s9+$0xFFFFFE70], $0xffff;
	v3 =	vmul.f32 $1.442695020e+00, v3;
	(erf) = vpow2.f32 v21  }
0x66b: {  	v51 =	vld.idx.msk [tilespmem:v42+s9+$0xFFFFFE70], $0xffff;
	v30 =	vmul.f32 $1.442695020e+00, v6;
	v13 =	vsel vm6, v22, v17;
	(erf) = vpow2.f32 v15  }
0x66c: {  	v36 =	vld [tilespmem:$0x1FF40];
	v12 =	vsel vm9, v7, v13;
	v13 =	vmul.f32 $1.442695020e+00, v19;
	v8 =	vpop (erf);
	(erf) = vpow2.f32 v3  }
0x66d: {  	v1 =	vsel vm2, v2, v1;
	v17 =	vld.idx.msk [tilespmem:v31+s9+$0xFFFFFE70], $0xffff;
	v19 =	vmul.f32 $1.442695020e+00, v29;
	v5 =	vpop (erf);
	(erf) = vpow2.f32 v30  }
0x66e: {  	v29 =	vld [tilespmem:$0x1FF00];
	v15 =	vmul.f32 $1.442695020e+00, v11;
	v11 =	vand.u32 $0x7FFFFFFF, v59;
	v7 =	vpop (erf);
	(erf) = vpow2.f32 v13  }
0x66f: {  	v14 =	vadd.f32 $1.000000720e+00, v14;
	v9 =	vmul.f32 v18, v9;
	v53 =	vld.idx.msk [tilespmem:v55+s9+$0xFFFFFE70], $0xffff;
	v6 =	vpop (erf);
	(erf) = vpow2.f32 v19  }
0x670: {  	v47 =	vld.idx.msk [tilespmem:v27+s9+$0xFFFFFE70], $0xffff;
	v12 =	vsel vm5, v12, v1;
	v1 =	vpop (erf);
	(erf) = vpow2.f32 v15;
	v15 =	vsel vm0, v57, v56  }
0x671: {  	v10 =	vmul.f32 v9, v10;
	vm2 =	vle.f32 v11, $3.000000000e+00;
	v44 =	vld.idx.msk [tilespmem:v35+s9+$0xFFFFFE70], $0xffff;
	v11 =	vmov v59;
	v2 =	vpop (erf);
	[tilespmem:s20+$0xFFFFFFF0] =	vst v15  }
0x672: {  	v14 =	vmul.f32 v14, v60;
	[tilespmem:$0x1F990] =	vst v11;
	v3 =	vpop (erf);
	v11 =	vld.idx.msk [tilespmem:v25+s9+$0xFFFFFE70], $0xffff  }
0x673: {  	v38 =	vld [tilespmem:$0x1FF60];
	v10 =	vsub.f32 $2.000000000e+00, v10;
	v13 =	vmul.f32 $1.442695020e+00, v17;
	v19 =	vimm.s32 $0x0;
	v46 =	vpop (erf)  }
0x674: {  	v37 =	vld [tilespmem:$0x1FF50];
	v31 =	vmul.f32 v23, v39;
	v17 =	vsel vm2, $0xFFFFFFFF, v19;
	v43 =	vpop (erf)  }
0x675: {  	v14 =	vadd.f32 v14, v62;
	v9 =	vmul.f32 v10, v9;
	v39 =	vld [tilespmem:$0x1FF70];
	[tilespmem:$0x1F700] =	vst v17;
	(erf) = vpow2.f32 v13;
	v56 =	vpop (erf)  }
0x676: {  	v13 =	vmul.f32 v61, v4;
	v15 =	vadd.f32 v6, v7;
	v18 =	vadd.f32 v2, v1;
	v17 =	vld.idx.msk [tilespmem:v29+s9+$0xFFFFFE70], $0xffff;
	v58 =	vpop (erf)  }
0x677: {  	vm1 =	vmmov vm11;
	v20 =	vld.idx.msk [tilespmem:v32+s9+$0xFFFFFE70], $0xffff;
	v19 =	vadd.f32 v46, v3;
	v59 =	vpop (erf);
	[tilespmem:$0x1F610] =	vst v11;
	v11 =	vadd.f32 v5, v8  }
0x678: {  	v21 =	vmul.f32 v9, v31;
	v13 =	vadd.f32 $-2.492949520e-01, v13;
	v41 =	vadd.f32 v59, v58  }
0x679: {  	v9 =	vmul.f32 v9, v9;
	v22 =	vld.idx.msk [tilespmem:v33+s9+$0xFFFFFE70], $0xffff;
	v11 =	vadd.f32 v15, v11;
	v15 =	vadd.f32 v19, v18  }
0x67a: {  	v62 =	vmovc v4;
	v14 =	vnsel vm1, $0x0, v14;
	v16 =	vcvt.s32.f32 v16;
	v10 =	vmul.f32 v13, v4;
	v13 =	vld.idx.msk [tilespmem:v36+s9+$0xFFFFFE70], $0xffff  }
0x67b: {  	v0 =	vmul.f32 v9, v0;
	v24 =	vld.idx.msk [tilespmem:v38+s9+$0xFFFFFE70], $0xffff;
	v60 =	vpop (erf);
	v19 =	vadd.f32 v56, v43;
	v11 =	vadd.f32 v15, v11  }
0x67c: {  	v10 =	vadd.f32 $3.331793250e-01, v10;
	v17 =	vmul.f32 $1.442695020e+00, v17;
	v20 =	vmul.f32 $1.442695020e+00, v20;
	v61 =	vpop (erf);
	v18 =	vld.idx.msk [tilespmem:v34+s9+$0xFFFFFE70], $0xffff  }
0x67d: {  	v28 =	vld.idx.msk [tilespmem:v39+s9+$0xFFFFFE70], $0xffff;
	v15 =	vmul.f32 $6.931471820e-01, v16;
	v19 =	vadd.f32 v41, v19;
	v41 =	vpop (erf);
	v26 =	vsub.s32 $0x7EF311C3, v11  }
0x67e: {  	v22 =	vmul.f32 $1.442695020e+00, v22;
	v23 =	vadd.f32 v61, v60;
	v16 =	vld.idx.msk [tilespmem:v37+s9+$0xFFFFFE70], $0xffff;
	v57 =	vpop (erf);
	v30 =	vmul.f32 v26, v11  }
0x67f: {  	v10 =	vmul.f32 v10, v62;
	v13 =	vmul.f32 $1.442695020e+00, v13;
	[tilespmem:s16+$0xFFFFFFF0] =	vst v14;
	v31 =	vadd.f32 v57, v41;
	v4 =	vmovc v15  }
0x680: {  	v14 =	vand.u32 $0x7FFFFF, v0;
	(erf) = vpow2.f32 v17;
	[tilespmem:$0x1F620] =	vst v4;
	v4 =	vsub.f32 $2.000000000e+00, v30  }
0x681: {  	v34 =	vld.idx.msk [tilespmem:v34+s9+$0x0], $0xffff;
	(erf) = vpow2.f32 v20;
	v15 =	vmul.f32 $1.442695020e+00, v18;
	v17 =	vadd.f32 v31, v23  }
0x682: {  	v10 =	vadd.f32 $-5.000073310e-01, v10;
	v18 =	vld.idx.msk [tilespmem:v29+s9+$0x0], $0xffff;
	(erf) = vpow2.f32 v22;
	v31 =	vmul.f32 v26, v4  }
0x683: {  	v16 =	vmul.f32 $1.442695020e+00, v16;
	(erf) = vpow2.f32 v15;
	v17 =	vadd.f32 v17, v19;
	v19 =	vld.idx.msk [tilespmem:v32+s9+$0x0], $0xffff  }
0x684: {  	v32 =	vld.idx.msk [tilespmem:v33+s9+$0x0], $0xffff;
	(erf) = vpow2.f32 v13;
	v4 =	vadd.f32 v21, v12;
	v11 =	vmul.f32 v31, v11  }
0x685: {  	v13 =	vld.idx.msk [tilespmem:v36+s9+$0x0], $0xffff;
	v12 =	vmul.f32 $1.442695020e+00, v24;
	(erf) = vpow2.f32 v16;
	v33 =	vsub.s32 $0x7EF311C3, v17  }
0x686: {  	v16 =	vld.idx.msk [tilespmem:v37+s9+$0x0], $0xffff;
	[tilespmem:$0x1F630] =	vst v4;
	v4 =	vmul.f32 $1.442695020e+00, v28;
	v9 =	vmul.f32 v33, v17;
	v11 =	vsub.f32 $2.000000000e+00, v11  }
0x687: {  	[tilespmem:$0x1F680] =	vst v62;
	(erf) = vpow2.f32 v12;
	v12 =	vmul.f32 $1.442695020e+00, v18;
	v18 =	vor.u32 $0x3F800000, v14  }
0x688: {  	[tilespmem:$0x1F6D0] =	vst v18;
	vm8 =	vgt.f32 v18, $1.414213540e+00;
	v18 =	vmul.f32 $1.442695020e+00, v34;
	v20 =	vmul.f32 v11, v31  }
0x689: {  	[tilespmem:$0x1F6E0] =	vst v10;
	v15 =	vmul.f32 $1.442695020e+00, v19;
	v19 =	vpop (erf);
	v14 =	vmul.f32 $1.442695020e+00, v32  }
0x68a: {  	v10 =	vmul.f32 $1.442695020e+00, v13;
	[tilespmem:$0x1F690] =	vst v19;
	v62 =	vmul.f32 $5.952000140e+00, v20;
	v11 =	vpop (erf)  }
0x68b: {  	v13 =	vmul.f32 $1.442695020e+00, v16;
	(erf) = vpow2.f32 v12;
	[tilespmem:$0x1F6A0] =	vst v11;
	v11 =	vadd.f32 v11, v19;
	v19 =	vpop (erf)  }
0x68c: {  	v0 =	vshrl.u32 v0, $0x17;
	(erf) = vpow2.f32 v15;
	v20 =	vmul.f32 v62, v8;
	v8 =	vpop (erf)  }
0x68d: {  	v9 =	vsub.f32 $2.000000000e+00, v9;
	v12 =	vld.idx.msk [tilespmem:v38+s9+$0x0], $0xffff;
	(erf) = vpow2.f32 v14;
	v5 =	vmul.f32 v62, v5;
	v38 =	vpop (erf)  }
0x68e: {  	[tilespmem:$0x1F640] =	vst v0;
	v14 =	vld.idx.msk [tilespmem:v39+s9+$0x0], $0xffff;
	v7 =	vmul.f32 v62, v7;
	(erf) = vpow2.f32 v18;
	v0 =	vadd.f32 $6.000000050e-03, v20;
	v39 =	vpop (erf)  }
0x68f: {  	[tilespmem:$0x1F6C0] =	vst v8;
	v8 =	vadd.f32 v8, v19;
	(erf) = vpow2.f32 v10;
	v10 =	vadd.f32 v39, v38  }
0x690: {  	[tilespmem:$0x1F660] =	vst v57;
	v6 =	vmul.f32 v62, v6;
	v5 =	vadd.f32 $6.000000050e-03, v5;
	v57 =	vadd.f32 $-3.000000000e+00, v0  }
0x691: {  	v36 =	vpop (erf);
	(erf) = vpow2.f32 v13;
	[tilespmem:$0x1F650] =	vst v10;
	v10 =	vmul.f32 v33, v9;
	v9 =	vadd.f32 $6.000000050e-03, v7  }
0x692: {  	s15 =	sadd.s32 $0x20, s15;
	v15 =	vld.idx.msk [tilespmem:v63+s9+$0x0], $0xffff;
	v46 =	vmul.f32 v62, v46;
	v7 =	vadd.f32 v8, v11;
	v63 =	vadd.f32 v57, v5  }
0x693: {  	[tilespmem:$0x1F6B0] =	vst v19;
	v18 =	vld [tilespmem:s15+$0x0];
	v19 =	vmul.f32 v62, v3;
	v11 =	vadd.f32 $6.000000050e-03, v6;
	v6 =	vmul.f32 v62, v1  }
0x694: {  	v28 =	vld.idx.msk [tilespmem:v40+s9+$0x0], $0xffff;
	v8 =	vmul.f32 $1.442695020e+00, v12;
	[tilespmem:$0x1F670] =	vst v7;
	v7 =	vmul.f32 v10, v17;
	v22 =	vpop (erf);
	v1 =	vadd.f32 v63, v9  }
0x695: {  	v13 =	vld.idx.msk [tilespmem:v54+s9+$0x0], $0xffff;
	v14 =	vmul.f32 $1.442695020e+00, v14;
	v16 =	vadd.f32 $6.000000050e-03, v6;
	v6 =	vmul.f32 v62, v2;
	v23 =	vpop (erf)  }
0x696: {  	v12 =	vld.idx.msk [tilespmem:v49+s9+$0x0], $0xffff;
	(erf) = vpow2.f32 v8;
	v7 =	vsub.f32 $2.000000000e+00, v7;
	v24 =	vpop (erf);
	v2 =	vadd.f32 v1, v11  }
0x697: {  	v46 =	vadd.f32 $6.000000050e-03, v46;
	v17 =	vld.idx.msk [tilespmem:v55+s9+$0x0], $0xffff;
	v20 =	vadd.f32 $6.000000050e-03, v6;
	v26 =	vpop (erf);
	(erf) = vpow2.f32 v14  }
0x698: {  	v8 =	vld.idx.msk [tilespmem:v27+s9+$0x0], $0xffff;
	v7 =	vmul.f32 v7, v10;
	v10 =	vmax.f32 v18, $-3.000000000e+00;
	v6 =	vadd.f32 v2, v16  }
0x699: {  	v21 =	vadd.f32 $6.000000050e-03, v19;
	[tilespmem:$0x1F710] =	vst v18;
	v37 =	vadd.f32 v23, v22;
	v14 =	vld.idx.msk [tilespmem:v35+s9+$0x0], $0xffff;
	v30 =	vpop (erf);
	v3 =	vmin.f32 v10, $3.000000000e+00  }
0x69a: {  	v18 =	vld.idx.msk [tilespmem:v42+s9+$0x0], $0xffff;
	v40 =	vadd.f32 v26, v24;
	v49 =	vpop (erf);
	vm12 =	vge.f32 v3, v57;
	v10 =	vadd.f32 v6, v20  }
0x69b: {  	v42 =	vld.idx.msk [tilespmem:v25+s9+$0x0], $0xffff;
	v19 =	vadd.f32 v49, v30;
	vm11 =	vge.f32 v3, v63;
	vm1 =	vge.f32 v3, v1  }
0x69c: {  	v15 =	vsel vm12, v12, v15;
	v25 =	vsel vm12, v13, v12;
	v12 =	vadd.f32 v10, v21  }
0x69d: {  	vm10 =	vge.f32 v3, v2;
	v13 =	vsel vm1, v17, v13;
	v17 =	vsel vm1, v8, v17  }
0x69e: {  	vm15 =	vge.f32 v3, v6;
	v13 =	vsel vm11, v13, v15;
	vm14 =	vge.f32 v3, v12  }
0x69f: {  	vm13 =	vge.f32 v3, v10;
	v8 =	vsel vm15, v18, v8;
	v15 =	vsel vm14, v28, v14  }
0x6a0: {  	v54 =	vpop (erf);
	v14 =	vsel vm15, v14, v18;
	v18 =	vsel vm14, v42, v28;
	v8 =	vsel vm13, v15, v8  }
0x6a1: {  	v29 =	vpop (erf);
	v15 =	vsel vm10, v8, v13;
	v8 =	vsel vm11, v17, v25;
	v13 =	vsel vm13, v18, v14  }
0x6a2: {  	v14 =	vadd.f32 v29, v54;
	v18 =	vand.u32 $0x7FFFFFFF, v15;
	v17 =	vsel vm10, v13, v8  }
0x6a3: {  	v8 =	vadd.f32 v40, v37;
	v13 =	vsub.f32 $0.0e+00, v18;
	v18 =	vand.u32 $0x7FFFFFFF, v17  }
0x6a4: {  	v14 =	vadd.f32 v14, v19;
	v18 =	vsub.f32 $0.0e+00, v18  }
0x6a5: {  	v35 =	vld [tilespmem:s15+$0xFFFFFFF0];
	v7 =	vmul.f32 $5.952000140e+00, v7;
	v13 =	vmul.f32 $1.442695020e+00, v13  }
0x6a6: {  	(erf) = vpow2.f32 v4;
	v28 =	vadd.f32 v14, v8;
	v8 =	vmul.f32 $1.442695020e+00, v18  }
0x6a7: {  	v0 =	vsel vm12, v5, v0;
	v5 =	vsel vm1, v11, v9;
	(erf) = vpow2.f32 v13  }
0x6a8: {  	v1 =	vsel vm1, v1, v63;
	v4 =	vmul.f32 v7, v43;
	(erf) = vpow2.f32 v8  }
0x6a9: {  	v16 =	vsel vm15, v20, v16;
	v0 =	vsel vm11, v5, v0;
	v2 =	vsel vm15, v6, v2  }
0x6aa: {  	v42 =	vmul.f32 v7, v41;
	v4 =	vadd.f32 $6.000000050e-03, v4;
	v19 =	vmax.f32 v35, $-3.000000000e+00  }
0x6ab: {  	v40 =	vmul.f32 v7, v61;
	v43 =	vmin.f32 v19, $3.000000000e+00;
	v14 =	vmul.f32 v7, v56  }
0x6ac: {  	v18 =	vmul.f32 v7, v59;
	v37 =	vsub.s32 $0x7EF311C3, v28;
	v13 =	vmul.f32 v7, v58  }
0x6ad: {  	v58 =	vadd.f32 $-3.000000000e+00, v4;
	v8 =	vadd.f32 $6.000000050e-03, v14;
	v14 =	vmul.f32 v37, v28  }
0x6ae: {  	v19 =	vmul.f32 v7, v60;
	v60 =	vadd.f32 $6.000000050e-03, v13;
	v13 =	vadd.f32 $6.000000050e-03, v18  }
0x6af: {  	v6 =	vsel vm14, v12, v10;
	v56 =	vpop (erf);
	v14 =	vsub.f32 $2.000000000e+00, v14;
	v25 =	vadd.f32 v58, v8  }
0x6b0: {  	v18 =	vadd.f32 $6.000000050e-03, v19;
	v19 =	vadd.f32 $6.000000050e-03, v40;
	vm3 =	vge.f32 v43, v58;
	v55 =	vpop (erf)  }
0x6b1: {  	v33 =	vsel vm3, v50, v48;
	v32 =	vmul.f32 v37, v14;
	v59 =	vadd.f32 v25, v60;
	v37 =	vpop (erf)  }
0x6b2: {  	v27 =	vsel vm3, v52, v50;
	v48 =	vmul.f32 $8.466320110e-03, v55;
	v41 =	vmul.f32 $8.466320110e-03, v37  }
0x6b3: {  	vm2 =	vge.f32 v43, v25;
	v28 =	vmul.f32 v32, v28;
	v61 =	vadd.f32 v59, v13  }
0x6b4: {  	vm4 =	vge.f32 v43, v59;
	v48 =	vsub.f32 $4.365884890e-02, v48;
	v34 =	vsub.f32 $4.365884890e-02, v41  }
0x6b5: {  	v50 =	vsel vm4, v53, v52;
	v31 =	vsel vm4, v47, v53;
	v53 =	vsub.f32 $2.000000000e+00, v28  }
0x6b6: {  	v28 =	vsel vm2, v50, v33;
	v33 =	vmul.f32 v48, v55;
	v34 =	vmul.f32 v34, v37  }
0x6b7: {  	v14 =	vadd.f32 $6.000000050e-03, v42;
	v52 =	vadd.f32 v61, v18;
	v32 =	vmul.f32 v53, v32  }
0x6b8: {  	v2 =	vsel vm13, v6, v2;
	v33 =	vadd.f32 $-1.067985000e-01, v33;
	v34 =	vadd.f32 $-1.067985000e-01, v34  }
0x6b9: {  	vm6 =	vge.f32 v43, v52;
	v53 =	vadd.f32 v52, v19;
	v32 =	vmul.f32 $5.952000140e+00, v32  }
0x6ba: {  	v42 =	vsel vm6, v51, v47;
	v33 =	vmul.f32 v33, v55;
	v34 =	vmul.f32 v34, v37  }
0x6bb: {  	v47 =	vsel vm6, v44, v51;
	v22 =	vmul.f32 v32, v22;
	v23 =	vmul.f32 v32, v23  }
0x6bc: {  	v50 =	vld [tilespmem:$0x1F610];
	v24 =	vmul.f32 v32, v24;
	v40 =	vadd.f32 $1.765979080e-01, v33;
	v41 =	vadd.f32 $1.765979080e-01, v34  }
0x6bd: {  	v51 =	vadd.f32 v53, v14;
	v26 =	vmul.f32 v32, v26;
	v30 =	vmul.f32 v32, v30  }
0x6be: {  	vm5 =	vge.f32 v43, v61;
	v40 =	vmul.f32 v40, v55;
	v41 =	vmul.f32 v41, v37  }
0x6bf: {  	vm7 =	vge.f32 v43, v51;
	v48 =	vmul.f32 v32, v49;
	v54 =	vmul.f32 v32, v54  }
0x6c0: {  	v29 =	vmul.f32 v32, v29;
	v9 =	vadd.f32 $-2.445335240e-01, v40;
	v11 =	vadd.f32 $-2.445335240e-01, v41  }
0x6c1: {  	v32 =	vsel vm14, v46, v21;
	v44 =	vsel vm7, v45, v44;
	v45 =	vsel vm7, v50, v45  }
0x6c2: {  	v5 =	vsel vm13, v32, v16;
	v9 =	vmul.f32 v9, v55;
	v16 =	vmul.f32 v11, v37  }
0x6c3: {  	v50 =	vadd.f32 $6.000000050e-03, v22;
	v49 =	vadd.f32 $6.000000050e-03, v23;
	v0 =	vsel vm10, v5, v0  }
0x6c4: {  	v20 =	vsub.s32 $0x7EF311C3, v0;
	v5 =	vadd.f32 $3.326524790e-01, v9;
	v16 =	vadd.f32 $3.326524790e-01, v16  }
0x6c5: {  	v22 =	vadd.f32 $6.000000050e-03, v24;
	v23 =	vadd.f32 $6.000000050e-03, v26;
	v34 =	vmul.f32 v20, v0  }
0x6c6: {  	v46 =	vadd.f32 $6.000000050e-03, v48;
	v5 =	vmul.f32 v5, v55;
	v16 =	vmul.f32 v16, v37  }
0x6c7: {  	v33 =	vadd.f32 $6.000000050e-03, v29;
	v24 =	vsub.f32 $2.000000000e+00, v34;
	v40 =	vsel vm12, v49, v50  }
0x6c8: {  	v41 =	vsel vm1, v23, v22;
	v5 =	vadd.f32 $-4.999635520e-01, v5;
	v16 =	vadd.f32 $-4.999635520e-01, v16  }
0x6c9: {  	v20 =	vmul.f32 v20, v24;
	v11 =	vadd.f32 $6.000000050e-03, v30;
	v9 =	vadd.f32 $6.000000050e-03, v54  }
0x6ca: {  	v54 =	vnsel vm12, $0xC0400000, v57;
	v5 =	vmul.f32 v5, v55;
	v16 =	vmul.f32 v16, v37  }
0x6cb: {  	v26 =	vsel vm11, v41, v40;
	v0 =	vmul.f32 v20, v0;
	v1 =	vsel vm11, v1, v54  }
0x6cc: {  	v32 =	vsel vm15, v46, v11;
	v5 =	vadd.f32 $9.999995230e-01, v5;
	v6 =	vadd.f32 $9.999995230e-01, v16  }
0x6cd: {  	v0 =	vsub.f32 $2.000000000e+00, v0;
	v10 =	vsel vm14, v33, v9;
	v1 =	vsel vm10, v2, v1  }
0x6ce: {  	v1 =	vsub.f32 v3, v1;
	v2 =	vmul.f32 v5, v55;
	v5 =	vmul.f32 v6, v37  }
0x6cf: {  	v3 =	vmax.f32 v15, $0.0e+00;
	v12 =	vmul.f32 v0, v20;
	v6 =	vmax.f32 v17, $0.0e+00  }
0x6d0: {  	v0 =	vsel vm13, v10, v32;
	v2 =	vadd.f32 v2, v3;
	v3 =	vadd.f32 v5, v6  }
0x6d1: {  	vm9 =	vge.f32 v43, v53;
	v0 =	vsel vm10, v0, v26;
	v5 =	vmul.f32 v12, v1  }
0x6d2: {  	v1 =	vadd.f32 $1.000000050e-03, v2;
	v2 =	vmul.f32 v12, v0;
	v6 =	vadd.f32 $1.000000050e-03, v3  }
0x6d3: {  	v10 =	vsel vm9, v45, v47;
	v15 =	vsel vm2, v31, v27;
	v12 =	vsub.f32 $1.000000000e+00, v5  }
0x6d4: {  	v37 =	vld [tilespmem:$0x1F650];
	v3 =	vsel vm9, v44, v42;
	v17 =	vadd.f32 v2, v2;
	v16 =	vadd.f32 v1, v6  }
0x6d5: {  	v41 =	vld [tilespmem:$0x1F660];
	v10 =	vsel vm5, v10, v15;
	v34 =	vsel vm5, v3, v28  }
0x6d6: {  	v44 =	vld [tilespmem:$0x1F670];
	v15 =	vand.u32 $0x7FFFFFFF, v34;
	v3 =	vmul.f32 v12, v5;
	v16 =	vsub.f32 v16, v17  }
0x6d7: {  	v33 =	vadd.f32 v56, v36;
	v40 =	vand.u32 $0x7FFFFFFF, v10;
	v15 =	vsub.f32 $0.0e+00, v15  }
0x6d8: {  	v24 =	vsub.f32 $0.0e+00, v40;
	v16 =	vmul.f32 v16, v3  }
0x6d9: {  	v18 =	vsel vm6, v19, v18;
	v20 =	vadd.f32 v33, v37;
	v15 =	vmul.f32 $1.442695020e+00, v15  }
0x6da: {  	v7 =	vmul.f32 v7, v41;
	v19 =	vmul.f32 $1.442695020e+00, v24;
	v16 =	vadd.f32 v16, v2  }
0x6db: {  	v20 =	vadd.f32 v20, v44;
	(erf) = vpow2.f32 v15  }
0x6dc: {  	v7 =	vadd.f32 $6.000000050e-03, v7;
	(erf) = vpow2.f32 v19;
	v47 =	vsub.s32 $0x7EF311C3, v16  }
0x6dd: {  	v4 =	vsel vm3, v8, v4;
	v45 =	vsub.s32 $0x7EF311C3, v20;
	v8 =	vmul.f32 v47, v16  }
0x6de: {  	v13 =	vsel vm4, v13, v60;
	v7 =	vsel vm7, v7, v14;
	v15 =	vmul.f32 v45, v20  }
0x6df: {  	v4 =	vsel vm2, v13, v4;
	v7 =	vsel vm9, v7, v18;
	v8 =	vsub.f32 $2.000000000e+00, v8  }
0x6e0: {  	v13 =	vsel vm5, v7, v4;
	v4 =	vmul.f32 v5, v5;
	v14 =	vsub.f32 $2.000000000e+00, v15  }
0x6e1: {  	v7 =	vsel vm7, v51, v53;
	v12 =	vmul.f32 v12, v12;
	v5 =	vmul.f32 v47, v8  }
0x6e2: {  	v6 =	vmul.f32 v6, v4;
	v15 =	vsel vm6, v52, v61;
	v14 =	vmul.f32 v45, v14  }
0x6e3: {  	v53 =	vmul.f32 v3, v17;
	v15 =	vsel vm9, v7, v15;
	v7 =	vmul.f32 v5, v16  }
0x6e4: {  	v16 =	vmul.f32 v14, v20;
	v20 =	vpop (erf)  }
0x6e5: {  	v12 =	vmul.f32 v1, v12;
	v6 =	vadd.f32 v6, v53;
	v17 =	vpop (erf);
	v7 =	vsub.f32 $2.000000000e+00, v7  }
0x6e6: {  	v16 =	vsub.f32 $2.000000000e+00, v16;
	v55 =	vmul.f32 $8.466320110e-03, v17  }
0x6e7: {  	v6 =	vadd.f32 v6, v12;
	v5 =	vmul.f32 v7, v5;
	v7 =	vmul.f32 v2, v2  }
0x6e8: {  	v12 =	vmul.f32 v16, v14;
	v16 =	vsub.f32 $4.365884890e-02, v55  }
0x6e9: {  	v54 =	vmul.f32 $8.466320110e-03, v20;
	v6 =	vmul.f32 v6, v7  }
0x6ea: {  	v7 =	vmul.f32 v5, v5;
	v16 =	vmul.f32 v16, v17  }
0x6eb: {  	v18 =	vsub.s32 $0x7EF311C3, v13;
	v19 =	vsel vm4, v59, v25;
	v8 =	vnsel vm3, $0xC0400000, v58  }
0x6ec: {  	v14 =	vsub.f32 $4.365884890e-02, v54;
	v24 =	vmul.f32 v7, v6;
	v7 =	vadd.f32 $-1.067985000e-01, v16;
	v16 =	vld [tilespmem:$0x1F690]  }
0x6ed: {  	v8 =	vsel vm2, v19, v8;
	v19 =	vmul.f32 v18, v13  }
0x6ee: {  	v14 =	vmul.f32 v14, v20  }
0x6ef: {  	v19 =	vsub.f32 $2.000000000e+00, v19;
	v12 =	vmul.f32 $5.952000140e+00, v12  }
0x6f0: {  	v6 =	vadd.f32 $-1.067985000e-01, v14  }
0x6f1: {  	v48 =	vimm.s32 $0xFFFFFF81;
	v14 =	vmul.f32 v18, v19;
	v16 =	vmul.f32 v12, v16  }
0x6f2: {  	v19 =	vand.u32 $0x7FFFFF, v24;
	v58 =	vmul.f32 v6, v20;
	v7 =	vmul.f32 v7, v17  }
0x6f3: {  	v10 =	vmax.f32 v10, $0.0e+00;
	v19 =	vor.u32 $0x3F800000, v19;
	v6 =	vadd.f32 $6.000000050e-03, v16;
	v16 =	vld [tilespmem:$0x1F6B0]  }
0x6f4: {  	v61 =	vmul.f32 $5.000000000e-01, v19;
	v25 =	vadd.f32 $1.765979080e-01, v58;
	v7 =	vadd.f32 $1.765979080e-01, v7  }
0x6f5: {  	v21 =	vmax.f32 v34, $0.0e+00;
	v1 =	vmul.f32 v1, v3;
	vm0 =	vgt.f32 v19, $1.414213540e+00  }
0x6f6: {  	v32 =	vld [tilespmem:$0x1F6C0];
	v19 =	vsel vm0, v61, v19;
	v25 =	vmul.f32 v25, v20;
	v34 =	vmul.f32 v7, v17  }
0x6f7: {  	v53 =	vadd.f32 $-3.000000000e+00, v50;
	v8 =	vsel vm5, v15, v8;
	v19 =	vadd.f32 $-1.000000000e+00, v19  }
0x6f8: {  	v25 =	vadd.f32 $-2.445335240e-01, v25;
	v26 =	vadd.f32 $-2.445335240e-01, v34;
	v16 =	vmul.f32 v12, v16  }
0x6f9: {  	v3 =	vnsel vm12, $0xC0400000, v53;
	v8 =	vsub.f32 v43, v8;
	v44 =	vmul.f32 $1.178451030e-01, v19  }
0x6fa: {  	v45 =	vmul.f32 v26, v17;
	v41 =	vadd.f32 $6.000000050e-03, v16;
	v16 =	vmul.f32 v25, v20  }
0x6fb: {  	v2 =	vmul.f32 v4, v2;
	v27 =	vmul.f32 v12, v32;
	v47 =	vadd.f32 $-1.845594790e-01, v44  }
0x6fc: {  	v33 =	vmul.f32 v12, v38;
	v15 =	vadd.f32 $3.326524790e-01, v16;
	v16 =	vadd.f32 $3.326524790e-01, v45  }
0x6fd: {  	v59 =	vmovc v35;
	v54 =	vadd.f32 v53, v49;
	v35 =	vmul.f32 v12, v36;
	v51 =	vmul.f32 v47, v19  }
0x6fe: {  	v1 =	vadd.f32 v1, v2;
	v13 =	vmul.f32 v14, v13;
	v16 =	vmul.f32 v16, v17  }
0x6ff: {  	v40 =	vadd.f32 $6.000000050e-03, v27;
	v25 =	vadd.f32 $2.045543790e-01, v51;
	v15 =	vmul.f32 v15, v20  }
0x700: {  	v18 =	vld [tilespmem:$0x1F6A0];
	v0 =	vmul.f32 v1, v0;
	v13 =	vsub.f32 $2.000000000e+00, v13;
	v16 =	vadd.f32 $-4.999635520e-01, v16  }
0x701: {  	v38 =	vadd.f32 $6.000000050e-03, v33;
	v25 =	vmul.f32 v25, v19;
	v15 =	vadd.f32 $-4.999635520e-01, v15  }
0x702: {  	v13 =	vmul.f32 v13, v14;
	v14 =	vadd.f32 v54, v22;
	v16 =	vmul.f32 v16, v17  }
0x703: {  	v35 =	vadd.f32 $6.000000050e-03, v35;
	v25 =	vadd.f32 $-2.492949520e-01, v25;
	v15 =	vmul.f32 v15, v20  }
0x704: {  	v2 =	vshrl.u32 v24, $0x17;
	v23 =	vadd.f32 v14, v23;
	v16 =	vadd.f32 $9.999995230e-01, v16  }
0x705: {  	v18 =	vmul.f32 v12, v18;
	v58 =	vmul.f32 v25, v19;
	v15 =	vadd.f32 $9.999995230e-01, v15  }
0x706: {  	v61 =	vmul.f32 v13, v8;
	v8 =	vadd.f32 v23, v11;
	v16 =	vmul.f32 v16, v17  }
0x707: {  	v7 =	vadd.f32 $6.000000050e-03, v18;
	v15 =	vmul.f32 v15, v20;
	v17 =	vadd.f32 $3.331793250e-01, v58  }
0x708: {  	v18 =	vmul.f32 v12, v39;
	v10 =	vadd.f32 v16, v10;
	v16 =	vadd.f32 v8, v46  }
0x709: {  	v2 =	vand.u32 $0xFF, v2;
	v11 =	vadd.f32 v15, v21;
	v15 =	vmul.f32 v17, v19  }
0x70a: {  	v4 =	vsel vm1, v14, v54;
	v36 =	vadd.f32 $6.000000050e-03, v18;
	v9 =	vadd.f32 v16, v9  }
0x70b: {  	v12 =	vmul.f32 v12, v56;
	v14 =	vadd.f32 $-5.000073310e-01, v15;
	v15 =	vsel vm0, $0xFFFFFF82, v48  }
0x70c: {  	v8 =	vsel vm15, v8, v23;
	v1 =	vadd.s32 v2, v15;
	v2 =	vsel vm14, v9, v16  }
0x70d: {  	v3 =	vsel vm11, v4, v3;
	v4 =	vld [tilespmem:$0x1F6F0];
	v12 =	vadd.f32 $6.000000050e-03, v12;
	v2 =	vsel vm13, v2, v8  }
0x70e: {  	v55 =	vsel vm3, v7, v6;
	v52 =	vsel vm6, v36, v38;
	v2 =	vsel vm10, v2, v3;
	v3 =	vld [tilespmem:$0x1F700]  }
0x70f: {  	v18 =	vsel vm4, v40, v41;
	v12 =	vsel vm7, v12, v35;
	v14 =	vmul.f32 v14, v19;
	v8 =	vld [tilespmem:$0x1F710]  }
0x710: {  	v0 =	vmul.f32 v5, v0;
	v12 =	vsel vm9, v12, v52;
	v18 =	vsel vm2, v18, v55  }
0x711: {  	v39 =	vsel vm5, v12, v18;
	v1 =	vcvt.s32.f32 v1;
	v9 =	vadd.f32 $1.000000720e+00, v14  }
0x712: {  	vm11 =	vnez.u8 v4;
	v2 =	vadd.f32 v0, v2;
	v0 =	vmul.f32 v13, v39  }
0x713: {  	v62 =	vld [tilespmem:$0x1F620];
	v1 =	vmul.f32 $6.931471820e-01, v1;
	vm10 =	vnez.u8 v3;
	v3 =	vmul.f32 v9, v19  }
0x714: {  	s24 =	sadd.s32 $0x2, s24;
	v4 =	vadd.f32 $1.000000050e-03, v11;
	v15 =	vld [tilespmem:$0x1F6D0];
	v13 =	vadd.f32 v0, v0;
	v5 =	vand.u32 $0x7FFFFFFF, v8  }
0x715: {  	p0 =	slt.u32 s24, $0x7E;
	v63 =	vld [tilespmem:$0x1FE70];
	vm0 =	vle.f32 v5, $3.000000000e+00;
	v5 =	vadd.f32 $1.000000050e-03, v10;
	v1 =	vadd.f32 v3, v1  }
.Ltmp3:
0x716: {  	s20 =	smov.u32 s13;
	s13 =	sadd.s32 $0x20, s13;
	v60 =	vld [tilespmem:$0x1F680];
	v9 =	vsub.f32 $1.000000000e+00, v61;
	v2 =	vsel vm0, v2, v8;
	v8 =	vmul.f32 v0, v0;
	(pc) =	sbr.rel @p0 .LBB2_5-.Ltmp3, $4  }
0x717: {  	s16 =	smov.u32 s17;
	s17 =	smov.u32 s8;
	s8 =	sadd.s32 $0x20, s8;
	v57 =	vld [tilespmem:$0x1F630];
	v3 =	vmul.f32 v61, v61;
	[tilespmem:s13+$0x0] =	vst v2;
	v2 =	vadd.f32 v4, v5;
	v1 =	vnsel vm0, $0x0, v1  }
0x718: {  	v42 =	vld [tilespmem:$0x1F640];
	v10 =	vmul.f32 v9, v61;
	v11 =	vmul.f32 v9, v9;
	[tilespmem:s8+$0x0] =	vst v1;
	v1 =	vadd.f32 $-3.000000000e+00, v6  }
0x719: {  	v56 =	vld [tilespmem:$0x1F990];
	v9 =	vmul.f32 $5.000000000e-01, v15;
	v12 =	vsub.f32 v2, v13;
	v6 =	vmul.f32 v5, v3  }
0x71a: {  	s9 =	sadd.s32 $0x320, s9;
	v16 =	vld [tilespmem:$0x1F6E0];
	v5 =	vmul.f32 v4, v10;
	v2 =	vadd.f32 v1, v7;
	v7 =	vmul.f32 v10, v13  }
0x71b: {  	v10 =	vmul.f32 v12, v10;
	_ =	sdelay $0x1  }
0x71c: {  	v10 =	vadd.f32 v10, v0;
	_ =	sdelay $0x1  }
0x71d: {  	v43 =	vsub.s32 $0x7EF311C3, v10  }
0x71e: {  	v13 =	vmul.f32 v43, v10;
	_ =	sdelay $0x1  }
0x71f: {  	v13 =	vsub.f32 $2.000000000e+00, v13;
	_ =	sdelay $0x1  }
0x720: {  	v12 =	vmul.f32 v43, v13;
	_ =	sdelay $0x1  }
0x721: {  	v10 =	vmul.f32 v12, v10;
	_ =	sdelay $0x1  }
0x722: {  	v4 =	vmul.f32 v4, v11;
	v6 =	vadd.f32 v6, v7;
	v46 =	vsub.f32 $2.000000000e+00, v10;
	_ =	sdelay $0x1  }
0x723: {  	v4 =	vadd.f32 v6, v4;
	v6 =	vmul.f32 v46, v12;
	_ =	sdelay $0x1  }
0x724: {  	v4 =	vmul.f32 v4, v8;
	v7 =	vmul.f32 v6, v6;
	_ =	sdelay $0x1  }
0x725: {  	v4 =	vmul.f32 v7, v4;
	_ =	sdelay $0x1  }
0x726: {  	v7 =	vand.u32 $0x7FFFFF, v4  }
0x727: {  	v7 =	vor.u32 $0x3F800000, v7  }
0x728: {  	v47 =	vmul.f32 $5.000000000e-01, v7  }
0x729: {  	v9 =	vsel vm8, v9, v15;
	vm1 =	vgt.f32 v7, $1.414213540e+00  }
0x72a: {  	v9 =	vadd.f32 $-1.000000000e+00, v9;
	v7 =	vsel vm1, v47, v7  }
0x72b: {  	v7 =	vadd.f32 $-1.000000000e+00, v7  }
0x72c: {  	v53 =	vmul.f32 $1.178451030e-01, v9  }
0x72d: {  	v54 =	vmul.f32 $1.178451030e-01, v7  }
0x72e: {  	v8 =	vadd.f32 $-1.845594790e-01, v53  }
0x72f: {  	v52 =	vld [tilespmem:$0x1FFF0];
	v10 =	vadd.f32 $-1.845594790e-01, v54  }
0x730: {  	v51 =	vld [tilespmem:$0x1FFE0];
	v8 =	vmul.f32 v8, v9  }
0x731: {  	v50 =	vld [tilespmem:$0x1FFD0];
	v10 =	vmul.f32 v10, v7  }
0x732: {  	v44 =	vld [tilespmem:$0x1FF80];
	v8 =	vadd.f32 $2.045543790e-01, v8  }
0x733: {  	v49 =	vld [tilespmem:$0x1FFC0];
	v14 =	vsel vm8, $0xFFFFFF82, v48;
	v10 =	vadd.f32 $2.045543790e-01, v10  }
0x734: {  	v45 =	vld [tilespmem:$0x1FFB0];
	vm12 =	vmmov vm11;
	v55 =	vadd.f32 v2, v41;
	v8 =	vmul.f32 v8, v9  }
0x735: {  	v37 =	vld [tilespmem:$0x1FFA0];
	vm0 =	vmmov vm10;
	v1 =	vnsel vm3, $0xC0400000, v1;
	v10 =	vmul.f32 v10, v7  }
0x736: {  	v34 =	vld [tilespmem:$0x1FF90];
	v58 =	vadd.f32 v55, v40;
	v40 =	vmul.f32 v3, v0;
	v8 =	vadd.f32 $-2.492949520e-01, v8  }
0x737: {  	v33 =	vld [tilespmem:$0x1FF70];
	v2 =	vsel vm4, v55, v2;
	v55 =	vsel vm0, v57, v56;
	v10 =	vadd.f32 $-2.492949520e-01, v10  }
0x738: {  	v32 =	vld [tilespmem:$0x1FF60];
	v41 =	vmul.f32 v16, v60;
	v16 =	vand.u32 $0xFF, v42;
	v8 =	vmul.f32 v8, v9  }
0x739: {  	v31 =	vld [tilespmem:$0x1FF50];
	v61 =	vadd.f32 v58, v38;
	v0 =	vadd.f32 v5, v40;
	v10 =	vmul.f32 v10, v7  }
0x73a: {  	v30 =	vld [tilespmem:$0x1FF40];
	v1 =	vsel vm2, v2, v1;
	v3 =	vadd.f32 $1.000000720e+00, v41;
	v8 =	vadd.f32 $3.331793250e-01, v8  }
0x73b: {  	v29 =	vld [tilespmem:$0x1FF30];
	v53 =	vand.u32 $0x7FFFFFFF, v59;
	v38 =	vadd.f32 v61, v36;
	v10 =	vadd.f32 $3.331793250e-01, v10  }
0x73c: {  	v28 =	vld [tilespmem:$0x1FF20];
	vm13 =	vle.f32 v53, $3.000000000e+00;
	v3 =	vmul.f32 v3, v60;
	v8 =	vmul.f32 v8, v9  }
0x73d: {  	v27 =	vld [tilespmem:$0x1FF10];
	v17 =	vadd.f32 v38, v35;
	v43 =	vadd.s32 v16, v14;
	v10 =	vmul.f32 v10, v7  }
0x73e: {  	v26 =	vld [tilespmem:$0x1FF00];
	v0 =	vmul.f32 v0, v39;
	v5 =	vcvt.s32.f32 v43;
	v54 =	vadd.f32 $-5.000073310e-01, v8  }
0x73f: {  	v25 =	vld [tilespmem:$0x1FEF0];
	v3 =	vadd.f32 v3, v62;
	v46 =	vsel vm7, v17, v38;
	v10 =	vadd.f32 $-5.000073310e-01, v10  }
0x740: {  	v24 =	vld [tilespmem:$0x1FEE0];
	v12 =	vsel vm6, v61, v58;
	v4 =	vshrl.u32 v4, $0x17;
	v2 =	vmul.f32 v54, v9  }
0x741: {  	v23 =	vld [tilespmem:$0x1FED0];
	v4 =	vand.u32 $0xFF, v4;
	v56 =	vsel vm1, $0xFFFFFF82, v48;
	v10 =	vmul.f32 v10, v7  }
0x742: {  	v22 =	vld [tilespmem:$0x1FEC0];
	v0 =	vmul.f32 v6, v0;
	v4 =	vadd.s32 v4, v56;
	v2 =	vadd.f32 $1.000000720e+00, v2  }
0x743: {  	v21 =	vld [tilespmem:$0x1FEB0];
	v47 =	vsel vm9, v46, v12;
	v4 =	vcvt.s32.f32 v4;
	v57 =	vadd.f32 $1.000000720e+00, v10  }
0x744: {  	v20 =	vld [tilespmem:$0x1FEA0];
	v5 =	vmul.f32 $6.931471820e-01, v5;
	v1 =	vsel vm5, v47, v1;
	v2 =	vmul.f32 v2, v9  }
0x745: {  	v19 =	vld [tilespmem:$0x1FE90];
	v0 =	vadd.f32 v0, v1;
	v58 =	vmul.f32 $6.931471820e-01, v4;
	v60 =	vmul.f32 v57, v7  }
0x746: {  	v18 =	vld [tilespmem:$0x1FE80];
	[tilespmem:s20+$0xFFFFFFF0] =	vst v55;
	vm14 =	vmmov vm13;
	v3 =	vnsel vm12, $0x0, v3;
	v2 =	vadd.f32 v2, v5  }
0x747: {  	vm0 =	vmmov vm0;
	[tilespmem:s16+$0xFFFFFFF0] =	vst v3;
	v0 =	vsel vm14, v0, v59;
	v1 =	vadd.f32 v60, v58  }
0x748: {  	vm15 =	vmmov vm14;
	[tilespmem:s13+$0xFFFFFFF0] =	vst v0;
	v61 =	vnsel vm0, $0x0, v2  }
.Ltmp4:
0x749: {  	s9 =	sor.u32 $0x100, s14;
	[tilespmem:s17+$0xFFFFFFF0] =	vst v61;
	v62 =	vnsel vm15, $0x0, v1;
	(pc) =	sbr.rel @p1 .LBB2_8-.Ltmp4, $4  }
0x74a: {  	s20 =	sadd.s32 s3, s9;
	[tilespmem:s8+$0xFFFFFFF0] =	vst v62  }
0x74b: {  	[hbm4b:s20+s5] =	stream.linear.scatter [tilespmem:s22], [sflag:$0x4], $0x800, $0x38;
	[tilespmem:$0x1C000] =	vst v63  }
0x74c: {  	s24 =	sadd.s32 s4, s9  }
0x74d: {  	[hbm4b:s24+s5] =	stream.linear.scatter [tilespmem:s23], [sflag:$0x4], $0x800, $0x38;
	[tilespmem:$0x1C000] =	vst v63  }
0x74e: {  	s8 =	sadd.s32 s12, s19  }
0x74f: {  	s9 =	smul.u32 $0x19, s8;
	_ =	sdelay $0x1  }
0x750: {  	s9 =	sshrl.u32 s9, $0x3  }
0x751: {  	s9 =	sadd.s32 s6, s9  }
0x752: {  	[tilespmem:s25], [sflag:$0x2] =	stream.linear.gather [hbm4b:s9+s5], $0x3200, $0x38;
	[tilespmem:$0x1C000] =	vst v63  }
0x753: {  	s20 =	sadd.s32 $0x640, s9  }
0x754: {  	[tilespmem:s26], [sflag:$0x2] =	stream.linear.gather [hbm4b:s20+s5], $0x3200, $0x38;
	[tilespmem:$0x1C000] =	vst v63  }
0x755: {  	s24 =	sadd.s32 $0xC80, s9  }
0x756: {  	[tilespmem:s28], [sflag:$0x2] =	stream.linear.gather [hbm4b:s24+s5], $0x3200, $0x38;
	[tilespmem:$0x1C000] =	vst v63  }
.Ltmp5:
0x757: {  	_ = 	snop;
	(pc) =	sbr.rel .LBB2_2-.Ltmp5, $4  }
0x758: {  	s8 =	sshrl.u32 s8, $0x3;
	s9 =	sadd.s32 $0x12C0, s9  }
0x759: {  	[tilespmem:s29], [sflag:$0x2] =	stream.linear.gather [hbm4b:s9+s5], $0x3200, $0x38;
	[tilespmem:$0x1C000] =	vst v63  }
0x75a: {  	s11 =	sadd.s32 $0x1, s11;
	s8 =	sadd.s32 s1, s8  }
0x75b: {  	v11 =	vmov v30;
	v40 =	vmov v34;
	v41 =	vmov v37;
	[tilespmem:s30], [sflag:$0x2] =	stream.linear.gather [hbm4b:s8+s5], $0x800, $0x38;
	[tilespmem:$0x1C000] =	vst v63  }
.LBB2_9:
0x75c: {  	_ =	sfence.sel $0x180000  }
0x75d: {  	[bflag:$0x0] =	sbarrier.arrive $0xFFFF  }
0x75e: {  	_ =	strace $0x90000047  }
0x75f: {  	s0 =	stileid.u32;
	[bflag:$0x2] =	sbarrier.arrive $0xFFFF  }
0x760: {  	p0 =	sne.s32 s0, $0x0;
	s0 =	rddreg [dreg:$0x4]  }
0x761: {  	s0 =	sadd.s32 @!p0 $0x100000, s0  }
0x762: {  	[sflag:s0] =	ssyncadd.tile.s32 @!p0 $0x1;
	_ =	shalt  }
.Lfunc_end2:
_tile_overlayer_lowered:
.L_overlay_start_2:
0x763: {  	(tag) =	ssettag $0x2  }
0x764: {  	s0 =	rddreg [dreg:$0x0];
	s2 =	stileid.u32  }
0x765: {  	s1 =	rddreg [dreg:$0x1];
	p0 =	sne.s32 s2, $0x0  }
0x766: {  	s3 =	rddreg [dreg:$0x2];
	[bflag:$0x3] =	sbarrier.arrive $0xFFFF;
	s2 =	simm.s32 @!p0 $0x1C05  }
0x767: {  	[timem:s3], [sflag:s2] =	dma.local @!p0 [hbm:s0], s1  }
0x768: {  	s0 =	simm.s32 @!p0 $0x5  }
0x769: {  	_ =	swait.ge @!p0 [sflag:s0], s1  }
0x76a: {  	s1 =	ssub.s32 @!p0 $0x0, s1;
	[sflag:s0] =	ssyncset.done @!p0 $0x0  }
0x76b: {  	[sflag:s0] =	ssyncadd.s32 @!p0 s1  }
0x76c: {  	[bflag:$0x3] =	sbarrier.arrive $0xFFFF  }
0x76d: {  	_ =	shalt  }

</sc_bundles>
